<compile_context>
chip_gen: v7x
topology: tpu7x:2x2x1
jax: 0.10.2.dev20260603
libtpu: 0.0.44.dev20260713+nightly
codegen_flags: <defaults>
</compile_context>

<pallas_src>
import functools

import jax
import jax.numpy as jnp
from jax import lax
from jax.experimental import pallas as pl
from jax.experimental.pallas import tpu as pltpu
from jax.experimental.pallas import tpu_sc as plsc

N = 10000
NP = 10240
E = 320000
D = 128
NC = 2
NS = 16
CW = 128
CH = 80
NB = 5
EPAD = NC * NS * CH * CW
PADNODE = N + 100
RPT = NP // NS
RB = 1024

_mesh = plsc.VectorSubcoreMesh(core_axis_name="c", subcore_axis_name="s")


@functools.partial(
    pl.kernel,
    out_type=jax.ShapeDtypeStruct((NC, NP, D), jnp.float32),
    mesh=_mesh,
    scratch_types=[
        pltpu.VMEM((CH, CW), jnp.int32),
        pltpu.VMEM((CW, D), jnp.float32),
        pltpu.VMEM((CW, D), jnp.float32),
        pltpu.VMEM_SHARED((NP, D), jnp.float32),
    ],
)
def _deg_kernel(dst_hbm, out_hbm, dst_v, ones_v, zb_v, acc_sh):
    c = lax.axis_index("c")
    s = lax.axis_index("s")
    pltpu.sync_copy(dst_hbm.at[c, s], dst_v)

    one = jnp.ones((16,), jnp.float32)
    zero = jnp.zeros((16,), jnp.float32)

    def fill_ones(i, _):
        for q in range(8):
            ones_v[i, pl.ds(q * 16, 16)] = one
            zb_v[i, pl.ds(q * 16, 16)] = zero
        return 0

    lax.fori_loop(0, CW, fill_ones, 0)
    for t in range(RPT // CW):
        pltpu.sync_copy(zb_v, acc_sh.at[pl.ds(s * RPT + t * CW, CW)])
    plsc.subcore_barrier()

    def body(j, _):
        pltpu.sync_copy(ones_v, acc_sh.at[dst_v.at[j]], add=True)
        return 0

    lax.fori_loop(0, CH, body, 0)
    plsc.subcore_barrier()
    pltpu.sync_copy(acc_sh.at[pl.ds(s * RPT, RPT)],
                    out_hbm.at[c].at[pl.ds(s * RPT, RPT)])


@functools.partial(
    pl.kernel,
    out_type=jax.ShapeDtypeStruct((NC, NP, D), jnp.float32),
    mesh=_mesh,
    scratch_types=[
        pltpu.VMEM((CH, CW), jnp.int32),
        pltpu.VMEM((16, CW), jnp.int32),
        pltpu.VMEM((16, CW), jnp.int32),
        pltpu.VMEM((CW, D), jnp.float32),
        pltpu.VMEM((CW, D), jnp.float32),
        pltpu.VMEM_SHARED((NP, D), jnp.float32),
        pltpu.SemaphoreType.DMA,
        pltpu.SemaphoreType.DMA,
    ],
)
def _agg_kernel(src_hbm, dst_hbm, u_hbm, out_hbm,
                src_v, dsl_a, dsl_b, rows_a, rows_b, acc_sh,
                gsem_a, gsem_b):
    c = lax.axis_index("c")
    s = lax.axis_index("s")
    pltpu.sync_copy(src_hbm.at[c, s], src_v)

    zero = jnp.zeros((16,), jnp.float32)

    def fz(i, _):
        for q in range(8):
            rows_a[i, pl.ds(q * 16, 16)] = zero
        return 0

    lax.fori_loop(0, CW, fz, 0)
    for t in range(RPT // CW):
        pltpu.sync_copy(rows_a, acc_sh.at[pl.ds(s * RPT + t * CW, CW)])
    plsc.subcore_barrier()

    pltpu.async_copy(u_hbm.at[src_v.at[0]], rows_a, gsem_a)
    pltpu.async_copy(u_hbm.at[src_v.at[1]], rows_b, gsem_b)

    dslabs = (dsl_a, dsl_b)
    for b in range(NB):
        dsl = dslabs[b % 2]
        pltpu.sync_copy(dst_hbm.at[c, s].at[pl.ds(b * 16, 16)], dsl)

        def inner(t, _, b=b, dsl=dsl):
            j = b * 16 + 2 * t
            r = 2 * t
            pltpu.make_async_copy(u_hbm.at[src_v.at[j]], rows_a, gsem_a).wait()
            pltpu.sync_copy(rows_a, acc_sh.at[dsl.at[r]], add=True)

            @pl.when(j + 2 < CH)
            def _():
                pltpu.async_copy(u_hbm.at[src_v.at[j + 2]], rows_a, gsem_a)

            pltpu.make_async_copy(u_hbm.at[src_v.at[j + 1]], rows_b,
                                  gsem_b).wait()
            pltpu.sync_copy(rows_b, acc_sh.at[dsl.at[r + 1]], add=True)

            @pl.when(j + 3 < CH)
            def _():
                pltpu.async_copy(u_hbm.at[src_v.at[j + 3]], rows_b, gsem_b)

            return 0

        lax.fori_loop(0, 8, inner, 0)

    plsc.subcore_barrier()
    pltpu.sync_copy(acc_sh.at[pl.ds(s * RPT, RPT)],
                    out_hbm.at[c].at[pl.ds(s * RPT, RPT)])


def _deg_col(degp_ref):
    return degp_ref[0, :, 0:1] + degp_ref[1, :, 0:1] + 1.0


def _scale_in_body(degp_ref, x_ref, u_ref, degc_ref):
    deg = _deg_col(degp_ref)
    degc_ref[...] = deg
    u_ref[...] = x_ref[...] * lax.rsqrt(deg)


def _mid_body(degc_ref, u_ref, p_ref, v_ref):
    v_ref[...] = (u_ref[...] + p_ref[0] + p_ref[1]) / degc_ref[...]


def _out_body(degc_ref, v_ref, q_ref, w_ref, b_ref, o_ref):
    h2 = (v_ref[...] + q_ref[0] + q_ref[1]) * lax.rsqrt(degc_ref[...])
    o_ref[...] = lax.dot_general(
        h2, w_ref[...], (((1,), (1,)), ((), ())),
        preferred_element_type=jnp.float32) + b_ref[...]


_degp_spec = pl.BlockSpec((NC, RB, D), lambda i: (0, i, 0))
_row_spec = pl.BlockSpec((RB, D), lambda i: (i, 0))
_pair_spec = pl.BlockSpec((NC, RB, D), lambda i: (0, i, 0))

_degc_spec = pl.BlockSpec((RB, 1), lambda i: (i, 0))

_tc_scale_in = pl.pallas_call(
    _scale_in_body,
    grid=(NP // RB,),
    in_specs=[_degp_spec, _row_spec],
    out_specs=[_row_spec, _degc_spec],
    out_shape=[jax.ShapeDtypeStruct((NP, D), jnp.float32),
               jax.ShapeDtypeStruct((NP, 1), jnp.float32)],
)

_tc_mid = pl.pallas_call(
    _mid_body,
    grid=(NP // RB,),
    in_specs=[_degc_spec, _row_spec, _pair_spec],
    out_specs=_row_spec,
    out_shape=jax.ShapeDtypeStruct((NP, D), jnp.float32),
)

RBO = 1000

_tc_out = pl.pallas_call(
    _out_body,
    grid=(N // RBO,),
    in_specs=[
        pl.BlockSpec((RBO, 1), lambda i: (i, 0)),
        pl.BlockSpec((RBO, D), lambda i: (i, 0)),
        pl.BlockSpec((NC, RBO, D), lambda i: (0, i, 0)),
        pl.BlockSpec((D, D), lambda i: (0, 0)),
        pl.BlockSpec((1, D), lambda i: (0, 0)),
    ],
    out_specs=pl.BlockSpec((RBO, D), lambda i: (i, 0)),
    out_shape=jax.ShapeDtypeStruct((N, D), jnp.float32),
)


@jax.jit
def kernel(x, edge_index, W, b):
    ppw = CH * CW - E // (NC * NS)
    pad = jnp.broadcast_to(
        N + jnp.arange(ppw, dtype=edge_index.dtype), (NC, NS, ppw))
    src3 = jnp.concatenate(
        [edge_index[0].reshape(NC, NS, E // (NC * NS)), pad],
        axis=2).reshape(NC, NS, CH, CW)
    dst3 = jnp.concatenate(
        [edge_index[1].reshape(NC, NS, E // (NC * NS)), pad],
        axis=2).reshape(NC, NS, CH, CW)
    degp = _deg_kernel(dst3)
    u, degc = _tc_scale_in(degp, x)
    p = _agg_kernel(src3, dst3, u)
    v = _tc_mid(degc, u, p)
    q = _agg_kernel(src3, dst3, v)
    return _tc_out(degc, v, q, W, b.reshape(1, D))

# --- scband reference (transcript-rebuilt; emitter-appended) ---
"""Pipeline reference for scband-sgc-6828998001552 (READ-ONLY COPY).

The authoritative reference and input builder live on the scoring server;
editing this copy changes nothing except your own understanding.
"""

import jax, jax.numpy as jnp
import numpy as np

N_NODES = 10000
N_EDGES = 320000
D_IN = 128
D_OUT = 128
K_HOPS = 2


def setup_inputs(seed: int = 0) -> dict:
    key = jax.random.key(seed)
    k1, k2, k3 = jax.random.split(key, 3)
    x = jax.random.normal(k1, (N_NODES, D_IN), dtype=jnp.float32)
    edge_index = jax.random.randint(k2, (2, N_EDGES), 0, N_NODES, dtype=jnp.int32)
    # Linear layer parameters of SGConv (lin: in_channels -> out_channels)
    W = jax.random.normal(k3, (D_OUT, D_IN), dtype=jnp.float32) * (1.0 / np.sqrt(D_IN))
    b = jnp.zeros((D_OUT,), dtype=jnp.float32)
    return {"x": x, "edge_index": edge_index, "W": W, "b": b}


def reference(x, edge_index, W, b):
    # SGC forward (eval mode: dropout is identity).
    # SGConv: x' = (D^{-1/2} (A + I) D^{-1/2})^K x W^T + b
    N = x.shape[0]
    loop = jnp.arange(N, dtype=edge_index.dtype)
    src = jnp.concatenate([edge_index[0], loop])
    dst = jnp.concatenate([edge_index[1], loop])
    # symmetric normalization with self-loops
    deg = jnp.zeros((N,), dtype=x.dtype).at[dst].add(1.0)
    deg_inv_sqrt = jnp.where(deg > 0, jax.lax.rsqrt(jnp.maximum(deg, 1e-12)), 0.0)
    norm = deg_inv_sqrt[src] * deg_inv_sqrt[dst]
    h = x
    for _ in range(K_HOPS):
        msg = norm[:, None] * jnp.take(h, src, axis=0)
        h = jax.ops.segment_sum(msg, dst, num_segments=N)
    out = h @ W.T + b
    return out

if __name__ == "__main__":
    import jax
    _d = setup_inputs()
    print(jax.jit(kernel)(*tuple(_d.values())))

</pallas_src>

<mosaic_0001>
#map = affine_map<(d0, d1) -> (0, 0, 0, 0)>
#map1 = affine_map<(d0, d1) -> (0, 0, 0)>
module attributes {stable_mosaic.version = 14 : i64} {
  func.func @_deg_kernel(%arg0: i32, %arg1: i32, %arg2: memref<2x16x80x128xi32, #tpu.memory_space<hbm>>, %arg3: memref<2x10240x128xf32, #tpu.memory_space<hbm>>, %arg4: memref<80x128xi32, #tpu.memory_space<vmem>>, %arg5: memref<128x128xf32, #tpu.memory_space<vmem>>, %arg6: memref<128x128xf32, #tpu.memory_space<vmem>>, %arg7: memref<10240x128xf32, #tpu.memory_space<vmem_shared>>) attributes {dimension_semantics = [#tpu.dimension_semantics<core_parallel>, #tpu.dimension_semantics<subcore_parallel>], iteration_bounds = array<i64: 2, 16>, scalar_prefetch = 0 : i64, scratch_operands = 4 : i64, tpu.core_type = #tpu.core_type<sc_vector_subcore>, window_params = [{transform_indices = #map}, {transform_indices = #map1}]} {
    "tpu.region"() ({
      %run_scoped3A = tpu.sem_alloc : memref<!tpu.dma_semaphore, #tpu.memory_space<semaphore_mem>>
      %dma_start3A = arith.constant 0 : i32
      %dma_start3A_39 = arith.constant 0 : i32
      %dma_start3A_40 = tpu.memref_slice %arg2[%arg0, %arg1, %dma_start3A, %dma_start3A_39] : memref<2x16x80x128xi32, #tpu.memory_space<hbm>> -> memref<1x1x80x128xi32, #tpu.memory_space<hbm>>
      %dma_start3A_41 = tpu.memref_squeeze %dma_start3A_40 : memref<1x1x80x128xi32, #tpu.memory_space<hbm>> -> memref<80x128xi32, #tpu.memory_space<hbm>>
      %dma_start3A_42 = arith.constant 0 : i32
      %dma_start3A_43 = arith.constant 0 : i32
      %dma_start3A_44 = tpu.memref_slice %arg2[%arg0, %arg1, %dma_start3A_42, %dma_start3A_43] : memref<2x16x80x128xi32, #tpu.memory_space<hbm>> -> memref<1x1x80x128xi32, #tpu.memory_space<hbm>>
      %dma_start3A_45 = tpu.memref_squeeze %dma_start3A_44 : memref<1x1x80x128xi32, #tpu.memory_space<hbm>> -> memref<80x128xi32, #tpu.memory_space<hbm>>
      tpu.enqueue_dma source(%dma_start3A_45 : memref<80x128xi32, #tpu.memory_space<hbm>>) target(%arg4 : memref<80x128xi32, #tpu.memory_space<vmem>>) target_semaphore(%run_scoped3A : memref<!tpu.dma_semaphore, #tpu.memory_space<semaphore_mem>>)
      %dma_wait3A = arith.constant 0 : i32
      %dma_wait3A_46 = arith.constant 0 : i32
      %dma_wait3A_47 = tpu.memref_slice %arg2[%arg0, %arg1, %dma_wait3A, %dma_wait3A_46] : memref<2x16x80x128xi32, #tpu.memory_space<hbm>> -> memref<1x1x80x128xi32, #tpu.memory_space<hbm>>
      %dma_wait3A_48 = tpu.memref_squeeze %dma_wait3A_47 : memref<1x1x80x128xi32, #tpu.memory_space<hbm>> -> memref<80x128xi32, #tpu.memory_space<hbm>>
      %dma_wait3A_49 = arith.constant 0 : i32
      %dma_wait3A_50 = arith.constant 0 : i32
      %dma_wait3A_51 = tpu.memref_slice %arg2[%arg0, %arg1, %dma_wait3A_49, %dma_wait3A_50] : memref<2x16x80x128xi32, #tpu.memory_space<hbm>> -> memref<1x1x80x128xi32, #tpu.memory_space<hbm>>
      %dma_wait3A_52 = tpu.memref_squeeze %dma_wait3A_51 : memref<1x1x80x128xi32, #tpu.memory_space<hbm>> -> memref<80x128xi32, #tpu.memory_space<hbm>>
      tpu.wait_dma2 semaphore(%run_scoped3A : memref<!tpu.dma_semaphore, #tpu.memory_space<semaphore_mem>>) src(%dma_wait3A_52 : memref<80x128xi32, #tpu.memory_space<hbm>>) dst(%arg4 : memref<80x128xi32, #tpu.memory_space<vmem>>)
      tpu.yield
    }) : () -> ()
    %broadcast_in_dim3A = arith.constant 1.000000e+00 : f32
    %broadcast_in_dim3A_0 = vector.broadcast %broadcast_in_dim3A : f32 to vector<16xf32>
    %broadcast_in_dim3A_1 = arith.constant 0.000000e+00 : f32
    %broadcast_in_dim3A_2 = vector.broadcast %broadcast_in_dim3A_1 : f32 to vector<16xf32>
    %scan3A = arith.constant 0 : i32
    %scan3A_3 = arith.constant 0 : i32
    %scan3A_4 = arith.constant 128 : i32
    %scan3A_5 = arith.addi %scan3A_3, %scan3A_4 : i32
    %scan3A_6 = arith.constant 1 : i32
    %scan3A_7 = scf.for %scan3A_39 = %scan3A_3 to %scan3A_5 step %scan3A_6 iter_args(%scan3A_40 = %scan3A) -> (i32)  : i32 {
      %swap3A = arith.index_cast %scan3A_39 : i32 to index
      %swap3A_41 = arith.constant 0 : index
      %swap3A_42 = tpu.vector_load %arg5[%swap3A, %swap3A_41] {strides = array<i32>} : memref<128x128xf32, #tpu.memory_space<vmem>>, vector<1x16xf32>,
      %swap3A_43 = vector.shape_cast %swap3A_42 : vector<1x16xf32> to vector<16xf32>
      %swap3A_44 = vector.shape_cast %broadcast_in_dim3A_0 : vector<16xf32> to vector<1x16xf32>
      tpu.vector_store %arg5[%swap3A, %swap3A_41], %swap3A_44 {strides = array<i32>} : memref<128x128xf32, #tpu.memory_space<vmem>>, vector<1x16xf32>,
      %swap3A_45 = arith.index_cast %scan3A_39 : i32 to index
      %swap3A_46 = arith.constant 0 : index
      %swap3A_47 = tpu.vector_load %arg6[%swap3A_45, %swap3A_46] {strides = array<i32>} : memref<128x128xf32, #tpu.memory_space<vmem>>, vector<1x16xf32>,
      %swap3A_48 = vector.shape_cast %swap3A_47 : vector<1x16xf32> to vector<16xf32>
      %swap3A_49 = vector.shape_cast %broadcast_in_dim3A_2 : vector<16xf32> to vector<1x16xf32>
      tpu.vector_store %arg6[%swap3A_45, %swap3A_46], %swap3A_49 {strides = array<i32>} : memref<128x128xf32, #tpu.memory_space<vmem>>, vector<1x16xf32>,
      %swap3A_50 = arith.index_cast %scan3A_39 : i32 to index
      %swap3A_51 = arith.constant 16 : index
      %swap3A_52 = tpu.vector_load %arg5[%swap3A_50, %swap3A_51] {strides = array<i32>} : memref<128x128xf32, #tpu.memory_space<vmem>>, vector<1x16xf32>,
      %swap3A_53 = vector.shape_cast %swap3A_52 : vector<1x16xf32> to vector<16xf32>
      %swap3A_54 = vector.shape_cast %broadcast_in_dim3A_0 : vector<16xf32> to vector<1x16xf32>
      tpu.vector_store %arg5[%swap3A_50, %swap3A_51], %swap3A_54 {strides = array<i32>} : memref<128x128xf32, #tpu.memory_space<vmem>>, vector<1x16xf32>,
      %swap3A_55 = arith.index_cast %scan3A_39 : i32 to index
      %swap3A_56 = arith.constant 16 : index
      %swap3A_57 = tpu.vector_load %arg6[%swap3A_55, %swap3A_56] {strides = array<i32>} : memref<128x128xf32, #tpu.memory_space<vmem>>, vector<1x16xf32>,
      %swap3A_58 = vector.shape_cast %swap3A_57 : vector<1x16xf32> to vector<16xf32>
      %swap3A_59 = vector.shape_cast %broadcast_in_dim3A_2 : vector<16xf32> to vector<1x16xf32>
      tpu.vector_store %arg6[%swap3A_55, %swap3A_56], %swap3A_59 {strides = array<i32>} : memref<128x128xf32, #tpu.memory_space<vmem>>, vector<1x16xf32>,
      %swap3A_60 = arith.index_cast %scan3A_39 : i32 to index
      %swap3A_61 = arith.constant 32 : index
      %swap3A_62 = tpu.vector_load %arg5[%swap3A_60, %swap3A_61] {strides = array<i32>} : memref<128x128xf32, #tpu.memory_space<vmem>>, vector<1x16xf32>,
      %swap3A_63 = vector.shape_cast %swap3A_62 : vector<1x16xf32> to vector<16xf32>
      %swap3A_64 = vector.shape_cast %broadcast_in_dim3A_0 : vector<16xf32> to vector<1x16xf32>
      tpu.vector_store %arg5[%swap3A_60, %swap3A_61], %swap3A_64 {strides = array<i32>} : memref<128x128xf32, #tpu.memory_space<vmem>>, vector<1x16xf32>,
      %swap3A_65 = arith.index_cast %scan3A_39 : i32 to index
      %swap3A_66 = arith.constant 32 : index
      %swap3A_67 = tpu.vector_load %arg6[%swap3A_65, %swap3A_66] {strides = array<i32>} : memref<128x128xf32, #tpu.memory_space<vmem>>, vector<1x16xf32>,
      %swap3A_68 = vector.shape_cast %swap3A_67 : vector<1x16xf32> to vector<16xf32>
      %swap3A_69 = vector.shape_cast %broadcast_in_dim3A_2 : vector<16xf32> to vector<1x16xf32>
      tpu.vector_store %arg6[%swap3A_65, %swap3A_66], %swap3A_69 {strides = array<i32>} : memref<128x128xf32, #tpu.memory_space<vmem>>, vector<1x16xf32>,
      %swap3A_70 = arith.index_cast %scan3A_39 : i32 to index
      %swap3A_71 = arith.constant 48 : index
      %swap3A_72 = tpu.vector_load %arg5[%swap3A_70, %swap3A_71] {strides = array<i32>} : memref<128x128xf32, #tpu.memory_space<vmem>>, vector<1x16xf32>,
      %swap3A_73 = vector.shape_cast %swap3A_72 : vector<1x16xf32> to vector<16xf32>
      %swap3A_74 = vector.shape_cast %broadcast_in_dim3A_0 : vector<16xf32> to vector<1x16xf32>
      tpu.vector_store %arg5[%swap3A_70, %swap3A_71], %swap3A_74 {strides = array<i32>} : memref<128x128xf32, #tpu.memory_space<vmem>>, vector<1x16xf32>,
      %swap3A_75 = arith.index_cast %scan3A_39 : i32 to index
      %swap3A_76 = arith.constant 48 : index
      %swap3A_77 = tpu.vector_load %arg6[%swap3A_75, %swap3A_76] {strides = array<i32>} : memref<128x128xf32, #tpu.memory_space<vmem>>, vector<1x16xf32>,
      %swap3A_78 = vector.shape_cast %swap3A_77 : vector<1x16xf32> to vector<16xf32>
      %swap3A_79 = vector.shape_cast %broadcast_in_dim3A_2 : vector<16xf32> to vector<1x16xf32>
      tpu.vector_store %arg6[%swap3A_75, %swap3A_76], %swap3A_79 {strides = array<i32>} : memref<128x128xf32, #tpu.memory_space<vmem>>, vector<1x16xf32>,
      %swap3A_80 = arith.index_cast %scan3A_39 : i32 to index
      %swap3A_81 = arith.constant 64 : index
      %swap3A_82 = tpu.vector_load %arg5[%swap3A_80, %swap3A_81] {strides = array<i32>} : memref<128x128xf32, #tpu.memory_space<vmem>>, vector<1x16xf32>,
      %swap3A_83 = vector.shape_cast %swap3A_82 : vector<1x16xf32> to vector<16xf32>
      %swap3A_84 = vector.shape_cast %broadcast_in_dim3A_0 : vector<16xf32> to vector<1x16xf32>
      tpu.vector_store %arg5[%swap3A_80, %swap3A_81], %swap3A_84 {strides = array<i32>} : memref<128x128xf32, #tpu.memory_space<vmem>>, vector<1x16xf32>,
      %swap3A_85 = arith.index_cast %scan3A_39 : i32 to index
      %swap3A_86 = arith.constant 64 : index
      %swap3A_87 = tpu.vector_load %arg6[%swap3A_85, %swap3A_86] {strides = array<i32>} : memref<128x128xf32, #tpu.memory_space<vmem>>, vector<1x16xf32>,
      %swap3A_88 = vector.shape_cast %swap3A_87 : vector<1x16xf32> to vector<16xf32>
      %swap3A_89 = vector.shape_cast %broadcast_in_dim3A_2 : vector<16xf32> to vector<1x16xf32>
      tpu.vector_store %arg6[%swap3A_85, %swap3A_86], %swap3A_89 {strides = array<i32>} : memref<128x128xf32, #tpu.memory_space<vmem>>, vector<1x16xf32>,
      %swap3A_90 = arith.index_cast %scan3A_39 : i32 to index
      %swap3A_91 = arith.constant 80 : index
      %swap3A_92 = tpu.vector_load %arg5[%swap3A_90, %swap3A_91] {strides = array<i32>} : memref<128x128xf32, #tpu.memory_space<vmem>>, vector<1x16xf32>,
      %swap3A_93 = vector.shape_cast %swap3A_92 : vector<1x16xf32> to vector<16xf32>
      %swap3A_94 = vector.shape_cast %broadcast_in_dim3A_0 : vector<16xf32> to vector<1x16xf32>
      tpu.vector_store %arg5[%swap3A_90, %swap3A_91], %swap3A_94 {strides = array<i32>} : memref<128x128xf32, #tpu.memory_space<vmem>>, vector<1x16xf32>,
      %swap3A_95 = arith.index_cast %scan3A_39 : i32 to index
      %swap3A_96 = arith.constant 80 : index
      %swap3A_97 = tpu.vector_load %arg6[%swap3A_95, %swap3A_96] {strides = array<i32>} : memref<128x128xf32, #tpu.memory_space<vmem>>, vector<1x16xf32>,
      %swap3A_98 = vector.shape_cast %swap3A_97 : vector<1x16xf32> to vector<16xf32>
      %swap3A_99 = vector.shape_cast %broadcast_in_dim3A_2 : vector<16xf32> to vector<1x16xf32>
      tpu.vector_store %arg6[%swap3A_95, %swap3A_96], %swap3A_99 {strides = array<i32>} : memref<128x128xf32, #tpu.memory_space<vmem>>, vector<1x16xf32>,
      %swap3A_100 = arith.index_cast %scan3A_39 : i32 to index
      %swap3A_101 = arith.constant 96 : index
      %swap3A_102 = tpu.vector_load %arg5[%swap3A_100, %swap3A_101] {strides = array<i32>} : memref<128x128xf32, #tpu.memory_space<vmem>>, vector<1x16xf32>,
      %swap3A_103 = vector.shape_cast %swap3A_102 : vector<1x16xf32> to vector<16xf32>
      %swap3A_104 = vector.shape_cast %broadcast_in_dim3A_0 : vector<16xf32> to vector<1x16xf32>
      tpu.vector_store %arg5[%swap3A_100, %swap3A_101], %swap3A_104 {strides = array<i32>} : memref<128x128xf32, #tpu.memory_space<vmem>>, vector<1x16xf32>,
      %swap3A_105 = arith.index_cast %scan3A_39 : i32 to index
      %swap3A_106 = arith.constant 96 : index
      %swap3A_107 = tpu.vector_load %arg6[%swap3A_105, %swap3A_106] {strides = array<i32>} : memref<128x128xf32, #tpu.memory_space<vmem>>, vector<1x16xf32>,
      %swap3A_108 = vector.shape_cast %swap3A_107 : vector<1x16xf32> to vector<16xf32>
      %swap3A_109 = vector.shape_cast %broadcast_in_dim3A_2 : vector<16xf32> to vector<1x16xf32>
      tpu.vector_store %arg6[%swap3A_105, %swap3A_106], %swap3A_109 {strides = array<i32>} : memref<128x128xf32, #tpu.memory_space<vmem>>, vector<1x16xf32>,
      %swap3A_110 = arith.index_cast %scan3A_39 : i32 to index
      %swap3A_111 = arith.constant 112 : index
      %swap3A_112 = tpu.vector_load %arg5[%swap3A_110, %swap3A_111] {strides = array<i32>} : memref<128x128xf32, #tpu.memory_space<vmem>>, vector<1x16xf32>,
      %swap3A_113 = vector.shape_cast %swap3A_112 : vector<1x16xf32> to vector<16xf32>
      %swap3A_114 = vector.shape_cast %broadcast_in_dim3A_0 : vector<16xf32> to vector<1x16xf32>
      tpu.vector_store %arg5[%swap3A_110, %swap3A_111], %swap3A_114 {strides = array<i32>} : memref<128x128xf32, #tpu.memory_space<vmem>>, vector<1x16xf32>,
      %swap3A_115 = arith.index_cast %scan3A_39 : i32 to index
      %swap3A_116 = arith.constant 112 : index
      %swap3A_117 = tpu.vector_load %arg6[%swap3A_115, %swap3A_116] {strides = array<i32>} : memref<128x128xf32, #tpu.memory_space<vmem>>, vector<1x16xf32>,
      %swap3A_118 = vector.shape_cast %swap3A_117 : vector<1x16xf32> to vector<16xf32>
      %swap3A_119 = vector.shape_cast %broadcast_in_dim3A_2 : vector<16xf32> to vector<1x16xf32>
      tpu.vector_store %arg6[%swap3A_115, %swap3A_116], %swap3A_119 {strides = array<i32>} : memref<128x128xf32, #tpu.memory_space<vmem>>, vector<1x16xf32>,
      %scan3A_120 = arith.constant 0 : i32
      scf.yield %scan3A_120 : i32
    }
    %scan3A_8 = arith.constant 128 : i32
    %mul3A = arith.constant 640 : i32
    %mul3A_9 = arith.muli %arg1, %mul3A : i32
    %add3A = arith.constant 0 : i32
    %add3A_10 = arith.addi %mul3A_9, %add3A : i32
    "tpu.region"() ({
      %run_scoped3A = tpu.sem_alloc : memref<!tpu.dma_semaphore, #tpu.memory_space<semaphore_mem>>
      %dma_start3A = arith.constant 0 : i32
      %dma_start3A_39 = tpu.memref_slice %arg7[%add3A_10, %dma_start3A] : memref<10240x128xf32, #tpu.memory_space<vmem_shared>> -> memref<128x128xf32, #tpu.memory_space<vmem_shared>>
      %dma_start3A_40 = arith.constant 0 : i32
      %dma_start3A_41 = tpu.memref_slice %arg7[%add3A_10, %dma_start3A_40] : memref<10240x128xf32, #tpu.memory_space<vmem_shared>> -> memref<128x128xf32, #tpu.memory_space<vmem_shared>>
      tpu.enqueue_dma source(%arg6 : memref<128x128xf32, #tpu.memory_space<vmem>>) target(%dma_start3A_41 : memref<128x128xf32, #tpu.memory_space<vmem_shared>>) target_semaphore(%run_scoped3A : memref<!tpu.dma_semaphore, #tpu.memory_space<semaphore_mem>>)
      %dma_wait3A = arith.constant 0 : i32
      %dma_wait3A_42 = tpu.memref_slice %arg7[%add3A_10, %dma_wait3A] : memref<10240x128xf32, #tpu.memory_space<vmem_shared>> -> memref<128x128xf32, #tpu.memory_space<vmem_shared>>
      %dma_wait3A_43 = arith.constant 0 : i32
      %dma_wait3A_44 = tpu.memref_slice %arg7[%add3A_10, %dma_wait3A_43] : memref<10240x128xf32, #tpu.memory_space<vmem_shared>> -> memref<128x128xf32, #tpu.memory_space<vmem_shared>>
      tpu.wait_dma2 semaphore(%run_scoped3A : memref<!tpu.dma_semaphore, #tpu.memory_space<semaphore_mem>>) src(%arg6 : memref<128x128xf32, #tpu.memory_space<vmem>>) dst(%dma_wait3A_44 : memref<128x128xf32, #tpu.memory_space<vmem_shared>>)
      tpu.yield
    }) : () -> ()
    %mul3A_11 = arith.constant 640 : i32
    %mul3A_12 = arith.muli %arg1, %mul3A_11 : i32
    %add3A_13 = arith.constant 128 : i32
    %add3A_14 = arith.addi %mul3A_12, %add3A_13 : i32
    "tpu.region"() ({
      %run_scoped3A = tpu.sem_alloc : memref<!tpu.dma_semaphore, #tpu.memory_space<semaphore_mem>>
      %dma_start3A = arith.constant 0 : i32
      %dma_start3A_39 = tpu.memref_slice %arg7[%add3A_14, %dma_start3A] : memref<10240x128xf32, #tpu.memory_space<vmem_shared>> -> memref<128x128xf32, #tpu.memory_space<vmem_shared>>
      %dma_start3A_40 = arith.constant 0 : i32
      %dma_start3A_41 = tpu.memref_slice %arg7[%add3A_14, %dma_start3A_40] : memref<10240x128xf32, #tpu.memory_space<vmem_shared>> -> memref<128x128xf32, #tpu.memory_space<vmem_shared>>
      tpu.enqueue_dma source(%arg6 : memref<128x128xf32, #tpu.memory_space<vmem>>) target(%dma_start3A_41 : memref<128x128xf32, #tpu.memory_space<vmem_shared>>) target_semaphore(%run_scoped3A : memref<!tpu.dma_semaphore, #tpu.memory_space<semaphore_mem>>)
      %dma_wait3A = arith.constant 0 : i32
      %dma_wait3A_42 = tpu.memref_slice %arg7[%add3A_14, %dma_wait3A] : memref<10240x128xf32, #tpu.memory_space<vmem_shared>> -> memref<128x128xf32, #tpu.memory_space<vmem_shared>>
      %dma_wait3A_43 = arith.constant 0 : i32
      %dma_wait3A_44 = tpu.memref_slice %arg7[%add3A_14, %dma_wait3A_43] : memref<10240x128xf32, #tpu.memory_space<vmem_shared>> -> memref<128x128xf32, #tpu.memory_space<vmem_shared>>
      tpu.wait_dma2 semaphore(%run_scoped3A : memref<!tpu.dma_semaphore, #tpu.memory_space<semaphore_mem>>) src(%arg6 : memref<128x128xf32, #tpu.memory_space<vmem>>) dst(%dma_wait3A_44 : memref<128x128xf32, #tpu.memory_space<vmem_shared>>)
      tpu.yield
    }) : () -> ()
    %mul3A_15 = arith.constant 640 : i32
    %mul3A_16 = arith.muli %arg1, %mul3A_15 : i32
    %add3A_17 = arith.constant 256 : i32
    %add3A_18 = arith.addi %mul3A_16, %add3A_17 : i32
    "tpu.region"() ({
      %run_scoped3A = tpu.sem_alloc : memref<!tpu.dma_semaphore, #tpu.memory_space<semaphore_mem>>
      %dma_start3A = arith.constant 0 : i32
      %dma_start3A_39 = tpu.memref_slice %arg7[%add3A_18, %dma_start3A] : memref<10240x128xf32, #tpu.memory_space<vmem_shared>> -> memref<128x128xf32, #tpu.memory_space<vmem_shared>>
      %dma_start3A_40 = arith.constant 0 : i32
      %dma_start3A_41 = tpu.memref_slice %arg7[%add3A_18, %dma_start3A_40] : memref<10240x128xf32, #tpu.memory_space<vmem_shared>> -> memref<128x128xf32, #tpu.memory_space<vmem_shared>>
      tpu.enqueue_dma source(%arg6 : memref<128x128xf32, #tpu.memory_space<vmem>>) target(%dma_start3A_41 : memref<128x128xf32, #tpu.memory_space<vmem_shared>>) target_semaphore(%run_scoped3A : memref<!tpu.dma_semaphore, #tpu.memory_space<semaphore_mem>>)
      %dma_wait3A = arith.constant 0 : i32
      %dma_wait3A_42 = tpu.memref_slice %arg7[%add3A_18, %dma_wait3A] : memref<10240x128xf32, #tpu.memory_space<vmem_shared>> -> memref<128x128xf32, #tpu.memory_space<vmem_shared>>
      %dma_wait3A_43 = arith.constant 0 : i32
      %dma_wait3A_44 = tpu.memref_slice %arg7[%add3A_18, %dma_wait3A_43] : memref<10240x128xf32, #tpu.memory_space<vmem_shared>> -> memref<128x128xf32, #tpu.memory_space<vmem_shared>>
      tpu.wait_dma2 semaphore(%run_scoped3A : memref<!tpu.dma_semaphore, #tpu.memory_space<semaphore_mem>>) src(%arg6 : memref<128x128xf32, #tpu.memory_space<vmem>>) dst(%dma_wait3A_44 : memref<128x128xf32, #tpu.memory_space<vmem_shared>>)
      tpu.yield
    }) : () -> ()
    %mul3A_19 = arith.constant 640 : i32
    %mul3A_20 = arith.muli %arg1, %mul3A_19 : i32
    %add3A_21 = arith.constant 384 : i32
    %add3A_22 = arith.addi %mul3A_20, %add3A_21 : i32
    "tpu.region"() ({
      %run_scoped3A = tpu.sem_alloc : memref<!tpu.dma_semaphore, #tpu.memory_space<semaphore_mem>>
      %dma_start3A = arith.constant 0 : i32
      %dma_start3A_39 = tpu.memref_slice %arg7[%add3A_22, %dma_start3A] : memref<10240x128xf32, #tpu.memory_space<vmem_shared>> -> memref<128x128xf32, #tpu.memory_space<vmem_shared>>
      %dma_start3A_40 = arith.constant 0 : i32
      %dma_start3A_41 = tpu.memref_slice %arg7[%add3A_22, %dma_start3A_40] : memref<10240x128xf32, #tpu.memory_space<vmem_shared>> -> memref<128x128xf32, #tpu.memory_space<vmem_shared>>
      tpu.enqueue_dma source(%arg6 : memref<128x128xf32, #tpu.memory_space<vmem>>) target(%dma_start3A_41 : memref<128x128xf32, #tpu.memory_space<vmem_shared>>) target_semaphore(%run_scoped3A : memref<!tpu.dma_semaphore, #tpu.memory_space<semaphore_mem>>)
      %dma_wait3A = arith.constant 0 : i32
      %dma_wait3A_42 = tpu.memref_slice %arg7[%add3A_22, %dma_wait3A] : memref<10240x128xf32, #tpu.memory_space<vmem_shared>> -> memref<128x128xf32, #tpu.memory_space<vmem_shared>>
      %dma_wait3A_43 = arith.constant 0 : i32
      %dma_wait3A_44 = tpu.memref_slice %arg7[%add3A_22, %dma_wait3A_43] : memref<10240x128xf32, #tpu.memory_space<vmem_shared>> -> memref<128x128xf32, #tpu.memory_space<vmem_shared>>
      tpu.wait_dma2 semaphore(%run_scoped3A : memref<!tpu.dma_semaphore, #tpu.memory_space<semaphore_mem>>) src(%arg6 : memref<128x128xf32, #tpu.memory_space<vmem>>) dst(%dma_wait3A_44 : memref<128x128xf32, #tpu.memory_space<vmem_shared>>)
      tpu.yield
    }) : () -> ()
    %mul3A_23 = arith.constant 640 : i32
    %mul3A_24 = arith.muli %arg1, %mul3A_23 : i32
    %add3A_25 = arith.constant 512 : i32
    %add3A_26 = arith.addi %mul3A_24, %add3A_25 : i32
    "tpu.region"() ({
      %run_scoped3A = tpu.sem_alloc : memref<!tpu.dma_semaphore, #tpu.memory_space<semaphore_mem>>
      %dma_start3A = arith.constant 0 : i32
      %dma_start3A_39 = tpu.memref_slice %arg7[%add3A_26, %dma_start3A] : memref<10240x128xf32, #tpu.memory_space<vmem_shared>> -> memref<128x128xf32, #tpu.memory_space<vmem_shared>>
      %dma_start3A_40 = arith.constant 0 : i32
      %dma_start3A_41 = tpu.memref_slice %arg7[%add3A_26, %dma_start3A_40] : memref<10240x128xf32, #tpu.memory_space<vmem_shared>> -> memref<128x128xf32, #tpu.memory_space<vmem_shared>>
      tpu.enqueue_dma source(%arg6 : memref<128x128xf32, #tpu.memory_space<vmem>>) target(%dma_start3A_41 : memref<128x128xf32, #tpu.memory_space<vmem_shared>>) target_semaphore(%run_scoped3A : memref<!tpu.dma_semaphore, #tpu.memory_space<semaphore_mem>>)
      %dma_wait3A = arith.constant 0 : i32
      %dma_wait3A_42 = tpu.memref_slice %arg7[%add3A_26, %dma_wait3A] : memref<10240x128xf32, #tpu.memory_space<vmem_shared>> -> memref<128x128xf32, #tpu.memory_space<vmem_shared>>
      %dma_wait3A_43 = arith.constant 0 : i32
      %dma_wait3A_44 = tpu.memref_slice %arg7[%add3A_26, %dma_wait3A_43] : memref<10240x128xf32, #tpu.memory_space<vmem_shared>> -> memref<128x128xf32, #tpu.memory_space<vmem_shared>>
      tpu.wait_dma2 semaphore(%run_scoped3A : memref<!tpu.dma_semaphore, #tpu.memory_space<semaphore_mem>>) src(%arg6 : memref<128x128xf32, #tpu.memory_space<vmem>>) dst(%dma_wait3A_44 : memref<128x128xf32, #tpu.memory_space<vmem_shared>>)
      tpu.yield
    }) : () -> ()
    %barrier3A = arith.constant 0 : index
    tpu.barrier barrier_id(%barrier3A)
    %scan3A_27 = arith.constant 0 : i32
    %scan3A_28 = arith.constant 0 : i32
    %scan3A_29 = arith.constant 80 : i32
    %scan3A_30 = arith.addi %scan3A_28, %scan3A_29 : i32
    %scan3A_31 = arith.constant 1 : i32
    %scan3A_32 = scf.for %scan3A_39 = %scan3A_28 to %scan3A_30 step %scan3A_31 iter_args(%scan3A_40 = %scan3A_27) -> (i32)  : i32 {
      "tpu.region"() ({
        %run_scoped3A = tpu.sem_alloc : memref<!tpu.dma_semaphore, #tpu.memory_space<semaphore_mem>>
        %dma_start3A = arith.constant 0 : i32
        %dma_start3A_42 = tpu.memref_slice %arg4[%scan3A_39, %dma_start3A] : memref<80x128xi32, #tpu.memory_space<vmem>> -> memref<1x128xi32, #tpu.memory_space<vmem>>
        %dma_start3A_43 = tpu.memref_squeeze %dma_start3A_42 : memref<1x128xi32, #tpu.memory_space<vmem>> -> memref<128xi32, #tpu.memory_space<vmem>>
        %dma_start3A_44 = arith.constant 0 : i32
        %dma_start3A_45 = arith.constant 0 : i32
        %dma_start3A_46 = tpu.memref_slice %arg7[%dma_start3A_44, %dma_start3A_45] : memref<10240x128xf32, #tpu.memory_space<vmem_shared>> -> memref<10240x128xf32, #tpu.memory_space<vmem_shared>>
        tpu.enqueue_indirect_dma source(%arg5 : memref<128x128xf32, #tpu.memory_space<vmem>>) target(%dma_start3A_46 : memref<10240x128xf32, #tpu.memory_space<vmem_shared>>) offsets(%dma_start3A_43 : memref<128xi32, #tpu.memory_space<vmem>>) semaphore(%run_scoped3A : memref<!tpu.dma_semaphore, #tpu.memory_space<semaphore_mem>>) {add = true}
        %dma_wait3A = arith.constant 0 : i32
        %dma_wait3A_47 = tpu.memref_slice %arg4[%scan3A_39, %dma_wait3A] : memref<80x128xi32, #tpu.memory_space<vmem>> -> memref<1x128xi32, #tpu.memory_space<vmem>>
        %dma_wait3A_48 = tpu.memref_squeeze %dma_wait3A_47 : memref<1x128xi32, #tpu.memory_space<vmem>> -> memref<128xi32, #tpu.memory_space<vmem>>
        %dma_wait3A_49 = arith.constant 0 : i32
        %dma_wait3A_50 = arith.constant 0 : i32
        %dma_wait3A_51 = tpu.memref_slice %arg7[%dma_wait3A_49, %dma_wait3A_50] : memref<10240x128xf32, #tpu.memory_space<vmem_shared>> -> memref<10240x128xf32, #tpu.memory_space<vmem_shared>>
        tpu.wait_indirect_dma semaphore(%run_scoped3A : memref<!tpu.dma_semaphore, #tpu.memory_space<semaphore_mem>>) src(%arg5 : memref<128x128xf32, #tpu.memory_space<vmem>>) dst(%dma_wait3A_51 : memref<10240x128xf32, #tpu.memory_space<vmem_shared>>)
        tpu.yield
      }) : () -> ()
      %scan3A_41 = arith.constant 0 : i32
      scf.yield %scan3A_41 : i32
    }
    %scan3A_33 = arith.constant 80 : i32
    %barrier3A_34 = arith.constant 0 : index
    tpu.barrier barrier_id(%barrier3A_34)
    %mul3A_35 = arith.constant 640 : i32
    %mul3A_36 = arith.muli %arg1, %mul3A_35 : i32
    %mul3A_37 = arith.constant 640 : i32
    %mul3A_38 = arith.muli %arg1, %mul3A_37 : i32
    "tpu.region"() ({
      %run_scoped3A = tpu.sem_alloc : memref<!tpu.dma_semaphore, #tpu.memory_space<semaphore_mem>>
      %dma_start3A = arith.constant 0 : i32
      %dma_start3A_39 = arith.constant 0 : i32
      %dma_start3A_40 = tpu.memref_slice %arg3[%arg0, %dma_start3A, %dma_start3A_39] : memref<2x10240x128xf32, #tpu.memory_space<hbm>> -> memref<1x10240x128xf32, #tpu.memory_space<hbm>>
      %dma_start3A_41 = tpu.memref_squeeze %dma_start3A_40 : memref<1x10240x128xf32, #tpu.memory_space<hbm>> -> memref<10240x128xf32, #tpu.memory_space<hbm>>
      %dma_start3A_42 = arith.constant 0 : i32
      %dma_start3A_43 = tpu.memref_slice %dma_start3A_41[%mul3A_38, %dma_start3A_42] : memref<10240x128xf32, #tpu.memory_space<hbm>> -> memref<640x128xf32, #tpu.memory_space<hbm>>
      %dma_start3A_44 = arith.constant 0 : i32
      %dma_start3A_45 = tpu.memref_slice %arg7[%mul3A_36, %dma_start3A_44] : memref<10240x128xf32, #tpu.memory_space<vmem_shared>> -> memref<640x128xf32, #tpu.memory_space<vmem_shared>>
      tpu.enqueue_dma source(%dma_start3A_45 : memref<640x128xf32, #tpu.memory_space<vmem_shared>>) target(%dma_start3A_43 : memref<640x128xf32, #tpu.memory_space<hbm>>) target_semaphore(%run_scoped3A : memref<!tpu.dma_semaphore, #tpu.memory_space<semaphore_mem>>)
      %dma_wait3A = arith.constant 0 : i32
      %dma_wait3A_46 = arith.constant 0 : i32
      %dma_wait3A_47 = tpu.memref_slice %arg3[%arg0, %dma_wait3A, %dma_wait3A_46] : memref<2x10240x128xf32, #tpu.memory_space<hbm>> -> memref<1x10240x128xf32, #tpu.memory_space<hbm>>
      %dma_wait3A_48 = tpu.memref_squeeze %dma_wait3A_47 : memref<1x10240x128xf32, #tpu.memory_space<hbm>> -> memref<10240x128xf32, #tpu.memory_space<hbm>>
      %dma_wait3A_49 = arith.constant 0 : i32
      %dma_wait3A_50 = tpu.memref_slice %dma_wait3A_48[%mul3A_38, %dma_wait3A_49] : memref<10240x128xf32, #tpu.memory_space<hbm>> -> memref<640x128xf32, #tpu.memory_space<hbm>>
      %dma_wait3A_51 = arith.constant 0 : i32
      %dma_wait3A_52 = tpu.memref_slice %arg7[%mul3A_36, %dma_wait3A_51] : memref<10240x128xf32, #tpu.memory_space<vmem_shared>> -> memref<640x128xf32, #tpu.memory_space<vmem_shared>>
      tpu.wait_dma2 semaphore(%run_scoped3A : memref<!tpu.dma_semaphore, #tpu.memory_space<semaphore_mem>>) src(%dma_wait3A_52 : memref<640x128xf32, #tpu.memory_space<vmem_shared>>) dst(%dma_wait3A_50 : memref<640x128xf32, #tpu.memory_space<hbm>>)
      tpu.yield
    }) : () -> ()
    return
  }
}

#map = affine_map<(d0, d1) -> (0, 0, 0, 0)>
#map1 = affine_map<(d0, d1) -> (0, 0)>
#map2 = affine_map<(d0, d1) -> (0, 0, 0)>
module attributes {stable_mosaic.version = 14 : i64} {
  func.func @_agg_kernel(%arg0: i32, %arg1: i32, %arg2: memref<2x16x80x128xi32, #tpu.memory_space<hbm>>, %arg3: memref<2x16x80x128xi32, #tpu.memory_space<hbm>>, %arg4: memref<10240x128xf32, #tpu.memory_space<hbm>>, %arg5: memref<2x10240x128xf32, #tpu.memory_space<hbm>>, %arg6: memref<80x128xi32, #tpu.memory_space<vmem>>, %arg7: memref<16x128xi32, #tpu.memory_space<vmem>>, %arg8: memref<16x128xi32, #tpu.memory_space<vmem>>, %arg9: memref<128x128xf32, #tpu.memory_space<vmem>>, %arg10: memref<128x128xf32, #tpu.memory_space<vmem>>, %arg11: memref<10240x128xf32, #tpu.memory_space<vmem_shared>>, %arg12: memref<!tpu.dma_semaphore, #tpu.memory_space<semaphore_mem>>, %arg13: memref<!tpu.dma_semaphore, #tpu.memory_space<semaphore_mem>>) attributes {dimension_semantics = [#tpu.dimension_semantics<core_parallel>, #tpu.dimension_semantics<subcore_parallel>], iteration_bounds = array<i64: 2, 16>, scalar_prefetch = 0 : i64, scratch_operands = 8 : i64, tpu.core_type = #tpu.core_type<sc_vector_subcore>, window_params = [{transform_indices = #map}, {transform_indices = #map}, {transform_indices = #map1}, {transform_indices = #map2}]} {
    "tpu.region"() ({
      %run_scoped3A = tpu.sem_alloc : memref<!tpu.dma_semaphore, #tpu.memory_space<semaphore_mem>>
      %dma_start3A_78 = arith.constant 0 : i32
      %dma_start3A_79 = arith.constant 0 : i32
      %dma_start3A_80 = tpu.memref_slice %arg2[%arg0, %arg1, %dma_start3A_78, %dma_start3A_79] : memref<2x16x80x128xi32, #tpu.memory_space<hbm>> -> memref<1x1x80x128xi32, #tpu.memory_space<hbm>>
      %dma_start3A_81 = tpu.memref_squeeze %dma_start3A_80 : memref<1x1x80x128xi32, #tpu.memory_space<hbm>> -> memref<80x128xi32, #tpu.memory_space<hbm>>
      %dma_start3A_82 = arith.constant 0 : i32
      %dma_start3A_83 = arith.constant 0 : i32
      %dma_start3A_84 = tpu.memref_slice %arg2[%arg0, %arg1, %dma_start3A_82, %dma_start3A_83] : memref<2x16x80x128xi32, #tpu.memory_space<hbm>> -> memref<1x1x80x128xi32, #tpu.memory_space<hbm>>
      %dma_start3A_85 = tpu.memref_squeeze %dma_start3A_84 : memref<1x1x80x128xi32, #tpu.memory_space<hbm>> -> memref<80x128xi32, #tpu.memory_space<hbm>>
      tpu.enqueue_dma source(%dma_start3A_85 : memref<80x128xi32, #tpu.memory_space<hbm>>) target(%arg6 : memref<80x128xi32, #tpu.memory_space<vmem>>) target_semaphore(%run_scoped3A : memref<!tpu.dma_semaphore, #tpu.memory_space<semaphore_mem>>)
      %dma_wait3A = arith.constant 0 : i32
      %dma_wait3A_86 = arith.constant 0 : i32
      %dma_wait3A_87 = tpu.memref_slice %arg2[%arg0, %arg1, %dma_wait3A, %dma_wait3A_86] : memref<2x16x80x128xi32, #tpu.memory_space<hbm>> -> memref<1x1x80x128xi32, #tpu.memory_space<hbm>>
      %dma_wait3A_88 = tpu.memref_squeeze %dma_wait3A_87 : memref<1x1x80x128xi32, #tpu.memory_space<hbm>> -> memref<80x128xi32, #tpu.memory_space<hbm>>
      %dma_wait3A_89 = arith.constant 0 : i32
      %dma_wait3A_90 = arith.constant 0 : i32
      %dma_wait3A_91 = tpu.memref_slice %arg2[%arg0, %arg1, %dma_wait3A_89, %dma_wait3A_90] : memref<2x16x80x128xi32, #tpu.memory_space<hbm>> -> memref<1x1x80x128xi32, #tpu.memory_space<hbm>>
      %dma_wait3A_92 = tpu.memref_squeeze %dma_wait3A_91 : memref<1x1x80x128xi32, #tpu.memory_space<hbm>> -> memref<80x128xi32, #tpu.memory_space<hbm>>
      tpu.wait_dma2 semaphore(%run_scoped3A : memref<!tpu.dma_semaphore, #tpu.memory_space<semaphore_mem>>) src(%dma_wait3A_92 : memref<80x128xi32, #tpu.memory_space<hbm>>) dst(%arg6 : memref<80x128xi32, #tpu.memory_space<vmem>>)
      tpu.yield
    }) : () -> ()
    %broadcast_in_dim3A = arith.constant 0.000000e+00 : f32
    %broadcast_in_dim3A_0 = vector.broadcast %broadcast_in_dim3A : f32 to vector<16xf32>
    %scan3A = arith.constant 0 : i32
    %scan3A_1 = arith.constant 0 : i32
    %scan3A_2 = arith.constant 128 : i32
    %scan3A_3 = arith.addi %scan3A_1, %scan3A_2 : i32
    %scan3A_4 = arith.constant 1 : i32
    %scan3A_5 = scf.for %scan3A_78 = %scan3A_1 to %scan3A_3 step %scan3A_4 iter_args(%scan3A_79 = %scan3A) -> (i32)  : i32 {
      %swap3A = arith.index_cast %scan3A_78 : i32 to index
      %swap3A_80 = arith.constant 0 : index
      %swap3A_81 = tpu.vector_load %arg9[%swap3A, %swap3A_80] {strides = array<i32>} : memref<128x128xf32, #tpu.memory_space<vmem>>, vector<1x16xf32>,
      %swap3A_82 = vector.shape_cast %swap3A_81 : vector<1x16xf32> to vector<16xf32>
      %swap3A_83 = vector.shape_cast %broadcast_in_dim3A_0 : vector<16xf32> to vector<1x16xf32>
      tpu.vector_store %arg9[%swap3A, %swap3A_80], %swap3A_83 {strides = array<i32>} : memref<128x128xf32, #tpu.memory_space<vmem>>, vector<1x16xf32>,
      %swap3A_84 = arith.index_cast %scan3A_78 : i32 to index
      %swap3A_85 = arith.constant 16 : index
      %swap3A_86 = tpu.vector_load %arg9[%swap3A_84, %swap3A_85] {strides = array<i32>} : memref<128x128xf32, #tpu.memory_space<vmem>>, vector<1x16xf32>,
      %swap3A_87 = vector.shape_cast %swap3A_86 : vector<1x16xf32> to vector<16xf32>
      %swap3A_88 = vector.shape_cast %broadcast_in_dim3A_0 : vector<16xf32> to vector<1x16xf32>
      tpu.vector_store %arg9[%swap3A_84, %swap3A_85], %swap3A_88 {strides = array<i32>} : memref<128x128xf32, #tpu.memory_space<vmem>>, vector<1x16xf32>,
      %swap3A_89 = arith.index_cast %scan3A_78 : i32 to index
      %swap3A_90 = arith.constant 32 : index
      %swap3A_91 = tpu.vector_load %arg9[%swap3A_89, %swap3A_90] {strides = array<i32>} : memref<128x128xf32, #tpu.memory_space<vmem>>, vector<1x16xf32>,
      %swap3A_92 = vector.shape_cast %swap3A_91 : vector<1x16xf32> to vector<16xf32>
      %swap3A_93 = vector.shape_cast %broadcast_in_dim3A_0 : vector<16xf32> to vector<1x16xf32>
      tpu.vector_store %arg9[%swap3A_89, %swap3A_90], %swap3A_93 {strides = array<i32>} : memref<128x128xf32, #tpu.memory_space<vmem>>, vector<1x16xf32>,
      %swap3A_94 = arith.index_cast %scan3A_78 : i32 to index
      %swap3A_95 = arith.constant 48 : index
      %swap3A_96 = tpu.vector_load %arg9[%swap3A_94, %swap3A_95] {strides = array<i32>} : memref<128x128xf32, #tpu.memory_space<vmem>>, vector<1x16xf32>,
      %swap3A_97 = vector.shape_cast %swap3A_96 : vector<1x16xf32> to vector<16xf32>
      %swap3A_98 = vector.shape_cast %broadcast_in_dim3A_0 : vector<16xf32> to vector<1x16xf32>
      tpu.vector_store %arg9[%swap3A_94, %swap3A_95], %swap3A_98 {strides = array<i32>} : memref<128x128xf32, #tpu.memory_space<vmem>>, vector<1x16xf32>,
      %swap3A_99 = arith.index_cast %scan3A_78 : i32 to index
      %swap3A_100 = arith.constant 64 : index
      %swap3A_101 = tpu.vector_load %arg9[%swap3A_99, %swap3A_100] {strides = array<i32>} : memref<128x128xf32, #tpu.memory_space<vmem>>, vector<1x16xf32>,
      %swap3A_102 = vector.shape_cast %swap3A_101 : vector<1x16xf32> to vector<16xf32>
      %swap3A_103 = vector.shape_cast %broadcast_in_dim3A_0 : vector<16xf32> to vector<1x16xf32>
      tpu.vector_store %arg9[%swap3A_99, %swap3A_100], %swap3A_103 {strides = array<i32>} : memref<128x128xf32, #tpu.memory_space<vmem>>, vector<1x16xf32>,
      %swap3A_104 = arith.index_cast %scan3A_78 : i32 to index
      %swap3A_105 = arith.constant 80 : index
      %swap3A_106 = tpu.vector_load %arg9[%swap3A_104, %swap3A_105] {strides = array<i32>} : memref<128x128xf32, #tpu.memory_space<vmem>>, vector<1x16xf32>,
      %swap3A_107 = vector.shape_cast %swap3A_106 : vector<1x16xf32> to vector<16xf32>
      %swap3A_108 = vector.shape_cast %broadcast_in_dim3A_0 : vector<16xf32> to vector<1x16xf32>
      tpu.vector_store %arg9[%swap3A_104, %swap3A_105], %swap3A_108 {strides = array<i32>} : memref<128x128xf32, #tpu.memory_space<vmem>>, vector<1x16xf32>,
      %swap3A_109 = arith.index_cast %scan3A_78 : i32 to index
      %swap3A_110 = arith.constant 96 : index
      %swap3A_111 = tpu.vector_load %arg9[%swap3A_109, %swap3A_110] {strides = array<i32>} : memref<128x128xf32, #tpu.memory_space<vmem>>, vector<1x16xf32>,
      %swap3A_112 = vector.shape_cast %swap3A_111 : vector<1x16xf32> to vector<16xf32>
      %swap3A_113 = vector.shape_cast %broadcast_in_dim3A_0 : vector<16xf32> to vector<1x16xf32>
      tpu.vector_store %arg9[%swap3A_109, %swap3A_110], %swap3A_113 {strides = array<i32>} : memref<128x128xf32, #tpu.memory_space<vmem>>, vector<1x16xf32>,
      %swap3A_114 = arith.index_cast %scan3A_78 : i32 to index
      %swap3A_115 = arith.constant 112 : index
      %swap3A_116 = tpu.vector_load %arg9[%swap3A_114, %swap3A_115] {strides = array<i32>} : memref<128x128xf32, #tpu.memory_space<vmem>>, vector<1x16xf32>,
      %swap3A_117 = vector.shape_cast %swap3A_116 : vector<1x16xf32> to vector<16xf32>
      %swap3A_118 = vector.shape_cast %broadcast_in_dim3A_0 : vector<16xf32> to vector<1x16xf32>
      tpu.vector_store %arg9[%swap3A_114, %swap3A_115], %swap3A_118 {strides = array<i32>} : memref<128x128xf32, #tpu.memory_space<vmem>>, vector<1x16xf32>,
      %scan3A_119 = arith.constant 0 : i32
      scf.yield %scan3A_119 : i32
    }
    %scan3A_6 = arith.constant 128 : i32
    %mul3A = arith.constant 640 : i32
    %mul3A_7 = arith.muli %arg1, %mul3A : i32
    %add3A = arith.constant 0 : i32
    %add3A_8 = arith.addi %mul3A_7, %add3A : i32
    "tpu.region"() ({
      %run_scoped3A = tpu.sem_alloc : memref<!tpu.dma_semaphore, #tpu.memory_space<semaphore_mem>>
      %dma_start3A_78 = arith.constant 0 : i32
      %dma_start3A_79 = tpu.memref_slice %arg11[%add3A_8, %dma_start3A_78] : memref<10240x128xf32, #tpu.memory_space<vmem_shared>> -> memref<128x128xf32, #tpu.memory_space<vmem_shared>>
      %dma_start3A_80 = arith.constant 0 : i32
      %dma_start3A_81 = tpu.memref_slice %arg11[%add3A_8, %dma_start3A_80] : memref<10240x128xf32, #tpu.memory_space<vmem_shared>> -> memref<128x128xf32, #tpu.memory_space<vmem_shared>>
      tpu.enqueue_dma source(%arg9 : memref<128x128xf32, #tpu.memory_space<vmem>>) target(%dma_start3A_81 : memref<128x128xf32, #tpu.memory_space<vmem_shared>>) target_semaphore(%run_scoped3A : memref<!tpu.dma_semaphore, #tpu.memory_space<semaphore_mem>>)
      %dma_wait3A = arith.constant 0 : i32
      %dma_wait3A_82 = tpu.memref_slice %arg11[%add3A_8, %dma_wait3A] : memref<10240x128xf32, #tpu.memory_space<vmem_shared>> -> memref<128x128xf32, #tpu.memory_space<vmem_shared>>
      %dma_wait3A_83 = arith.constant 0 : i32
      %dma_wait3A_84 = tpu.memref_slice %arg11[%add3A_8, %dma_wait3A_83] : memref<10240x128xf32, #tpu.memory_space<vmem_shared>> -> memref<128x128xf32, #tpu.memory_space<vmem_shared>>
      tpu.wait_dma2 semaphore(%run_scoped3A : memref<!tpu.dma_semaphore, #tpu.memory_space<semaphore_mem>>) src(%arg9 : memref<128x128xf32, #tpu.memory_space<vmem>>) dst(%dma_wait3A_84 : memref<128x128xf32, #tpu.memory_space<vmem_shared>>)
      tpu.yield
    }) : () -> ()
    %mul3A_9 = arith.constant 640 : i32
    %mul3A_10 = arith.muli %arg1, %mul3A_9 : i32
    %add3A_11 = arith.constant 128 : i32
    %add3A_12 = arith.addi %mul3A_10, %add3A_11 : i32
    "tpu.region"() ({
      %run_scoped3A = tpu.sem_alloc : memref<!tpu.dma_semaphore, #tpu.memory_space<semaphore_mem>>
      %dma_start3A_78 = arith.constant 0 : i32
      %dma_start3A_79 = tpu.memref_slice %arg11[%add3A_12, %dma_start3A_78] : memref<10240x128xf32, #tpu.memory_space<vmem_shared>> -> memref<128x128xf32, #tpu.memory_space<vmem_shared>>
      %dma_start3A_80 = arith.constant 0 : i32
      %dma_start3A_81 = tpu.memref_slice %arg11[%add3A_12, %dma_start3A_80] : memref<10240x128xf32, #tpu.memory_space<vmem_shared>> -> memref<128x128xf32, #tpu.memory_space<vmem_shared>>
      tpu.enqueue_dma source(%arg9 : memref<128x128xf32, #tpu.memory_space<vmem>>) target(%dma_start3A_81 : memref<128x128xf32, #tpu.memory_space<vmem_shared>>) target_semaphore(%run_scoped3A : memref<!tpu.dma_semaphore, #tpu.memory_space<semaphore_mem>>)
      %dma_wait3A = arith.constant 0 : i32
      %dma_wait3A_82 = tpu.memref_slice %arg11[%add3A_12, %dma_wait3A] : memref<10240x128xf32, #tpu.memory_space<vmem_shared>> -> memref<128x128xf32, #tpu.memory_space<vmem_shared>>
      %dma_wait3A_83 = arith.constant 0 : i32
      %dma_wait3A_84 = tpu.memref_slice %arg11[%add3A_12, %dma_wait3A_83] : memref<10240x128xf32, #tpu.memory_space<vmem_shared>> -> memref<128x128xf32, #tpu.memory_space<vmem_shared>>
      tpu.wait_dma2 semaphore(%run_scoped3A : memref<!tpu.dma_semaphore, #tpu.memory_space<semaphore_mem>>) src(%arg9 : memref<128x128xf32, #tpu.memory_space<vmem>>) dst(%dma_wait3A_84 : memref<128x128xf32, #tpu.memory_space<vmem_shared>>)
      tpu.yield
    }) : () -> ()
    %mul3A_13 = arith.constant 640 : i32
    %mul3A_14 = arith.muli %arg1, %mul3A_13 : i32
    %add3A_15 = arith.constant 256 : i32
    %add3A_16 = arith.addi %mul3A_14, %add3A_15 : i32
    "tpu.region"() ({
      %run_scoped3A = tpu.sem_alloc : memref<!tpu.dma_semaphore, #tpu.memory_space<semaphore_mem>>
      %dma_start3A_78 = arith.constant 0 : i32
      %dma_start3A_79 = tpu.memref_slice %arg11[%add3A_16, %dma_start3A_78] : memref<10240x128xf32, #tpu.memory_space<vmem_shared>> -> memref<128x128xf32, #tpu.memory_space<vmem_shared>>
      %dma_start3A_80 = arith.constant 0 : i32
      %dma_start3A_81 = tpu.memref_slice %arg11[%add3A_16, %dma_start3A_80] : memref<10240x128xf32, #tpu.memory_space<vmem_shared>> -> memref<128x128xf32, #tpu.memory_space<vmem_shared>>
      tpu.enqueue_dma source(%arg9 : memref<128x128xf32, #tpu.memory_space<vmem>>) target(%dma_start3A_81 : memref<128x128xf32, #tpu.memory_space<vmem_shared>>) target_semaphore(%run_scoped3A : memref<!tpu.dma_semaphore, #tpu.memory_space<semaphore_mem>>)
      %dma_wait3A = arith.constant 0 : i32
      %dma_wait3A_82 = tpu.memref_slice %arg11[%add3A_16, %dma_wait3A] : memref<10240x128xf32, #tpu.memory_space<vmem_shared>> -> memref<128x128xf32, #tpu.memory_space<vmem_shared>>
      %dma_wait3A_83 = arith.constant 0 : i32
      %dma_wait3A_84 = tpu.memref_slice %arg11[%add3A_16, %dma_wait3A_83] : memref<10240x128xf32, #tpu.memory_space<vmem_shared>> -> memref<128x128xf32, #tpu.memory_space<vmem_shared>>
      tpu.wait_dma2 semaphore(%run_scoped3A : memref<!tpu.dma_semaphore, #tpu.memory_space<semaphore_mem>>) src(%arg9 : memref<128x128xf32, #tpu.memory_space<vmem>>) dst(%dma_wait3A_84 : memref<128x128xf32, #tpu.memory_space<vmem_shared>>)
      tpu.yield
    }) : () -> ()
    %mul3A_17 = arith.constant 640 : i32
    %mul3A_18 = arith.muli %arg1, %mul3A_17 : i32
    %add3A_19 = arith.constant 384 : i32
    %add3A_20 = arith.addi %mul3A_18, %add3A_19 : i32
    "tpu.region"() ({
      %run_scoped3A = tpu.sem_alloc : memref<!tpu.dma_semaphore, #tpu.memory_space<semaphore_mem>>
      %dma_start3A_78 = arith.constant 0 : i32
      %dma_start3A_79 = tpu.memref_slice %arg11[%add3A_20, %dma_start3A_78] : memref<10240x128xf32, #tpu.memory_space<vmem_shared>> -> memref<128x128xf32, #tpu.memory_space<vmem_shared>>
      %dma_start3A_80 = arith.constant 0 : i32
      %dma_start3A_81 = tpu.memref_slice %arg11[%add3A_20, %dma_start3A_80] : memref<10240x128xf32, #tpu.memory_space<vmem_shared>> -> memref<128x128xf32, #tpu.memory_space<vmem_shared>>
      tpu.enqueue_dma source(%arg9 : memref<128x128xf32, #tpu.memory_space<vmem>>) target(%dma_start3A_81 : memref<128x128xf32, #tpu.memory_space<vmem_shared>>) target_semaphore(%run_scoped3A : memref<!tpu.dma_semaphore, #tpu.memory_space<semaphore_mem>>)
      %dma_wait3A = arith.constant 0 : i32
      %dma_wait3A_82 = tpu.memref_slice %arg11[%add3A_20, %dma_wait3A] : memref<10240x128xf32, #tpu.memory_space<vmem_shared>> -> memref<128x128xf32, #tpu.memory_space<vmem_shared>>
      %dma_wait3A_83 = arith.constant 0 : i32
      %dma_wait3A_84 = tpu.memref_slice %arg11[%add3A_20, %dma_wait3A_83] : memref<10240x128xf32, #tpu.memory_space<vmem_shared>> -> memref<128x128xf32, #tpu.memory_space<vmem_shared>>
      tpu.wait_dma2 semaphore(%run_scoped3A : memref<!tpu.dma_semaphore, #tpu.memory_space<semaphore_mem>>) src(%arg9 : memref<128x128xf32, #tpu.memory_space<vmem>>) dst(%dma_wait3A_84 : memref<128x128xf32, #tpu.memory_space<vmem_shared>>)
      tpu.yield
    }) : () -> ()
    %mul3A_21 = arith.constant 640 : i32
    %mul3A_22 = arith.muli %arg1, %mul3A_21 : i32
    %add3A_23 = arith.constant 512 : i32
    %add3A_24 = arith.addi %mul3A_22, %add3A_23 : i32
    "tpu.region"() ({
      %run_scoped3A = tpu.sem_alloc : memref<!tpu.dma_semaphore, #tpu.memory_space<semaphore_mem>>
      %dma_start3A_78 = arith.constant 0 : i32
      %dma_start3A_79 = tpu.memref_slice %arg11[%add3A_24, %dma_start3A_78] : memref<10240x128xf32, #tpu.memory_space<vmem_shared>> -> memref<128x128xf32, #tpu.memory_space<vmem_shared>>
      %dma_start3A_80 = arith.constant 0 : i32
      %dma_start3A_81 = tpu.memref_slice %arg11[%add3A_24, %dma_start3A_80] : memref<10240x128xf32, #tpu.memory_space<vmem_shared>> -> memref<128x128xf32, #tpu.memory_space<vmem_shared>>
      tpu.enqueue_dma source(%arg9 : memref<128x128xf32, #tpu.memory_space<vmem>>) target(%dma_start3A_81 : memref<128x128xf32, #tpu.memory_space<vmem_shared>>) target_semaphore(%run_scoped3A : memref<!tpu.dma_semaphore, #tpu.memory_space<semaphore_mem>>)
      %dma_wait3A = arith.constant 0 : i32
      %dma_wait3A_82 = tpu.memref_slice %arg11[%add3A_24, %dma_wait3A] : memref<10240x128xf32, #tpu.memory_space<vmem_shared>> -> memref<128x128xf32, #tpu.memory_space<vmem_shared>>
      %dma_wait3A_83 = arith.constant 0 : i32
      %dma_wait3A_84 = tpu.memref_slice %arg11[%add3A_24, %dma_wait3A_83] : memref<10240x128xf32, #tpu.memory_space<vmem_shared>> -> memref<128x128xf32, #tpu.memory_space<vmem_shared>>
      tpu.wait_dma2 semaphore(%run_scoped3A : memref<!tpu.dma_semaphore, #tpu.memory_space<semaphore_mem>>) src(%arg9 : memref<128x128xf32, #tpu.memory_space<vmem>>) dst(%dma_wait3A_84 : memref<128x128xf32, #tpu.memory_space<vmem_shared>>)
      tpu.yield
    }) : () -> ()
    %barrier3A = arith.constant 0 : index
    tpu.barrier barrier_id(%barrier3A)
    %dma_start3A = arith.constant 0 : i32
    %dma_start3A_25 = arith.constant 0 : i32
    %dma_start3A_26 = tpu.memref_slice %arg6[%dma_start3A, %dma_start3A_25] : memref<80x128xi32, #tpu.memory_space<vmem>> -> memref<1x128xi32, #tpu.memory_space<vmem>>
    %dma_start3A_27 = tpu.memref_squeeze %dma_start3A_26 : memref<1x128xi32, #tpu.memory_space<vmem>> -> memref<128xi32, #tpu.memory_space<vmem>>
    %dma_start3A_28 = arith.constant 0 : i32
    %dma_start3A_29 = arith.constant 0 : i32
    %dma_start3A_30 = tpu.memref_slice %arg4[%dma_start3A_28, %dma_start3A_29] : memref<10240x128xf32, #tpu.memory_space<hbm>> -> memref<10240x128xf32, #tpu.memory_space<hbm>>
    tpu.enqueue_indirect_dma source(%dma_start3A_30 : memref<10240x128xf32, #tpu.memory_space<hbm>>) target(%arg9 : memref<128x128xf32, #tpu.memory_space<vmem>>) offsets(%dma_start3A_27 : memref<128xi32, #tpu.memory_space<vmem>>) semaphore(%arg12 : memref<!tpu.dma_semaphore, #tpu.memory_space<semaphore_mem>>)
    %dma_start3A_31 = arith.constant 1 : i32
    %dma_start3A_32 = arith.constant 0 : i32
    %dma_start3A_33 = tpu.memref_slice %arg6[%dma_start3A_31, %dma_start3A_32] : memref<80x128xi32, #tpu.memory_space<vmem>> -> memref<1x128xi32, #tpu.memory_space<vmem>>
    %dma_start3A_34 = tpu.memref_squeeze %dma_start3A_33 : memref<1x128xi32, #tpu.memory_space<vmem>> -> memref<128xi32, #tpu.memory_space<vmem>>
    %dma_start3A_35 = arith.constant 0 : i32
    %dma_start3A_36 = arith.constant 0 : i32
    %dma_start3A_37 = tpu.memref_slice %arg4[%dma_start3A_35, %dma_start3A_36] : memref<10240x128xf32, #tpu.memory_space<hbm>> -> memref<10240x128xf32, #tpu.memory_space<hbm>>
    tpu.enqueue_indirect_dma source(%dma_start3A_37 : memref<10240x128xf32, #tpu.memory_space<hbm>>) target(%arg10 : memref<128x128xf32, #tpu.memory_space<vmem>>) offsets(%dma_start3A_34 : memref<128xi32, #tpu.memory_space<vmem>>) semaphore(%arg13 : memref<!tpu.dma_semaphore, #tpu.memory_space<semaphore_mem>>)
    "tpu.region"() ({
      %run_scoped3A = tpu.sem_alloc : memref<!tpu.dma_semaphore, #tpu.memory_space<semaphore_mem>>
      %dma_start3A_78 = arith.constant 0 : i32
      %dma_start3A_79 = arith.constant 0 : i32
      %dma_start3A_80 = tpu.memref_slice %arg3[%arg0, %arg1, %dma_start3A_78, %dma_start3A_79] : memref<2x16x80x128xi32, #tpu.memory_space<hbm>> -> memref<1x1x80x128xi32, #tpu.memory_space<hbm>>
      %dma_start3A_81 = tpu.memref_squeeze %dma_start3A_80 : memref<1x1x80x128xi32, #tpu.memory_space<hbm>> -> memref<80x128xi32, #tpu.memory_space<hbm>>
      %dma_start3A_82 = arith.constant 0 : i32
      %dma_start3A_83 = arith.constant 0 : i32
      %dma_start3A_84 = tpu.memref_slice %dma_start3A_81[%dma_start3A_82, %dma_start3A_83] : memref<80x128xi32, #tpu.memory_space<hbm>> -> memref<16x128xi32, #tpu.memory_space<hbm>>
      %dma_start3A_85 = arith.constant 0 : i32
      %dma_start3A_86 = arith.constant 0 : i32
      %dma_start3A_87 = tpu.memref_slice %arg3[%arg0, %arg1, %dma_start3A_85, %dma_start3A_86] : memref<2x16x80x128xi32, #tpu.memory_space<hbm>> -> memref<1x1x80x128xi32, #tpu.memory_space<hbm>>
      %dma_start3A_88 = tpu.memref_squeeze %dma_start3A_87 : memref<1x1x80x128xi32, #tpu.memory_space<hbm>> -> memref<80x128xi32, #tpu.memory_space<hbm>>
      %dma_start3A_89 = arith.constant 0 : i32
      %dma_start3A_90 = arith.constant 0 : i32
      %dma_start3A_91 = tpu.memref_slice %dma_start3A_88[%dma_start3A_89, %dma_start3A_90] : memref<80x128xi32, #tpu.memory_space<hbm>> -> memref<16x128xi32, #tpu.memory_space<hbm>>
      tpu.enqueue_dma source(%dma_start3A_91 : memref<16x128xi32, #tpu.memory_space<hbm>>) target(%arg7 : memref<16x128xi32, #tpu.memory_space<vmem>>) target_semaphore(%run_scoped3A : memref<!tpu.dma_semaphore, #tpu.memory_space<semaphore_mem>>)
      %dma_wait3A = arith.constant 0 : i32
      %dma_wait3A_92 = arith.constant 0 : i32
      %dma_wait3A_93 = tpu.memref_slice %arg3[%arg0, %arg1, %dma_wait3A, %dma_wait3A_92] : memref<2x16x80x128xi32, #tpu.memory_space<hbm>> -> memref<1x1x80x128xi32, #tpu.memory_space<hbm>>
      %dma_wait3A_94 = tpu.memref_squeeze %dma_wait3A_93 : memref<1x1x80x128xi32, #tpu.memory_space<hbm>> -> memref<80x128xi32, #tpu.memory_space<hbm>>
      %dma_wait3A_95 = arith.constant 0 : i32
      %dma_wait3A_96 = arith.constant 0 : i32
      %dma_wait3A_97 = tpu.memref_slice %dma_wait3A_94[%dma_wait3A_95, %dma_wait3A_96] : memref<80x128xi32, #tpu.memory_space<hbm>> -> memref<16x128xi32, #tpu.memory_space<hbm>>
      %dma_wait3A_98 = arith.constant 0 : i32
      %dma_wait3A_99 = arith.constant 0 : i32
      %dma_wait3A_100 = tpu.memref_slice %arg3[%arg0, %arg1, %dma_wait3A_98, %dma_wait3A_99] : memref<2x16x80x128xi32, #tpu.memory_space<hbm>> -> memref<1x1x80x128xi32, #tpu.memory_space<hbm>>
      %dma_wait3A_101 = tpu.memref_squeeze %dma_wait3A_100 : memref<1x1x80x128xi32, #tpu.memory_space<hbm>> -> memref<80x128xi32, #tpu.memory_space<hbm>>
      %dma_wait3A_102 = arith.constant 0 : i32
      %dma_wait3A_103 = arith.constant 0 : i32
      %dma_wait3A_104 = tpu.memref_slice %dma_wait3A_101[%dma_wait3A_102, %dma_wait3A_103] : memref<80x128xi32, #tpu.memory_space<hbm>> -> memref<16x128xi32, #tpu.memory_space<hbm>>
      tpu.wait_dma2 semaphore(%run_scoped3A : memref<!tpu.dma_semaphore, #tpu.memory_space<semaphore_mem>>) src(%dma_wait3A_104 : memref<16x128xi32, #tpu.memory_space<hbm>>) dst(%arg7 : memref<16x128xi32, #tpu.memory_space<vmem>>)
      tpu.yield
    }) : () -> ()
    %scan3A_38 = arith.constant 0 : i32
    %scan3A_39 = arith.constant 0 : i32
    %scan3A_40 = arith.constant 8 : i32
    %scan3A_41 = arith.addi %scan3A_39, %scan3A_40 : i32
    %scan3A_42 = arith.constant 1 : i32
    %scan3A_43 = scf.for %scan3A_78 = %scan3A_39 to %scan3A_41 step %scan3A_42 iter_args(%scan3A_79 = %scan3A_38) -> (i32)  : i32 {
      %mul3A_80 = arith.constant 2 : i32
      %mul3A_81 = arith.muli %mul3A_80, %scan3A_78 : i32
      %add3A_82 = arith.constant 0 : i32
      %add3A_83 = arith.addi %add3A_82, %mul3A_81 : i32
      %mul3A_84 = arith.constant 2 : i32
      %mul3A_85 = arith.muli %mul3A_84, %scan3A_78 : i32
      %dma_wait3A = arith.constant 0 : i32
      %dma_wait3A_86 = tpu.memref_slice %arg6[%add3A_83, %dma_wait3A] : memref<80x128xi32, #tpu.memory_space<vmem>> -> memref<1x128xi32, #tpu.memory_space<vmem>>
      %dma_wait3A_87 = tpu.memref_squeeze %dma_wait3A_86 : memref<1x128xi32, #tpu.memory_space<vmem>> -> memref<128xi32, #tpu.memory_space<vmem>>
      %dma_wait3A_88 = arith.constant 0 : i32
      %dma_wait3A_89 = arith.constant 0 : i32
      %dma_wait3A_90 = tpu.memref_slice %arg4[%dma_wait3A_88, %dma_wait3A_89] : memref<10240x128xf32, #tpu.memory_space<hbm>> -> memref<10240x128xf32, #tpu.memory_space<hbm>>
      tpu.wait_indirect_dma semaphore(%arg12 : memref<!tpu.dma_semaphore, #tpu.memory_space<semaphore_mem>>) src(%dma_wait3A_90 : memref<10240x128xf32, #tpu.memory_space<hbm>>) dst(%arg9 : memref<128x128xf32, #tpu.memory_space<vmem>>)
      "tpu.region"() ({
        %run_scoped3A = tpu.sem_alloc : memref<!tpu.dma_semaphore, #tpu.memory_space<semaphore_mem>>
        %dma_start3A_113 = arith.constant 0 : i32
        %dma_start3A_114 = tpu.memref_slice %arg7[%mul3A_85, %dma_start3A_113] : memref<16x128xi32, #tpu.memory_space<vmem>> -> memref<1x128xi32, #tpu.memory_space<vmem>>
        %dma_start3A_115 = tpu.memref_squeeze %dma_start3A_114 : memref<1x128xi32, #tpu.memory_space<vmem>> -> memref<128xi32, #tpu.memory_space<vmem>>
        %dma_start3A_116 = arith.constant 0 : i32
        %dma_start3A_117 = arith.constant 0 : i32
        %dma_start3A_118 = tpu.memref_slice %arg11[%dma_start3A_116, %dma_start3A_117] : memref<10240x128xf32, #tpu.memory_space<vmem_shared>> -> memref<10240x128xf32, #tpu.memory_space<vmem_shared>>
        tpu.enqueue_indirect_dma source(%arg9 : memref<128x128xf32, #tpu.memory_space<vmem>>) target(%dma_start3A_118 : memref<10240x128xf32, #tpu.memory_space<vmem_shared>>) offsets(%dma_start3A_115 : memref<128xi32, #tpu.memory_space<vmem>>) semaphore(%run_scoped3A : memref<!tpu.dma_semaphore, #tpu.memory_space<semaphore_mem>>) {add = true}
        %dma_wait3A_119 = arith.constant 0 : i32
        %dma_wait3A_120 = tpu.memref_slice %arg7[%mul3A_85, %dma_wait3A_119] : memref<16x128xi32, #tpu.memory_space<vmem>> -> memref<1x128xi32, #tpu.memory_space<vmem>>
        %dma_wait3A_121 = tpu.memref_squeeze %dma_wait3A_120 : memref<1x128xi32, #tpu.memory_space<vmem>> -> memref<128xi32, #tpu.memory_space<vmem>>
        %dma_wait3A_122 = arith.constant 0 : i32
        %dma_wait3A_123 = arith.constant 0 : i32
        %dma_wait3A_124 = tpu.memref_slice %arg11[%dma_wait3A_122, %dma_wait3A_123] : memref<10240x128xf32, #tpu.memory_space<vmem_shared>> -> memref<10240x128xf32, #tpu.memory_space<vmem_shared>>
        tpu.wait_indirect_dma semaphore(%run_scoped3A : memref<!tpu.dma_semaphore, #tpu.memory_space<semaphore_mem>>) src(%arg9 : memref<128x128xf32, #tpu.memory_space<vmem>>) dst(%dma_wait3A_124 : memref<10240x128xf32, #tpu.memory_space<vmem_shared>>)
        tpu.yield
      }) : () -> ()
      %add3A_91 = arith.constant 2 : i32
      %add3A_92 = arith.addi %add3A_83, %add3A_91 : i32
      %lt3A = arith.constant 80 : i32
      %lt3A_93 = arith.cmpi slt, %add3A_92, %lt3A : i32
      %convert_element_type3A = arith.extui %lt3A_93 : i1 to i32
      %cond3A = arith.constant 0 : i32
      %cond3A_94 = arith.cmpi ne, %convert_element_type3A, %cond3A : i32
      scf.if %cond3A_94 {
        %add3A_113 = arith.constant 2 : i32
        %add3A_114 = arith.addi %add3A_83, %add3A_113 : i32
        %dma_start3A_115 = arith.constant 0 : i32
        %dma_start3A_116 = tpu.memref_slice %arg6[%add3A_114, %dma_start3A_115] : memref<80x128xi32, #tpu.memory_space<vmem>> -> memref<1x128xi32, #tpu.memory_space<vmem>>
        %dma_start3A_117 = tpu.memref_squeeze %dma_start3A_116 : memref<1x128xi32, #tpu.memory_space<vmem>> -> memref<128xi32, #tpu.memory_space<vmem>>
        %dma_start3A_118 = arith.constant 0 : i32
        %dma_start3A_119 = arith.constant 0 : i32
        %dma_start3A_120 = tpu.memref_slice %arg4[%dma_start3A_118, %dma_start3A_119] : memref<10240x128xf32, #tpu.memory_space<hbm>> -> memref<10240x128xf32, #tpu.memory_space<hbm>>
        tpu.enqueue_indirect_dma source(%dma_start3A_120 : memref<10240x128xf32, #tpu.memory_space<hbm>>) target(%arg9 : memref<128x128xf32, #tpu.memory_space<vmem>>) offsets(%dma_start3A_117 : memref<128xi32, #tpu.memory_space<vmem>>) semaphore(%arg12 : memref<!tpu.dma_semaphore, #tpu.memory_space<semaphore_mem>>)
      } else {
      }
      %add3A_95 = arith.constant 1 : i32
      %add3A_96 = arith.addi %add3A_83, %add3A_95 : i32
      %dma_wait3A_97 = arith.constant 0 : i32
      %dma_wait3A_98 = tpu.memref_slice %arg6[%add3A_96, %dma_wait3A_97] : memref<80x128xi32, #tpu.memory_space<vmem>> -> memref<1x128xi32, #tpu.memory_space<vmem>>
      %dma_wait3A_99 = tpu.memref_squeeze %dma_wait3A_98 : memref<1x128xi32, #tpu.memory_space<vmem>> -> memref<128xi32, #tpu.memory_space<vmem>>
      %dma_wait3A_100 = arith.constant 0 : i32
      %dma_wait3A_101 = arith.constant 0 : i32
      %dma_wait3A_102 = tpu.memref_slice %arg4[%dma_wait3A_100, %dma_wait3A_101] : memref<10240x128xf32, #tpu.memory_space<hbm>> -> memref<10240x128xf32, #tpu.memory_space<hbm>>
      tpu.wait_indirect_dma semaphore(%arg13 : memref<!tpu.dma_semaphore, #tpu.memory_space<semaphore_mem>>) src(%dma_wait3A_102 : memref<10240x128xf32, #tpu.memory_space<hbm>>) dst(%arg10 : memref<128x128xf32, #tpu.memory_space<vmem>>)
      %add3A_103 = arith.constant 1 : i32
      %add3A_104 = arith.addi %mul3A_85, %add3A_103 : i32
      "tpu.region"() ({
        %run_scoped3A = tpu.sem_alloc : memref<!tpu.dma_semaphore, #tpu.memory_space<semaphore_mem>>
        %dma_start3A_113 = arith.constant 0 : i32
        %dma_start3A_114 = tpu.memref_slice %arg7[%add3A_104, %dma_start3A_113] : memref<16x128xi32, #tpu.memory_space<vmem>> -> memref<1x128xi32, #tpu.memory_space<vmem>>
        %dma_start3A_115 = tpu.memref_squeeze %dma_start3A_114 : memref<1x128xi32, #tpu.memory_space<vmem>> -> memref<128xi32, #tpu.memory_space<vmem>>
        %dma_start3A_116 = arith.constant 0 : i32
        %dma_start3A_117 = arith.constant 0 : i32
        %dma_start3A_118 = tpu.memref_slice %arg11[%dma_start3A_116, %dma_start3A_117] : memref<10240x128xf32, #tpu.memory_space<vmem_shared>> -> memref<10240x128xf32, #tpu.memory_space<vmem_shared>>
        tpu.enqueue_indirect_dma source(%arg10 : memref<128x128xf32, #tpu.memory_space<vmem>>) target(%dma_start3A_118 : memref<10240x128xf32, #tpu.memory_space<vmem_shared>>) offsets(%dma_start3A_115 : memref<128xi32, #tpu.memory_space<vmem>>) semaphore(%run_scoped3A : memref<!tpu.dma_semaphore, #tpu.memory_space<semaphore_mem>>) {add = true}
        %dma_wait3A_119 = arith.constant 0 : i32
        %dma_wait3A_120 = tpu.memref_slice %arg7[%add3A_104, %dma_wait3A_119] : memref<16x128xi32, #tpu.memory_space<vmem>> -> memref<1x128xi32, #tpu.memory_space<vmem>>
        %dma_wait3A_121 = tpu.memref_squeeze %dma_wait3A_120 : memref<1x128xi32, #tpu.memory_space<vmem>> -> memref<128xi32, #tpu.memory_space<vmem>>
        %dma_wait3A_122 = arith.constant 0 : i32
        %dma_wait3A_123 = arith.constant 0 : i32
        %dma_wait3A_124 = tpu.memref_slice %arg11[%dma_wait3A_122, %dma_wait3A_123] : memref<10240x128xf32, #tpu.memory_space<vmem_shared>> -> memref<10240x128xf32, #tpu.memory_space<vmem_shared>>
        tpu.wait_indirect_dma semaphore(%run_scoped3A : memref<!tpu.dma_semaphore, #tpu.memory_space<semaphore_mem>>) src(%arg10 : memref<128x128xf32, #tpu.memory_space<vmem>>) dst(%dma_wait3A_124 : memref<10240x128xf32, #tpu.memory_space<vmem_shared>>)
        tpu.yield
      }) : () -> ()
      %add3A_105 = arith.constant 3 : i32
      %add3A_106 = arith.addi %add3A_83, %add3A_105 : i32
      %lt3A_107 = arith.constant 80 : i32
      %lt3A_108 = arith.cmpi slt, %add3A_106, %lt3A_107 : i32
      %convert_element_type3A_109 = arith.extui %lt3A_108 : i1 to i32
      %cond3A_110 = arith.constant 0 : i32
      %cond3A_111 = arith.cmpi ne, %convert_element_type3A_109, %cond3A_110 : i32
      scf.if %cond3A_111 {
        %add3A_113 = arith.constant 3 : i32
        %add3A_114 = arith.addi %add3A_83, %add3A_113 : i32
        %dma_start3A_115 = arith.constant 0 : i32
        %dma_start3A_116 = tpu.memref_slice %arg6[%add3A_114, %dma_start3A_115] : memref<80x128xi32, #tpu.memory_space<vmem>> -> memref<1x128xi32, #tpu.memory_space<vmem>>
        %dma_start3A_117 = tpu.memref_squeeze %dma_start3A_116 : memref<1x128xi32, #tpu.memory_space<vmem>> -> memref<128xi32, #tpu.memory_space<vmem>>
        %dma_start3A_118 = arith.constant 0 : i32
        %dma_start3A_119 = arith.constant 0 : i32
        %dma_start3A_120 = tpu.memref_slice %arg4[%dma_start3A_118, %dma_start3A_119] : memref<10240x128xf32, #tpu.memory_space<hbm>> -> memref<10240x128xf32, #tpu.memory_space<hbm>>
        tpu.enqueue_indirect_dma source(%dma_start3A_120 : memref<10240x128xf32, #tpu.memory_space<hbm>>) target(%arg10 : memref<128x128xf32, #tpu.memory_space<vmem>>) offsets(%dma_start3A_117 : memref<128xi32, #tpu.memory_space<vmem>>) semaphore(%arg13 : memref<!tpu.dma_semaphore, #tpu.memory_space<semaphore_mem>>)
      } else {
      }
      %scan3A_112 = arith.constant 0 : i32
      scf.yield %scan3A_112 : i32
    }
    %scan3A_44 = arith.constant 8 : i32
    "tpu.region"() ({
      %run_scoped3A = tpu.sem_alloc : memref<!tpu.dma_semaphore, #tpu.memory_space<semaphore_mem>>
      %dma_start3A_78 = arith.constant 0 : i32
      %dma_start3A_79 = arith.constant 0 : i32
      %dma_start3A_80 = tpu.memref_slice %arg3[%arg0, %arg1, %dma_start3A_78, %dma_start3A_79] : memref<2x16x80x128xi32, #tpu.memory_space<hbm>> -> memref<1x1x80x128xi32, #tpu.memory_space<hbm>>
      %dma_start3A_81 = tpu.memref_squeeze %dma_start3A_80 : memref<1x1x80x128xi32, #tpu.memory_space<hbm>> -> memref<80x128xi32, #tpu.memory_space<hbm>>
      %dma_start3A_82 = arith.constant 16 : i32
      %dma_start3A_83 = arith.constant 0 : i32
      %dma_start3A_84 = tpu.memref_slice %dma_start3A_81[%dma_start3A_82, %dma_start3A_83] : memref<80x128xi32, #tpu.memory_space<hbm>> -> memref<16x128xi32, #tpu.memory_space<hbm>>
      %dma_start3A_85 = arith.constant 0 : i32
      %dma_start3A_86 = arith.constant 0 : i32
      %dma_start3A_87 = tpu.memref_slice %arg3[%arg0, %arg1, %dma_start3A_85, %dma_start3A_86] : memref<2x16x80x128xi32, #tpu.memory_space<hbm>> -> memref<1x1x80x128xi32, #tpu.memory_space<hbm>>
      %dma_start3A_88 = tpu.memref_squeeze %dma_start3A_87 : memref<1x1x80x128xi32, #tpu.memory_space<hbm>> -> memref<80x128xi32, #tpu.memory_space<hbm>>
      %dma_start3A_89 = arith.constant 16 : i32
      %dma_start3A_90 = arith.constant 0 : i32
      %dma_start3A_91 = tpu.memref_slice %dma_start3A_88[%dma_start3A_89, %dma_start3A_90] : memref<80x128xi32, #tpu.memory_space<hbm>> -> memref<16x128xi32, #tpu.memory_space<hbm>>
      tpu.enqueue_dma source(%dma_start3A_91 : memref<16x128xi32, #tpu.memory_space<hbm>>) target(%arg8 : memref<16x128xi32, #tpu.memory_space<vmem>>) target_semaphore(%run_scoped3A : memref<!tpu.dma_semaphore, #tpu.memory_space<semaphore_mem>>)
      %dma_wait3A = arith.constant 0 : i32
      %dma_wait3A_92 = arith.constant 0 : i32
      %dma_wait3A_93 = tpu.memref_slice %arg3[%arg0, %arg1, %dma_wait3A, %dma_wait3A_92] : memref<2x16x80x128xi32, #tpu.memory_space<hbm>> -> memref<1x1x80x128xi32, #tpu.memory_space<hbm>>
      %dma_wait3A_94 = tpu.memref_squeeze %dma_wait3A_93 : memref<1x1x80x128xi32, #tpu.memory_space<hbm>> -> memref<80x128xi32, #tpu.memory_space<hbm>>
      %dma_wait3A_95 = arith.constant 16 : i32
      %dma_wait3A_96 = arith.constant 0 : i32
      %dma_wait3A_97 = tpu.memref_slice %dma_wait3A_94[%dma_wait3A_95, %dma_wait3A_96] : memref<80x128xi32, #tpu.memory_space<hbm>> -> memref<16x128xi32, #tpu.memory_space<hbm>>
      %dma_wait3A_98 = arith.constant 0 : i32
      %dma_wait3A_99 = arith.constant 0 : i32
      %dma_wait3A_100 = tpu.memref_slice %arg3[%arg0, %arg1, %dma_wait3A_98, %dma_wait3A_99] : memref<2x16x80x128xi32, #tpu.memory_space<hbm>> -> memref<1x1x80x128xi32, #tpu.memory_space<hbm>>
      %dma_wait3A_101 = tpu.memref_squeeze %dma_wait3A_100 : memref<1x1x80x128xi32, #tpu.memory_space<hbm>> -> memref<80x128xi32, #tpu.memory_space<hbm>>
      %dma_wait3A_102 = arith.constant 16 : i32
      %dma_wait3A_103 = arith.constant 0 : i32
      %dma_wait3A_104 = tpu.memref_slice %dma_wait3A_101[%dma_wait3A_102, %dma_wait3A_103] : memref<80x128xi32, #tpu.memory_space<hbm>> -> memref<16x128xi32, #tpu.memory_space<hbm>>
      tpu.wait_dma2 semaphore(%run_scoped3A : memref<!tpu.dma_semaphore, #tpu.memory_space<semaphore_mem>>) src(%dma_wait3A_104 : memref<16x128xi32, #tpu.memory_space<hbm>>) dst(%arg8 : memref<16x128xi32, #tpu.memory_space<vmem>>)
      tpu.yield
    }) : () -> ()
    %scan3A_45 = arith.constant 0 : i32
    %scan3A_46 = arith.constant 0 : i32
    %scan3A_47 = arith.constant 8 : i32
    %scan3A_48 = arith.addi %scan3A_46, %scan3A_47 : i32
    %scan3A_49 = arith.constant 1 : i32
    %scan3A_50 = scf.for %scan3A_78 = %scan3A_46 to %scan3A_48 step %scan3A_49 iter_args(%scan3A_79 = %scan3A_45) -> (i32)  : i32 {
      %mul3A_80 = arith.constant 2 : i32
      %mul3A_81 = arith.muli %mul3A_80, %scan3A_78 : i32
      %add3A_82 = arith.constant 16 : i32
      %add3A_83 = arith.addi %add3A_82, %mul3A_81 : i32
      %mul3A_84 = arith.constant 2 : i32
      %mul3A_85 = arith.muli %mul3A_84, %scan3A_78 : i32
      %dma_wait3A = arith.constant 0 : i32
      %dma_wait3A_86 = tpu.memref_slice %arg6[%add3A_83, %dma_wait3A] : memref<80x128xi32, #tpu.memory_space<vmem>> -> memref<1x128xi32, #tpu.memory_space<vmem>>
      %dma_wait3A_87 = tpu.memref_squeeze %dma_wait3A_86 : memref<1x128xi32, #tpu.memory_space<vmem>> -> memref<128xi32, #tpu.memory_space<vmem>>
      %dma_wait3A_88 = arith.constant 0 : i32
      %dma_wait3A_89 = arith.constant 0 : i32
      %dma_wait3A_90 = tpu.memref_slice %arg4[%dma_wait3A_88, %dma_wait3A_89] : memref<10240x128xf32, #tpu.memory_space<hbm>> -> memref<10240x128xf32, #tpu.memory_space<hbm>>
      tpu.wait_indirect_dma semaphore(%arg12 : memref<!tpu.dma_semaphore, #tpu.memory_space<semaphore_mem>>) src(%dma_wait3A_90 : memref<10240x128xf32, #tpu.memory_space<hbm>>) dst(%arg9 : memref<128x128xf32, #tpu.memory_space<vmem>>)
      "tpu.region"() ({
        %run_scoped3A = tpu.sem_alloc : memref<!tpu.dma_semaphore, #tpu.memory_space<semaphore_mem>>
        %dma_start3A_113 = arith.constant 0 : i32
        %dma_start3A_114 = tpu.memref_slice %arg8[%mul3A_85, %dma_start3A_113] : memref<16x128xi32, #tpu.memory_space<vmem>> -> memref<1x128xi32, #tpu.memory_space<vmem>>
        %dma_start3A_115 = tpu.memref_squeeze %dma_start3A_114 : memref<1x128xi32, #tpu.memory_space<vmem>> -> memref<128xi32, #tpu.memory_space<vmem>>
        %dma_start3A_116 = arith.constant 0 : i32
        %dma_start3A_117 = arith.constant 0 : i32
        %dma_start3A_118 = tpu.memref_slice %arg11[%dma_start3A_116, %dma_start3A_117] : memref<10240x128xf32, #tpu.memory_space<vmem_shared>> -> memref<10240x128xf32, #tpu.memory_space<vmem_shared>>
        tpu.enqueue_indirect_dma source(%arg9 : memref<128x128xf32, #tpu.memory_space<vmem>>) target(%dma_start3A_118 : memref<10240x128xf32, #tpu.memory_space<vmem_shared>>) offsets(%dma_start3A_115 : memref<128xi32, #tpu.memory_space<vmem>>) semaphore(%run_scoped3A : memref<!tpu.dma_semaphore, #tpu.memory_space<semaphore_mem>>) {add = true}
        %dma_wait3A_119 = arith.constant 0 : i32
        %dma_wait3A_120 = tpu.memref_slice %arg8[%mul3A_85, %dma_wait3A_119] : memref<16x128xi32, #tpu.memory_space<vmem>> -> memref<1x128xi32, #tpu.memory_space<vmem>>
        %dma_wait3A_121 = tpu.memref_squeeze %dma_wait3A_120 : memref<1x128xi32, #tpu.memory_space<vmem>> -> memref<128xi32, #tpu.memory_space<vmem>>
        %dma_wait3A_122 = arith.constant 0 : i32
        %dma_wait3A_123 = arith.constant 0 : i32
        %dma_wait3A_124 = tpu.memref_slice %arg11[%dma_wait3A_122, %dma_wait3A_123] : memref<10240x128xf32, #tpu.memory_space<vmem_shared>> -> memref<10240x128xf32, #tpu.memory_space<vmem_shared>>
        tpu.wait_indirect_dma semaphore(%run_scoped3A : memref<!tpu.dma_semaphore, #tpu.memory_space<semaphore_mem>>) src(%arg9 : memref<128x128xf32, #tpu.memory_space<vmem>>) dst(%dma_wait3A_124 : memref<10240x128xf32, #tpu.memory_space<vmem_shared>>)
        tpu.yield
      }) : () -> ()
      %add3A_91 = arith.constant 2 : i32
      %add3A_92 = arith.addi %add3A_83, %add3A_91 : i32
      %lt3A = arith.constant 80 : i32
      %lt3A_93 = arith.cmpi slt, %add3A_92, %lt3A : i32
      %convert_element_type3A = arith.extui %lt3A_93 : i1 to i32
      %cond3A = arith.constant 0 : i32
      %cond3A_94 = arith.cmpi ne, %convert_element_type3A, %cond3A : i32
      scf.if %cond3A_94 {
        %add3A_113 = arith.constant 2 : i32
        %add3A_114 = arith.addi %add3A_83, %add3A_113 : i32
        %dma_start3A_115 = arith.constant 0 : i32
        %dma_start3A_116 = tpu.memref_slice %arg6[%add3A_114, %dma_start3A_115] : memref<80x128xi32, #tpu.memory_space<vmem>> -> memref<1x128xi32, #tpu.memory_space<vmem>>
        %dma_start3A_117 = tpu.memref_squeeze %dma_start3A_116 : memref<1x128xi32, #tpu.memory_space<vmem>> -> memref<128xi32, #tpu.memory_space<vmem>>
        %dma_start3A_118 = arith.constant 0 : i32
        %dma_start3A_119 = arith.constant 0 : i32
        %dma_start3A_120 = tpu.memref_slice %arg4[%dma_start3A_118, %dma_start3A_119] : memref<10240x128xf32, #tpu.memory_space<hbm>> -> memref<10240x128xf32, #tpu.memory_space<hbm>>
        tpu.enqueue_indirect_dma source(%dma_start3A_120 : memref<10240x128xf32, #tpu.memory_space<hbm>>) target(%arg9 : memref<128x128xf32, #tpu.memory_space<vmem>>) offsets(%dma_start3A_117 : memref<128xi32, #tpu.memory_space<vmem>>) semaphore(%arg12 : memref<!tpu.dma_semaphore, #tpu.memory_space<semaphore_mem>>)
      } else {
      }
      %add3A_95 = arith.constant 1 : i32
      %add3A_96 = arith.addi %add3A_83, %add3A_95 : i32
      %dma_wait3A_97 = arith.constant 0 : i32
      %dma_wait3A_98 = tpu.memref_slice %arg6[%add3A_96, %dma_wait3A_97] : memref<80x128xi32, #tpu.memory_space<vmem>> -> memref<1x128xi32, #tpu.memory_space<vmem>>
      %dma_wait3A_99 = tpu.memref_squeeze %dma_wait3A_98 : memref<1x128xi32, #tpu.memory_space<vmem>> -> memref<128xi32, #tpu.memory_space<vmem>>
      %dma_wait3A_100 = arith.constant 0 : i32
      %dma_wait3A_101 = arith.constant 0 : i32
      %dma_wait3A_102 = tpu.memref_slice %arg4[%dma_wait3A_100, %dma_wait3A_101] : memref<10240x128xf32, #tpu.memory_space<hbm>> -> memref<10240x128xf32, #tpu.memory_space<hbm>>
      tpu.wait_indirect_dma semaphore(%arg13 : memref<!tpu.dma_semaphore, #tpu.memory_space<semaphore_mem>>) src(%dma_wait3A_102 : memref<10240x128xf32, #tpu.memory_space<hbm>>) dst(%arg10 : memref<128x128xf32, #tpu.memory_space<vmem>>)
      %add3A_103 = arith.constant 1 : i32
      %add3A_104 = arith.addi %mul3A_85, %add3A_103 : i32
      "tpu.region"() ({
        %run_scoped3A = tpu.sem_alloc : memref<!tpu.dma_semaphore, #tpu.memory_space<semaphore_mem>>
        %dma_start3A_113 = arith.constant 0 : i32
        %dma_start3A_114 = tpu.memref_slice %arg8[%add3A_104, %dma_start3A_113] : memref<16x128xi32, #tpu.memory_space<vmem>> -> memref<1x128xi32, #tpu.memory_space<vmem>>
        %dma_start3A_115 = tpu.memref_squeeze %dma_start3A_114 : memref<1x128xi32, #tpu.memory_space<vmem>> -> memref<128xi32, #tpu.memory_space<vmem>>
        %dma_start3A_116 = arith.constant 0 : i32
        %dma_start3A_117 = arith.constant 0 : i32
        %dma_start3A_118 = tpu.memref_slice %arg11[%dma_start3A_116, %dma_start3A_117] : memref<10240x128xf32, #tpu.memory_space<vmem_shared>> -> memref<10240x128xf32, #tpu.memory_space<vmem_shared>>
        tpu.enqueue_indirect_dma source(%arg10 : memref<128x128xf32, #tpu.memory_space<vmem>>) target(%dma_start3A_118 : memref<10240x128xf32, #tpu.memory_space<vmem_shared>>) offsets(%dma_start3A_115 : memref<128xi32, #tpu.memory_space<vmem>>) semaphore(%run_scoped3A : memref<!tpu.dma_semaphore, #tpu.memory_space<semaphore_mem>>) {add = true}
        %dma_wait3A_119 = arith.constant 0 : i32
        %dma_wait3A_120 = tpu.memref_slice %arg8[%add3A_104, %dma_wait3A_119] : memref<16x128xi32, #tpu.memory_space<vmem>> -> memref<1x128xi32, #tpu.memory_space<vmem>>
        %dma_wait3A_121 = tpu.memref_squeeze %dma_wait3A_120 : memref<1x128xi32, #tpu.memory_space<vmem>> -> memref<128xi32, #tpu.memory_space<vmem>>
        %dma_wait3A_122 = arith.constant 0 : i32
        %dma_wait3A_123 = arith.constant 0 : i32
        %dma_wait3A_124 = tpu.memref_slice %arg11[%dma_wait3A_122, %dma_wait3A_123] : memref<10240x128xf32, #tpu.memory_space<vmem_shared>> -> memref<10240x128xf32, #tpu.memory_space<vmem_shared>>
        tpu.wait_indirect_dma semaphore(%run_scoped3A : memref<!tpu.dma_semaphore, #tpu.memory_space<semaphore_mem>>) src(%arg10 : memref<128x128xf32, #tpu.memory_space<vmem>>) dst(%dma_wait3A_124 : memref<10240x128xf32, #tpu.memory_space<vmem_shared>>)
        tpu.yield
      }) : () -> ()
      %add3A_105 = arith.constant 3 : i32
      %add3A_106 = arith.addi %add3A_83, %add3A_105 : i32
      %lt3A_107 = arith.constant 80 : i32
      %lt3A_108 = arith.cmpi slt, %add3A_106, %lt3A_107 : i32
      %convert_element_type3A_109 = arith.extui %lt3A_108 : i1 to i32
      %cond3A_110 = arith.constant 0 : i32
      %cond3A_111 = arith.cmpi ne, %convert_element_type3A_109, %cond3A_110 : i32
      scf.if %cond3A_111 {
        %add3A_113 = arith.constant 3 : i32
        %add3A_114 = arith.addi %add3A_83, %add3A_113 : i32
        %dma_start3A_115 = arith.constant 0 : i32
        %dma_start3A_116 = tpu.memref_slice %arg6[%add3A_114, %dma_start3A_115] : memref<80x128xi32, #tpu.memory_space<vmem>> -> memref<1x128xi32, #tpu.memory_space<vmem>>
        %dma_start3A_117 = tpu.memref_squeeze %dma_start3A_116 : memref<1x128xi32, #tpu.memory_space<vmem>> -> memref<128xi32, #tpu.memory_space<vmem>>
        %dma_start3A_118 = arith.constant 0 : i32
        %dma_start3A_119 = arith.constant 0 : i32
        %dma_start3A_120 = tpu.memref_slice %arg4[%dma_start3A_118, %dma_start3A_119] : memref<10240x128xf32, #tpu.memory_space<hbm>> -> memref<10240x128xf32, #tpu.memory_space<hbm>>
        tpu.enqueue_indirect_dma source(%dma_start3A_120 : memref<10240x128xf32, #tpu.memory_space<hbm>>) target(%arg10 : memref<128x128xf32, #tpu.memory_space<vmem>>) offsets(%dma_start3A_117 : memref<128xi32, #tpu.memory_space<vmem>>) semaphore(%arg13 : memref<!tpu.dma_semaphore, #tpu.memory_space<semaphore_mem>>)
      } else {
      }
      %scan3A_112 = arith.constant 0 : i32
      scf.yield %scan3A_112 : i32
    }
    %scan3A_51 = arith.constant 8 : i32
    "tpu.region"() ({
      %run_scoped3A = tpu.sem_alloc : memref<!tpu.dma_semaphore, #tpu.memory_space<semaphore_mem>>
      %dma_start3A_78 = arith.constant 0 : i32
      %dma_start3A_79 = arith.constant 0 : i32
      %dma_start3A_80 = tpu.memref_slice %arg3[%arg0, %arg1, %dma_start3A_78, %dma_start3A_79] : memref<2x16x80x128xi32, #tpu.memory_space<hbm>> -> memref<1x1x80x128xi32, #tpu.memory_space<hbm>>
      %dma_start3A_81 = tpu.memref_squeeze %dma_start3A_80 : memref<1x1x80x128xi32, #tpu.memory_space<hbm>> -> memref<80x128xi32, #tpu.memory_space<hbm>>
      %dma_start3A_82 = arith.constant 32 : i32
      %dma_start3A_83 = arith.constant 0 : i32
      %dma_start3A_84 = tpu.memref_slice %dma_start3A_81[%dma_start3A_82, %dma_start3A_83] : memref<80x128xi32, #tpu.memory_space<hbm>> -> memref<16x128xi32, #tpu.memory_space<hbm>>
      %dma_start3A_85 = arith.constant 0 : i32
      %dma_start3A_86 = arith.constant 0 : i32
      %dma_start3A_87 = tpu.memref_slice %arg3[%arg0, %arg1, %dma_start3A_85, %dma_start3A_86] : memref<2x16x80x128xi32, #tpu.memory_space<hbm>> -> memref<1x1x80x128xi32, #tpu.memory_space<hbm>>
      %dma_start3A_88 = tpu.memref_squeeze %dma_start3A_87 : memref<1x1x80x128xi32, #tpu.memory_space<hbm>> -> memref<80x128xi32, #tpu.memory_space<hbm>>
      %dma_start3A_89 = arith.constant 32 : i32
      %dma_start3A_90 = arith.constant 0 : i32
      %dma_start3A_91 = tpu.memref_slice %dma_start3A_88[%dma_start3A_89, %dma_start3A_90] : memref<80x128xi32, #tpu.memory_space<hbm>> -> memref<16x128xi32, #tpu.memory_space<hbm>>
      tpu.enqueue_dma source(%dma_start3A_91 : memref<16x128xi32, #tpu.memory_space<hbm>>) target(%arg7 : memref<16x128xi32, #tpu.memory_space<vmem>>) target_semaphore(%run_scoped3A : memref<!tpu.dma_semaphore, #tpu.memory_space<semaphore_mem>>)
      %dma_wait3A = arith.constant 0 : i32
      %dma_wait3A_92 = arith.constant 0 : i32
      %dma_wait3A_93 = tpu.memref_slice %arg3[%arg0, %arg1, %dma_wait3A, %dma_wait3A_92] : memref<2x16x80x128xi32, #tpu.memory_space<hbm>> -> memref<1x1x80x128xi32, #tpu.memory_space<hbm>>
      %dma_wait3A_94 = tpu.memref_squeeze %dma_wait3A_93 : memref<1x1x80x128xi32, #tpu.memory_space<hbm>> -> memref<80x128xi32, #tpu.memory_space<hbm>>
      %dma_wait3A_95 = arith.constant 32 : i32
      %dma_wait3A_96 = arith.constant 0 : i32
      %dma_wait3A_97 = tpu.memref_slice %dma_wait3A_94[%dma_wait3A_95, %dma_wait3A_96] : memref<80x128xi32, #tpu.memory_space<hbm>> -> memref<16x128xi32, #tpu.memory_space<hbm>>
      %dma_wait3A_98 = arith.constant 0 : i32
      %dma_wait3A_99 = arith.constant 0 : i32
      %dma_wait3A_100 = tpu.memref_slice %arg3[%arg0, %arg1, %dma_wait3A_98, %dma_wait3A_99] : memref<2x16x80x128xi32, #tpu.memory_space<hbm>> -> memref<1x1x80x128xi32, #tpu.memory_space<hbm>>
      %dma_wait3A_101 = tpu.memref_squeeze %dma_wait3A_100 : memref<1x1x80x128xi32, #tpu.memory_space<hbm>> -> memref<80x128xi32, #tpu.memory_space<hbm>>
      %dma_wait3A_102 = arith.constant 32 : i32
      %dma_wait3A_103 = arith.constant 0 : i32
      %dma_wait3A_104 = tpu.memref_slice %dma_wait3A_101[%dma_wait3A_102, %dma_wait3A_103] : memref<80x128xi32, #tpu.memory_space<hbm>> -> memref<16x128xi32, #tpu.memory_space<hbm>>
      tpu.wait_dma2 semaphore(%run_scoped3A : memref<!tpu.dma_semaphore, #tpu.memory_space<semaphore_mem>>) src(%dma_wait3A_104 : memref<16x128xi32, #tpu.memory_space<hbm>>) dst(%arg7 : memref<16x128xi32, #tpu.memory_space<vmem>>)
      tpu.yield
    }) : () -> ()
    %scan3A_52 = arith.constant 0 : i32
    %scan3A_53 = arith.constant 0 : i32
    %scan3A_54 = arith.constant 8 : i32
    %scan3A_55 = arith.addi %scan3A_53, %scan3A_54 : i32
    %scan3A_56 = arith.constant 1 : i32
    %scan3A_57 = scf.for %scan3A_78 = %scan3A_53 to %scan3A_55 step %scan3A_56 iter_args(%scan3A_79 = %scan3A_52) -> (i32)  : i32 {
      %mul3A_80 = arith.constant 2 : i32
      %mul3A_81 = arith.muli %mul3A_80, %scan3A_78 : i32
      %add3A_82 = arith.constant 32 : i32
      %add3A_83 = arith.addi %add3A_82, %mul3A_81 : i32
      %mul3A_84 = arith.constant 2 : i32
      %mul3A_85 = arith.muli %mul3A_84, %scan3A_78 : i32
      %dma_wait3A = arith.constant 0 : i32
      %dma_wait3A_86 = tpu.memref_slice %arg6[%add3A_83, %dma_wait3A] : memref<80x128xi32, #tpu.memory_space<vmem>> -> memref<1x128xi32, #tpu.memory_space<vmem>>
      %dma_wait3A_87 = tpu.memref_squeeze %dma_wait3A_86 : memref<1x128xi32, #tpu.memory_space<vmem>> -> memref<128xi32, #tpu.memory_space<vmem>>
      %dma_wait3A_88 = arith.constant 0 : i32
      %dma_wait3A_89 = arith.constant 0 : i32
      %dma_wait3A_90 = tpu.memref_slice %arg4[%dma_wait3A_88, %dma_wait3A_89] : memref<10240x128xf32, #tpu.memory_space<hbm>> -> memref<10240x128xf32, #tpu.memory_space<hbm>>
      tpu.wait_indirect_dma semaphore(%arg12 : memref<!tpu.dma_semaphore, #tpu.memory_space<semaphore_mem>>) src(%dma_wait3A_90 : memref<10240x128xf32, #tpu.memory_space<hbm>>) dst(%arg9 : memref<128x128xf32, #tpu.memory_space<vmem>>)
      "tpu.region"() ({
        %run_scoped3A = tpu.sem_alloc : memref<!tpu.dma_semaphore, #tpu.memory_space<semaphore_mem>>
        %dma_start3A_113 = arith.constant 0 : i32
        %dma_start3A_114 = tpu.memref_slice %arg7[%mul3A_85, %dma_start3A_113] : memref<16x128xi32, #tpu.memory_space<vmem>> -> memref<1x128xi32, #tpu.memory_space<vmem>>
        %dma_start3A_115 = tpu.memref_squeeze %dma_start3A_114 : memref<1x128xi32, #tpu.memory_space<vmem>> -> memref<128xi32, #tpu.memory_space<vmem>>
        %dma_start3A_116 = arith.constant 0 : i32
        %dma_start3A_117 = arith.constant 0 : i32
        %dma_start3A_118 = tpu.memref_slice %arg11[%dma_start3A_116, %dma_start3A_117] : memref<10240x128xf32, #tpu.memory_space<vmem_shared>> -> memref<10240x128xf32, #tpu.memory_space<vmem_shared>>
        tpu.enqueue_indirect_dma source(%arg9 : memref<128x128xf32, #tpu.memory_space<vmem>>) target(%dma_start3A_118 : memref<10240x128xf32, #tpu.memory_space<vmem_shared>>) offsets(%dma_start3A_115 : memref<128xi32, #tpu.memory_space<vmem>>) semaphore(%run_scoped3A : memref<!tpu.dma_semaphore, #tpu.memory_space<semaphore_mem>>) {add = true}
        %dma_wait3A_119 = arith.constant 0 : i32
        %dma_wait3A_120 = tpu.memref_slice %arg7[%mul3A_85, %dma_wait3A_119] : memref<16x128xi32, #tpu.memory_space<vmem>> -> memref<1x128xi32, #tpu.memory_space<vmem>>
        %dma_wait3A_121 = tpu.memref_squeeze %dma_wait3A_120 : memref<1x128xi32, #tpu.memory_space<vmem>> -> memref<128xi32, #tpu.memory_space<vmem>>
        %dma_wait3A_122 = arith.constant 0 : i32
        %dma_wait3A_123 = arith.constant 0 : i32
        %dma_wait3A_124 = tpu.memref_slice %arg11[%dma_wait3A_122, %dma_wait3A_123] : memref<10240x128xf32, #tpu.memory_space<vmem_shared>> -> memref<10240x128xf32, #tpu.memory_space<vmem_shared>>
        tpu.wait_indirect_dma semaphore(%run_scoped3A : memref<!tpu.dma_semaphore, #tpu.memory_space<semaphore_mem>>) src(%arg9 : memref<128x128xf32, #tpu.memory_space<vmem>>) dst(%dma_wait3A_124 : memref<10240x128xf32, #tpu.memory_space<vmem_shared>>)
        tpu.yield
      }) : () -> ()
      %add3A_91 = arith.constant 2 : i32
      %add3A_92 = arith.addi %add3A_83, %add3A_91 : i32
      %lt3A = arith.constant 80 : i32
      %lt3A_93 = arith.cmpi slt, %add3A_92, %lt3A : i32
      %convert_element_type3A = arith.extui %lt3A_93 : i1 to i32
      %cond3A = arith.constant 0 : i32
      %cond3A_94 = arith.cmpi ne, %convert_element_type3A, %cond3A : i32
      scf.if %cond3A_94 {
        %add3A_113 = arith.constant 2 : i32
        %add3A_114 = arith.addi %add3A_83, %add3A_113 : i32
        %dma_start3A_115 = arith.constant 0 : i32
        %dma_start3A_116 = tpu.memref_slice %arg6[%add3A_114, %dma_start3A_115] : memref<80x128xi32, #tpu.memory_space<vmem>> -> memref<1x128xi32, #tpu.memory_space<vmem>>
        %dma_start3A_117 = tpu.memref_squeeze %dma_start3A_116 : memref<1x128xi32, #tpu.memory_space<vmem>> -> memref<128xi32, #tpu.memory_space<vmem>>
        %dma_start3A_118 = arith.constant 0 : i32
        %dma_start3A_119 = arith.constant 0 : i32
        %dma_start3A_120 = tpu.memref_slice %arg4[%dma_start3A_118, %dma_start3A_119] : memref<10240x128xf32, #tpu.memory_space<hbm>> -> memref<10240x128xf32, #tpu.memory_space<hbm>>
        tpu.enqueue_indirect_dma source(%dma_start3A_120 : memref<10240x128xf32, #tpu.memory_space<hbm>>) target(%arg9 : memref<128x128xf32, #tpu.memory_space<vmem>>) offsets(%dma_start3A_117 : memref<128xi32, #tpu.memory_space<vmem>>) semaphore(%arg12 : memref<!tpu.dma_semaphore, #tpu.memory_space<semaphore_mem>>)
      } else {
      }
      %add3A_95 = arith.constant 1 : i32
      %add3A_96 = arith.addi %add3A_83, %add3A_95 : i32
      %dma_wait3A_97 = arith.constant 0 : i32
      %dma_wait3A_98 = tpu.memref_slice %arg6[%add3A_96, %dma_wait3A_97] : memref<80x128xi32, #tpu.memory_space<vmem>> -> memref<1x128xi32, #tpu.memory_space<vmem>>
      %dma_wait3A_99 = tpu.memref_squeeze %dma_wait3A_98 : memref<1x128xi32, #tpu.memory_space<vmem>> -> memref<128xi32, #tpu.memory_space<vmem>>
      %dma_wait3A_100 = arith.constant 0 : i32
      %dma_wait3A_101 = arith.constant 0 : i32
      %dma_wait3A_102 = tpu.memref_slice %arg4[%dma_wait3A_100, %dma_wait3A_101] : memref<10240x128xf32, #tpu.memory_space<hbm>> -> memref<10240x128xf32, #tpu.memory_space<hbm>>
      tpu.wait_indirect_dma semaphore(%arg13 : memref<!tpu.dma_semaphore, #tpu.memory_space<semaphore_mem>>) src(%dma_wait3A_102 : memref<10240x128xf32, #tpu.memory_space<hbm>>) dst(%arg10 : memref<128x128xf32, #tpu.memory_space<vmem>>)
      %add3A_103 = arith.constant 1 : i32
      %add3A_104 = arith.addi %mul3A_85, %add3A_103 : i32
      "tpu.region"() ({
        %run_scoped3A = tpu.sem_alloc : memref<!tpu.dma_semaphore, #tpu.memory_space<semaphore_mem>>
        %dma_start3A_113 = arith.constant 0 : i32
        %dma_start3A_114 = tpu.memref_slice %arg7[%add3A_104, %dma_start3A_113] : memref<16x128xi32, #tpu.memory_space<vmem>> -> memref<1x128xi32, #tpu.memory_space<vmem>>
        %dma_start3A_115 = tpu.memref_squeeze %dma_start3A_114 : memref<1x128xi32, #tpu.memory_space<vmem>> -> memref<128xi32, #tpu.memory_space<vmem>>
        %dma_start3A_116 = arith.constant 0 : i32
        %dma_start3A_117 = arith.constant 0 : i32
        %dma_start3A_118 = tpu.memref_slice %arg11[%dma_start3A_116, %dma_start3A_117] : memref<10240x128xf32, #tpu.memory_space<vmem_shared>> -> memref<10240x128xf32, #tpu.memory_space<vmem_shared>>
        tpu.enqueue_indirect_dma source(%arg10 : memref<128x128xf32, #tpu.memory_space<vmem>>) target(%dma_start3A_118 : memref<10240x128xf32, #tpu.memory_space<vmem_shared>>) offsets(%dma_start3A_115 : memref<128xi32, #tpu.memory_space<vmem>>) semaphore(%run_scoped3A : memref<!tpu.dma_semaphore, #tpu.memory_space<semaphore_mem>>) {add = true}
        %dma_wait3A_119 = arith.constant 0 : i32
        %dma_wait3A_120 = tpu.memref_slice %arg7[%add3A_104, %dma_wait3A_119] : memref<16x128xi32, #tpu.memory_space<vmem>> -> memref<1x128xi32, #tpu.memory_space<vmem>>
        %dma_wait3A_121 = tpu.memref_squeeze %dma_wait3A_120 : memref<1x128xi32, #tpu.memory_space<vmem>> -> memref<128xi32, #tpu.memory_space<vmem>>
        %dma_wait3A_122 = arith.constant 0 : i32
        %dma_wait3A_123 = arith.constant 0 : i32
        %dma_wait3A_124 = tpu.memref_slice %arg11[%dma_wait3A_122, %dma_wait3A_123] : memref<10240x128xf32, #tpu.memory_space<vmem_shared>> -> memref<10240x128xf32, #tpu.memory_space<vmem_shared>>
        tpu.wait_indirect_dma semaphore(%run_scoped3A : memref<!tpu.dma_semaphore, #tpu.memory_space<semaphore_mem>>) src(%arg10 : memref<128x128xf32, #tpu.memory_space<vmem>>) dst(%dma_wait3A_124 : memref<10240x128xf32, #tpu.memory_space<vmem_shared>>)
        tpu.yield
      }) : () -> ()
      %add3A_105 = arith.constant 3 : i32
      %add3A_106 = arith.addi %add3A_83, %add3A_105 : i32
      %lt3A_107 = arith.constant 80 : i32
      %lt3A_108 = arith.cmpi slt, %add3A_106, %lt3A_107 : i32
      %convert_element_type3A_109 = arith.extui %lt3A_108 : i1 to i32
      %cond3A_110 = arith.constant 0 : i32
      %cond3A_111 = arith.cmpi ne, %convert_element_type3A_109, %cond3A_110 : i32
      scf.if %cond3A_111 {
        %add3A_113 = arith.constant 3 : i32
        %add3A_114 = arith.addi %add3A_83, %add3A_113 : i32
        %dma_start3A_115 = arith.constant 0 : i32
        %dma_start3A_116 = tpu.memref_slice %arg6[%add3A_114, %dma_start3A_115] : memref<80x128xi32, #tpu.memory_space<vmem>> -> memref<1x128xi32, #tpu.memory_space<vmem>>
        %dma_start3A_117 = tpu.memref_squeeze %dma_start3A_116 : memref<1x128xi32, #tpu.memory_space<vmem>> -> memref<128xi32, #tpu.memory_space<vmem>>
        %dma_start3A_118 = arith.constant 0 : i32
        %dma_start3A_119 = arith.constant 0 : i32
        %dma_start3A_120 = tpu.memref_slice %arg4[%dma_start3A_118, %dma_start3A_119] : memref<10240x128xf32, #tpu.memory_space<hbm>> -> memref<10240x128xf32, #tpu.memory_space<hbm>>
        tpu.enqueue_indirect_dma source(%dma_start3A_120 : memref<10240x128xf32, #tpu.memory_space<hbm>>) target(%arg10 : memref<128x128xf32, #tpu.memory_space<vmem>>) offsets(%dma_start3A_117 : memref<128xi32, #tpu.memory_space<vmem>>) semaphore(%arg13 : memref<!tpu.dma_semaphore, #tpu.memory_space<semaphore_mem>>)
      } else {
      }
      %scan3A_112 = arith.constant 0 : i32
      scf.yield %scan3A_112 : i32
    }
    %scan3A_58 = arith.constant 8 : i32
    "tpu.region"() ({
      %run_scoped3A = tpu.sem_alloc : memref<!tpu.dma_semaphore, #tpu.memory_space<semaphore_mem>>
      %dma_start3A_78 = arith.constant 0 : i32
      %dma_start3A_79 = arith.constant 0 : i32
      %dma_start3A_80 = tpu.memref_slice %arg3[%arg0, %arg1, %dma_start3A_78, %dma_start3A_79] : memref<2x16x80x128xi32, #tpu.memory_space<hbm>> -> memref<1x1x80x128xi32, #tpu.memory_space<hbm>>
      %dma_start3A_81 = tpu.memref_squeeze %dma_start3A_80 : memref<1x1x80x128xi32, #tpu.memory_space<hbm>> -> memref<80x128xi32, #tpu.memory_space<hbm>>
      %dma_start3A_82 = arith.constant 48 : i32
      %dma_start3A_83 = arith.constant 0 : i32
      %dma_start3A_84 = tpu.memref_slice %dma_start3A_81[%dma_start3A_82, %dma_start3A_83] : memref<80x128xi32, #tpu.memory_space<hbm>> -> memref<16x128xi32, #tpu.memory_space<hbm>>
      %dma_start3A_85 = arith.constant 0 : i32
      %dma_start3A_86 = arith.constant 0 : i32
      %dma_start3A_87 = tpu.memref_slice %arg3[%arg0, %arg1, %dma_start3A_85, %dma_start3A_86] : memref<2x16x80x128xi32, #tpu.memory_space<hbm>> -> memref<1x1x80x128xi32, #tpu.memory_space<hbm>>
      %dma_start3A_88 = tpu.memref_squeeze %dma_start3A_87 : memref<1x1x80x128xi32, #tpu.memory_space<hbm>> -> memref<80x128xi32, #tpu.memory_space<hbm>>
      %dma_start3A_89 = arith.constant 48 : i32
      %dma_start3A_90 = arith.constant 0 : i32
      %dma_start3A_91 = tpu.memref_slice %dma_start3A_88[%dma_start3A_89, %dma_start3A_90] : memref<80x128xi32, #tpu.memory_space<hbm>> -> memref<16x128xi32, #tpu.memory_space<hbm>>
      tpu.enqueue_dma source(%dma_start3A_91 : memref<16x128xi32, #tpu.memory_space<hbm>>) target(%arg8 : memref<16x128xi32, #tpu.memory_space<vmem>>) target_semaphore(%run_scoped3A : memref<!tpu.dma_semaphore, #tpu.memory_space<semaphore_mem>>)
      %dma_wait3A = arith.constant 0 : i32
      %dma_wait3A_92 = arith.constant 0 : i32
      %dma_wait3A_93 = tpu.memref_slice %arg3[%arg0, %arg1, %dma_wait3A, %dma_wait3A_92] : memref<2x16x80x128xi32, #tpu.memory_space<hbm>> -> memref<1x1x80x128xi32, #tpu.memory_space<hbm>>
      %dma_wait3A_94 = tpu.memref_squeeze %dma_wait3A_93 : memref<1x1x80x128xi32, #tpu.memory_space<hbm>> -> memref<80x128xi32, #tpu.memory_space<hbm>>
      %dma_wait3A_95 = arith.constant 48 : i32
      %dma_wait3A_96 = arith.constant 0 : i32
      %dma_wait3A_97 = tpu.memref_slice %dma_wait3A_94[%dma_wait3A_95, %dma_wait3A_96] : memref<80x128xi32, #tpu.memory_space<hbm>> -> memref<16x128xi32, #tpu.memory_space<hbm>>
      %dma_wait3A_98 = arith.constant 0 : i32
      %dma_wait3A_99 = arith.constant 0 : i32
      %dma_wait3A_100 = tpu.memref_slice %arg3[%arg0, %arg1, %dma_wait3A_98, %dma_wait3A_99] : memref<2x16x80x128xi32, #tpu.memory_space<hbm>> -> memref<1x1x80x128xi32, #tpu.memory_space<hbm>>
      %dma_wait3A_101 = tpu.memref_squeeze %dma_wait3A_100 : memref<1x1x80x128xi32, #tpu.memory_space<hbm>> -> memref<80x128xi32, #tpu.memory_space<hbm>>
      %dma_wait3A_102 = arith.constant 48 : i32
      %dma_wait3A_103 = arith.constant 0 : i32
      %dma_wait3A_104 = tpu.memref_slice %dma_wait3A_101[%dma_wait3A_102, %dma_wait3A_103] : memref<80x128xi32, #tpu.memory_space<hbm>> -> memref<16x128xi32, #tpu.memory_space<hbm>>
      tpu.wait_dma2 semaphore(%run_scoped3A : memref<!tpu.dma_semaphore, #tpu.memory_space<semaphore_mem>>) src(%dma_wait3A_104 : memref<16x128xi32, #tpu.memory_space<hbm>>) dst(%arg8 : memref<16x128xi32, #tpu.memory_space<vmem>>)
      tpu.yield
    }) : () -> ()
    %scan3A_59 = arith.constant 0 : i32
    %scan3A_60 = arith.constant 0 : i32
    %scan3A_61 = arith.constant 8 : i32
    %scan3A_62 = arith.addi %scan3A_60, %scan3A_61 : i32
    %scan3A_63 = arith.constant 1 : i32
    %scan3A_64 = scf.for %scan3A_78 = %scan3A_60 to %scan3A_62 step %scan3A_63 iter_args(%scan3A_79 = %scan3A_59) -> (i32)  : i32 {
      %mul3A_80 = arith.constant 2 : i32
      %mul3A_81 = arith.muli %mul3A_80, %scan3A_78 : i32
      %add3A_82 = arith.constant 48 : i32
      %add3A_83 = arith.addi %add3A_82, %mul3A_81 : i32
      %mul3A_84 = arith.constant 2 : i32
      %mul3A_85 = arith.muli %mul3A_84, %scan3A_78 : i32
      %dma_wait3A = arith.constant 0 : i32
      %dma_wait3A_86 = tpu.memref_slice %arg6[%add3A_83, %dma_wait3A] : memref<80x128xi32, #tpu.memory_space<vmem>> -> memref<1x128xi32, #tpu.memory_space<vmem>>
      %dma_wait3A_87 = tpu.memref_squeeze %dma_wait3A_86 : memref<1x128xi32, #tpu.memory_space<vmem>> -> memref<128xi32, #tpu.memory_space<vmem>>
      %dma_wait3A_88 = arith.constant 0 : i32
      %dma_wait3A_89 = arith.constant 0 : i32
      %dma_wait3A_90 = tpu.memref_slice %arg4[%dma_wait3A_88, %dma_wait3A_89] : memref<10240x128xf32, #tpu.memory_space<hbm>> -> memref<10240x128xf32, #tpu.memory_space<hbm>>
      tpu.wait_indirect_dma semaphore(%arg12 : memref<!tpu.dma_semaphore, #tpu.memory_space<semaphore_mem>>) src(%dma_wait3A_90 : memref<10240x128xf32, #tpu.memory_space<hbm>>) dst(%arg9 : memref<128x128xf32, #tpu.memory_space<vmem>>)
      "tpu.region"() ({
        %run_scoped3A = tpu.sem_alloc : memref<!tpu.dma_semaphore, #tpu.memory_space<semaphore_mem>>
        %dma_start3A_113 = arith.constant 0 : i32
        %dma_start3A_114 = tpu.memref_slice %arg8[%mul3A_85, %dma_start3A_113] : memref<16x128xi32, #tpu.memory_space<vmem>> -> memref<1x128xi32, #tpu.memory_space<vmem>>
        %dma_start3A_115 = tpu.memref_squeeze %dma_start3A_114 : memref<1x128xi32, #tpu.memory_space<vmem>> -> memref<128xi32, #tpu.memory_space<vmem>>
        %dma_start3A_116 = arith.constant 0 : i32
        %dma_start3A_117 = arith.constant 0 : i32
        %dma_start3A_118 = tpu.memref_slice %arg11[%dma_start3A_116, %dma_start3A_117] : memref<10240x128xf32, #tpu.memory_space<vmem_shared>> -> memref<10240x128xf32, #tpu.memory_space<vmem_shared>>
        tpu.enqueue_indirect_dma source(%arg9 : memref<128x128xf32, #tpu.memory_space<vmem>>) target(%dma_start3A_118 : memref<10240x128xf32, #tpu.memory_space<vmem_shared>>) offsets(%dma_start3A_115 : memref<128xi32, #tpu.memory_space<vmem>>) semaphore(%run_scoped3A : memref<!tpu.dma_semaphore, #tpu.memory_space<semaphore_mem>>) {add = true}
        %dma_wait3A_119 = arith.constant 0 : i32
        %dma_wait3A_120 = tpu.memref_slice %arg8[%mul3A_85, %dma_wait3A_119] : memref<16x128xi32, #tpu.memory_space<vmem>> -> memref<1x128xi32, #tpu.memory_space<vmem>>
        %dma_wait3A_121 = tpu.memref_squeeze %dma_wait3A_120 : memref<1x128xi32, #tpu.memory_space<vmem>> -> memref<128xi32, #tpu.memory_space<vmem>>
        %dma_wait3A_122 = arith.constant 0 : i32
        %dma_wait3A_123 = arith.constant 0 : i32
        %dma_wait3A_124 = tpu.memref_slice %arg11[%dma_wait3A_122, %dma_wait3A_123] : memref<10240x128xf32, #tpu.memory_space<vmem_shared>> -> memref<10240x128xf32, #tpu.memory_space<vmem_shared>>
        tpu.wait_indirect_dma semaphore(%run_scoped3A : memref<!tpu.dma_semaphore, #tpu.memory_space<semaphore_mem>>) src(%arg9 : memref<128x128xf32, #tpu.memory_space<vmem>>) dst(%dma_wait3A_124 : memref<10240x128xf32, #tpu.memory_space<vmem_shared>>)
        tpu.yield
      }) : () -> ()
      %add3A_91 = arith.constant 2 : i32
      %add3A_92 = arith.addi %add3A_83, %add3A_91 : i32
      %lt3A = arith.constant 80 : i32
      %lt3A_93 = arith.cmpi slt, %add3A_92, %lt3A : i32
      %convert_element_type3A = arith.extui %lt3A_93 : i1 to i32
      %cond3A = arith.constant 0 : i32
      %cond3A_94 = arith.cmpi ne, %convert_element_type3A, %cond3A : i32
      scf.if %cond3A_94 {
        %add3A_113 = arith.constant 2 : i32
        %add3A_114 = arith.addi %add3A_83, %add3A_113 : i32
        %dma_start3A_115 = arith.constant 0 : i32
        %dma_start3A_116 = tpu.memref_slice %arg6[%add3A_114, %dma_start3A_115] : memref<80x128xi32, #tpu.memory_space<vmem>> -> memref<1x128xi32, #tpu.memory_space<vmem>>
        %dma_start3A_117 = tpu.memref_squeeze %dma_start3A_116 : memref<1x128xi32, #tpu.memory_space<vmem>> -> memref<128xi32, #tpu.memory_space<vmem>>
        %dma_start3A_118 = arith.constant 0 : i32
        %dma_start3A_119 = arith.constant 0 : i32
        %dma_start3A_120 = tpu.memref_slice %arg4[%dma_start3A_118, %dma_start3A_119] : memref<10240x128xf32, #tpu.memory_space<hbm>> -> memref<10240x128xf32, #tpu.memory_space<hbm>>
        tpu.enqueue_indirect_dma source(%dma_start3A_120 : memref<10240x128xf32, #tpu.memory_space<hbm>>) target(%arg9 : memref<128x128xf32, #tpu.memory_space<vmem>>) offsets(%dma_start3A_117 : memref<128xi32, #tpu.memory_space<vmem>>) semaphore(%arg12 : memref<!tpu.dma_semaphore, #tpu.memory_space<semaphore_mem>>)
      } else {
      }
      %add3A_95 = arith.constant 1 : i32
      %add3A_96 = arith.addi %add3A_83, %add3A_95 : i32
      %dma_wait3A_97 = arith.constant 0 : i32
      %dma_wait3A_98 = tpu.memref_slice %arg6[%add3A_96, %dma_wait3A_97] : memref<80x128xi32, #tpu.memory_space<vmem>> -> memref<1x128xi32, #tpu.memory_space<vmem>>
      %dma_wait3A_99 = tpu.memref_squeeze %dma_wait3A_98 : memref<1x128xi32, #tpu.memory_space<vmem>> -> memref<128xi32, #tpu.memory_space<vmem>>
      %dma_wait3A_100 = arith.constant 0 : i32
      %dma_wait3A_101 = arith.constant 0 : i32
      %dma_wait3A_102 = tpu.memref_slice %arg4[%dma_wait3A_100, %dma_wait3A_101] : memref<10240x128xf32, #tpu.memory_space<hbm>> -> memref<10240x128xf32, #tpu.memory_space<hbm>>
      tpu.wait_indirect_dma semaphore(%arg13 : memref<!tpu.dma_semaphore, #tpu.memory_space<semaphore_mem>>) src(%dma_wait3A_102 : memref<10240x128xf32, #tpu.memory_space<hbm>>) dst(%arg10 : memref<128x128xf32, #tpu.memory_space<vmem>>)
      %add3A_103 = arith.constant 1 : i32
      %add3A_104 = arith.addi %mul3A_85, %add3A_103 : i32
      "tpu.region"() ({
        %run_scoped3A = tpu.sem_alloc : memref<!tpu.dma_semaphore, #tpu.memory_space<semaphore_mem>>
        %dma_start3A_113 = arith.constant 0 : i32
        %dma_start3A_114 = tpu.memref_slice %arg8[%add3A_104, %dma_start3A_113] : memref<16x128xi32, #tpu.memory_space<vmem>> -> memref<1x128xi32, #tpu.memory_space<vmem>>
        %dma_start3A_115 = tpu.memref_squeeze %dma_start3A_114 : memref<1x128xi32, #tpu.memory_space<vmem>> -> memref<128xi32, #tpu.memory_space<vmem>>
        %dma_start3A_116 = arith.constant 0 : i32
        %dma_start3A_117 = arith.constant 0 : i32
        %dma_start3A_118 = tpu.memref_slice %arg11[%dma_start3A_116, %dma_start3A_117] : memref<10240x128xf32, #tpu.memory_space<vmem_shared>> -> memref<10240x128xf32, #tpu.memory_space<vmem_shared>>
        tpu.enqueue_indirect_dma source(%arg10 : memref<128x128xf32, #tpu.memory_space<vmem>>) target(%dma_start3A_118 : memref<10240x128xf32, #tpu.memory_space<vmem_shared>>) offsets(%dma_start3A_115 : memref<128xi32, #tpu.memory_space<vmem>>) semaphore(%run_scoped3A : memref<!tpu.dma_semaphore, #tpu.memory_space<semaphore_mem>>) {add = true}
        %dma_wait3A_119 = arith.constant 0 : i32
        %dma_wait3A_120 = tpu.memref_slice %arg8[%add3A_104, %dma_wait3A_119] : memref<16x128xi32, #tpu.memory_space<vmem>> -> memref<1x128xi32, #tpu.memory_space<vmem>>
        %dma_wait3A_121 = tpu.memref_squeeze %dma_wait3A_120 : memref<1x128xi32, #tpu.memory_space<vmem>> -> memref<128xi32, #tpu.memory_space<vmem>>
        %dma_wait3A_122 = arith.constant 0 : i32
        %dma_wait3A_123 = arith.constant 0 : i32
        %dma_wait3A_124 = tpu.memref_slice %arg11[%dma_wait3A_122, %dma_wait3A_123] : memref<10240x128xf32, #tpu.memory_space<vmem_shared>> -> memref<10240x128xf32, #tpu.memory_space<vmem_shared>>
        tpu.wait_indirect_dma semaphore(%run_scoped3A : memref<!tpu.dma_semaphore, #tpu.memory_space<semaphore_mem>>) src(%arg10 : memref<128x128xf32, #tpu.memory_space<vmem>>) dst(%dma_wait3A_124 : memref<10240x128xf32, #tpu.memory_space<vmem_shared>>)
        tpu.yield
      }) : () -> ()
      %add3A_105 = arith.constant 3 : i32
      %add3A_106 = arith.addi %add3A_83, %add3A_105 : i32
      %lt3A_107 = arith.constant 80 : i32
      %lt3A_108 = arith.cmpi slt, %add3A_106, %lt3A_107 : i32
      %convert_element_type3A_109 = arith.extui %lt3A_108 : i1 to i32
      %cond3A_110 = arith.constant 0 : i32
      %cond3A_111 = arith.cmpi ne, %convert_element_type3A_109, %cond3A_110 : i32
      scf.if %cond3A_111 {
        %add3A_113 = arith.constant 3 : i32
        %add3A_114 = arith.addi %add3A_83, %add3A_113 : i32
        %dma_start3A_115 = arith.constant 0 : i32
        %dma_start3A_116 = tpu.memref_slice %arg6[%add3A_114, %dma_start3A_115] : memref<80x128xi32, #tpu.memory_space<vmem>> -> memref<1x128xi32, #tpu.memory_space<vmem>>
        %dma_start3A_117 = tpu.memref_squeeze %dma_start3A_116 : memref<1x128xi32, #tpu.memory_space<vmem>> -> memref<128xi32, #tpu.memory_space<vmem>>
        %dma_start3A_118 = arith.constant 0 : i32
        %dma_start3A_119 = arith.constant 0 : i32
        %dma_start3A_120 = tpu.memref_slice %arg4[%dma_start3A_118, %dma_start3A_119] : memref<10240x128xf32, #tpu.memory_space<hbm>> -> memref<10240x128xf32, #tpu.memory_space<hbm>>
        tpu.enqueue_indirect_dma source(%dma_start3A_120 : memref<10240x128xf32, #tpu.memory_space<hbm>>) target(%arg10 : memref<128x128xf32, #tpu.memory_space<vmem>>) offsets(%dma_start3A_117 : memref<128xi32, #tpu.memory_space<vmem>>) semaphore(%arg13 : memref<!tpu.dma_semaphore, #tpu.memory_space<semaphore_mem>>)
      } else {
      }
      %scan3A_112 = arith.constant 0 : i32
      scf.yield %scan3A_112 : i32
    }
    %scan3A_65 = arith.constant 8 : i32
    "tpu.region"() ({
      %run_scoped3A = tpu.sem_alloc : memref<!tpu.dma_semaphore, #tpu.memory_space<semaphore_mem>>
      %dma_start3A_78 = arith.constant 0 : i32
      %dma_start3A_79 = arith.constant 0 : i32
      %dma_start3A_80 = tpu.memref_slice %arg3[%arg0, %arg1, %dma_start3A_78, %dma_start3A_79] : memref<2x16x80x128xi32, #tpu.memory_space<hbm>> -> memref<1x1x80x128xi32, #tpu.memory_space<hbm>>
      %dma_start3A_81 = tpu.memref_squeeze %dma_start3A_80 : memref<1x1x80x128xi32, #tpu.memory_space<hbm>> -> memref<80x128xi32, #tpu.memory_space<hbm>>
      %dma_start3A_82 = arith.constant 64 : i32
      %dma_start3A_83 = arith.constant 0 : i32
      %dma_start3A_84 = tpu.memref_slice %dma_start3A_81[%dma_start3A_82, %dma_start3A_83] : memref<80x128xi32, #tpu.memory_space<hbm>> -> memref<16x128xi32, #tpu.memory_space<hbm>>
      %dma_start3A_85 = arith.constant 0 : i32
      %dma_start3A_86 = arith.constant 0 : i32
      %dma_start3A_87 = tpu.memref_slice %arg3[%arg0, %arg1, %dma_start3A_85, %dma_start3A_86] : memref<2x16x80x128xi32, #tpu.memory_space<hbm>> -> memref<1x1x80x128xi32, #tpu.memory_space<hbm>>
      %dma_start3A_88 = tpu.memref_squeeze %dma_start3A_87 : memref<1x1x80x128xi32, #tpu.memory_space<hbm>> -> memref<80x128xi32, #tpu.memory_space<hbm>>
      %dma_start3A_89 = arith.constant 64 : i32
      %dma_start3A_90 = arith.constant 0 : i32
      %dma_start3A_91 = tpu.memref_slice %dma_start3A_88[%dma_start3A_89, %dma_start3A_90] : memref<80x128xi32, #tpu.memory_space<hbm>> -> memref<16x128xi32, #tpu.memory_space<hbm>>
      tpu.enqueue_dma source(%dma_start3A_91 : memref<16x128xi32, #tpu.memory_space<hbm>>) target(%arg7 : memref<16x128xi32, #tpu.memory_space<vmem>>) target_semaphore(%run_scoped3A : memref<!tpu.dma_semaphore, #tpu.memory_space<semaphore_mem>>)
      %dma_wait3A = arith.constant 0 : i32
      %dma_wait3A_92 = arith.constant 0 : i32
      %dma_wait3A_93 = tpu.memref_slice %arg3[%arg0, %arg1, %dma_wait3A, %dma_wait3A_92] : memref<2x16x80x128xi32, #tpu.memory_space<hbm>> -> memref<1x1x80x128xi32, #tpu.memory_space<hbm>>
      %dma_wait3A_94 = tpu.memref_squeeze %dma_wait3A_93 : memref<1x1x80x128xi32, #tpu.memory_space<hbm>> -> memref<80x128xi32, #tpu.memory_space<hbm>>
      %dma_wait3A_95 = arith.constant 64 : i32
      %dma_wait3A_96 = arith.constant 0 : i32
      %dma_wait3A_97 = tpu.memref_slice %dma_wait3A_94[%dma_wait3A_95, %dma_wait3A_96] : memref<80x128xi32, #tpu.memory_space<hbm>> -> memref<16x128xi32, #tpu.memory_space<hbm>>
      %dma_wait3A_98 = arith.constant 0 : i32
      %dma_wait3A_99 = arith.constant 0 : i32
      %dma_wait3A_100 = tpu.memref_slice %arg3[%arg0, %arg1, %dma_wait3A_98, %dma_wait3A_99] : memref<2x16x80x128xi32, #tpu.memory_space<hbm>> -> memref<1x1x80x128xi32, #tpu.memory_space<hbm>>
      %dma_wait3A_101 = tpu.memref_squeeze %dma_wait3A_100 : memref<1x1x80x128xi32, #tpu.memory_space<hbm>> -> memref<80x128xi32, #tpu.memory_space<hbm>>
      %dma_wait3A_102 = arith.constant 64 : i32
      %dma_wait3A_103 = arith.constant 0 : i32
      %dma_wait3A_104 = tpu.memref_slice %dma_wait3A_101[%dma_wait3A_102, %dma_wait3A_103] : memref<80x128xi32, #tpu.memory_space<hbm>> -> memref<16x128xi32, #tpu.memory_space<hbm>>
      tpu.wait_dma2 semaphore(%run_scoped3A : memref<!tpu.dma_semaphore, #tpu.memory_space<semaphore_mem>>) src(%dma_wait3A_104 : memref<16x128xi32, #tpu.memory_space<hbm>>) dst(%arg7 : memref<16x128xi32, #tpu.memory_space<vmem>>)
      tpu.yield
    }) : () -> ()
    %scan3A_66 = arith.constant 0 : i32
    %scan3A_67 = arith.constant 0 : i32
    %scan3A_68 = arith.constant 8 : i32
    %scan3A_69 = arith.addi %scan3A_67, %scan3A_68 : i32
    %scan3A_70 = arith.constant 1 : i32
    %scan3A_71 = scf.for %scan3A_78 = %scan3A_67 to %scan3A_69 step %scan3A_70 iter_args(%scan3A_79 = %scan3A_66) -> (i32)  : i32 {
      %mul3A_80 = arith.constant 2 : i32
      %mul3A_81 = arith.muli %mul3A_80, %scan3A_78 : i32
      %add3A_82 = arith.constant 64 : i32
      %add3A_83 = arith.addi %add3A_82, %mul3A_81 : i32
      %mul3A_84 = arith.constant 2 : i32
      %mul3A_85 = arith.muli %mul3A_84, %scan3A_78 : i32
      %dma_wait3A = arith.constant 0 : i32
      %dma_wait3A_86 = tpu.memref_slice %arg6[%add3A_83, %dma_wait3A] : memref<80x128xi32, #tpu.memory_space<vmem>> -> memref<1x128xi32, #tpu.memory_space<vmem>>
      %dma_wait3A_87 = tpu.memref_squeeze %dma_wait3A_86 : memref<1x128xi32, #tpu.memory_space<vmem>> -> memref<128xi32, #tpu.memory_space<vmem>>
      %dma_wait3A_88 = arith.constant 0 : i32
      %dma_wait3A_89 = arith.constant 0 : i32
      %dma_wait3A_90 = tpu.memref_slice %arg4[%dma_wait3A_88, %dma_wait3A_89] : memref<10240x128xf32, #tpu.memory_space<hbm>> -> memref<10240x128xf32, #tpu.memory_space<hbm>>
      tpu.wait_indirect_dma semaphore(%arg12 : memref<!tpu.dma_semaphore, #tpu.memory_space<semaphore_mem>>) src(%dma_wait3A_90 : memref<10240x128xf32, #tpu.memory_space<hbm>>) dst(%arg9 : memref<128x128xf32, #tpu.memory_space<vmem>>)
      "tpu.region"() ({
        %run_scoped3A = tpu.sem_alloc : memref<!tpu.dma_semaphore, #tpu.memory_space<semaphore_mem>>
        %dma_start3A_113 = arith.constant 0 : i32
        %dma_start3A_114 = tpu.memref_slice %arg7[%mul3A_85, %dma_start3A_113] : memref<16x128xi32, #tpu.memory_space<vmem>> -> memref<1x128xi32, #tpu.memory_space<vmem>>
        %dma_start3A_115 = tpu.memref_squeeze %dma_start3A_114 : memref<1x128xi32, #tpu.memory_space<vmem>> -> memref<128xi32, #tpu.memory_space<vmem>>
        %dma_start3A_116 = arith.constant 0 : i32
        %dma_start3A_117 = arith.constant 0 : i32
        %dma_start3A_118 = tpu.memref_slice %arg11[%dma_start3A_116, %dma_start3A_117] : memref<10240x128xf32, #tpu.memory_space<vmem_shared>> -> memref<10240x128xf32, #tpu.memory_space<vmem_shared>>
        tpu.enqueue_indirect_dma source(%arg9 : memref<128x128xf32, #tpu.memory_space<vmem>>) target(%dma_start3A_118 : memref<10240x128xf32, #tpu.memory_space<vmem_shared>>) offsets(%dma_start3A_115 : memref<128xi32, #tpu.memory_space<vmem>>) semaphore(%run_scoped3A : memref<!tpu.dma_semaphore, #tpu.memory_space<semaphore_mem>>) {add = true}
        %dma_wait3A_119 = arith.constant 0 : i32
        %dma_wait3A_120 = tpu.memref_slice %arg7[%mul3A_85, %dma_wait3A_119] : memref<16x128xi32, #tpu.memory_space<vmem>> -> memref<1x128xi32, #tpu.memory_space<vmem>>
        %dma_wait3A_121 = tpu.memref_squeeze %dma_wait3A_120 : memref<1x128xi32, #tpu.memory_space<vmem>> -> memref<128xi32, #tpu.memory_space<vmem>>
        %dma_wait3A_122 = arith.constant 0 : i32
        %dma_wait3A_123 = arith.constant 0 : i32
        %dma_wait3A_124 = tpu.memref_slice %arg11[%dma_wait3A_122, %dma_wait3A_123] : memref<10240x128xf32, #tpu.memory_space<vmem_shared>> -> memref<10240x128xf32, #tpu.memory_space<vmem_shared>>
        tpu.wait_indirect_dma semaphore(%run_scoped3A : memref<!tpu.dma_semaphore, #tpu.memory_space<semaphore_mem>>) src(%arg9 : memref<128x128xf32, #tpu.memory_space<vmem>>) dst(%dma_wait3A_124 : memref<10240x128xf32, #tpu.memory_space<vmem_shared>>)
        tpu.yield
      }) : () -> ()
      %add3A_91 = arith.constant 2 : i32
      %add3A_92 = arith.addi %add3A_83, %add3A_91 : i32
      %lt3A = arith.constant 80 : i32
      %lt3A_93 = arith.cmpi slt, %add3A_92, %lt3A : i32
      %convert_element_type3A = arith.extui %lt3A_93 : i1 to i32
      %cond3A = arith.constant 0 : i32
      %cond3A_94 = arith.cmpi ne, %convert_element_type3A, %cond3A : i32
      scf.if %cond3A_94 {
        %add3A_113 = arith.constant 2 : i32
        %add3A_114 = arith.addi %add3A_83, %add3A_113 : i32
        %dma_start3A_115 = arith.constant 0 : i32
        %dma_start3A_116 = tpu.memref_slice %arg6[%add3A_114, %dma_start3A_115] : memref<80x128xi32, #tpu.memory_space<vmem>> -> memref<1x128xi32, #tpu.memory_space<vmem>>
        %dma_start3A_117 = tpu.memref_squeeze %dma_start3A_116 : memref<1x128xi32, #tpu.memory_space<vmem>> -> memref<128xi32, #tpu.memory_space<vmem>>
        %dma_start3A_118 = arith.constant 0 : i32
        %dma_start3A_119 = arith.constant 0 : i32
        %dma_start3A_120 = tpu.memref_slice %arg4[%dma_start3A_118, %dma_start3A_119] : memref<10240x128xf32, #tpu.memory_space<hbm>> -> memref<10240x128xf32, #tpu.memory_space<hbm>>
        tpu.enqueue_indirect_dma source(%dma_start3A_120 : memref<10240x128xf32, #tpu.memory_space<hbm>>) target(%arg9 : memref<128x128xf32, #tpu.memory_space<vmem>>) offsets(%dma_start3A_117 : memref<128xi32, #tpu.memory_space<vmem>>) semaphore(%arg12 : memref<!tpu.dma_semaphore, #tpu.memory_space<semaphore_mem>>)
      } else {
      }
      %add3A_95 = arith.constant 1 : i32
      %add3A_96 = arith.addi %add3A_83, %add3A_95 : i32
      %dma_wait3A_97 = arith.constant 0 : i32
      %dma_wait3A_98 = tpu.memref_slice %arg6[%add3A_96, %dma_wait3A_97] : memref<80x128xi32, #tpu.memory_space<vmem>> -> memref<1x128xi32, #tpu.memory_space<vmem>>
      %dma_wait3A_99 = tpu.memref_squeeze %dma_wait3A_98 : memref<1x128xi32, #tpu.memory_space<vmem>> -> memref<128xi32, #tpu.memory_space<vmem>>
      %dma_wait3A_100 = arith.constant 0 : i32
      %dma_wait3A_101 = arith.constant 0 : i32
      %dma_wait3A_102 = tpu.memref_slice %arg4[%dma_wait3A_100, %dma_wait3A_101] : memref<10240x128xf32, #tpu.memory_space<hbm>> -> memref<10240x128xf32, #tpu.memory_space<hbm>>
      tpu.wait_indirect_dma semaphore(%arg13 : memref<!tpu.dma_semaphore, #tpu.memory_space<semaphore_mem>>) src(%dma_wait3A_102 : memref<10240x128xf32, #tpu.memory_space<hbm>>) dst(%arg10 : memref<128x128xf32, #tpu.memory_space<vmem>>)
      %add3A_103 = arith.constant 1 : i32
      %add3A_104 = arith.addi %mul3A_85, %add3A_103 : i32
      "tpu.region"() ({
        %run_scoped3A = tpu.sem_alloc : memref<!tpu.dma_semaphore, #tpu.memory_space<semaphore_mem>>
        %dma_start3A_113 = arith.constant 0 : i32
        %dma_start3A_114 = tpu.memref_slice %arg7[%add3A_104, %dma_start3A_113] : memref<16x128xi32, #tpu.memory_space<vmem>> -> memref<1x128xi32, #tpu.memory_space<vmem>>
        %dma_start3A_115 = tpu.memref_squeeze %dma_start3A_114 : memref<1x128xi32, #tpu.memory_space<vmem>> -> memref<128xi32, #tpu.memory_space<vmem>>
        %dma_start3A_116 = arith.constant 0 : i32
        %dma_start3A_117 = arith.constant 0 : i32
        %dma_start3A_118 = tpu.memref_slice %arg11[%dma_start3A_116, %dma_start3A_117] : memref<10240x128xf32, #tpu.memory_space<vmem_shared>> -> memref<10240x128xf32, #tpu.memory_space<vmem_shared>>
        tpu.enqueue_indirect_dma source(%arg10 : memref<128x128xf32, #tpu.memory_space<vmem>>) target(%dma_start3A_118 : memref<10240x128xf32, #tpu.memory_space<vmem_shared>>) offsets(%dma_start3A_115 : memref<128xi32, #tpu.memory_space<vmem>>) semaphore(%run_scoped3A : memref<!tpu.dma_semaphore, #tpu.memory_space<semaphore_mem>>) {add = true}
        %dma_wait3A_119 = arith.constant 0 : i32
        %dma_wait3A_120 = tpu.memref_slice %arg7[%add3A_104, %dma_wait3A_119] : memref<16x128xi32, #tpu.memory_space<vmem>> -> memref<1x128xi32, #tpu.memory_space<vmem>>
        %dma_wait3A_121 = tpu.memref_squeeze %dma_wait3A_120 : memref<1x128xi32, #tpu.memory_space<vmem>> -> memref<128xi32, #tpu.memory_space<vmem>>
        %dma_wait3A_122 = arith.constant 0 : i32
        %dma_wait3A_123 = arith.constant 0 : i32
        %dma_wait3A_124 = tpu.memref_slice %arg11[%dma_wait3A_122, %dma_wait3A_123] : memref<10240x128xf32, #tpu.memory_space<vmem_shared>> -> memref<10240x128xf32, #tpu.memory_space<vmem_shared>>
        tpu.wait_indirect_dma semaphore(%run_scoped3A : memref<!tpu.dma_semaphore, #tpu.memory_space<semaphore_mem>>) src(%arg10 : memref<128x128xf32, #tpu.memory_space<vmem>>) dst(%dma_wait3A_124 : memref<10240x128xf32, #tpu.memory_space<vmem_shared>>)
        tpu.yield
      }) : () -> ()
      %add3A_105 = arith.constant 3 : i32
      %add3A_106 = arith.addi %add3A_83, %add3A_105 : i32
      %lt3A_107 = arith.constant 80 : i32
      %lt3A_108 = arith.cmpi slt, %add3A_106, %lt3A_107 : i32
      %convert_element_type3A_109 = arith.extui %lt3A_108 : i1 to i32
      %cond3A_110 = arith.constant 0 : i32
      %cond3A_111 = arith.cmpi ne, %convert_element_type3A_109, %cond3A_110 : i32
      scf.if %cond3A_111 {
        %add3A_113 = arith.constant 3 : i32
        %add3A_114 = arith.addi %add3A_83, %add3A_113 : i32
        %dma_start3A_115 = arith.constant 0 : i32
        %dma_start3A_116 = tpu.memref_slice %arg6[%add3A_114, %dma_start3A_115] : memref<80x128xi32, #tpu.memory_space<vmem>> -> memref<1x128xi32, #tpu.memory_space<vmem>>
        %dma_start3A_117 = tpu.memref_squeeze %dma_start3A_116 : memref<1x128xi32, #tpu.memory_space<vmem>> -> memref<128xi32, #tpu.memory_space<vmem>>
        %dma_start3A_118 = arith.constant 0 : i32
        %dma_start3A_119 = arith.constant 0 : i32
        %dma_start3A_120 = tpu.memref_slice %arg4[%dma_start3A_118, %dma_start3A_119] : memref<10240x128xf32, #tpu.memory_space<hbm>> -> memref<10240x128xf32, #tpu.memory_space<hbm>>
        tpu.enqueue_indirect_dma source(%dma_start3A_120 : memref<10240x128xf32, #tpu.memory_space<hbm>>) target(%arg10 : memref<128x128xf32, #tpu.memory_space<vmem>>) offsets(%dma_start3A_117 : memref<128xi32, #tpu.memory_space<vmem>>) semaphore(%arg13 : memref<!tpu.dma_semaphore, #tpu.memory_space<semaphore_mem>>)
      } else {
      }
      %scan3A_112 = arith.constant 0 : i32
      scf.yield %scan3A_112 : i32
    }
    %scan3A_72 = arith.constant 8 : i32
    %barrier3A_73 = arith.constant 0 : index
    tpu.barrier barrier_id(%barrier3A_73)
    %mul3A_74 = arith.constant 640 : i32
    %mul3A_75 = arith.muli %arg1, %mul3A_74 : i32
    %mul3A_76 = arith.constant 640 : i32
    %mul3A_77 = arith.muli %arg1, %mul3A_76 : i32
    "tpu.region"() ({
      %run_scoped3A = tpu.sem_alloc : memref<!tpu.dma_semaphore, #tpu.memory_space<semaphore_mem>>
      %dma_start3A_78 = arith.constant 0 : i32
      %dma_start3A_79 = arith.constant 0 : i32
      %dma_start3A_80 = tpu.memref_slice %arg5[%arg0, %dma_start3A_78, %dma_start3A_79] : memref<2x10240x128xf32, #tpu.memory_space<hbm>> -> memref<1x10240x128xf32, #tpu.memory_space<hbm>>
      %dma_start3A_81 = tpu.memref_squeeze %dma_start3A_80 : memref<1x10240x128xf32, #tpu.memory_space<hbm>> -> memref<10240x128xf32, #tpu.memory_space<hbm>>
      %dma_start3A_82 = arith.constant 0 : i32
      %dma_start3A_83 = tpu.memref_slice %dma_start3A_81[%mul3A_77, %dma_start3A_82] : memref<10240x128xf32, #tpu.memory_space<hbm>> -> memref<640x128xf32, #tpu.memory_space<hbm>>
      %dma_start3A_84 = arith.constant 0 : i32
      %dma_start3A_85 = tpu.memref_slice %arg11[%mul3A_75, %dma_start3A_84] : memref<10240x128xf32, #tpu.memory_space<vmem_shared>> -> memref<640x128xf32, #tpu.memory_space<vmem_shared>>
      tpu.enqueue_dma source(%dma_start3A_85 : memref<640x128xf32, #tpu.memory_space<vmem_shared>>) target(%dma_start3A_83 : memref<640x128xf32, #tpu.memory_space<hbm>>) target_semaphore(%run_scoped3A : memref<!tpu.dma_semaphore, #tpu.memory_space<semaphore_mem>>)
      %dma_wait3A = arith.constant 0 : i32
      %dma_wait3A_86 = arith.constant 0 : i32
      %dma_wait3A_87 = tpu.memref_slice %arg5[%arg0, %dma_wait3A, %dma_wait3A_86] : memref<2x10240x128xf32, #tpu.memory_space<hbm>> -> memref<1x10240x128xf32, #tpu.memory_space<hbm>>
      %dma_wait3A_88 = tpu.memref_squeeze %dma_wait3A_87 : memref<1x10240x128xf32, #tpu.memory_space<hbm>> -> memref<10240x128xf32, #tpu.memory_space<hbm>>
      %dma_wait3A_89 = arith.constant 0 : i32
      %dma_wait3A_90 = tpu.memref_slice %dma_wait3A_88[%mul3A_77, %dma_wait3A_89] : memref<10240x128xf32, #tpu.memory_space<hbm>> -> memref<640x128xf32, #tpu.memory_space<hbm>>
      %dma_wait3A_91 = arith.constant 0 : i32
      %dma_wait3A_92 = tpu.memref_slice %arg11[%mul3A_75, %dma_wait3A_91] : memref<10240x128xf32, #tpu.memory_space<vmem_shared>> -> memref<640x128xf32, #tpu.memory_space<vmem_shared>>
      tpu.wait_dma2 semaphore(%run_scoped3A : memref<!tpu.dma_semaphore, #tpu.memory_space<semaphore_mem>>) src(%dma_wait3A_92 : memref<640x128xf32, #tpu.memory_space<vmem_shared>>) dst(%dma_wait3A_90 : memref<640x128xf32, #tpu.memory_space<hbm>>)
      tpu.yield
    }) : () -> ()
    return
  }
}

#map = affine_map<(d0, d1) -> (0, 0, 0, 0)>
#map1 = affine_map<(d0, d1) -> (0, 0)>
#map2 = affine_map<(d0, d1) -> (0, 0, 0)>
module attributes {stable_mosaic.version = 14 : i64} {
  func.func @_agg_kernel(%arg0: i32, %arg1: i32, %arg2: memref<2x16x80x128xi32, #tpu.memory_space<hbm>>, %arg3: memref<2x16x80x128xi32, #tpu.memory_space<hbm>>, %arg4: memref<10240x128xf32, #tpu.memory_space<hbm>>, %arg5: memref<2x10240x128xf32, #tpu.memory_space<hbm>>, %arg6: memref<80x128xi32, #tpu.memory_space<vmem>>, %arg7: memref<16x128xi32, #tpu.memory_space<vmem>>, %arg8: memref<16x128xi32, #tpu.memory_space<vmem>>, %arg9: memref<128x128xf32, #tpu.memory_space<vmem>>, %arg10: memref<128x128xf32, #tpu.memory_space<vmem>>, %arg11: memref<10240x128xf32, #tpu.memory_space<vmem_shared>>, %arg12: memref<!tpu.dma_semaphore, #tpu.memory_space<semaphore_mem>>, %arg13: memref<!tpu.dma_semaphore, #tpu.memory_space<semaphore_mem>>) attributes {dimension_semantics = [#tpu.dimension_semantics<core_parallel>, #tpu.dimension_semantics<subcore_parallel>], iteration_bounds = array<i64: 2, 16>, scalar_prefetch = 0 : i64, scratch_operands = 8 : i64, tpu.core_type = #tpu.core_type<sc_vector_subcore>, window_params = [{transform_indices = #map}, {transform_indices = #map}, {transform_indices = #map1}, {transform_indices = #map2}]} {
    "tpu.region"() ({
      %run_scoped3A = tpu.sem_alloc : memref<!tpu.dma_semaphore, #tpu.memory_space<semaphore_mem>>
      %dma_start3A_78 = arith.constant 0 : i32
      %dma_start3A_79 = arith.constant 0 : i32
      %dma_start3A_80 = tpu.memref_slice %arg2[%arg0, %arg1, %dma_start3A_78, %dma_start3A_79] : memref<2x16x80x128xi32, #tpu.memory_space<hbm>> -> memref<1x1x80x128xi32, #tpu.memory_space<hbm>>
      %dma_start3A_81 = tpu.memref_squeeze %dma_start3A_80 : memref<1x1x80x128xi32, #tpu.memory_space<hbm>> -> memref<80x128xi32, #tpu.memory_space<hbm>>
      %dma_start3A_82 = arith.constant 0 : i32
      %dma_start3A_83 = arith.constant 0 : i32
      %dma_start3A_84 = tpu.memref_slice %arg2[%arg0, %arg1, %dma_start3A_82, %dma_start3A_83] : memref<2x16x80x128xi32, #tpu.memory_space<hbm>> -> memref<1x1x80x128xi32, #tpu.memory_space<hbm>>
      %dma_start3A_85 = tpu.memref_squeeze %dma_start3A_84 : memref<1x1x80x128xi32, #tpu.memory_space<hbm>> -> memref<80x128xi32, #tpu.memory_space<hbm>>
      tpu.enqueue_dma source(%dma_start3A_85 : memref<80x128xi32, #tpu.memory_space<hbm>>) target(%arg6 : memref<80x128xi32, #tpu.memory_space<vmem>>) target_semaphore(%run_scoped3A : memref<!tpu.dma_semaphore, #tpu.memory_space<semaphore_mem>>)
      %dma_wait3A = arith.constant 0 : i32
      %dma_wait3A_86 = arith.constant 0 : i32
      %dma_wait3A_87 = tpu.memref_slice %arg2[%arg0, %arg1, %dma_wait3A, %dma_wait3A_86] : memref<2x16x80x128xi32, #tpu.memory_space<hbm>> -> memref<1x1x80x128xi32, #tpu.memory_space<hbm>>
      %dma_wait3A_88 = tpu.memref_squeeze %dma_wait3A_87 : memref<1x1x80x128xi32, #tpu.memory_space<hbm>> -> memref<80x128xi32, #tpu.memory_space<hbm>>
      %dma_wait3A_89 = arith.constant 0 : i32
      %dma_wait3A_90 = arith.constant 0 : i32
      %dma_wait3A_91 = tpu.memref_slice %arg2[%arg0, %arg1, %dma_wait3A_89, %dma_wait3A_90] : memref<2x16x80x128xi32, #tpu.memory_space<hbm>> -> memref<1x1x80x128xi32, #tpu.memory_space<hbm>>
      %dma_wait3A_92 = tpu.memref_squeeze %dma_wait3A_91 : memref<1x1x80x128xi32, #tpu.memory_space<hbm>> -> memref<80x128xi32, #tpu.memory_space<hbm>>
      tpu.wait_dma2 semaphore(%run_scoped3A : memref<!tpu.dma_semaphore, #tpu.memory_space<semaphore_mem>>) src(%dma_wait3A_92 : memref<80x128xi32, #tpu.memory_space<hbm>>) dst(%arg6 : memref<80x128xi32, #tpu.memory_space<vmem>>)
      tpu.yield
    }) : () -> ()
    %broadcast_in_dim3A = arith.constant 0.000000e+00 : f32
    %broadcast_in_dim3A_0 = vector.broadcast %broadcast_in_dim3A : f32 to vector<16xf32>
    %scan3A = arith.constant 0 : i32
    %scan3A_1 = arith.constant 0 : i32
    %scan3A_2 = arith.constant 128 : i32
    %scan3A_3 = arith.addi %scan3A_1, %scan3A_2 : i32
    %scan3A_4 = arith.constant 1 : i32
    %scan3A_5 = scf.for %scan3A_78 = %scan3A_1 to %scan3A_3 step %scan3A_4 iter_args(%scan3A_79 = %scan3A) -> (i32)  : i32 {
      %swap3A = arith.index_cast %scan3A_78 : i32 to index
      %swap3A_80 = arith.constant 0 : index
      %swap3A_81 = tpu.vector_load %arg9[%swap3A, %swap3A_80] {strides = array<i32>} : memref<128x128xf32, #tpu.memory_space<vmem>>, vector<1x16xf32>,
      %swap3A_82 = vector.shape_cast %swap3A_81 : vector<1x16xf32> to vector<16xf32>
      %swap3A_83 = vector.shape_cast %broadcast_in_dim3A_0 : vector<16xf32> to vector<1x16xf32>
      tpu.vector_store %arg9[%swap3A, %swap3A_80], %swap3A_83 {strides = array<i32>} : memref<128x128xf32, #tpu.memory_space<vmem>>, vector<1x16xf32>,
      %swap3A_84 = arith.index_cast %scan3A_78 : i32 to index
      %swap3A_85 = arith.constant 16 : index
      %swap3A_86 = tpu.vector_load %arg9[%swap3A_84, %swap3A_85] {strides = array<i32>} : memref<128x128xf32, #tpu.memory_space<vmem>>, vector<1x16xf32>,
      %swap3A_87 = vector.shape_cast %swap3A_86 : vector<1x16xf32> to vector<16xf32>
      %swap3A_88 = vector.shape_cast %broadcast_in_dim3A_0 : vector<16xf32> to vector<1x16xf32>
      tpu.vector_store %arg9[%swap3A_84, %swap3A_85], %swap3A_88 {strides = array<i32>} : memref<128x128xf32, #tpu.memory_space<vmem>>, vector<1x16xf32>,
      %swap3A_89 = arith.index_cast %scan3A_78 : i32 to index
      %swap3A_90 = arith.constant 32 : index
      %swap3A_91 = tpu.vector_load %arg9[%swap3A_89, %swap3A_90] {strides = array<i32>} : memref<128x128xf32, #tpu.memory_space<vmem>>, vector<1x16xf32>,
      %swap3A_92 = vector.shape_cast %swap3A_91 : vector<1x16xf32> to vector<16xf32>
      %swap3A_93 = vector.shape_cast %broadcast_in_dim3A_0 : vector<16xf32> to vector<1x16xf32>
      tpu.vector_store %arg9[%swap3A_89, %swap3A_90], %swap3A_93 {strides = array<i32>} : memref<128x128xf32, #tpu.memory_space<vmem>>, vector<1x16xf32>,
      %swap3A_94 = arith.index_cast %scan3A_78 : i32 to index
      %swap3A_95 = arith.constant 48 : index
      %swap3A_96 = tpu.vector_load %arg9[%swap3A_94, %swap3A_95] {strides = array<i32>} : memref<128x128xf32, #tpu.memory_space<vmem>>, vector<1x16xf32>,
      %swap3A_97 = vector.shape_cast %swap3A_96 : vector<1x16xf32> to vector<16xf32>
      %swap3A_98 = vector.shape_cast %broadcast_in_dim3A_0 : vector<16xf32> to vector<1x16xf32>
      tpu.vector_store %arg9[%swap3A_94, %swap3A_95], %swap3A_98 {strides = array<i32>} : memref<128x128xf32, #tpu.memory_space<vmem>>, vector<1x16xf32>,
      %swap3A_99 = arith.index_cast %scan3A_78 : i32 to index
      %swap3A_100 = arith.constant 64 : index
      %swap3A_101 = tpu.vector_load %arg9[%swap3A_99, %swap3A_100] {strides = array<i32>} : memref<128x128xf32, #tpu.memory_space<vmem>>, vector<1x16xf32>,
      %swap3A_102 = vector.shape_cast %swap3A_101 : vector<1x16xf32> to vector<16xf32>
      %swap3A_103 = vector.shape_cast %broadcast_in_dim3A_0 : vector<16xf32> to vector<1x16xf32>
      tpu.vector_store %arg9[%swap3A_99, %swap3A_100], %swap3A_103 {strides = array<i32>} : memref<128x128xf32, #tpu.memory_space<vmem>>, vector<1x16xf32>,
      %swap3A_104 = arith.index_cast %scan3A_78 : i32 to index
      %swap3A_105 = arith.constant 80 : index
      %swap3A_106 = tpu.vector_load %arg9[%swap3A_104, %swap3A_105] {strides = array<i32>} : memref<128x128xf32, #tpu.memory_space<vmem>>, vector<1x16xf32>,
      %swap3A_107 = vector.shape_cast %swap3A_106 : vector<1x16xf32> to vector<16xf32>
      %swap3A_108 = vector.shape_cast %broadcast_in_dim3A_0 : vector<16xf32> to vector<1x16xf32>
      tpu.vector_store %arg9[%swap3A_104, %swap3A_105], %swap3A_108 {strides = array<i32>} : memref<128x128xf32, #tpu.memory_space<vmem>>, vector<1x16xf32>,
      %swap3A_109 = arith.index_cast %scan3A_78 : i32 to index
      %swap3A_110 = arith.constant 96 : index
      %swap3A_111 = tpu.vector_load %arg9[%swap3A_109, %swap3A_110] {strides = array<i32>} : memref<128x128xf32, #tpu.memory_space<vmem>>, vector<1x16xf32>,
      %swap3A_112 = vector.shape_cast %swap3A_111 : vector<1x16xf32> to vector<16xf32>
      %swap3A_113 = vector.shape_cast %broadcast_in_dim3A_0 : vector<16xf32> to vector<1x16xf32>
      tpu.vector_store %arg9[%swap3A_109, %swap3A_110], %swap3A_113 {strides = array<i32>} : memref<128x128xf32, #tpu.memory_space<vmem>>, vector<1x16xf32>,
      %swap3A_114 = arith.index_cast %scan3A_78 : i32 to index
      %swap3A_115 = arith.constant 112 : index
      %swap3A_116 = tpu.vector_load %arg9[%swap3A_114, %swap3A_115] {strides = array<i32>} : memref<128x128xf32, #tpu.memory_space<vmem>>, vector<1x16xf32>,
      %swap3A_117 = vector.shape_cast %swap3A_116 : vector<1x16xf32> to vector<16xf32>
      %swap3A_118 = vector.shape_cast %broadcast_in_dim3A_0 : vector<16xf32> to vector<1x16xf32>
      tpu.vector_store %arg9[%swap3A_114, %swap3A_115], %swap3A_118 {strides = array<i32>} : memref<128x128xf32, #tpu.memory_space<vmem>>, vector<1x16xf32>,
      %scan3A_119 = arith.constant 0 : i32
      scf.yield %scan3A_119 : i32
    }
    %scan3A_6 = arith.constant 128 : i32
    %mul3A = arith.constant 640 : i32
    %mul3A_7 = arith.muli %arg1, %mul3A : i32
    %add3A = arith.constant 0 : i32
    %add3A_8 = arith.addi %mul3A_7, %add3A : i32
    "tpu.region"() ({
      %run_scoped3A = tpu.sem_alloc : memref<!tpu.dma_semaphore, #tpu.memory_space<semaphore_mem>>
      %dma_start3A_78 = arith.constant 0 : i32
      %dma_start3A_79 = tpu.memref_slice %arg11[%add3A_8, %dma_start3A_78] : memref<10240x128xf32, #tpu.memory_space<vmem_shared>> -> memref<128x128xf32, #tpu.memory_space<vmem_shared>>
      %dma_start3A_80 = arith.constant 0 : i32
      %dma_start3A_81 = tpu.memref_slice %arg11[%add3A_8, %dma_start3A_80] : memref<10240x128xf32, #tpu.memory_space<vmem_shared>> -> memref<128x128xf32, #tpu.memory_space<vmem_shared>>
      tpu.enqueue_dma source(%arg9 : memref<128x128xf32, #tpu.memory_space<vmem>>) target(%dma_start3A_81 : memref<128x128xf32, #tpu.memory_space<vmem_shared>>) target_semaphore(%run_scoped3A : memref<!tpu.dma_semaphore, #tpu.memory_space<semaphore_mem>>)
      %dma_wait3A = arith.constant 0 : i32
      %dma_wait3A_82 = tpu.memref_slice %arg11[%add3A_8, %dma_wait3A] : memref<10240x128xf32, #tpu.memory_space<vmem_shared>> -> memref<128x128xf32, #tpu.memory_space<vmem_shared>>
      %dma_wait3A_83 = arith.constant 0 : i32
      %dma_wait3A_84 = tpu.memref_slice %arg11[%add3A_8, %dma_wait3A_83] : memref<10240x128xf32, #tpu.memory_space<vmem_shared>> -> memref<128x128xf32, #tpu.memory_space<vmem_shared>>
      tpu.wait_dma2 semaphore(%run_scoped3A : memref<!tpu.dma_semaphore, #tpu.memory_space<semaphore_mem>>) src(%arg9 : memref<128x128xf32, #tpu.memory_space<vmem>>) dst(%dma_wait3A_84 : memref<128x128xf32, #tpu.memory_space<vmem_shared>>)
      tpu.yield
    }) : () -> ()
    %mul3A_9 = arith.constant 640 : i32
    %mul3A_10 = arith.muli %arg1, %mul3A_9 : i32
    %add3A_11 = arith.constant 128 : i32
    %add3A_12 = arith.addi %mul3A_10, %add3A_11 : i32
    "tpu.region"() ({
      %run_scoped3A = tpu.sem_alloc : memref<!tpu.dma_semaphore, #tpu.memory_space<semaphore_mem>>
      %dma_start3A_78 = arith.constant 0 : i32
      %dma_start3A_79 = tpu.memref_slice %arg11[%add3A_12, %dma_start3A_78] : memref<10240x128xf32, #tpu.memory_space<vmem_shared>> -> memref<128x128xf32, #tpu.memory_space<vmem_shared>>
      %dma_start3A_80 = arith.constant 0 : i32
      %dma_start3A_81 = tpu.memref_slice %arg11[%add3A_12, %dma_start3A_80] : memref<10240x128xf32, #tpu.memory_space<vmem_shared>> -> memref<128x128xf32, #tpu.memory_space<vmem_shared>>
      tpu.enqueue_dma source(%arg9 : memref<128x128xf32, #tpu.memory_space<vmem>>) target(%dma_start3A_81 : memref<128x128xf32, #tpu.memory_space<vmem_shared>>) target_semaphore(%run_scoped3A : memref<!tpu.dma_semaphore, #tpu.memory_space<semaphore_mem>>)
      %dma_wait3A = arith.constant 0 : i32
      %dma_wait3A_82 = tpu.memref_slice %arg11[%add3A_12, %dma_wait3A] : memref<10240x128xf32, #tpu.memory_space<vmem_shared>> -> memref<128x128xf32, #tpu.memory_space<vmem_shared>>
      %dma_wait3A_83 = arith.constant 0 : i32
      %dma_wait3A_84 = tpu.memref_slice %arg11[%add3A_12, %dma_wait3A_83] : memref<10240x128xf32, #tpu.memory_space<vmem_shared>> -> memref<128x128xf32, #tpu.memory_space<vmem_shared>>
      tpu.wait_dma2 semaphore(%run_scoped3A : memref<!tpu.dma_semaphore, #tpu.memory_space<semaphore_mem>>) src(%arg9 : memref<128x128xf32, #tpu.memory_space<vmem>>) dst(%dma_wait3A_84 : memref<128x128xf32, #tpu.memory_space<vmem_shared>>)
      tpu.yield
    }) : () -> ()
    %mul3A_13 = arith.constant 640 : i32
    %mul3A_14 = arith.muli %arg1, %mul3A_13 : i32
    %add3A_15 = arith.constant 256 : i32
    %add3A_16 = arith.addi %mul3A_14, %add3A_15 : i32
    "tpu.region"() ({
      %run_scoped3A = tpu.sem_alloc : memref<!tpu.dma_semaphore, #tpu.memory_space<semaphore_mem>>
      %dma_start3A_78 = arith.constant 0 : i32
      %dma_start3A_79 = tpu.memref_slice %arg11[%add3A_16, %dma_start3A_78] : memref<10240x128xf32, #tpu.memory_space<vmem_shared>> -> memref<128x128xf32, #tpu.memory_space<vmem_shared>>
      %dma_start3A_80 = arith.constant 0 : i32
      %dma_start3A_81 = tpu.memref_slice %arg11[%add3A_16, %dma_start3A_80] : memref<10240x128xf32, #tpu.memory_space<vmem_shared>> -> memref<128x128xf32, #tpu.memory_space<vmem_shared>>
      tpu.enqueue_dma source(%arg9 : memref<128x128xf32, #tpu.memory_space<vmem>>) target(%dma_start3A_81 : memref<128x128xf32, #tpu.memory_space<vmem_shared>>) target_semaphore(%run_scoped3A : memref<!tpu.dma_semaphore, #tpu.memory_space<semaphore_mem>>)
      %dma_wait3A = arith.constant 0 : i32
      %dma_wait3A_82 = tpu.memref_slice %arg11[%add3A_16, %dma_wait3A] : memref<10240x128xf32, #tpu.memory_space<vmem_shared>> -> memref<128x128xf32, #tpu.memory_space<vmem_shared>>
      %dma_wait3A_83 = arith.constant 0 : i32
      %dma_wait3A_84 = tpu.memref_slice %arg11[%add3A_16, %dma_wait3A_83] : memref<10240x128xf32, #tpu.memory_space<vmem_shared>> -> memref<128x128xf32, #tpu.memory_space<vmem_shared>>
      tpu.wait_dma2 semaphore(%run_scoped3A : memref<!tpu.dma_semaphore, #tpu.memory_space<semaphore_mem>>) src(%arg9 : memref<128x128xf32, #tpu.memory_space<vmem>>) dst(%dma_wait3A_84 : memref<128x128xf32, #tpu.memory_space<vmem_shared>>)
      tpu.yield
    }) : () -> ()
    %mul3A_17 = arith.constant 640 : i32
    %mul3A_18 = arith.muli %arg1, %mul3A_17 : i32
    %add3A_19 = arith.constant 384 : i32
    %add3A_20 = arith.addi %mul3A_18, %add3A_19 : i32
    "tpu.region"() ({
      %run_scoped3A = tpu.sem_alloc : memref<!tpu.dma_semaphore, #tpu.memory_space<semaphore_mem>>
      %dma_start3A_78 = arith.constant 0 : i32
      %dma_start3A_79 = tpu.memref_slice %arg11[%add3A_20, %dma_start3A_78] : memref<10240x128xf32, #tpu.memory_space<vmem_shared>> -> memref<128x128xf32, #tpu.memory_space<vmem_shared>>
      %dma_start3A_80 = arith.constant 0 : i32
      %dma_start3A_81 = tpu.memref_slice %arg11[%add3A_20, %dma_start3A_80] : memref<10240x128xf32, #tpu.memory_space<vmem_shared>> -> memref<128x128xf32, #tpu.memory_space<vmem_shared>>
      tpu.enqueue_dma source(%arg9 : memref<128x128xf32, #tpu.memory_space<vmem>>) target(%dma_start3A_81 : memref<128x128xf32, #tpu.memory_space<vmem_shared>>) target_semaphore(%run_scoped3A : memref<!tpu.dma_semaphore, #tpu.memory_space<semaphore_mem>>)
      %dma_wait3A = arith.constant 0 : i32
      %dma_wait3A_82 = tpu.memref_slice %arg11[%add3A_20, %dma_wait3A] : memref<10240x128xf32, #tpu.memory_space<vmem_shared>> -> memref<128x128xf32, #tpu.memory_space<vmem_shared>>
      %dma_wait3A_83 = arith.constant 0 : i32
      %dma_wait3A_84 = tpu.memref_slice %arg11[%add3A_20, %dma_wait3A_83] : memref<10240x128xf32, #tpu.memory_space<vmem_shared>> -> memref<128x128xf32, #tpu.memory_space<vmem_shared>>
      tpu.wait_dma2 semaphore(%run_scoped3A : memref<!tpu.dma_semaphore, #tpu.memory_space<semaphore_mem>>) src(%arg9 : memref<128x128xf32, #tpu.memory_space<vmem>>) dst(%dma_wait3A_84 : memref<128x128xf32, #tpu.memory_space<vmem_shared>>)
      tpu.yield
    }) : () -> ()
    %mul3A_21 = arith.constant 640 : i32
    %mul3A_22 = arith.muli %arg1, %mul3A_21 : i32
    %add3A_23 = arith.constant 512 : i32
    %add3A_24 = arith.addi %mul3A_22, %add3A_23 : i32
    "tpu.region"() ({
      %run_scoped3A = tpu.sem_alloc : memref<!tpu.dma_semaphore, #tpu.memory_space<semaphore_mem>>
      %dma_start3A_78 = arith.constant 0 : i32
      %dma_start3A_79 = tpu.memref_slice %arg11[%add3A_24, %dma_start3A_78] : memref<10240x128xf32, #tpu.memory_space<vmem_shared>> -> memref<128x128xf32, #tpu.memory_space<vmem_shared>>
      %dma_start3A_80 = arith.constant 0 : i32
      %dma_start3A_81 = tpu.memref_slice %arg11[%add3A_24, %dma_start3A_80] : memref<10240x128xf32, #tpu.memory_space<vmem_shared>> -> memref<128x128xf32, #tpu.memory_space<vmem_shared>>
      tpu.enqueue_dma source(%arg9 : memref<128x128xf32, #tpu.memory_space<vmem>>) target(%dma_start3A_81 : memref<128x128xf32, #tpu.memory_space<vmem_shared>>) target_semaphore(%run_scoped3A : memref<!tpu.dma_semaphore, #tpu.memory_space<semaphore_mem>>)
      %dma_wait3A = arith.constant 0 : i32
      %dma_wait3A_82 = tpu.memref_slice %arg11[%add3A_24, %dma_wait3A] : memref<10240x128xf32, #tpu.memory_space<vmem_shared>> -> memref<128x128xf32, #tpu.memory_space<vmem_shared>>
      %dma_wait3A_83 = arith.constant 0 : i32
      %dma_wait3A_84 = tpu.memref_slice %arg11[%add3A_24, %dma_wait3A_83] : memref<10240x128xf32, #tpu.memory_space<vmem_shared>> -> memref<128x128xf32, #tpu.memory_space<vmem_shared>>
      tpu.wait_dma2 semaphore(%run_scoped3A : memref<!tpu.dma_semaphore, #tpu.memory_space<semaphore_mem>>) src(%arg9 : memref<128x128xf32, #tpu.memory_space<vmem>>) dst(%dma_wait3A_84 : memref<128x128xf32, #tpu.memory_space<vmem_shared>>)
      tpu.yield
    }) : () -> ()
    %barrier3A = arith.constant 0 : index
    tpu.barrier barrier_id(%barrier3A)
    %dma_start3A = arith.constant 0 : i32
    %dma_start3A_25 = arith.constant 0 : i32
    %dma_start3A_26 = tpu.memref_slice %arg6[%dma_start3A, %dma_start3A_25] : memref<80x128xi32, #tpu.memory_space<vmem>> -> memref<1x128xi32, #tpu.memory_space<vmem>>
    %dma_start3A_27 = tpu.memref_squeeze %dma_start3A_26 : memref<1x128xi32, #tpu.memory_space<vmem>> -> memref<128xi32, #tpu.memory_space<vmem>>
    %dma_start3A_28 = arith.constant 0 : i32
    %dma_start3A_29 = arith.constant 0 : i32
    %dma_start3A_30 = tpu.memref_slice %arg4[%dma_start3A_28, %dma_start3A_29] : memref<10240x128xf32, #tpu.memory_space<hbm>> -> memref<10240x128xf32, #tpu.memory_space<hbm>>
    tpu.enqueue_indirect_dma source(%dma_start3A_30 : memref<10240x128xf32, #tpu.memory_space<hbm>>) target(%arg9 : memref<128x128xf32, #tpu.memory_space<vmem>>) offsets(%dma_start3A_27 : memref<128xi32, #tpu.memory_space<vmem>>) semaphore(%arg12 : memref<!tpu.dma_semaphore, #tpu.memory_space<semaphore_mem>>)
    %dma_start3A_31 = arith.constant 1 : i32
    %dma_start3A_32 = arith.constant 0 : i32
    %dma_start3A_33 = tpu.memref_slice %arg6[%dma_start3A_31, %dma_start3A_32] : memref<80x128xi32, #tpu.memory_space<vmem>> -> memref<1x128xi32, #tpu.memory_space<vmem>>
    %dma_start3A_34 = tpu.memref_squeeze %dma_start3A_33 : memref<1x128xi32, #tpu.memory_space<vmem>> -> memref<128xi32, #tpu.memory_space<vmem>>
    %dma_start3A_35 = arith.constant 0 : i32
    %dma_start3A_36 = arith.constant 0 : i32
    %dma_start3A_37 = tpu.memref_slice %arg4[%dma_start3A_35, %dma_start3A_36] : memref<10240x128xf32, #tpu.memory_space<hbm>> -> memref<10240x128xf32, #tpu.memory_space<hbm>>
    tpu.enqueue_indirect_dma source(%dma_start3A_37 : memref<10240x128xf32, #tpu.memory_space<hbm>>) target(%arg10 : memref<128x128xf32, #tpu.memory_space<vmem>>) offsets(%dma_start3A_34 : memref<128xi32, #tpu.memory_space<vmem>>) semaphore(%arg13 : memref<!tpu.dma_semaphore, #tpu.memory_space<semaphore_mem>>)
    "tpu.region"() ({
      %run_scoped3A = tpu.sem_alloc : memref<!tpu.dma_semaphore, #tpu.memory_space<semaphore_mem>>
      %dma_start3A_78 = arith.constant 0 : i32
      %dma_start3A_79 = arith.constant 0 : i32
      %dma_start3A_80 = tpu.memref_slice %arg3[%arg0, %arg1, %dma_start3A_78, %dma_start3A_79] : memref<2x16x80x128xi32, #tpu.memory_space<hbm>> -> memref<1x1x80x128xi32, #tpu.memory_space<hbm>>
      %dma_start3A_81 = tpu.memref_squeeze %dma_start3A_80 : memref<1x1x80x128xi32, #tpu.memory_space<hbm>> -> memref<80x128xi32, #tpu.memory_space<hbm>>
      %dma_start3A_82 = arith.constant 0 : i32
      %dma_start3A_83 = arith.constant 0 : i32
      %dma_start3A_84 = tpu.memref_slice %dma_start3A_81[%dma_start3A_82, %dma_start3A_83] : memref<80x128xi32, #tpu.memory_space<hbm>> -> memref<16x128xi32, #tpu.memory_space<hbm>>
      %dma_start3A_85 = arith.constant 0 : i32
      %dma_start3A_86 = arith.constant 0 : i32
      %dma_start3A_87 = tpu.memref_slice %arg3[%arg0, %arg1, %dma_start3A_85, %dma_start3A_86] : memref<2x16x80x128xi32, #tpu.memory_space<hbm>> -> memref<1x1x80x128xi32, #tpu.memory_space<hbm>>
      %dma_start3A_88 = tpu.memref_squeeze %dma_start3A_87 : memref<1x1x80x128xi32, #tpu.memory_space<hbm>> -> memref<80x128xi32, #tpu.memory_space<hbm>>
      %dma_start3A_89 = arith.constant 0 : i32
      %dma_start3A_90 = arith.constant 0 : i32
      %dma_start3A_91 = tpu.memref_slice %dma_start3A_88[%dma_start3A_89, %dma_start3A_90] : memref<80x128xi32, #tpu.memory_space<hbm>> -> memref<16x128xi32, #tpu.memory_space<hbm>>
      tpu.enqueue_dma source(%dma_start3A_91 : memref<16x128xi32, #tpu.memory_space<hbm>>) target(%arg7 : memref<16x128xi32, #tpu.memory_space<vmem>>) target_semaphore(%run_scoped3A : memref<!tpu.dma_semaphore, #tpu.memory_space<semaphore_mem>>)
      %dma_wait3A = arith.constant 0 : i32
      %dma_wait3A_92 = arith.constant 0 : i32
      %dma_wait3A_93 = tpu.memref_slice %arg3[%arg0, %arg1, %dma_wait3A, %dma_wait3A_92] : memref<2x16x80x128xi32, #tpu.memory_space<hbm>> -> memref<1x1x80x128xi32, #tpu.memory_space<hbm>>
      %dma_wait3A_94 = tpu.memref_squeeze %dma_wait3A_93 : memref<1x1x80x128xi32, #tpu.memory_space<hbm>> -> memref<80x128xi32, #tpu.memory_space<hbm>>
      %dma_wait3A_95 = arith.constant 0 : i32
      %dma_wait3A_96 = arith.constant 0 : i32
      %dma_wait3A_97 = tpu.memref_slice %dma_wait3A_94[%dma_wait3A_95, %dma_wait3A_96] : memref<80x128xi32, #tpu.memory_space<hbm>> -> memref<16x128xi32, #tpu.memory_space<hbm>>
      %dma_wait3A_98 = arith.constant 0 : i32
      %dma_wait3A_99 = arith.constant 0 : i32
      %dma_wait3A_100 = tpu.memref_slice %arg3[%arg0, %arg1, %dma_wait3A_98, %dma_wait3A_99] : memref<2x16x80x128xi32, #tpu.memory_space<hbm>> -> memref<1x1x80x128xi32, #tpu.memory_space<hbm>>
      %dma_wait3A_101 = tpu.memref_squeeze %dma_wait3A_100 : memref<1x1x80x128xi32, #tpu.memory_space<hbm>> -> memref<80x128xi32, #tpu.memory_space<hbm>>
      %dma_wait3A_102 = arith.constant 0 : i32
      %dma_wait3A_103 = arith.constant 0 : i32
      %dma_wait3A_104 = tpu.memref_slice %dma_wait3A_101[%dma_wait3A_102, %dma_wait3A_103] : memref<80x128xi32, #tpu.memory_space<hbm>> -> memref<16x128xi32, #tpu.memory_space<hbm>>
      tpu.wait_dma2 semaphore(%run_scoped3A : memref<!tpu.dma_semaphore, #tpu.memory_space<semaphore_mem>>) src(%dma_wait3A_104 : memref<16x128xi32, #tpu.memory_space<hbm>>) dst(%arg7 : memref<16x128xi32, #tpu.memory_space<vmem>>)
      tpu.yield
    }) : () -> ()
    %scan3A_38 = arith.constant 0 : i32
    %scan3A_39 = arith.constant 0 : i32
    %scan3A_40 = arith.constant 8 : i32
    %scan3A_41 = arith.addi %scan3A_39, %scan3A_40 : i32
    %scan3A_42 = arith.constant 1 : i32
    %scan3A_43 = scf.for %scan3A_78 = %scan3A_39 to %scan3A_41 step %scan3A_42 iter_args(%scan3A_79 = %scan3A_38) -> (i32)  : i32 {
      %mul3A_80 = arith.constant 2 : i32
      %mul3A_81 = arith.muli %mul3A_80, %scan3A_78 : i32
      %add3A_82 = arith.constant 0 : i32
      %add3A_83 = arith.addi %add3A_82, %mul3A_81 : i32
      %mul3A_84 = arith.constant 2 : i32
      %mul3A_85 = arith.muli %mul3A_84, %scan3A_78 : i32
      %dma_wait3A = arith.constant 0 : i32
      %dma_wait3A_86 = tpu.memref_slice %arg6[%add3A_83, %dma_wait3A] : memref<80x128xi32, #tpu.memory_space<vmem>> -> memref<1x128xi32, #tpu.memory_space<vmem>>
      %dma_wait3A_87 = tpu.memref_squeeze %dma_wait3A_86 : memref<1x128xi32, #tpu.memory_space<vmem>> -> memref<128xi32, #tpu.memory_space<vmem>>
      %dma_wait3A_88 = arith.constant 0 : i32
      %dma_wait3A_89 = arith.constant 0 : i32
      %dma_wait3A_90 = tpu.memref_slice %arg4[%dma_wait3A_88, %dma_wait3A_89] : memref<10240x128xf32, #tpu.memory_space<hbm>> -> memref<10240x128xf32, #tpu.memory_space<hbm>>
      tpu.wait_indirect_dma semaphore(%arg12 : memref<!tpu.dma_semaphore, #tpu.memory_space<semaphore_mem>>) src(%dma_wait3A_90 : memref<10240x128xf32, #tpu.memory_space<hbm>>) dst(%arg9 : memref<128x128xf32, #tpu.memory_space<vmem>>)
      "tpu.region"() ({
        %run_scoped3A = tpu.sem_alloc : memref<!tpu.dma_semaphore, #tpu.memory_space<semaphore_mem>>
        %dma_start3A_113 = arith.constant 0 : i32
        %dma_start3A_114 = tpu.memref_slice %arg7[%mul3A_85, %dma_start3A_113] : memref<16x128xi32, #tpu.memory_space<vmem>> -> memref<1x128xi32, #tpu.memory_space<vmem>>
        %dma_start3A_115 = tpu.memref_squeeze %dma_start3A_114 : memref<1x128xi32, #tpu.memory_space<vmem>> -> memref<128xi32, #tpu.memory_space<vmem>>
        %dma_start3A_116 = arith.constant 0 : i32
        %dma_start3A_117 = arith.constant 0 : i32
        %dma_start3A_118 = tpu.memref_slice %arg11[%dma_start3A_116, %dma_start3A_117] : memref<10240x128xf32, #tpu.memory_space<vmem_shared>> -> memref<10240x128xf32, #tpu.memory_space<vmem_shared>>
        tpu.enqueue_indirect_dma source(%arg9 : memref<128x128xf32, #tpu.memory_space<vmem>>) target(%dma_start3A_118 : memref<10240x128xf32, #tpu.memory_space<vmem_shared>>) offsets(%dma_start3A_115 : memref<128xi32, #tpu.memory_space<vmem>>) semaphore(%run_scoped3A : memref<!tpu.dma_semaphore, #tpu.memory_space<semaphore_mem>>) {add = true}
        %dma_wait3A_119 = arith.constant 0 : i32
        %dma_wait3A_120 = tpu.memref_slice %arg7[%mul3A_85, %dma_wait3A_119] : memref<16x128xi32, #tpu.memory_space<vmem>> -> memref<1x128xi32, #tpu.memory_space<vmem>>
        %dma_wait3A_121 = tpu.memref_squeeze %dma_wait3A_120 : memref<1x128xi32, #tpu.memory_space<vmem>> -> memref<128xi32, #tpu.memory_space<vmem>>
        %dma_wait3A_122 = arith.constant 0 : i32
        %dma_wait3A_123 = arith.constant 0 : i32
        %dma_wait3A_124 = tpu.memref_slice %arg11[%dma_wait3A_122, %dma_wait3A_123] : memref<10240x128xf32, #tpu.memory_space<vmem_shared>> -> memref<10240x128xf32, #tpu.memory_space<vmem_shared>>
        tpu.wait_indirect_dma semaphore(%run_scoped3A : memref<!tpu.dma_semaphore, #tpu.memory_space<semaphore_mem>>) src(%arg9 : memref<128x128xf32, #tpu.memory_space<vmem>>) dst(%dma_wait3A_124 : memref<10240x128xf32, #tpu.memory_space<vmem_shared>>)
        tpu.yield
      }) : () -> ()
      %add3A_91 = arith.constant 2 : i32
      %add3A_92 = arith.addi %add3A_83, %add3A_91 : i32
      %lt3A = arith.constant 80 : i32
      %lt3A_93 = arith.cmpi slt, %add3A_92, %lt3A : i32
      %convert_element_type3A = arith.extui %lt3A_93 : i1 to i32
      %cond3A = arith.constant 0 : i32
      %cond3A_94 = arith.cmpi ne, %convert_element_type3A, %cond3A : i32
      scf.if %cond3A_94 {
        %add3A_113 = arith.constant 2 : i32
        %add3A_114 = arith.addi %add3A_83, %add3A_113 : i32
        %dma_start3A_115 = arith.constant 0 : i32
        %dma_start3A_116 = tpu.memref_slice %arg6[%add3A_114, %dma_start3A_115] : memref<80x128xi32, #tpu.memory_space<vmem>> -> memref<1x128xi32, #tpu.memory_space<vmem>>
        %dma_start3A_117 = tpu.memref_squeeze %dma_start3A_116 : memref<1x128xi32, #tpu.memory_space<vmem>> -> memref<128xi32, #tpu.memory_space<vmem>>
        %dma_start3A_118 = arith.constant 0 : i32
        %dma_start3A_119 = arith.constant 0 : i32
        %dma_start3A_120 = tpu.memref_slice %arg4[%dma_start3A_118, %dma_start3A_119] : memref<10240x128xf32, #tpu.memory_space<hbm>> -> memref<10240x128xf32, #tpu.memory_space<hbm>>
        tpu.enqueue_indirect_dma source(%dma_start3A_120 : memref<10240x128xf32, #tpu.memory_space<hbm>>) target(%arg9 : memref<128x128xf32, #tpu.memory_space<vmem>>) offsets(%dma_start3A_117 : memref<128xi32, #tpu.memory_space<vmem>>) semaphore(%arg12 : memref<!tpu.dma_semaphore, #tpu.memory_space<semaphore_mem>>)
      } else {
      }
      %add3A_95 = arith.constant 1 : i32
      %add3A_96 = arith.addi %add3A_83, %add3A_95 : i32
      %dma_wait3A_97 = arith.constant 0 : i32
      %dma_wait3A_98 = tpu.memref_slice %arg6[%add3A_96, %dma_wait3A_97] : memref<80x128xi32, #tpu.memory_space<vmem>> -> memref<1x128xi32, #tpu.memory_space<vmem>>
      %dma_wait3A_99 = tpu.memref_squeeze %dma_wait3A_98 : memref<1x128xi32, #tpu.memory_space<vmem>> -> memref<128xi32, #tpu.memory_space<vmem>>
      %dma_wait3A_100 = arith.constant 0 : i32
      %dma_wait3A_101 = arith.constant 0 : i32
      %dma_wait3A_102 = tpu.memref_slice %arg4[%dma_wait3A_100, %dma_wait3A_101] : memref<10240x128xf32, #tpu.memory_space<hbm>> -> memref<10240x128xf32, #tpu.memory_space<hbm>>
      tpu.wait_indirect_dma semaphore(%arg13 : memref<!tpu.dma_semaphore, #tpu.memory_space<semaphore_mem>>) src(%dma_wait3A_102 : memref<10240x128xf32, #tpu.memory_space<hbm>>) dst(%arg10 : memref<128x128xf32, #tpu.memory_space<vmem>>)
      %add3A_103 = arith.constant 1 : i32
      %add3A_104 = arith.addi %mul3A_85, %add3A_103 : i32
      "tpu.region"() ({
        %run_scoped3A = tpu.sem_alloc : memref<!tpu.dma_semaphore, #tpu.memory_space<semaphore_mem>>
        %dma_start3A_113 = arith.constant 0 : i32
        %dma_start3A_114 = tpu.memref_slice %arg7[%add3A_104, %dma_start3A_113] : memref<16x128xi32, #tpu.memory_space<vmem>> -> memref<1x128xi32, #tpu.memory_space<vmem>>
        %dma_start3A_115 = tpu.memref_squeeze %dma_start3A_114 : memref<1x128xi32, #tpu.memory_space<vmem>> -> memref<128xi32, #tpu.memory_space<vmem>>
        %dma_start3A_116 = arith.constant 0 : i32
        %dma_start3A_117 = arith.constant 0 : i32
        %dma_start3A_118 = tpu.memref_slice %arg11[%dma_start3A_116, %dma_start3A_117] : memref<10240x128xf32, #tpu.memory_space<vmem_shared>> -> memref<10240x128xf32, #tpu.memory_space<vmem_shared>>
        tpu.enqueue_indirect_dma source(%arg10 : memref<128x128xf32, #tpu.memory_space<vmem>>) target(%dma_start3A_118 : memref<10240x128xf32, #tpu.memory_space<vmem_shared>>) offsets(%dma_start3A_115 : memref<128xi32, #tpu.memory_space<vmem>>) semaphore(%run_scoped3A : memref<!tpu.dma_semaphore, #tpu.memory_space<semaphore_mem>>) {add = true}
        %dma_wait3A_119 = arith.constant 0 : i32
        %dma_wait3A_120 = tpu.memref_slice %arg7[%add3A_104, %dma_wait3A_119] : memref<16x128xi32, #tpu.memory_space<vmem>> -> memref<1x128xi32, #tpu.memory_space<vmem>>
        %dma_wait3A_121 = tpu.memref_squeeze %dma_wait3A_120 : memref<1x128xi32, #tpu.memory_space<vmem>> -> memref<128xi32, #tpu.memory_space<vmem>>
        %dma_wait3A_122 = arith.constant 0 : i32
        %dma_wait3A_123 = arith.constant 0 : i32
        %dma_wait3A_124 = tpu.memref_slice %arg11[%dma_wait3A_122, %dma_wait3A_123] : memref<10240x128xf32, #tpu.memory_space<vmem_shared>> -> memref<10240x128xf32, #tpu.memory_space<vmem_shared>>
        tpu.wait_indirect_dma semaphore(%run_scoped3A : memref<!tpu.dma_semaphore, #tpu.memory_space<semaphore_mem>>) src(%arg10 : memref<128x128xf32, #tpu.memory_space<vmem>>) dst(%dma_wait3A_124 : memref<10240x128xf32, #tpu.memory_space<vmem_shared>>)
        tpu.yield
      }) : () -> ()
      %add3A_105 = arith.constant 3 : i32
      %add3A_106 = arith.addi %add3A_83, %add3A_105 : i32
      %lt3A_107 = arith.constant 80 : i32
      %lt3A_108 = arith.cmpi slt, %add3A_106, %lt3A_107 : i32
      %convert_element_type3A_109 = arith.extui %lt3A_108 : i1 to i32
      %cond3A_110 = arith.constant 0 : i32
      %cond3A_111 = arith.cmpi ne, %convert_element_type3A_109, %cond3A_110 : i32
      scf.if %cond3A_111 {
        %add3A_113 = arith.constant 3 : i32
        %add3A_114 = arith.addi %add3A_83, %add3A_113 : i32
        %dma_start3A_115 = arith.constant 0 : i32
        %dma_start3A_116 = tpu.memref_slice %arg6[%add3A_114, %dma_start3A_115] : memref<80x128xi32, #tpu.memory_space<vmem>> -> memref<1x128xi32, #tpu.memory_space<vmem>>
        %dma_start3A_117 = tpu.memref_squeeze %dma_start3A_116 : memref<1x128xi32, #tpu.memory_space<vmem>> -> memref<128xi32, #tpu.memory_space<vmem>>
        %dma_start3A_118 = arith.constant 0 : i32
        %dma_start3A_119 = arith.constant 0 : i32
        %dma_start3A_120 = tpu.memref_slice %arg4[%dma_start3A_118, %dma_start3A_119] : memref<10240x128xf32, #tpu.memory_space<hbm>> -> memref<10240x128xf32, #tpu.memory_space<hbm>>
        tpu.enqueue_indirect_dma source(%dma_start3A_120 : memref<10240x128xf32, #tpu.memory_space<hbm>>) target(%arg10 : memref<128x128xf32, #tpu.memory_space<vmem>>) offsets(%dma_start3A_117 : memref<128xi32, #tpu.memory_space<vmem>>) semaphore(%arg13 : memref<!tpu.dma_semaphore, #tpu.memory_space<semaphore_mem>>)
      } else {
      }
      %scan3A_112 = arith.constant 0 : i32
      scf.yield %scan3A_112 : i32
    }
    %scan3A_44 = arith.constant 8 : i32
    "tpu.region"() ({
      %run_scoped3A = tpu.sem_alloc : memref<!tpu.dma_semaphore, #tpu.memory_space<semaphore_mem>>
      %dma_start3A_78 = arith.constant 0 : i32
      %dma_start3A_79 = arith.constant 0 : i32
      %dma_start3A_80 = tpu.memref_slice %arg3[%arg0, %arg1, %dma_start3A_78, %dma_start3A_79] : memref<2x16x80x128xi32, #tpu.memory_space<hbm>> -> memref<1x1x80x128xi32, #tpu.memory_space<hbm>>
      %dma_start3A_81 = tpu.memref_squeeze %dma_start3A_80 : memref<1x1x80x128xi32, #tpu.memory_space<hbm>> -> memref<80x128xi32, #tpu.memory_space<hbm>>
      %dma_start3A_82 = arith.constant 16 : i32
      %dma_start3A_83 = arith.constant 0 : i32
      %dma_start3A_84 = tpu.memref_slice %dma_start3A_81[%dma_start3A_82, %dma_start3A_83] : memref<80x128xi32, #tpu.memory_space<hbm>> -> memref<16x128xi32, #tpu.memory_space<hbm>>
      %dma_start3A_85 = arith.constant 0 : i32
      %dma_start3A_86 = arith.constant 0 : i32
      %dma_start3A_87 = tpu.memref_slice %arg3[%arg0, %arg1, %dma_start3A_85, %dma_start3A_86] : memref<2x16x80x128xi32, #tpu.memory_space<hbm>> -> memref<1x1x80x128xi32, #tpu.memory_space<hbm>>
      %dma_start3A_88 = tpu.memref_squeeze %dma_start3A_87 : memref<1x1x80x128xi32, #tpu.memory_space<hbm>> -> memref<80x128xi32, #tpu.memory_space<hbm>>
      %dma_start3A_89 = arith.constant 16 : i32
      %dma_start3A_90 = arith.constant 0 : i32
      %dma_start3A_91 = tpu.memref_slice %dma_start3A_88[%dma_start3A_89, %dma_start3A_90] : memref<80x128xi32, #tpu.memory_space<hbm>> -> memref<16x128xi32, #tpu.memory_space<hbm>>
      tpu.enqueue_dma source(%dma_start3A_91 : memref<16x128xi32, #tpu.memory_space<hbm>>) target(%arg8 : memref<16x128xi32, #tpu.memory_space<vmem>>) target_semaphore(%run_scoped3A : memref<!tpu.dma_semaphore, #tpu.memory_space<semaphore_mem>>)
      %dma_wait3A = arith.constant 0 : i32
      %dma_wait3A_92 = arith.constant 0 : i32
      %dma_wait3A_93 = tpu.memref_slice %arg3[%arg0, %arg1, %dma_wait3A, %dma_wait3A_92] : memref<2x16x80x128xi32, #tpu.memory_space<hbm>> -> memref<1x1x80x128xi32, #tpu.memory_space<hbm>>
      %dma_wait3A_94 = tpu.memref_squeeze %dma_wait3A_93 : memref<1x1x80x128xi32, #tpu.memory_space<hbm>> -> memref<80x128xi32, #tpu.memory_space<hbm>>
      %dma_wait3A_95 = arith.constant 16 : i32
      %dma_wait3A_96 = arith.constant 0 : i32
      %dma_wait3A_97 = tpu.memref_slice %dma_wait3A_94[%dma_wait3A_95, %dma_wait3A_96] : memref<80x128xi32, #tpu.memory_space<hbm>> -> memref<16x128xi32, #tpu.memory_space<hbm>>
      %dma_wait3A_98 = arith.constant 0 : i32
      %dma_wait3A_99 = arith.constant 0 : i32
      %dma_wait3A_100 = tpu.memref_slice %arg3[%arg0, %arg1, %dma_wait3A_98, %dma_wait3A_99] : memref<2x16x80x128xi32, #tpu.memory_space<hbm>> -> memref<1x1x80x128xi32, #tpu.memory_space<hbm>>
      %dma_wait3A_101 = tpu.memref_squeeze %dma_wait3A_100 : memref<1x1x80x128xi32, #tpu.memory_space<hbm>> -> memref<80x128xi32, #tpu.memory_space<hbm>>
      %dma_wait3A_102 = arith.constant 16 : i32
      %dma_wait3A_103 = arith.constant 0 : i32
      %dma_wait3A_104 = tpu.memref_slice %dma_wait3A_101[%dma_wait3A_102, %dma_wait3A_103] : memref<80x128xi32, #tpu.memory_space<hbm>> -> memref<16x128xi32, #tpu.memory_space<hbm>>
      tpu.wait_dma2 semaphore(%run_scoped3A : memref<!tpu.dma_semaphore, #tpu.memory_space<semaphore_mem>>) src(%dma_wait3A_104 : memref<16x128xi32, #tpu.memory_space<hbm>>) dst(%arg8 : memref<16x128xi32, #tpu.memory_space<vmem>>)
      tpu.yield
    }) : () -> ()
    %scan3A_45 = arith.constant 0 : i32
    %scan3A_46 = arith.constant 0 : i32
    %scan3A_47 = arith.constant 8 : i32
    %scan3A_48 = arith.addi %scan3A_46, %scan3A_47 : i32
    %scan3A_49 = arith.constant 1 : i32
    %scan3A_50 = scf.for %scan3A_78 = %scan3A_46 to %scan3A_48 step %scan3A_49 iter_args(%scan3A_79 = %scan3A_45) -> (i32)  : i32 {
      %mul3A_80 = arith.constant 2 : i32
      %mul3A_81 = arith.muli %mul3A_80, %scan3A_78 : i32
      %add3A_82 = arith.constant 16 : i32
      %add3A_83 = arith.addi %add3A_82, %mul3A_81 : i32
      %mul3A_84 = arith.constant 2 : i32
      %mul3A_85 = arith.muli %mul3A_84, %scan3A_78 : i32
      %dma_wait3A = arith.constant 0 : i32
      %dma_wait3A_86 = tpu.memref_slice %arg6[%add3A_83, %dma_wait3A] : memref<80x128xi32, #tpu.memory_space<vmem>> -> memref<1x128xi32, #tpu.memory_space<vmem>>
      %dma_wait3A_87 = tpu.memref_squeeze %dma_wait3A_86 : memref<1x128xi32, #tpu.memory_space<vmem>> -> memref<128xi32, #tpu.memory_space<vmem>>
      %dma_wait3A_88 = arith.constant 0 : i32
      %dma_wait3A_89 = arith.constant 0 : i32
      %dma_wait3A_90 = tpu.memref_slice %arg4[%dma_wait3A_88, %dma_wait3A_89] : memref<10240x128xf32, #tpu.memory_space<hbm>> -> memref<10240x128xf32, #tpu.memory_space<hbm>>
      tpu.wait_indirect_dma semaphore(%arg12 : memref<!tpu.dma_semaphore, #tpu.memory_space<semaphore_mem>>) src(%dma_wait3A_90 : memref<10240x128xf32, #tpu.memory_space<hbm>>) dst(%arg9 : memref<128x128xf32, #tpu.memory_space<vmem>>)
      "tpu.region"() ({
        %run_scoped3A = tpu.sem_alloc : memref<!tpu.dma_semaphore, #tpu.memory_space<semaphore_mem>>
        %dma_start3A_113 = arith.constant 0 : i32
        %dma_start3A_114 = tpu.memref_slice %arg8[%mul3A_85, %dma_start3A_113] : memref<16x128xi32, #tpu.memory_space<vmem>> -> memref<1x128xi32, #tpu.memory_space<vmem>>
        %dma_start3A_115 = tpu.memref_squeeze %dma_start3A_114 : memref<1x128xi32, #tpu.memory_space<vmem>> -> memref<128xi32, #tpu.memory_space<vmem>>
        %dma_start3A_116 = arith.constant 0 : i32
        %dma_start3A_117 = arith.constant 0 : i32
        %dma_start3A_118 = tpu.memref_slice %arg11[%dma_start3A_116, %dma_start3A_117] : memref<10240x128xf32, #tpu.memory_space<vmem_shared>> -> memref<10240x128xf32, #tpu.memory_space<vmem_shared>>
        tpu.enqueue_indirect_dma source(%arg9 : memref<128x128xf32, #tpu.memory_space<vmem>>) target(%dma_start3A_118 : memref<10240x128xf32, #tpu.memory_space<vmem_shared>>) offsets(%dma_start3A_115 : memref<128xi32, #tpu.memory_space<vmem>>) semaphore(%run_scoped3A : memref<!tpu.dma_semaphore, #tpu.memory_space<semaphore_mem>>) {add = true}
        %dma_wait3A_119 = arith.constant 0 : i32
        %dma_wait3A_120 = tpu.memref_slice %arg8[%mul3A_85, %dma_wait3A_119] : memref<16x128xi32, #tpu.memory_space<vmem>> -> memref<1x128xi32, #tpu.memory_space<vmem>>
        %dma_wait3A_121 = tpu.memref_squeeze %dma_wait3A_120 : memref<1x128xi32, #tpu.memory_space<vmem>> -> memref<128xi32, #tpu.memory_space<vmem>>
        %dma_wait3A_122 = arith.constant 0 : i32
        %dma_wait3A_123 = arith.constant 0 : i32
        %dma_wait3A_124 = tpu.memref_slice %arg11[%dma_wait3A_122, %dma_wait3A_123] : memref<10240x128xf32, #tpu.memory_space<vmem_shared>> -> memref<10240x128xf32, #tpu.memory_space<vmem_shared>>
        tpu.wait_indirect_dma semaphore(%run_scoped3A : memref<!tpu.dma_semaphore, #tpu.memory_space<semaphore_mem>>) src(%arg9 : memref<128x128xf32, #tpu.memory_space<vmem>>) dst(%dma_wait3A_124 : memref<10240x128xf32, #tpu.memory_space<vmem_shared>>)
        tpu.yield
      }) : () -> ()
      %add3A_91 = arith.constant 2 : i32
      %add3A_92 = arith.addi %add3A_83, %add3A_91 : i32
      %lt3A = arith.constant 80 : i32
      %lt3A_93 = arith.cmpi slt, %add3A_92, %lt3A : i32
      %convert_element_type3A = arith.extui %lt3A_93 : i1 to i32
      %cond3A = arith.constant 0 : i32
      %cond3A_94 = arith.cmpi ne, %convert_element_type3A, %cond3A : i32
      scf.if %cond3A_94 {
        %add3A_113 = arith.constant 2 : i32
        %add3A_114 = arith.addi %add3A_83, %add3A_113 : i32
        %dma_start3A_115 = arith.constant 0 : i32
        %dma_start3A_116 = tpu.memref_slice %arg6[%add3A_114, %dma_start3A_115] : memref<80x128xi32, #tpu.memory_space<vmem>> -> memref<1x128xi32, #tpu.memory_space<vmem>>
        %dma_start3A_117 = tpu.memref_squeeze %dma_start3A_116 : memref<1x128xi32, #tpu.memory_space<vmem>> -> memref<128xi32, #tpu.memory_space<vmem>>
        %dma_start3A_118 = arith.constant 0 : i32
        %dma_start3A_119 = arith.constant 0 : i32
        %dma_start3A_120 = tpu.memref_slice %arg4[%dma_start3A_118, %dma_start3A_119] : memref<10240x128xf32, #tpu.memory_space<hbm>> -> memref<10240x128xf32, #tpu.memory_space<hbm>>
        tpu.enqueue_indirect_dma source(%dma_start3A_120 : memref<10240x128xf32, #tpu.memory_space<hbm>>) target(%arg9 : memref<128x128xf32, #tpu.memory_space<vmem>>) offsets(%dma_start3A_117 : memref<128xi32, #tpu.memory_space<vmem>>) semaphore(%arg12 : memref<!tpu.dma_semaphore, #tpu.memory_space<semaphore_mem>>)
      } else {
      }
      %add3A_95 = arith.constant 1 : i32
      %add3A_96 = arith.addi %add3A_83, %add3A_95 : i32
      %dma_wait3A_97 = arith.constant 0 : i32
      %dma_wait3A_98 = tpu.memref_slice %arg6[%add3A_96, %dma_wait3A_97] : memref<80x128xi32, #tpu.memory_space<vmem>> -> memref<1x128xi32, #tpu.memory_space<vmem>>
      %dma_wait3A_99 = tpu.memref_squeeze %dma_wait3A_98 : memref<1x128xi32, #tpu.memory_space<vmem>> -> memref<128xi32, #tpu.memory_space<vmem>>
      %dma_wait3A_100 = arith.constant 0 : i32
      %dma_wait3A_101 = arith.constant 0 : i32
      %dma_wait3A_102 = tpu.memref_slice %arg4[%dma_wait3A_100, %dma_wait3A_101] : memref<10240x128xf32, #tpu.memory_space<hbm>> -> memref<10240x128xf32, #tpu.memory_space<hbm>>
      tpu.wait_indirect_dma semaphore(%arg13 : memref<!tpu.dma_semaphore, #tpu.memory_space<semaphore_mem>>) src(%dma_wait3A_102 : memref<10240x128xf32, #tpu.memory_space<hbm>>) dst(%arg10 : memref<128x128xf32, #tpu.memory_space<vmem>>)
      %add3A_103 = arith.constant 1 : i32
      %add3A_104 = arith.addi %mul3A_85, %add3A_103 : i32
      "tpu.region"() ({
        %run_scoped3A = tpu.sem_alloc : memref<!tpu.dma_semaphore, #tpu.memory_space<semaphore_mem>>
        %dma_start3A_113 = arith.constant 0 : i32
        %dma_start3A_114 = tpu.memref_slice %arg8[%add3A_104, %dma_start3A_113] : memref<16x128xi32, #tpu.memory_space<vmem>> -> memref<1x128xi32, #tpu.memory_space<vmem>>
        %dma_start3A_115 = tpu.memref_squeeze %dma_start3A_114 : memref<1x128xi32, #tpu.memory_space<vmem>> -> memref<128xi32, #tpu.memory_space<vmem>>
        %dma_start3A_116 = arith.constant 0 : i32
        %dma_start3A_117 = arith.constant 0 : i32
        %dma_start3A_118 = tpu.memref_slice %arg11[%dma_start3A_116, %dma_start3A_117] : memref<10240x128xf32, #tpu.memory_space<vmem_shared>> -> memref<10240x128xf32, #tpu.memory_space<vmem_shared>>
        tpu.enqueue_indirect_dma source(%arg10 : memref<128x128xf32, #tpu.memory_space<vmem>>) target(%dma_start3A_118 : memref<10240x128xf32, #tpu.memory_space<vmem_shared>>) offsets(%dma_start3A_115 : memref<128xi32, #tpu.memory_space<vmem>>) semaphore(%run_scoped3A : memref<!tpu.dma_semaphore, #tpu.memory_space<semaphore_mem>>) {add = true}
        %dma_wait3A_119 = arith.constant 0 : i32
        %dma_wait3A_120 = tpu.memref_slice %arg8[%add3A_104, %dma_wait3A_119] : memref<16x128xi32, #tpu.memory_space<vmem>> -> memref<1x128xi32, #tpu.memory_space<vmem>>
        %dma_wait3A_121 = tpu.memref_squeeze %dma_wait3A_120 : memref<1x128xi32, #tpu.memory_space<vmem>> -> memref<128xi32, #tpu.memory_space<vmem>>
        %dma_wait3A_122 = arith.constant 0 : i32
        %dma_wait3A_123 = arith.constant 0 : i32
        %dma_wait3A_124 = tpu.memref_slice %arg11[%dma_wait3A_122, %dma_wait3A_123] : memref<10240x128xf32, #tpu.memory_space<vmem_shared>> -> memref<10240x128xf32, #tpu.memory_space<vmem_shared>>
        tpu.wait_indirect_dma semaphore(%run_scoped3A : memref<!tpu.dma_semaphore, #tpu.memory_space<semaphore_mem>>) src(%arg10 : memref<128x128xf32, #tpu.memory_space<vmem>>) dst(%dma_wait3A_124 : memref<10240x128xf32, #tpu.memory_space<vmem_shared>>)
        tpu.yield
      }) : () -> ()
      %add3A_105 = arith.constant 3 : i32
      %add3A_106 = arith.addi %add3A_83, %add3A_105 : i32
      %lt3A_107 = arith.constant 80 : i32
      %lt3A_108 = arith.cmpi slt, %add3A_106, %lt3A_107 : i32
      %convert_element_type3A_109 = arith.extui %lt3A_108 : i1 to i32
      %cond3A_110 = arith.constant 0 : i32
      %cond3A_111 = arith.cmpi ne, %convert_element_type3A_109, %cond3A_110 : i32
      scf.if %cond3A_111 {
        %add3A_113 = arith.constant 3 : i32
        %add3A_114 = arith.addi %add3A_83, %add3A_113 : i32
        %dma_start3A_115 = arith.constant 0 : i32
        %dma_start3A_116 = tpu.memref_slice %arg6[%add3A_114, %dma_start3A_115] : memref<80x128xi32, #tpu.memory_space<vmem>> -> memref<1x128xi32, #tpu.memory_space<vmem>>
        %dma_start3A_117 = tpu.memref_squeeze %dma_start3A_116 : memref<1x128xi32, #tpu.memory_space<vmem>> -> memref<128xi32, #tpu.memory_space<vmem>>
        %dma_start3A_118 = arith.constant 0 : i32
        %dma_start3A_119 = arith.constant 0 : i32
        %dma_start3A_120 = tpu.memref_slice %arg4[%dma_start3A_118, %dma_start3A_119] : memref<10240x128xf32, #tpu.memory_space<hbm>> -> memref<10240x128xf32, #tpu.memory_space<hbm>>
        tpu.enqueue_indirect_dma source(%dma_start3A_120 : memref<10240x128xf32, #tpu.memory_space<hbm>>) target(%arg10 : memref<128x128xf32, #tpu.memory_space<vmem>>) offsets(%dma_start3A_117 : memref<128xi32, #tpu.memory_space<vmem>>) semaphore(%arg13 : memref<!tpu.dma_semaphore, #tpu.memory_space<semaphore_mem>>)
      } else {
      }
      %scan3A_112 = arith.constant 0 : i32
      scf.yield %scan3A_112 : i32
    }
    %scan3A_51 = arith.constant 8 : i32
    "tpu.region"() ({
      %run_scoped3A = tpu.sem_alloc : memref<!tpu.dma_semaphore, #tpu.memory_space<semaphore_mem>>
      %dma_start3A_78 = arith.constant 0 : i32
      %dma_start3A_79 = arith.constant 0 : i32
      %dma_start3A_80 = tpu.memref_slice %arg3[%arg0, %arg1, %dma_start3A_78, %dma_start3A_79] : memref<2x16x80x128xi32, #tpu.memory_space<hbm>> -> memref<1x1x80x128xi32, #tpu.memory_space<hbm>>
      %dma_start3A_81 = tpu.memref_squeeze %dma_start3A_80 : memref<1x1x80x128xi32, #tpu.memory_space<hbm>> -> memref<80x128xi32, #tpu.memory_space<hbm>>
      %dma_start3A_82 = arith.constant 32 : i32
      %dma_start3A_83 = arith.constant 0 : i32
      %dma_start3A_84 = tpu.memref_slice %dma_start3A_81[%dma_start3A_82, %dma_start3A_83] : memref<80x128xi32, #tpu.memory_space<hbm>> -> memref<16x128xi32, #tpu.memory_space<hbm>>
      %dma_start3A_85 = arith.constant 0 : i32
      %dma_start3A_86 = arith.constant 0 : i32
      %dma_start3A_87 = tpu.memref_slice %arg3[%arg0, %arg1, %dma_start3A_85, %dma_start3A_86] : memref<2x16x80x128xi32, #tpu.memory_space<hbm>> -> memref<1x1x80x128xi32, #tpu.memory_space<hbm>>
      %dma_start3A_88 = tpu.memref_squeeze %dma_start3A_87 : memref<1x1x80x128xi32, #tpu.memory_space<hbm>> -> memref<80x128xi32, #tpu.memory_space<hbm>>
      %dma_start3A_89 = arith.constant 32 : i32
      %dma_start3A_90 = arith.constant 0 : i32
      %dma_start3A_91 = tpu.memref_slice %dma_start3A_88[%dma_start3A_89, %dma_start3A_90] : memref<80x128xi32, #tpu.memory_space<hbm>> -> memref<16x128xi32, #tpu.memory_space<hbm>>
      tpu.enqueue_dma source(%dma_start3A_91 : memref<16x128xi32, #tpu.memory_space<hbm>>) target(%arg7 : memref<16x128xi32, #tpu.memory_space<vmem>>) target_semaphore(%run_scoped3A : memref<!tpu.dma_semaphore, #tpu.memory_space<semaphore_mem>>)
      %dma_wait3A = arith.constant 0 : i32
      %dma_wait3A_92 = arith.constant 0 : i32
      %dma_wait3A_93 = tpu.memref_slice %arg3[%arg0, %arg1, %dma_wait3A, %dma_wait3A_92] : memref<2x16x80x128xi32, #tpu.memory_space<hbm>> -> memref<1x1x80x128xi32, #tpu.memory_space<hbm>>
      %dma_wait3A_94 = tpu.memref_squeeze %dma_wait3A_93 : memref<1x1x80x128xi32, #tpu.memory_space<hbm>> -> memref<80x128xi32, #tpu.memory_space<hbm>>
      %dma_wait3A_95 = arith.constant 32 : i32
      %dma_wait3A_96 = arith.constant 0 : i32
      %dma_wait3A_97 = tpu.memref_slice %dma_wait3A_94[%dma_wait3A_95, %dma_wait3A_96] : memref<80x128xi32, #tpu.memory_space<hbm>> -> memref<16x128xi32, #tpu.memory_space<hbm>>
      %dma_wait3A_98 = arith.constant 0 : i32
      %dma_wait3A_99 = arith.constant 0 : i32
      %dma_wait3A_100 = tpu.memref_slice %arg3[%arg0, %arg1, %dma_wait3A_98, %dma_wait3A_99] : memref<2x16x80x128xi32, #tpu.memory_space<hbm>> -> memref<1x1x80x128xi32, #tpu.memory_space<hbm>>
      %dma_wait3A_101 = tpu.memref_squeeze %dma_wait3A_100 : memref<1x1x80x128xi32, #tpu.memory_space<hbm>> -> memref<80x128xi32, #tpu.memory_space<hbm>>
      %dma_wait3A_102 = arith.constant 32 : i32
      %dma_wait3A_103 = arith.constant 0 : i32
      %dma_wait3A_104 = tpu.memref_slice %dma_wait3A_101[%dma_wait3A_102, %dma_wait3A_103] : memref<80x128xi32, #tpu.memory_space<hbm>> -> memref<16x128xi32, #tpu.memory_space<hbm>>
      tpu.wait_dma2 semaphore(%run_scoped3A : memref<!tpu.dma_semaphore, #tpu.memory_space<semaphore_mem>>) src(%dma_wait3A_104 : memref<16x128xi32, #tpu.memory_space<hbm>>) dst(%arg7 : memref<16x128xi32, #tpu.memory_space<vmem>>)
      tpu.yield
    }) : () -> ()
    %scan3A_52 = arith.constant 0 : i32
    %scan3A_53 = arith.constant 0 : i32
    %scan3A_54 = arith.constant 8 : i32
    %scan3A_55 = arith.addi %scan3A_53, %scan3A_54 : i32
    %scan3A_56 = arith.constant 1 : i32
    %scan3A_57 = scf.for %scan3A_78 = %scan3A_53 to %scan3A_55 step %scan3A_56 iter_args(%scan3A_79 = %scan3A_52) -> (i32)  : i32 {
      %mul3A_80 = arith.constant 2 : i32
      %mul3A_81 = arith.muli %mul3A_80, %scan3A_78 : i32
      %add3A_82 = arith.constant 32 : i32
      %add3A_83 = arith.addi %add3A_82, %mul3A_81 : i32
      %mul3A_84 = arith.constant 2 : i32
      %mul3A_85 = arith.muli %mul3A_84, %scan3A_78 : i32
      %dma_wait3A = arith.constant 0 : i32
      %dma_wait3A_86 = tpu.memref_slice %arg6[%add3A_83, %dma_wait3A] : memref<80x128xi32, #tpu.memory_space<vmem>> -> memref<1x128xi32, #tpu.memory_space<vmem>>
      %dma_wait3A_87 = tpu.memref_squeeze %dma_wait3A_86 : memref<1x128xi32, #tpu.memory_space<vmem>> -> memref<128xi32, #tpu.memory_space<vmem>>
      %dma_wait3A_88 = arith.constant 0 : i32
      %dma_wait3A_89 = arith.constant 0 : i32
      %dma_wait3A_90 = tpu.memref_slice %arg4[%dma_wait3A_88, %dma_wait3A_89] : memref<10240x128xf32, #tpu.memory_space<hbm>> -> memref<10240x128xf32, #tpu.memory_space<hbm>>
      tpu.wait_indirect_dma semaphore(%arg12 : memref<!tpu.dma_semaphore, #tpu.memory_space<semaphore_mem>>) src(%dma_wait3A_90 : memref<10240x128xf32, #tpu.memory_space<hbm>>) dst(%arg9 : memref<128x128xf32, #tpu.memory_space<vmem>>)
      "tpu.region"() ({
        %run_scoped3A = tpu.sem_alloc : memref<!tpu.dma_semaphore, #tpu.memory_space<semaphore_mem>>
        %dma_start3A_113 = arith.constant 0 : i32
        %dma_start3A_114 = tpu.memref_slice %arg7[%mul3A_85, %dma_start3A_113] : memref<16x128xi32, #tpu.memory_space<vmem>> -> memref<1x128xi32, #tpu.memory_space<vmem>>
        %dma_start3A_115 = tpu.memref_squeeze %dma_start3A_114 : memref<1x128xi32, #tpu.memory_space<vmem>> -> memref<128xi32, #tpu.memory_space<vmem>>
        %dma_start3A_116 = arith.constant 0 : i32
        %dma_start3A_117 = arith.constant 0 : i32
        %dma_start3A_118 = tpu.memref_slice %arg11[%dma_start3A_116, %dma_start3A_117] : memref<10240x128xf32, #tpu.memory_space<vmem_shared>> -> memref<10240x128xf32, #tpu.memory_space<vmem_shared>>
        tpu.enqueue_indirect_dma source(%arg9 : memref<128x128xf32, #tpu.memory_space<vmem>>) target(%dma_start3A_118 : memref<10240x128xf32, #tpu.memory_space<vmem_shared>>) offsets(%dma_start3A_115 : memref<128xi32, #tpu.memory_space<vmem>>) semaphore(%run_scoped3A : memref<!tpu.dma_semaphore, #tpu.memory_space<semaphore_mem>>) {add = true}
        %dma_wait3A_119 = arith.constant 0 : i32
        %dma_wait3A_120 = tpu.memref_slice %arg7[%mul3A_85, %dma_wait3A_119] : memref<16x128xi32, #tpu.memory_space<vmem>> -> memref<1x128xi32, #tpu.memory_space<vmem>>
        %dma_wait3A_121 = tpu.memref_squeeze %dma_wait3A_120 : memref<1x128xi32, #tpu.memory_space<vmem>> -> memref<128xi32, #tpu.memory_space<vmem>>
        %dma_wait3A_122 = arith.constant 0 : i32
        %dma_wait3A_123 = arith.constant 0 : i32
        %dma_wait3A_124 = tpu.memref_slice %arg11[%dma_wait3A_122, %dma_wait3A_123] : memref<10240x128xf32, #tpu.memory_space<vmem_shared>> -> memref<10240x128xf32, #tpu.memory_space<vmem_shared>>
        tpu.wait_indirect_dma semaphore(%run_scoped3A : memref<!tpu.dma_semaphore, #tpu.memory_space<semaphore_mem>>) src(%arg9 : memref<128x128xf32, #tpu.memory_space<vmem>>) dst(%dma_wait3A_124 : memref<10240x128xf32, #tpu.memory_space<vmem_shared>>)
        tpu.yield
      }) : () -> ()
      %add3A_91 = arith.constant 2 : i32
      %add3A_92 = arith.addi %add3A_83, %add3A_91 : i32
      %lt3A = arith.constant 80 : i32
      %lt3A_93 = arith.cmpi slt, %add3A_92, %lt3A : i32
      %convert_element_type3A = arith.extui %lt3A_93 : i1 to i32
      %cond3A = arith.constant 0 : i32
      %cond3A_94 = arith.cmpi ne, %convert_element_type3A, %cond3A : i32
      scf.if %cond3A_94 {
        %add3A_113 = arith.constant 2 : i32
        %add3A_114 = arith.addi %add3A_83, %add3A_113 : i32
        %dma_start3A_115 = arith.constant 0 : i32
        %dma_start3A_116 = tpu.memref_slice %arg6[%add3A_114, %dma_start3A_115] : memref<80x128xi32, #tpu.memory_space<vmem>> -> memref<1x128xi32, #tpu.memory_space<vmem>>
        %dma_start3A_117 = tpu.memref_squeeze %dma_start3A_116 : memref<1x128xi32, #tpu.memory_space<vmem>> -> memref<128xi32, #tpu.memory_space<vmem>>
        %dma_start3A_118 = arith.constant 0 : i32
        %dma_start3A_119 = arith.constant 0 : i32
        %dma_start3A_120 = tpu.memref_slice %arg4[%dma_start3A_118, %dma_start3A_119] : memref<10240x128xf32, #tpu.memory_space<hbm>> -> memref<10240x128xf32, #tpu.memory_space<hbm>>
        tpu.enqueue_indirect_dma source(%dma_start3A_120 : memref<10240x128xf32, #tpu.memory_space<hbm>>) target(%arg9 : memref<128x128xf32, #tpu.memory_space<vmem>>) offsets(%dma_start3A_117 : memref<128xi32, #tpu.memory_space<vmem>>) semaphore(%arg12 : memref<!tpu.dma_semaphore, #tpu.memory_space<semaphore_mem>>)
      } else {
      }
      %add3A_95 = arith.constant 1 : i32
      %add3A_96 = arith.addi %add3A_83, %add3A_95 : i32
      %dma_wait3A_97 = arith.constant 0 : i32
      %dma_wait3A_98 = tpu.memref_slice %arg6[%add3A_96, %dma_wait3A_97] : memref<80x128xi32, #tpu.memory_space<vmem>> -> memref<1x128xi32, #tpu.memory_space<vmem>>
      %dma_wait3A_99 = tpu.memref_squeeze %dma_wait3A_98 : memref<1x128xi32, #tpu.memory_space<vmem>> -> memref<128xi32, #tpu.memory_space<vmem>>
      %dma_wait3A_100 = arith.constant 0 : i32
      %dma_wait3A_101 = arith.constant 0 : i32
      %dma_wait3A_102 = tpu.memref_slice %arg4[%dma_wait3A_100, %dma_wait3A_101] : memref<10240x128xf32, #tpu.memory_space<hbm>> -> memref<10240x128xf32, #tpu.memory_space<hbm>>
      tpu.wait_indirect_dma semaphore(%arg13 : memref<!tpu.dma_semaphore, #tpu.memory_space<semaphore_mem>>) src(%dma_wait3A_102 : memref<10240x128xf32, #tpu.memory_space<hbm>>) dst(%arg10 : memref<128x128xf32, #tpu.memory_space<vmem>>)
      %add3A_103 = arith.constant 1 : i32
      %add3A_104 = arith.addi %mul3A_85, %add3A_103 : i32
      "tpu.region"() ({
        %run_scoped3A = tpu.sem_alloc : memref<!tpu.dma_semaphore, #tpu.memory_space<semaphore_mem>>
        %dma_start3A_113 = arith.constant 0 : i32
        %dma_start3A_114 = tpu.memref_slice %arg7[%add3A_104, %dma_start3A_113] : memref<16x128xi32, #tpu.memory_space<vmem>> -> memref<1x128xi32, #tpu.memory_space<vmem>>
        %dma_start3A_115 = tpu.memref_squeeze %dma_start3A_114 : memref<1x128xi32, #tpu.memory_space<vmem>> -> memref<128xi32, #tpu.memory_space<vmem>>
        %dma_start3A_116 = arith.constant 0 : i32
        %dma_start3A_117 = arith.constant 0 : i32
        %dma_start3A_118 = tpu.memref_slice %arg11[%dma_start3A_116, %dma_start3A_117] : memref<10240x128xf32, #tpu.memory_space<vmem_shared>> -> memref<10240x128xf32, #tpu.memory_space<vmem_shared>>
        tpu.enqueue_indirect_dma source(%arg10 : memref<128x128xf32, #tpu.memory_space<vmem>>) target(%dma_start3A_118 : memref<10240x128xf32, #tpu.memory_space<vmem_shared>>) offsets(%dma_start3A_115 : memref<128xi32, #tpu.memory_space<vmem>>) semaphore(%run_scoped3A : memref<!tpu.dma_semaphore, #tpu.memory_space<semaphore_mem>>) {add = true}
        %dma_wait3A_119 = arith.constant 0 : i32
        %dma_wait3A_120 = tpu.memref_slice %arg7[%add3A_104, %dma_wait3A_119] : memref<16x128xi32, #tpu.memory_space<vmem>> -> memref<1x128xi32, #tpu.memory_space<vmem>>
        %dma_wait3A_121 = tpu.memref_squeeze %dma_wait3A_120 : memref<1x128xi32, #tpu.memory_space<vmem>> -> memref<128xi32, #tpu.memory_space<vmem>>
        %dma_wait3A_122 = arith.constant 0 : i32
        %dma_wait3A_123 = arith.constant 0 : i32
        %dma_wait3A_124 = tpu.memref_slice %arg11[%dma_wait3A_122, %dma_wait3A_123] : memref<10240x128xf32, #tpu.memory_space<vmem_shared>> -> memref<10240x128xf32, #tpu.memory_space<vmem_shared>>
        tpu.wait_indirect_dma semaphore(%run_scoped3A : memref<!tpu.dma_semaphore, #tpu.memory_space<semaphore_mem>>) src(%arg10 : memref<128x128xf32, #tpu.memory_space<vmem>>) dst(%dma_wait3A_124 : memref<10240x128xf32, #tpu.memory_space<vmem_shared>>)
        tpu.yield
      }) : () -> ()
      %add3A_105 = arith.constant 3 : i32
      %add3A_106 = arith.addi %add3A_83, %add3A_105 : i32
      %lt3A_107 = arith.constant 80 : i32
      %lt3A_108 = arith.cmpi slt, %add3A_106, %lt3A_107 : i32
      %convert_element_type3A_109 = arith.extui %lt3A_108 : i1 to i32
      %cond3A_110 = arith.constant 0 : i32
      %cond3A_111 = arith.cmpi ne, %convert_element_type3A_109, %cond3A_110 : i32
      scf.if %cond3A_111 {
        %add3A_113 = arith.constant 3 : i32
        %add3A_114 = arith.addi %add3A_83, %add3A_113 : i32
        %dma_start3A_115 = arith.constant 0 : i32
        %dma_start3A_116 = tpu.memref_slice %arg6[%add3A_114, %dma_start3A_115] : memref<80x128xi32, #tpu.memory_space<vmem>> -> memref<1x128xi32, #tpu.memory_space<vmem>>
        %dma_start3A_117 = tpu.memref_squeeze %dma_start3A_116 : memref<1x128xi32, #tpu.memory_space<vmem>> -> memref<128xi32, #tpu.memory_space<vmem>>
        %dma_start3A_118 = arith.constant 0 : i32
        %dma_start3A_119 = arith.constant 0 : i32
        %dma_start3A_120 = tpu.memref_slice %arg4[%dma_start3A_118, %dma_start3A_119] : memref<10240x128xf32, #tpu.memory_space<hbm>> -> memref<10240x128xf32, #tpu.memory_space<hbm>>
        tpu.enqueue_indirect_dma source(%dma_start3A_120 : memref<10240x128xf32, #tpu.memory_space<hbm>>) target(%arg10 : memref<128x128xf32, #tpu.memory_space<vmem>>) offsets(%dma_start3A_117 : memref<128xi32, #tpu.memory_space<vmem>>) semaphore(%arg13 : memref<!tpu.dma_semaphore, #tpu.memory_space<semaphore_mem>>)
      } else {
      }
      %scan3A_112 = arith.constant 0 : i32
      scf.yield %scan3A_112 : i32
    }
    %scan3A_58 = arith.constant 8 : i32
    "tpu.region"() ({
      %run_scoped3A = tpu.sem_alloc : memref<!tpu.dma_semaphore, #tpu.memory_space<semaphore_mem>>
      %dma_start3A_78 = arith.constant 0 : i32
      %dma_start3A_79 = arith.constant 0 : i32
      %dma_start3A_80 = tpu.memref_slice %arg3[%arg0, %arg1, %dma_start3A_78, %dma_start3A_79] : memref<2x16x80x128xi32, #tpu.memory_space<hbm>> -> memref<1x1x80x128xi32, #tpu.memory_space<hbm>>
      %dma_start3A_81 = tpu.memref_squeeze %dma_start3A_80 : memref<1x1x80x128xi32, #tpu.memory_space<hbm>> -> memref<80x128xi32, #tpu.memory_space<hbm>>
      %dma_start3A_82 = arith.constant 48 : i32
      %dma_start3A_83 = arith.constant 0 : i32
      %dma_start3A_84 = tpu.memref_slice %dma_start3A_81[%dma_start3A_82, %dma_start3A_83] : memref<80x128xi32, #tpu.memory_space<hbm>> -> memref<16x128xi32, #tpu.memory_space<hbm>>
      %dma_start3A_85 = arith.constant 0 : i32
      %dma_start3A_86 = arith.constant 0 : i32
      %dma_start3A_87 = tpu.memref_slice %arg3[%arg0, %arg1, %dma_start3A_85, %dma_start3A_86] : memref<2x16x80x128xi32, #tpu.memory_space<hbm>> -> memref<1x1x80x128xi32, #tpu.memory_space<hbm>>
      %dma_start3A_88 = tpu.memref_squeeze %dma_start3A_87 : memref<1x1x80x128xi32, #tpu.memory_space<hbm>> -> memref<80x128xi32, #tpu.memory_space<hbm>>
      %dma_start3A_89 = arith.constant 48 : i32
      %dma_start3A_90 = arith.constant 0 : i32
      %dma_start3A_91 = tpu.memref_slice %dma_start3A_88[%dma_start3A_89, %dma_start3A_90] : memref<80x128xi32, #tpu.memory_space<hbm>> -> memref<16x128xi32, #tpu.memory_space<hbm>>
      tpu.enqueue_dma source(%dma_start3A_91 : memref<16x128xi32, #tpu.memory_space<hbm>>) target(%arg8 : memref<16x128xi32, #tpu.memory_space<vmem>>) target_semaphore(%run_scoped3A : memref<!tpu.dma_semaphore, #tpu.memory_space<semaphore_mem>>)
      %dma_wait3A = arith.constant 0 : i32
      %dma_wait3A_92 = arith.constant 0 : i32
      %dma_wait3A_93 = tpu.memref_slice %arg3[%arg0, %arg1, %dma_wait3A, %dma_wait3A_92] : memref<2x16x80x128xi32, #tpu.memory_space<hbm>> -> memref<1x1x80x128xi32, #tpu.memory_space<hbm>>
      %dma_wait3A_94 = tpu.memref_squeeze %dma_wait3A_93 : memref<1x1x80x128xi32, #tpu.memory_space<hbm>> -> memref<80x128xi32, #tpu.memory_space<hbm>>
      %dma_wait3A_95 = arith.constant 48 : i32
      %dma_wait3A_96 = arith.constant 0 : i32
      %dma_wait3A_97 = tpu.memref_slice %dma_wait3A_94[%dma_wait3A_95, %dma_wait3A_96] : memref<80x128xi32, #tpu.memory_space<hbm>> -> memref<16x128xi32, #tpu.memory_space<hbm>>
      %dma_wait3A_98 = arith.constant 0 : i32
      %dma_wait3A_99 = arith.constant 0 : i32
      %dma_wait3A_100 = tpu.memref_slice %arg3[%arg0, %arg1, %dma_wait3A_98, %dma_wait3A_99] : memref<2x16x80x128xi32, #tpu.memory_space<hbm>> -> memref<1x1x80x128xi32, #tpu.memory_space<hbm>>
      %dma_wait3A_101 = tpu.memref_squeeze %dma_wait3A_100 : memref<1x1x80x128xi32, #tpu.memory_space<hbm>> -> memref<80x128xi32, #tpu.memory_space<hbm>>
      %dma_wait3A_102 = arith.constant 48 : i32
      %dma_wait3A_103 = arith.constant 0 : i32
      %dma_wait3A_104 = tpu.memref_slice %dma_wait3A_101[%dma_wait3A_102, %dma_wait3A_103] : memref<80x128xi32, #tpu.memory_space<hbm>> -> memref<16x128xi32, #tpu.memory_space<hbm>>
      tpu.wait_dma2 semaphore(%run_scoped3A : memref<!tpu.dma_semaphore, #tpu.memory_space<semaphore_mem>>) src(%dma_wait3A_104 : memref<16x128xi32, #tpu.memory_space<hbm>>) dst(%arg8 : memref<16x128xi32, #tpu.memory_space<vmem>>)
      tpu.yield
    }) : () -> ()
    %scan3A_59 = arith.constant 0 : i32
    %scan3A_60 = arith.constant 0 : i32
    %scan3A_61 = arith.constant 8 : i32
    %scan3A_62 = arith.addi %scan3A_60, %scan3A_61 : i32
    %scan3A_63 = arith.constant 1 : i32
    %scan3A_64 = scf.for %scan3A_78 = %scan3A_60 to %scan3A_62 step %scan3A_63 iter_args(%scan3A_79 = %scan3A_59) -> (i32)  : i32 {
      %mul3A_80 = arith.constant 2 : i32
      %mul3A_81 = arith.muli %mul3A_80, %scan3A_78 : i32
      %add3A_82 = arith.constant 48 : i32
      %add3A_83 = arith.addi %add3A_82, %mul3A_81 : i32
      %mul3A_84 = arith.constant 2 : i32
      %mul3A_85 = arith.muli %mul3A_84, %scan3A_78 : i32
      %dma_wait3A = arith.constant 0 : i32
      %dma_wait3A_86 = tpu.memref_slice %arg6[%add3A_83, %dma_wait3A] : memref<80x128xi32, #tpu.memory_space<vmem>> -> memref<1x128xi32, #tpu.memory_space<vmem>>
      %dma_wait3A_87 = tpu.memref_squeeze %dma_wait3A_86 : memref<1x128xi32, #tpu.memory_space<vmem>> -> memref<128xi32, #tpu.memory_space<vmem>>
      %dma_wait3A_88 = arith.constant 0 : i32
      %dma_wait3A_89 = arith.constant 0 : i32
      %dma_wait3A_90 = tpu.memref_slice %arg4[%dma_wait3A_88, %dma_wait3A_89] : memref<10240x128xf32, #tpu.memory_space<hbm>> -> memref<10240x128xf32, #tpu.memory_space<hbm>>
      tpu.wait_indirect_dma semaphore(%arg12 : memref<!tpu.dma_semaphore, #tpu.memory_space<semaphore_mem>>) src(%dma_wait3A_90 : memref<10240x128xf32, #tpu.memory_space<hbm>>) dst(%arg9 : memref<128x128xf32, #tpu.memory_space<vmem>>)
      "tpu.region"() ({
        %run_scoped3A = tpu.sem_alloc : memref<!tpu.dma_semaphore, #tpu.memory_space<semaphore_mem>>
        %dma_start3A_113 = arith.constant 0 : i32
        %dma_start3A_114 = tpu.memref_slice %arg8[%mul3A_85, %dma_start3A_113] : memref<16x128xi32, #tpu.memory_space<vmem>> -> memref<1x128xi32, #tpu.memory_space<vmem>>
        %dma_start3A_115 = tpu.memref_squeeze %dma_start3A_114 : memref<1x128xi32, #tpu.memory_space<vmem>> -> memref<128xi32, #tpu.memory_space<vmem>>
        %dma_start3A_116 = arith.constant 0 : i32
        %dma_start3A_117 = arith.constant 0 : i32
        %dma_start3A_118 = tpu.memref_slice %arg11[%dma_start3A_116, %dma_start3A_117] : memref<10240x128xf32, #tpu.memory_space<vmem_shared>> -> memref<10240x128xf32, #tpu.memory_space<vmem_shared>>
        tpu.enqueue_indirect_dma source(%arg9 : memref<128x128xf32, #tpu.memory_space<vmem>>) target(%dma_start3A_118 : memref<10240x128xf32, #tpu.memory_space<vmem_shared>>) offsets(%dma_start3A_115 : memref<128xi32, #tpu.memory_space<vmem>>) semaphore(%run_scoped3A : memref<!tpu.dma_semaphore, #tpu.memory_space<semaphore_mem>>) {add = true}
        %dma_wait3A_119 = arith.constant 0 : i32
        %dma_wait3A_120 = tpu.memref_slice %arg8[%mul3A_85, %dma_wait3A_119] : memref<16x128xi32, #tpu.memory_space<vmem>> -> memref<1x128xi32, #tpu.memory_space<vmem>>
        %dma_wait3A_121 = tpu.memref_squeeze %dma_wait3A_120 : memref<1x128xi32, #tpu.memory_space<vmem>> -> memref<128xi32, #tpu.memory_space<vmem>>
        %dma_wait3A_122 = arith.constant 0 : i32
        %dma_wait3A_123 = arith.constant 0 : i32
        %dma_wait3A_124 = tpu.memref_slice %arg11[%dma_wait3A_122, %dma_wait3A_123] : memref<10240x128xf32, #tpu.memory_space<vmem_shared>> -> memref<10240x128xf32, #tpu.memory_space<vmem_shared>>
        tpu.wait_indirect_dma semaphore(%run_scoped3A : memref<!tpu.dma_semaphore, #tpu.memory_space<semaphore_mem>>) src(%arg9 : memref<128x128xf32, #tpu.memory_space<vmem>>) dst(%dma_wait3A_124 : memref<10240x128xf32, #tpu.memory_space<vmem_shared>>)
        tpu.yield
      }) : () -> ()
      %add3A_91 = arith.constant 2 : i32
      %add3A_92 = arith.addi %add3A_83, %add3A_91 : i32
      %lt3A = arith.constant 80 : i32
      %lt3A_93 = arith.cmpi slt, %add3A_92, %lt3A : i32
      %convert_element_type3A = arith.extui %lt3A_93 : i1 to i32
      %cond3A = arith.constant 0 : i32
      %cond3A_94 = arith.cmpi ne, %convert_element_type3A, %cond3A : i32
      scf.if %cond3A_94 {
        %add3A_113 = arith.constant 2 : i32
        %add3A_114 = arith.addi %add3A_83, %add3A_113 : i32
        %dma_start3A_115 = arith.constant 0 : i32
        %dma_start3A_116 = tpu.memref_slice %arg6[%add3A_114, %dma_start3A_115] : memref<80x128xi32, #tpu.memory_space<vmem>> -> memref<1x128xi32, #tpu.memory_space<vmem>>
        %dma_start3A_117 = tpu.memref_squeeze %dma_start3A_116 : memref<1x128xi32, #tpu.memory_space<vmem>> -> memref<128xi32, #tpu.memory_space<vmem>>
        %dma_start3A_118 = arith.constant 0 : i32
        %dma_start3A_119 = arith.constant 0 : i32
        %dma_start3A_120 = tpu.memref_slice %arg4[%dma_start3A_118, %dma_start3A_119] : memref<10240x128xf32, #tpu.memory_space<hbm>> -> memref<10240x128xf32, #tpu.memory_space<hbm>>
        tpu.enqueue_indirect_dma source(%dma_start3A_120 : memref<10240x128xf32, #tpu.memory_space<hbm>>) target(%arg9 : memref<128x128xf32, #tpu.memory_space<vmem>>) offsets(%dma_start3A_117 : memref<128xi32, #tpu.memory_space<vmem>>) semaphore(%arg12 : memref<!tpu.dma_semaphore, #tpu.memory_space<semaphore_mem>>)
      } else {
      }
      %add3A_95 = arith.constant 1 : i32
      %add3A_96 = arith.addi %add3A_83, %add3A_95 : i32
      %dma_wait3A_97 = arith.constant 0 : i32
      %dma_wait3A_98 = tpu.memref_slice %arg6[%add3A_96, %dma_wait3A_97] : memref<80x128xi32, #tpu.memory_space<vmem>> -> memref<1x128xi32, #tpu.memory_space<vmem>>
      %dma_wait3A_99 = tpu.memref_squeeze %dma_wait3A_98 : memref<1x128xi32, #tpu.memory_space<vmem>> -> memref<128xi32, #tpu.memory_space<vmem>>
      %dma_wait3A_100 = arith.constant 0 : i32
      %dma_wait3A_101 = arith.constant 0 : i32
      %dma_wait3A_102 = tpu.memref_slice %arg4[%dma_wait3A_100, %dma_wait3A_101] : memref<10240x128xf32, #tpu.memory_space<hbm>> -> memref<10240x128xf32, #tpu.memory_space<hbm>>
      tpu.wait_indirect_dma semaphore(%arg13 : memref<!tpu.dma_semaphore, #tpu.memory_space<semaphore_mem>>) src(%dma_wait3A_102 : memref<10240x128xf32, #tpu.memory_space<hbm>>) dst(%arg10 : memref<128x128xf32, #tpu.memory_space<vmem>>)
      %add3A_103 = arith.constant 1 : i32
      %add3A_104 = arith.addi %mul3A_85, %add3A_103 : i32
      "tpu.region"() ({
        %run_scoped3A = tpu.sem_alloc : memref<!tpu.dma_semaphore, #tpu.memory_space<semaphore_mem>>
        %dma_start3A_113 = arith.constant 0 : i32
        %dma_start3A_114 = tpu.memref_slice %arg8[%add3A_104, %dma_start3A_113] : memref<16x128xi32, #tpu.memory_space<vmem>> -> memref<1x128xi32, #tpu.memory_space<vmem>>
        %dma_start3A_115 = tpu.memref_squeeze %dma_start3A_114 : memref<1x128xi32, #tpu.memory_space<vmem>> -> memref<128xi32, #tpu.memory_space<vmem>>
        %dma_start3A_116 = arith.constant 0 : i32
        %dma_start3A_117 = arith.constant 0 : i32
        %dma_start3A_118 = tpu.memref_slice %arg11[%dma_start3A_116, %dma_start3A_117] : memref<10240x128xf32, #tpu.memory_space<vmem_shared>> -> memref<10240x128xf32, #tpu.memory_space<vmem_shared>>
        tpu.enqueue_indirect_dma source(%arg10 : memref<128x128xf32, #tpu.memory_space<vmem>>) target(%dma_start3A_118 : memref<10240x128xf32, #tpu.memory_space<vmem_shared>>) offsets(%dma_start3A_115 : memref<128xi32, #tpu.memory_space<vmem>>) semaphore(%run_scoped3A : memref<!tpu.dma_semaphore, #tpu.memory_space<semaphore_mem>>) {add = true}
        %dma_wait3A_119 = arith.constant 0 : i32
        %dma_wait3A_120 = tpu.memref_slice %arg8[%add3A_104, %dma_wait3A_119] : memref<16x128xi32, #tpu.memory_space<vmem>> -> memref<1x128xi32, #tpu.memory_space<vmem>>
        %dma_wait3A_121 = tpu.memref_squeeze %dma_wait3A_120 : memref<1x128xi32, #tpu.memory_space<vmem>> -> memref<128xi32, #tpu.memory_space<vmem>>
        %dma_wait3A_122 = arith.constant 0 : i32
        %dma_wait3A_123 = arith.constant 0 : i32
        %dma_wait3A_124 = tpu.memref_slice %arg11[%dma_wait3A_122, %dma_wait3A_123] : memref<10240x128xf32, #tpu.memory_space<vmem_shared>> -> memref<10240x128xf32, #tpu.memory_space<vmem_shared>>
        tpu.wait_indirect_dma semaphore(%run_scoped3A : memref<!tpu.dma_semaphore, #tpu.memory_space<semaphore_mem>>) src(%arg10 : memref<128x128xf32, #tpu.memory_space<vmem>>) dst(%dma_wait3A_124 : memref<10240x128xf32, #tpu.memory_space<vmem_shared>>)
        tpu.yield
      }) : () -> ()
      %add3A_105 = arith.constant 3 : i32
      %add3A_106 = arith.addi %add3A_83, %add3A_105 : i32
      %lt3A_107 = arith.constant 80 : i32
      %lt3A_108 = arith.cmpi slt, %add3A_106, %lt3A_107 : i32
      %convert_element_type3A_109 = arith.extui %lt3A_108 : i1 to i32
      %cond3A_110 = arith.constant 0 : i32
      %cond3A_111 = arith.cmpi ne, %convert_element_type3A_109, %cond3A_110 : i32
      scf.if %cond3A_111 {
        %add3A_113 = arith.constant 3 : i32
        %add3A_114 = arith.addi %add3A_83, %add3A_113 : i32
        %dma_start3A_115 = arith.constant 0 : i32
        %dma_start3A_116 = tpu.memref_slice %arg6[%add3A_114, %dma_start3A_115] : memref<80x128xi32, #tpu.memory_space<vmem>> -> memref<1x128xi32, #tpu.memory_space<vmem>>
        %dma_start3A_117 = tpu.memref_squeeze %dma_start3A_116 : memref<1x128xi32, #tpu.memory_space<vmem>> -> memref<128xi32, #tpu.memory_space<vmem>>
        %dma_start3A_118 = arith.constant 0 : i32
        %dma_start3A_119 = arith.constant 0 : i32
        %dma_start3A_120 = tpu.memref_slice %arg4[%dma_start3A_118, %dma_start3A_119] : memref<10240x128xf32, #tpu.memory_space<hbm>> -> memref<10240x128xf32, #tpu.memory_space<hbm>>
        tpu.enqueue_indirect_dma source(%dma_start3A_120 : memref<10240x128xf32, #tpu.memory_space<hbm>>) target(%arg10 : memref<128x128xf32, #tpu.memory_space<vmem>>) offsets(%dma_start3A_117 : memref<128xi32, #tpu.memory_space<vmem>>) semaphore(%arg13 : memref<!tpu.dma_semaphore, #tpu.memory_space<semaphore_mem>>)
      } else {
      }
      %scan3A_112 = arith.constant 0 : i32
      scf.yield %scan3A_112 : i32
    }
    %scan3A_65 = arith.constant 8 : i32
    "tpu.region"() ({
      %run_scoped3A = tpu.sem_alloc : memref<!tpu.dma_semaphore, #tpu.memory_space<semaphore_mem>>
      %dma_start3A_78 = arith.constant 0 : i32
      %dma_start3A_79 = arith.constant 0 : i32
      %dma_start3A_80 = tpu.memref_slice %arg3[%arg0, %arg1, %dma_start3A_78, %dma_start3A_79] : memref<2x16x80x128xi32, #tpu.memory_space<hbm>> -> memref<1x1x80x128xi32, #tpu.memory_space<hbm>>
      %dma_start3A_81 = tpu.memref_squeeze %dma_start3A_80 : memref<1x1x80x128xi32, #tpu.memory_space<hbm>> -> memref<80x128xi32, #tpu.memory_space<hbm>>
      %dma_start3A_82 = arith.constant 64 : i32
      %dma_start3A_83 = arith.constant 0 : i32
      %dma_start3A_84 = tpu.memref_slice %dma_start3A_81[%dma_start3A_82, %dma_start3A_83] : memref<80x128xi32, #tpu.memory_space<hbm>> -> memref<16x128xi32, #tpu.memory_space<hbm>>
      %dma_start3A_85 = arith.constant 0 : i32
      %dma_start3A_86 = arith.constant 0 : i32
      %dma_start3A_87 = tpu.memref_slice %arg3[%arg0, %arg1, %dma_start3A_85, %dma_start3A_86] : memref<2x16x80x128xi32, #tpu.memory_space<hbm>> -> memref<1x1x80x128xi32, #tpu.memory_space<hbm>>
      %dma_start3A_88 = tpu.memref_squeeze %dma_start3A_87 : memref<1x1x80x128xi32, #tpu.memory_space<hbm>> -> memref<80x128xi32, #tpu.memory_space<hbm>>
      %dma_start3A_89 = arith.constant 64 : i32
      %dma_start3A_90 = arith.constant 0 : i32
      %dma_start3A_91 = tpu.memref_slice %dma_start3A_88[%dma_start3A_89, %dma_start3A_90] : memref<80x128xi32, #tpu.memory_space<hbm>> -> memref<16x128xi32, #tpu.memory_space<hbm>>
      tpu.enqueue_dma source(%dma_start3A_91 : memref<16x128xi32, #tpu.memory_space<hbm>>) target(%arg7 : memref<16x128xi32, #tpu.memory_space<vmem>>) target_semaphore(%run_scoped3A : memref<!tpu.dma_semaphore, #tpu.memory_space<semaphore_mem>>)
      %dma_wait3A = arith.constant 0 : i32
      %dma_wait3A_92 = arith.constant 0 : i32
      %dma_wait3A_93 = tpu.memref_slice %arg3[%arg0, %arg1, %dma_wait3A, %dma_wait3A_92] : memref<2x16x80x128xi32, #tpu.memory_space<hbm>> -> memref<1x1x80x128xi32, #tpu.memory_space<hbm>>
      %dma_wait3A_94 = tpu.memref_squeeze %dma_wait3A_93 : memref<1x1x80x128xi32, #tpu.memory_space<hbm>> -> memref<80x128xi32, #tpu.memory_space<hbm>>
      %dma_wait3A_95 = arith.constant 64 : i32
      %dma_wait3A_96 = arith.constant 0 : i32
      %dma_wait3A_97 = tpu.memref_slice %dma_wait3A_94[%dma_wait3A_95, %dma_wait3A_96] : memref<80x128xi32, #tpu.memory_space<hbm>> -> memref<16x128xi32, #tpu.memory_space<hbm>>
      %dma_wait3A_98 = arith.constant 0 : i32
      %dma_wait3A_99 = arith.constant 0 : i32
      %dma_wait3A_100 = tpu.memref_slice %arg3[%arg0, %arg1, %dma_wait3A_98, %dma_wait3A_99] : memref<2x16x80x128xi32, #tpu.memory_space<hbm>> -> memref<1x1x80x128xi32, #tpu.memory_space<hbm>>
      %dma_wait3A_101 = tpu.memref_squeeze %dma_wait3A_100 : memref<1x1x80x128xi32, #tpu.memory_space<hbm>> -> memref<80x128xi32, #tpu.memory_space<hbm>>
      %dma_wait3A_102 = arith.constant 64 : i32
      %dma_wait3A_103 = arith.constant 0 : i32
      %dma_wait3A_104 = tpu.memref_slice %dma_wait3A_101[%dma_wait3A_102, %dma_wait3A_103] : memref<80x128xi32, #tpu.memory_space<hbm>> -> memref<16x128xi32, #tpu.memory_space<hbm>>
      tpu.wait_dma2 semaphore(%run_scoped3A : memref<!tpu.dma_semaphore, #tpu.memory_space<semaphore_mem>>) src(%dma_wait3A_104 : memref<16x128xi32, #tpu.memory_space<hbm>>) dst(%arg7 : memref<16x128xi32, #tpu.memory_space<vmem>>)
      tpu.yield
    }) : () -> ()
    %scan3A_66 = arith.constant 0 : i32
    %scan3A_67 = arith.constant 0 : i32
    %scan3A_68 = arith.constant 8 : i32
    %scan3A_69 = arith.addi %scan3A_67, %scan3A_68 : i32
    %scan3A_70 = arith.constant 1 : i32
    %scan3A_71 = scf.for %scan3A_78 = %scan3A_67 to %scan3A_69 step %scan3A_70 iter_args(%scan3A_79 = %scan3A_66) -> (i32)  : i32 {
      %mul3A_80 = arith.constant 2 : i32
      %mul3A_81 = arith.muli %mul3A_80, %scan3A_78 : i32
      %add3A_82 = arith.constant 64 : i32
      %add3A_83 = arith.addi %add3A_82, %mul3A_81 : i32
      %mul3A_84 = arith.constant 2 : i32
      %mul3A_85 = arith.muli %mul3A_84, %scan3A_78 : i32
      %dma_wait3A = arith.constant 0 : i32
      %dma_wait3A_86 = tpu.memref_slice %arg6[%add3A_83, %dma_wait3A] : memref<80x128xi32, #tpu.memory_space<vmem>> -> memref<1x128xi32, #tpu.memory_space<vmem>>
      %dma_wait3A_87 = tpu.memref_squeeze %dma_wait3A_86 : memref<1x128xi32, #tpu.memory_space<vmem>> -> memref<128xi32, #tpu.memory_space<vmem>>
      %dma_wait3A_88 = arith.constant 0 : i32
      %dma_wait3A_89 = arith.constant 0 : i32
      %dma_wait3A_90 = tpu.memref_slice %arg4[%dma_wait3A_88, %dma_wait3A_89] : memref<10240x128xf32, #tpu.memory_space<hbm>> -> memref<10240x128xf32, #tpu.memory_space<hbm>>
      tpu.wait_indirect_dma semaphore(%arg12 : memref<!tpu.dma_semaphore, #tpu.memory_space<semaphore_mem>>) src(%dma_wait3A_90 : memref<10240x128xf32, #tpu.memory_space<hbm>>) dst(%arg9 : memref<128x128xf32, #tpu.memory_space<vmem>>)
      "tpu.region"() ({
        %run_scoped3A = tpu.sem_alloc : memref<!tpu.dma_semaphore, #tpu.memory_space<semaphore_mem>>
        %dma_start3A_113 = arith.constant 0 : i32
        %dma_start3A_114 = tpu.memref_slice %arg7[%mul3A_85, %dma_start3A_113] : memref<16x128xi32, #tpu.memory_space<vmem>> -> memref<1x128xi32, #tpu.memory_space<vmem>>
        %dma_start3A_115 = tpu.memref_squeeze %dma_start3A_114 : memref<1x128xi32, #tpu.memory_space<vmem>> -> memref<128xi32, #tpu.memory_space<vmem>>
        %dma_start3A_116 = arith.constant 0 : i32
        %dma_start3A_117 = arith.constant 0 : i32
        %dma_start3A_118 = tpu.memref_slice %arg11[%dma_start3A_116, %dma_start3A_117] : memref<10240x128xf32, #tpu.memory_space<vmem_shared>> -> memref<10240x128xf32, #tpu.memory_space<vmem_shared>>
        tpu.enqueue_indirect_dma source(%arg9 : memref<128x128xf32, #tpu.memory_space<vmem>>) target(%dma_start3A_118 : memref<10240x128xf32, #tpu.memory_space<vmem_shared>>) offsets(%dma_start3A_115 : memref<128xi32, #tpu.memory_space<vmem>>) semaphore(%run_scoped3A : memref<!tpu.dma_semaphore, #tpu.memory_space<semaphore_mem>>) {add = true}
        %dma_wait3A_119 = arith.constant 0 : i32
        %dma_wait3A_120 = tpu.memref_slice %arg7[%mul3A_85, %dma_wait3A_119] : memref<16x128xi32, #tpu.memory_space<vmem>> -> memref<1x128xi32, #tpu.memory_space<vmem>>
        %dma_wait3A_121 = tpu.memref_squeeze %dma_wait3A_120 : memref<1x128xi32, #tpu.memory_space<vmem>> -> memref<128xi32, #tpu.memory_space<vmem>>
        %dma_wait3A_122 = arith.constant 0 : i32
        %dma_wait3A_123 = arith.constant 0 : i32
        %dma_wait3A_124 = tpu.memref_slice %arg11[%dma_wait3A_122, %dma_wait3A_123] : memref<10240x128xf32, #tpu.memory_space<vmem_shared>> -> memref<10240x128xf32, #tpu.memory_space<vmem_shared>>
        tpu.wait_indirect_dma semaphore(%run_scoped3A : memref<!tpu.dma_semaphore, #tpu.memory_space<semaphore_mem>>) src(%arg9 : memref<128x128xf32, #tpu.memory_space<vmem>>) dst(%dma_wait3A_124 : memref<10240x128xf32, #tpu.memory_space<vmem_shared>>)
        tpu.yield
      }) : () -> ()
      %add3A_91 = arith.constant 2 : i32
      %add3A_92 = arith.addi %add3A_83, %add3A_91 : i32
      %lt3A = arith.constant 80 : i32
      %lt3A_93 = arith.cmpi slt, %add3A_92, %lt3A : i32
      %convert_element_type3A = arith.extui %lt3A_93 : i1 to i32
      %cond3A = arith.constant 0 : i32
      %cond3A_94 = arith.cmpi ne, %convert_element_type3A, %cond3A : i32
      scf.if %cond3A_94 {
        %add3A_113 = arith.constant 2 : i32
        %add3A_114 = arith.addi %add3A_83, %add3A_113 : i32
        %dma_start3A_115 = arith.constant 0 : i32
        %dma_start3A_116 = tpu.memref_slice %arg6[%add3A_114, %dma_start3A_115] : memref<80x128xi32, #tpu.memory_space<vmem>> -> memref<1x128xi32, #tpu.memory_space<vmem>>
        %dma_start3A_117 = tpu.memref_squeeze %dma_start3A_116 : memref<1x128xi32, #tpu.memory_space<vmem>> -> memref<128xi32, #tpu.memory_space<vmem>>
        %dma_start3A_118 = arith.constant 0 : i32
        %dma_start3A_119 = arith.constant 0 : i32
        %dma_start3A_120 = tpu.memref_slice %arg4[%dma_start3A_118, %dma_start3A_119] : memref<10240x128xf32, #tpu.memory_space<hbm>> -> memref<10240x128xf32, #tpu.memory_space<hbm>>
        tpu.enqueue_indirect_dma source(%dma_start3A_120 : memref<10240x128xf32, #tpu.memory_space<hbm>>) target(%arg9 : memref<128x128xf32, #tpu.memory_space<vmem>>) offsets(%dma_start3A_117 : memref<128xi32, #tpu.memory_space<vmem>>) semaphore(%arg12 : memref<!tpu.dma_semaphore, #tpu.memory_space<semaphore_mem>>)
      } else {
      }
      %add3A_95 = arith.constant 1 : i32
      %add3A_96 = arith.addi %add3A_83, %add3A_95 : i32
      %dma_wait3A_97 = arith.constant 0 : i32
      %dma_wait3A_98 = tpu.memref_slice %arg6[%add3A_96, %dma_wait3A_97] : memref<80x128xi32, #tpu.memory_space<vmem>> -> memref<1x128xi32, #tpu.memory_space<vmem>>
      %dma_wait3A_99 = tpu.memref_squeeze %dma_wait3A_98 : memref<1x128xi32, #tpu.memory_space<vmem>> -> memref<128xi32, #tpu.memory_space<vmem>>
      %dma_wait3A_100 = arith.constant 0 : i32
      %dma_wait3A_101 = arith.constant 0 : i32
      %dma_wait3A_102 = tpu.memref_slice %arg4[%dma_wait3A_100, %dma_wait3A_101] : memref<10240x128xf32, #tpu.memory_space<hbm>> -> memref<10240x128xf32, #tpu.memory_space<hbm>>
      tpu.wait_indirect_dma semaphore(%arg13 : memref<!tpu.dma_semaphore, #tpu.memory_space<semaphore_mem>>) src(%dma_wait3A_102 : memref<10240x128xf32, #tpu.memory_space<hbm>>) dst(%arg10 : memref<128x128xf32, #tpu.memory_space<vmem>>)
      %add3A_103 = arith.constant 1 : i32
      %add3A_104 = arith.addi %mul3A_85, %add3A_103 : i32
      "tpu.region"() ({
        %run_scoped3A = tpu.sem_alloc : memref<!tpu.dma_semaphore, #tpu.memory_space<semaphore_mem>>
        %dma_start3A_113 = arith.constant 0 : i32
        %dma_start3A_114 = tpu.memref_slice %arg7[%add3A_104, %dma_start3A_113] : memref<16x128xi32, #tpu.memory_space<vmem>> -> memref<1x128xi32, #tpu.memory_space<vmem>>
        %dma_start3A_115 = tpu.memref_squeeze %dma_start3A_114 : memref<1x128xi32, #tpu.memory_space<vmem>> -> memref<128xi32, #tpu.memory_space<vmem>>
        %dma_start3A_116 = arith.constant 0 : i32
        %dma_start3A_117 = arith.constant 0 : i32
        %dma_start3A_118 = tpu.memref_slice %arg11[%dma_start3A_116, %dma_start3A_117] : memref<10240x128xf32, #tpu.memory_space<vmem_shared>> -> memref<10240x128xf32, #tpu.memory_space<vmem_shared>>
        tpu.enqueue_indirect_dma source(%arg10 : memref<128x128xf32, #tpu.memory_space<vmem>>) target(%dma_start3A_118 : memref<10240x128xf32, #tpu.memory_space<vmem_shared>>) offsets(%dma_start3A_115 : memref<128xi32, #tpu.memory_space<vmem>>) semaphore(%run_scoped3A : memref<!tpu.dma_semaphore, #tpu.memory_space<semaphore_mem>>) {add = true}
        %dma_wait3A_119 = arith.constant 0 : i32
        %dma_wait3A_120 = tpu.memref_slice %arg7[%add3A_104, %dma_wait3A_119] : memref<16x128xi32, #tpu.memory_space<vmem>> -> memref<1x128xi32, #tpu.memory_space<vmem>>
        %dma_wait3A_121 = tpu.memref_squeeze %dma_wait3A_120 : memref<1x128xi32, #tpu.memory_space<vmem>> -> memref<128xi32, #tpu.memory_space<vmem>>
        %dma_wait3A_122 = arith.constant 0 : i32
        %dma_wait3A_123 = arith.constant 0 : i32
        %dma_wait3A_124 = tpu.memref_slice %arg11[%dma_wait3A_122, %dma_wait3A_123] : memref<10240x128xf32, #tpu.memory_space<vmem_shared>> -> memref<10240x128xf32, #tpu.memory_space<vmem_shared>>
        tpu.wait_indirect_dma semaphore(%run_scoped3A : memref<!tpu.dma_semaphore, #tpu.memory_space<semaphore_mem>>) src(%arg10 : memref<128x128xf32, #tpu.memory_space<vmem>>) dst(%dma_wait3A_124 : memref<10240x128xf32, #tpu.memory_space<vmem_shared>>)
        tpu.yield
      }) : () -> ()
      %add3A_105 = arith.constant 3 : i32
      %add3A_106 = arith.addi %add3A_83, %add3A_105 : i32
      %lt3A_107 = arith.constant 80 : i32
      %lt3A_108 = arith.cmpi slt, %add3A_106, %lt3A_107 : i32
      %convert_element_type3A_109 = arith.extui %lt3A_108 : i1 to i32
      %cond3A_110 = arith.constant 0 : i32
      %cond3A_111 = arith.cmpi ne, %convert_element_type3A_109, %cond3A_110 : i32
      scf.if %cond3A_111 {
        %add3A_113 = arith.constant 3 : i32
        %add3A_114 = arith.addi %add3A_83, %add3A_113 : i32
        %dma_start3A_115 = arith.constant 0 : i32
        %dma_start3A_116 = tpu.memref_slice %arg6[%add3A_114, %dma_start3A_115] : memref<80x128xi32, #tpu.memory_space<vmem>> -> memref<1x128xi32, #tpu.memory_space<vmem>>
        %dma_start3A_117 = tpu.memref_squeeze %dma_start3A_116 : memref<1x128xi32, #tpu.memory_space<vmem>> -> memref<128xi32, #tpu.memory_space<vmem>>
        %dma_start3A_118 = arith.constant 0 : i32
        %dma_start3A_119 = arith.constant 0 : i32
        %dma_start3A_120 = tpu.memref_slice %arg4[%dma_start3A_118, %dma_start3A_119] : memref<10240x128xf32, #tpu.memory_space<hbm>> -> memref<10240x128xf32, #tpu.memory_space<hbm>>
        tpu.enqueue_indirect_dma source(%dma_start3A_120 : memref<10240x128xf32, #tpu.memory_space<hbm>>) target(%arg10 : memref<128x128xf32, #tpu.memory_space<vmem>>) offsets(%dma_start3A_117 : memref<128xi32, #tpu.memory_space<vmem>>) semaphore(%arg13 : memref<!tpu.dma_semaphore, #tpu.memory_space<semaphore_mem>>)
      } else {
      }
      %scan3A_112 = arith.constant 0 : i32
      scf.yield %scan3A_112 : i32
    }
    %scan3A_72 = arith.constant 8 : i32
    %barrier3A_73 = arith.constant 0 : index
    tpu.barrier barrier_id(%barrier3A_73)
    %mul3A_74 = arith.constant 640 : i32
    %mul3A_75 = arith.muli %arg1, %mul3A_74 : i32
    %mul3A_76 = arith.constant 640 : i32
    %mul3A_77 = arith.muli %arg1, %mul3A_76 : i32
    "tpu.region"() ({
      %run_scoped3A = tpu.sem_alloc : memref<!tpu.dma_semaphore, #tpu.memory_space<semaphore_mem>>
      %dma_start3A_78 = arith.constant 0 : i32
      %dma_start3A_79 = arith.constant 0 : i32
      %dma_start3A_80 = tpu.memref_slice %arg5[%arg0, %dma_start3A_78, %dma_start3A_79] : memref<2x10240x128xf32, #tpu.memory_space<hbm>> -> memref<1x10240x128xf32, #tpu.memory_space<hbm>>
      %dma_start3A_81 = tpu.memref_squeeze %dma_start3A_80 : memref<1x10240x128xf32, #tpu.memory_space<hbm>> -> memref<10240x128xf32, #tpu.memory_space<hbm>>
      %dma_start3A_82 = arith.constant 0 : i32
      %dma_start3A_83 = tpu.memref_slice %dma_start3A_81[%mul3A_77, %dma_start3A_82] : memref<10240x128xf32, #tpu.memory_space<hbm>> -> memref<640x128xf32, #tpu.memory_space<hbm>>
      %dma_start3A_84 = arith.constant 0 : i32
      %dma_start3A_85 = tpu.memref_slice %arg11[%mul3A_75, %dma_start3A_84] : memref<10240x128xf32, #tpu.memory_space<vmem_shared>> -> memref<640x128xf32, #tpu.memory_space<vmem_shared>>
      tpu.enqueue_dma source(%dma_start3A_85 : memref<640x128xf32, #tpu.memory_space<vmem_shared>>) target(%dma_start3A_83 : memref<640x128xf32, #tpu.memory_space<hbm>>) target_semaphore(%run_scoped3A : memref<!tpu.dma_semaphore, #tpu.memory_space<semaphore_mem>>)
      %dma_wait3A = arith.constant 0 : i32
      %dma_wait3A_86 = arith.constant 0 : i32
      %dma_wait3A_87 = tpu.memref_slice %arg5[%arg0, %dma_wait3A, %dma_wait3A_86] : memref<2x10240x128xf32, #tpu.memory_space<hbm>> -> memref<1x10240x128xf32, #tpu.memory_space<hbm>>
      %dma_wait3A_88 = tpu.memref_squeeze %dma_wait3A_87 : memref<1x10240x128xf32, #tpu.memory_space<hbm>> -> memref<10240x128xf32, #tpu.memory_space<hbm>>
      %dma_wait3A_89 = arith.constant 0 : i32
      %dma_wait3A_90 = tpu.memref_slice %dma_wait3A_88[%mul3A_77, %dma_wait3A_89] : memref<10240x128xf32, #tpu.memory_space<hbm>> -> memref<640x128xf32, #tpu.memory_space<hbm>>
      %dma_wait3A_91 = arith.constant 0 : i32
      %dma_wait3A_92 = tpu.memref_slice %arg11[%mul3A_75, %dma_wait3A_91] : memref<10240x128xf32, #tpu.memory_space<vmem_shared>> -> memref<640x128xf32, #tpu.memory_space<vmem_shared>>
      tpu.wait_dma2 semaphore(%run_scoped3A : memref<!tpu.dma_semaphore, #tpu.memory_space<semaphore_mem>>) src(%dma_wait3A_92 : memref<640x128xf32, #tpu.memory_space<vmem_shared>>) dst(%dma_wait3A_90 : memref<640x128xf32, #tpu.memory_space<hbm>>)
      tpu.yield
    }) : () -> ()
    return
  }
}

module attributes {stable_mosaic.version = 14 : i64} {
  func.func @_scale_in_body(%arg0: i32, %arg1: memref<2x1024x128xf32, #tpu.memory_space<vmem>>, %arg2: memref<1024x128xf32, #tpu.memory_space<vmem>>, %arg3: memref<1024x128xf32, #tpu.memory_space<vmem>>, %arg4: memref<1024x1xf32, #tpu.memory_space<vmem>>) attributes {dimension_semantics = [#tpu.dimension_semantics<arbitrary>], iteration_bounds = array<i64: 10>, scalar_prefetch = 0 : i64, scratch_operands = 0 : i64, tpu.core_type = #tpu.core_type<tc>, window_params = [{transform_indices = @transform_0, window_bounds = array<i64: 2, 1024, 128>}, {transform_indices = @transform_1, window_bounds = array<i64: 1024, 128>}, {transform_indices = @transform_2, window_bounds = array<i64: 1024, 128>}, {transform_indices = @transform_3, window_bounds = array<i64: 1024, 1>}]} {
    %get3A = arith.constant 0 : index
    %get3A_0 = arith.constant 0 : index
    %get3A_1 = arith.constant 0 : index
    %get3A_2 = vector.load %arg1[%get3A, %get3A_0, %get3A_1] : memref<2x1024x128xf32, #tpu.memory_space<vmem>>, vector<1x1024x1xf32>
    %get3A_3 = vector.shape_cast %get3A_2 : vector<1x1024x1xf32> to vector<1024x1xf32>
    %get3A_4 = arith.constant 1 : index
    %get3A_5 = arith.constant 0 : index
    %get3A_6 = arith.constant 0 : index
    %get3A_7 = vector.load %arg1[%get3A_4, %get3A_5, %get3A_6] : memref<2x1024x128xf32, #tpu.memory_space<vmem>>, vector<1x1024x1xf32>
    %get3A_8 = vector.shape_cast %get3A_7 : vector<1x1024x1xf32> to vector<1024x1xf32>
    %add3A = arith.addf %get3A_3, %get3A_8 : vector<1024x1xf32>
    %add3A_9 = arith.constant 1.000000e+00 : f32
    %add3A_10 = vector.broadcast %add3A_9 : f32 to vector<1024x1xf32>
    %add3A_11 = arith.addf %add3A, %add3A_10 : vector<1024x1xf32>
    %swap3A = arith.constant 0 : index
    %swap3A_12 = arith.constant 0 : index
    %swap3A_13 = vector.load %arg4[%swap3A, %swap3A_12] : memref<1024x1xf32, #tpu.memory_space<vmem>>, vector<1024x1xf32>
    tpu.vector_store %arg4[%swap3A, %swap3A_12], %add3A_11 {strides = array<i32>} : memref<1024x1xf32, #tpu.memory_space<vmem>>, vector<1024x1xf32>,
    %get3A_14 = arith.constant 0 : index
    %get3A_15 = arith.constant 0 : index
    %get3A_16 = vector.load %arg2[%get3A_14, %get3A_15] : memref<1024x128xf32, #tpu.memory_space<vmem>>, vector<1024x128xf32>
    %rsqrt3A = math.rsqrt %add3A_11 : vector<1024x1xf32>
    %mul3A = vector.broadcast %rsqrt3A : vector<1024x1xf32> to vector<1024x128xf32>
    %mul3A_17 = arith.mulf %get3A_16, %mul3A : vector<1024x128xf32>
    %swap3A_18 = arith.constant 0 : index
    %swap3A_19 = arith.constant 0 : index
    %swap3A_20 = vector.load %arg3[%swap3A_18, %swap3A_19] : memref<1024x128xf32, #tpu.memory_space<vmem>>, vector<1024x128xf32>
    tpu.vector_store %arg3[%swap3A_18, %swap3A_19], %mul3A_17 {strides = array<i32>} : memref<1024x128xf32, #tpu.memory_space<vmem>>, vector<1024x128xf32>,
    return
  }
  func.func @transform_0(%arg0: i32) -> (i32, i32, i32) {
    %c0_i32 = arith.constant 0 : i32
    %c0_i32_0 = arith.constant 0 : i32
    %c0_i32_1 = arith.constant 0 : i32
    return %c0_i32, %arg0, %c0_i32_0 : i32, i32, i32
  }
  func.func @transform_1(%arg0: i32) -> (i32, i32) {
    %c0_i32 = arith.constant 0 : i32
    %c0_i32_0 = arith.constant 0 : i32
    return %arg0, %c0_i32 : i32, i32
  }
  func.func @transform_2(%arg0: i32) -> (i32, i32) {
    %c0_i32 = arith.constant 0 : i32
    %c0_i32_0 = arith.constant 0 : i32
    return %arg0, %c0_i32 : i32, i32
  }
  func.func @transform_3(%arg0: i32) -> (i32, i32) {
    %c0_i32 = arith.constant 0 : i32
    %c0_i32_0 = arith.constant 0 : i32
    return %arg0, %c0_i32 : i32, i32
  }
}

module attributes {stable_mosaic.version = 14 : i64} {
  func.func @_mid_body(%arg0: i32, %arg1: memref<1024x1xf32, #tpu.memory_space<vmem>>, %arg2: memref<1024x128xf32, #tpu.memory_space<vmem>>, %arg3: memref<2x1024x128xf32, #tpu.memory_space<vmem>>, %arg4: memref<1024x128xf32, #tpu.memory_space<vmem>>) attributes {dimension_semantics = [#tpu.dimension_semantics<arbitrary>], iteration_bounds = array<i64: 10>, scalar_prefetch = 0 : i64, scratch_operands = 0 : i64, tpu.core_type = #tpu.core_type<tc>, window_params = [{transform_indices = @transform_0, window_bounds = array<i64: 1024, 1>}, {transform_indices = @transform_1, window_bounds = array<i64: 1024, 128>}, {transform_indices = @transform_2, window_bounds = array<i64: 2, 1024, 128>}, {transform_indices = @transform_3, window_bounds = array<i64: 1024, 128>}]} {
    %get3A = arith.constant 0 : index
    %get3A_0 = arith.constant 0 : index
    %get3A_1 = vector.load %arg2[%get3A, %get3A_0] : memref<1024x128xf32, #tpu.memory_space<vmem>>, vector<1024x128xf32>
    %get3A_2 = arith.constant 0 : index
    %get3A_3 = arith.constant 0 : index
    %get3A_4 = arith.constant 0 : index
    %get3A_5 = vector.load %arg3[%get3A_2, %get3A_3, %get3A_4] : memref<2x1024x128xf32, #tpu.memory_space<vmem>>, vector<1x1024x128xf32>
    %get3A_6 = vector.shape_cast %get3A_5 : vector<1x1024x128xf32> to vector<1024x128xf32>
    %add3A = arith.addf %get3A_1, %get3A_6 : vector<1024x128xf32>
    %get3A_7 = arith.constant 1 : index
    %get3A_8 = arith.constant 0 : index
    %get3A_9 = arith.constant 0 : index
    %get3A_10 = vector.load %arg3[%get3A_7, %get3A_8, %get3A_9] : memref<2x1024x128xf32, #tpu.memory_space<vmem>>, vector<1x1024x128xf32>
    %get3A_11 = vector.shape_cast %get3A_10 : vector<1x1024x128xf32> to vector<1024x128xf32>
    %add3A_12 = arith.addf %add3A, %get3A_11 : vector<1024x128xf32>
    %get3A_13 = arith.constant 0 : index
    %get3A_14 = arith.constant 0 : index
    %get3A_15 = vector.load %arg1[%get3A_13, %get3A_14] : memref<1024x1xf32, #tpu.memory_space<vmem>>, vector<1024x1xf32>
    %div3A = vector.broadcast %get3A_15 : vector<1024x1xf32> to vector<1024x128xf32>
    %div3A_16 = arith.divf %add3A_12, %div3A : vector<1024x128xf32>
    %swap3A = arith.constant 0 : index
    %swap3A_17 = arith.constant 0 : index
    %swap3A_18 = vector.load %arg4[%swap3A, %swap3A_17] : memref<1024x128xf32, #tpu.memory_space<vmem>>, vector<1024x128xf32>
    tpu.vector_store %arg4[%swap3A, %swap3A_17], %div3A_16 {strides = array<i32>} : memref<1024x128xf32, #tpu.memory_space<vmem>>, vector<1024x128xf32>,
    return
  }
  func.func @transform_0(%arg0: i32) -> (i32, i32) {
    %c0_i32 = arith.constant 0 : i32
    %c0_i32_0 = arith.constant 0 : i32
    return %arg0, %c0_i32 : i32, i32
  }
  func.func @transform_1(%arg0: i32) -> (i32, i32) {
    %c0_i32 = arith.constant 0 : i32
    %c0_i32_0 = arith.constant 0 : i32
    return %arg0, %c0_i32 : i32, i32
  }
  func.func @transform_2(%arg0: i32) -> (i32, i32, i32) {
    %c0_i32 = arith.constant 0 : i32
    %c0_i32_0 = arith.constant 0 : i32
    %c0_i32_1 = arith.constant 0 : i32
    return %c0_i32, %arg0, %c0_i32_0 : i32, i32, i32
  }
  func.func @transform_3(%arg0: i32) -> (i32, i32) {
    %c0_i32 = arith.constant 0 : i32
    %c0_i32_0 = arith.constant 0 : i32
    return %arg0, %c0_i32 : i32, i32
  }
}

module attributes {stable_mosaic.version = 14 : i64} {
  func.func @_out_body(%arg0: i32, %arg1: memref<1000x1xf32, #tpu.memory_space<vmem>>, %arg2: memref<1000x128xf32, #tpu.memory_space<vmem>>, %arg3: memref<2x1000x128xf32, #tpu.memory_space<vmem>>, %arg4: memref<128x128xf32, #tpu.memory_space<vmem>>, %arg5: memref<1x128xf32, #tpu.memory_space<vmem>>, %arg6: memref<1000x128xf32, #tpu.memory_space<vmem>>) attributes {dimension_semantics = [#tpu.dimension_semantics<arbitrary>], iteration_bounds = array<i64: 10>, scalar_prefetch = 0 : i64, scratch_operands = 0 : i64, tpu.core_type = #tpu.core_type<tc>, window_params = [{transform_indices = @transform_0, window_bounds = array<i64: 1000, 1>}, {transform_indices = @transform_1, window_bounds = array<i64: 1000, 128>}, {transform_indices = @transform_2, window_bounds = array<i64: 2, 1000, 128>}, {pipeline_mode = #tpu.pipeline_mode<synchronous>, transform_indices = @transform_3, window_bounds = array<i64: 128, 128>}, {pipeline_mode = #tpu.pipeline_mode<synchronous>, transform_indices = @transform_4, window_bounds = array<i64: 1, 128>}, {transform_indices = @transform_5, window_bounds = array<i64: 1000, 128>}]} {
    %get3A = arith.constant 0 : index
    %get3A_0 = arith.constant 0 : index
    %get3A_1 = vector.load %arg2[%get3A, %get3A_0] : memref<1000x128xf32, #tpu.memory_space<vmem>>, vector<1000x128xf32>
    %get3A_2 = arith.constant 0 : index
    %get3A_3 = arith.constant 0 : index
    %get3A_4 = arith.constant 0 : index
    %get3A_5 = vector.load %arg3[%get3A_2, %get3A_3, %get3A_4] : memref<2x1000x128xf32, #tpu.memory_space<vmem>>, vector<1x1000x128xf32>
    %get3A_6 = vector.shape_cast %get3A_5 : vector<1x1000x128xf32> to vector<1000x128xf32>
    %add3A = arith.addf %get3A_1, %get3A_6 : vector<1000x128xf32>
    %get3A_7 = arith.constant 1 : index
    %get3A_8 = arith.constant 0 : index
    %get3A_9 = arith.constant 0 : index
    %get3A_10 = vector.load %arg3[%get3A_7, %get3A_8, %get3A_9] : memref<2x1000x128xf32, #tpu.memory_space<vmem>>, vector<1x1000x128xf32>
    %get3A_11 = vector.shape_cast %get3A_10 : vector<1x1000x128xf32> to vector<1000x128xf32>
    %add3A_12 = arith.addf %add3A, %get3A_11 : vector<1000x128xf32>
    %get3A_13 = arith.constant 0 : index
    %get3A_14 = arith.constant 0 : index
    %get3A_15 = vector.load %arg1[%get3A_13, %get3A_14] : memref<1000x1xf32, #tpu.memory_space<vmem>>, vector<1000x1xf32>
    %rsqrt3A = math.rsqrt %get3A_15 : vector<1000x1xf32>
    %mul3A = vector.broadcast %rsqrt3A : vector<1000x1xf32> to vector<1000x128xf32>
    %mul3A_16 = arith.mulf %add3A_12, %mul3A : vector<1000x128xf32>
    %get3A_17 = arith.constant 0 : index
    %get3A_18 = arith.constant 0 : index
    %get3A_19 = vector.load %arg4[%get3A_17, %get3A_18] : memref<128x128xf32, #tpu.memory_space<vmem>>, vector<128x128xf32>
    %dot_general3A = arith.constant dense<0.000000e+00> : vector<1000x128xf32>
    %dot_general3A_20 = tpu.matmul %mul3A_16, %get3A_19, %dot_general3A {dimension_numbers = #tpu.dot_dimension_numbers<[1], [1], [0], [0], [0, 0, 1, 0], [], []>, transpose_lhs_hint = false} : vector<1000x128xf32>, vector<128x128xf32>, vector<1000x128xf32> -> vector<1000x128xf32>
    %get3A_21 = arith.constant 0 : index
    %get3A_22 = arith.constant 0 : index
    %get3A_23 = vector.load %arg5[%get3A_21, %get3A_22] : memref<1x128xf32, #tpu.memory_space<vmem>>, vector<1x128xf32>
    %add3A_24 = vector.broadcast %get3A_23 : vector<1x128xf32> to vector<1000x128xf32>
    %add3A_25 = arith.addf %dot_general3A_20, %add3A_24 : vector<1000x128xf32>
    %swap3A = arith.constant 0 : index
    %swap3A_26 = arith.constant 0 : index
    %swap3A_27 = vector.load %arg6[%swap3A, %swap3A_26] : memref<1000x128xf32, #tpu.memory_space<vmem>>, vector<1000x128xf32>
    tpu.vector_store %arg6[%swap3A, %swap3A_26], %add3A_25 {strides = array<i32>} : memref<1000x128xf32, #tpu.memory_space<vmem>>, vector<1000x128xf32>,
    return
  }
  func.func @transform_0(%arg0: i32) -> (i32, i32) {
    %c0_i32 = arith.constant 0 : i32
    %c0_i32_0 = arith.constant 0 : i32
    return %arg0, %c0_i32 : i32, i32
  }
  func.func @transform_1(%arg0: i32) -> (i32, i32) {
    %c0_i32 = arith.constant 0 : i32
    %c0_i32_0 = arith.constant 0 : i32
    return %arg0, %c0_i32 : i32, i32
  }
  func.func @transform_2(%arg0: i32) -> (i32, i32, i32) {
    %c0_i32 = arith.constant 0 : i32
    %c0_i32_0 = arith.constant 0 : i32
    %c0_i32_1 = arith.constant 0 : i32
    return %c0_i32, %arg0, %c0_i32_0 : i32, i32, i32
  }
  func.func @transform_3(%arg0: i32) -> (i32, i32) {
    %c0_i32 = arith.constant 0 : i32
    %c0_i32_0 = arith.constant 0 : i32
    %c0_i32_1 = arith.constant 0 : i32
    return %c0_i32, %c0_i32_0 : i32, i32
  }
  func.func @transform_4(%arg0: i32) -> (i32, i32) {
    %c0_i32 = arith.constant 0 : i32
    %c0_i32_0 = arith.constant 0 : i32
    %c0_i32_1 = arith.constant 0 : i32
    return %c0_i32, %c0_i32_0 : i32, i32
  }
  func.func @transform_5(%arg0: i32) -> (i32, i32) {
    %c0_i32 = arith.constant 0 : i32
    %c0_i32_0 = arith.constant 0 : i32
    return %arg0, %c0_i32 : i32, i32
  }
}

</mosaic_0001>

<sc_bundles>
// kernel: kernel.11.cloned.1.call-start
scs
__scs_entry_jumppad:
0x0: {  	(pc) =	sbr.rel $0x88, $3  }
0x1: {  	(tag) =	ssettag $0x0;
	lr =	simm.s32 $0x1  }
0x2: {  	[smem:$0x3F9D] =	sst lr;
	_ =	strace $0xD0000000  }
0x3: {  	_ = 	snop  }
0x4: {  	_ = 	snop  }
0x5: {  	_ = 	snop  }
0x6: {  	_ = 	snop  }
0x7: {  	_ = 	snop  }
__scs_overlays_trampoline_lowered:
0x8: {  	[smem:$0x3FAC] =	sst s0  }
0x9: {  	[smem:$0x3FAD] =	sst s1  }
0xa: {  	[smem:$0x3FAE] =	sst s2  }
0xb: {  	[smem:$0x3FAF] =	sst s3  }
0xc: {  	[smem:$0x3FB0] =	sst s4  }
0xd: {  	[smem:$0x3FB1] =	sst s5  }
0xe: {  	[smem:$0x3FB2] =	sst s6  }
0xf: {  	[smem:$0x3FB3] =	sst s7  }
0x10: {  	[smem:$0x3FB4] =	sst s8  }
0x11: {  	[smem:$0x3FB5] =	sst s9;
	s0 =	simm.s32 @!p0 $0x0  }
0x12: {  	s1 =	sld [smem:$0x3F9B];
	s0 =	simm.s32 @p0 $0x1  }
0x13: {  	[smem:$0x3FB6] =	sst s0;
	s0 =	simm.s32 @!p1 $0x0  }
0x14: {  	s2 =	sld [smem:$0x3F9A];
	s0 =	simm.s32 @p1 $0x1  }
0x15: {  	[smem:$0x3FB7] =	sst s0;
	s0 =	simm.s32 @!p2 $0x0  }
0x16: {  	s3 =	sld [smem:$0x3FDB];
	s0 =	simm.s32 @p2 $0x1  }
0x17: {  	s4 =	simm.s32 $0x1BF5;
	[smem:$0x3FB9] =	sst s0  }
0x18: {  	s0 =	sld [smem:$0x3F9C];
	_ =	swait.ge [sflag:s4], $0x0  }
0x19: {  	s7 =	sld [smem:$0x3F9D]  }
0x1a: {  	s8 =	sadd.s32 $0xFFFFE003, lr  }
0x1b: {  	s9 =	sadd.s32 $0xFFFFFEF7, lr;
	s5 =	simm.s32 $0xFFFFFFFF;
	p2 =	slt.u32 s8, $0xFFFFF086  }
0x1c: {  	p1 =	slt.u32 s9, $0xF7A;
	s5 =	simm.s32 @!p2 $0x0  }
0x1d: {  	s5 =	simm.s32 @p1 $0x1;
	p0 =	seq.s32 s7, s2  }
0x1e: {  	s7 =	smul.u32 @!p0 $0xF7A, s2;
	p2 =	seq.s32 @!p0 s5, $0x0  }
0x1f: {  	s9 =	smul.u32 $0xF7A, s1;
	s8 =	simm.s32 @!p0 $0x1BF5;
	p2 =	por !p2, p0  }
0x20: {  	[sflag:s8] =	ssyncset.s32 @!p0 $0xFFFFF086;
	s6 =	sadd.s32 @!p0 s3, s7;
	s7 =	simm.s32 @!p0 $0x108  }
0x21: {  	s3 =	sadd.s32 s3, s9;
	s6 =	sadd.s32 @!p0 $0x88, s6;
	s7 =	simm.s32 @p2 $0x1082  }
0x22: {  	[simem:s7], [sflag:s8] =	dma.local @!p0 [hbm:s6], $0xF7A  }
0x23: {  	s9 =	sor.u32 $0xD0000000, s2;
	s6 =	simm.s32 $0x108;
	_ =	swait.ge @!p0 [sflag:s8], $0x0  }
0x24: {  	s3 =	sadd.s32 $0x88, s3;
	s6 =	simm.s32 @!p1 $0x1082;
	[sflag:s4] =	ssyncset.s32 $0xFFFFF086  }
0x25: {  	[simem:s6], [sflag:s4] =	dma.local [hbm:s3], $0xF7A  }
0x26: {  	[smem:$0x3F9D] =	sst s1;
	(tag) =	ssettag s2;
	_ =	strace s9  }
0x27: {  	s1 =	sld [smem:$0x3FAD]  }
0x28: {  	s2 =	sld [smem:$0x3FAE]  }
0x29: {  	s4 =	sld [smem:$0x3FB0]  }
0x2a: {  	p0 =	seq.s32 s5, $0x0;
	s5 =	sld [smem:$0x3FB1]  }
0x2b: {  	s6 =	sld [smem:$0x3FB2]  }
0x2c: {  	s7 =	sld [smem:$0x3FB3]  }
0x2d: {  	s3 =	simm.s32 $0x108;
	s8 =	sld [smem:$0x3FB4]  }
0x2e: {  	s3 =	simm.s32 @!p0 $0x1082;
	s9 =	sld [smem:$0x3FB5]  }
0x2f: {  	lr =	sadd.s32 s0, s3;
	s0 =	sld [smem:$0x3FAC]  }
0x30: {  	s3 =	sld [smem:$0x3FAF]  }
0x31: {  	[smem:$0x3FB8] =	sst s10  }
0x32: {  	s10 =	sld [smem:$0x3FB6];
	_ =	sdelay $0x3  }
0x33: {  	p0 =	seq.s32 s10, $0x1;
	s10 =	sld [smem:$0x3FB8];
	_ =	sdelay $0x3  }
0x34: {  	[smem:$0x3FB8] =	sst s10  }
0x35: {  	s10 =	sld [smem:$0x3FB7];
	_ =	sdelay $0x3  }
0x36: {  	p1 =	seq.s32 s10, $0x1;
	s10 =	sld [smem:$0x3FB8];
	_ =	sdelay $0x3  }
0x37: {  	[smem:$0x3FB8] =	sst s10  }
0x38: {  	s10 =	sld [smem:$0x3FB9]  }
0x39: {  	_ = 	snop;
	(pc) =	sbr.ind lr, $3  }
0x3a: {  	_ = 	snop  }
0x3b: {  	_ = 	snop  }
0x3c: {  	p2 =	seq.s32 s10, $0x1;
	s10 =	sld [smem:$0x3FB8]  }
0x3d: {  	_ =	shalt  }
0x3e: {  	_ =	shalt  }
0x3f: {  	_ =	shalt  }
0x40: {  	_ =	shalt  }
0x41: {  	_ =	shalt  }
0x42: {  	_ =	shalt  }
0x43: {  	_ =	shalt  }
0x44: {  	_ =	shalt  }
0x45: {  	_ =	shalt  }
0x46: {  	_ =	shalt  }
0x47: {  	_ =	shalt  }
0x48: {  	_ =	shalt  }
0x49: {  	_ =	shalt  }
0x4a: {  	_ =	shalt  }
0x4b: {  	_ =	shalt  }
0x4c: {  	_ =	shalt  }
0x4d: {  	_ =	shalt  }
0x4e: {  	_ =	shalt  }
0x4f: {  	_ =	shalt  }
0x50: {  	_ =	shalt  }
0x51: {  	_ =	shalt  }
0x52: {  	_ =	shalt  }
0x53: {  	_ =	shalt  }
0x54: {  	_ =	shalt  }
0x55: {  	_ =	shalt  }
0x56: {  	_ =	shalt  }
0x57: {  	_ =	shalt  }
0x58: {  	_ =	shalt  }
0x59: {  	_ =	shalt  }
0x5a: {  	_ =	shalt  }
0x5b: {  	_ =	shalt  }
0x5c: {  	_ =	shalt  }
0x5d: {  	_ =	shalt  }
0x5e: {  	_ =	shalt  }
0x5f: {  	_ =	shalt  }
0x60: {  	_ =	shalt  }
0x61: {  	_ =	shalt  }
0x62: {  	_ =	shalt  }
0x63: {  	_ =	shalt  }
0x64: {  	_ =	shalt  }
0x65: {  	_ =	shalt  }
0x66: {  	_ =	shalt  }
0x67: {  	_ =	shalt  }
0x68: {  	_ =	shalt  }
0x69: {  	_ =	shalt  }
0x6a: {  	_ =	shalt  }
0x6b: {  	_ =	shalt  }
0x6c: {  	_ =	shalt  }
0x6d: {  	_ =	shalt  }
0x6e: {  	_ =	shalt  }
0x6f: {  	_ =	shalt  }
0x70: {  	_ =	shalt  }
0x71: {  	_ =	shalt  }
0x72: {  	_ =	shalt  }
0x73: {  	_ =	shalt  }
0x74: {  	_ =	shalt  }
0x75: {  	_ =	shalt  }
0x76: {  	_ =	shalt  }
0x77: {  	_ =	shalt  }
0x78: {  	_ =	shalt  }
0x79: {  	_ =	shalt  }
0x7a: {  	_ =	shalt  }
0x7b: {  	_ =	shalt  }
0x7c: {  	_ =	shalt  }
0x7d: {  	_ =	shalt  }
0x7e: {  	_ =	shalt  }
0x7f: {  	_ =	shalt  }
0x80: {  	_ =	shalt  }
0x81: {  	_ =	shalt  }
0x82: {  	_ =	shalt  }
0x83: {  	_ =	shalt  }
0x84: {  	_ =	shalt  }
0x85: {  	_ =	shalt  }
0x86: {  	_ =	shalt  }
0x87: {  	_ =	shalt  }
.Lfunc_end0:
.L_simem_size_0:
called_computation.1_lowered:
.L_overlay_start_0:
0x88: {  	s2 =	sld [smem:$0x3FD9]  }
0x89: {  	s3 =	sld [smem:$0x3FFE];
	_ =	sdelay $0x1  }
0x8a: {  	s1 =	srdreg.scid  }
0x8b: {  	s0 =	sand.u32 $0x1, s1  }
0x8c: {  	s17 =	sshll.u32 s0, $0xA;
	s2 =	sadd.s32 s3, s2  }
0x8d: {  	s2 =	sadd.s32 s2, s17  }
0x8e: {  	[smem:$0x3FC4] =	sst s2  }
0x8f: {  	_ = 	snop  }
0x90: {  	s2 =	sld [smem:$0x3FD0];
	(tm) =	ssettm $0x1  }
0x91: {  	s18 =	sld [smem:$0x3FFB];
	_ =	sdelay $0x3  }
0x92: {  	_ =	strace s18  }
0x93: {  	s3 =	sld [smem:$0x3FFC];
	_ =	sdelay $0x3  }
0x94: {  	_ =	strace s3  }
0x95: {  	s3 =	sld [smem:$0x3FFD];
	_ =	sdelay $0x3  }
0x96: {  	_ =	strace s3  }
0x97: {  	_ =	strace $0x8FFFFFFF  }
0x98: {  	s19 =	sld [smem:$0x3FDB];
	_ =	sdelay $0x1  }
0x99: {  	s4 =	simm.s32 $_scs_section_size  }
0x9a: {  	s5 =	simm.s32 $_size__tile_overlayer_lowered;
	s6 =	simm.s32 $_tile_overlayer_lowered  }
0x9b: {  	s22 =	simm.s32 $0x1BFF;
	s21 =	sshll.u32 s6, $0x1;
	s3 =	sadd.s32 s4, s19  }
0x9c: {  	s7 =	simm.s32 $0x0;
	s20 =	sshll.u32 s5, $0x1;
	s5 =	sadd.s32 s21, s3  }
0x9d: {  	[timem:s7], [sflag:s22] =	dma.local [hbm:s5], s20  }
0x9e: {  	_ =	swait.ge [sflag:s22], s20  }
0x9f: {  	s4 =	ssub.s32 $0x0, s20;
	[sflag:s22] =	ssyncset.done $0x0  }
0xa0: {  	[sflag:s22] =	ssyncadd.s32 s4;
	_ =	sdelay $0x1  }
0xa1: {  	s23 =	simm.s32 $0x1B8B  }
0xa2: {  	_ =	swait.ge [sflag:s23], $0x1  }
0xa3: {  	[sflag:s23] =	ssyncset.done $0x0  }
0xa4: {  	s25 =	simm.s32 $0x1B8E;
	s24 =	sld [smem:$0x3FFE];
	[sflag:s23] =	ssyncadd.s32 $0xFFFFFFFF  }
0xa5: {  	s26 =	simm.s32 $execute0_lowered;
	[smem:$0x3FD2] =	sst s25  }
0xa6: {  	s5 =	sshll.u32 s26, $0x1;
	_ =	strace $0x80000049;
	[dreg:$0x1] =	wrdreg $0xFFFFFFFF  }
0xa7: {  	s28 =	simm.s32 $_size_execute0_lowered;
	s3 =	sadd.s32 s3, s5;
	[dreg:$0x0] =	wrdreg $0x0  }
0xa8: {  	s5 =	sshll.u32 s28, $0x1;
	[dreg:$0x2] =	wrdreg s3  }
0xa9: {  	[dreg:$0x3] =	wrdreg s5  }
0xaa: {  	[dreg:$0x4] =	wrdreg $0xC0  }
0xab: {  	_ =	task [dreg:s7], $0x5FFFF  }
0xac: {  	[dreg:$0x1] =	wrdreg $0xFFFFFFFF  }
0xad: {  	[dreg:$0x0] =	wrdreg $0x60  }
0xae: {  	[dreg:$0x2] =	wrdreg s24  }
0xaf: {  	[dreg:$0x3] =	wrdreg s2  }
0xb0: {  	[dreg:$0x4] =	wrdreg $0xB8000  }
0xb1: {  	[dreg:$0x5] =	wrdreg $0x9  }
0xb2: {  	_ =	task.clear_ibuf [dreg:s7], $0x6FFFF;
	_ =	strace $0x90000049  }
0xb3: {  	s29 =	simm.s32 $0x9;
	_ =	strace $0x8000004B  }
0xb4: {  	_ =	swait.ge [sflag:s29], $0x1  }
0xb5: {  	[sflag:s29] =	ssyncadd.s32 $0xFFFFFFFF  }
0xb6: {  	_ =	strace $0x9000004B  }
0xb7: {  	_ =	sfence  }
0xb8: {  	s30 =	sld [smem:$0x0];
	_ =	sdelay $0x2  }
0xb9: {  	s31 =	sshll.u32 s1, $0xD;
	s1 =	sshrl.u32 s1, $0x2  }
0xba: {  	s3 =	sand.u32 $0x4000, s31;
	s1 =	sadd.s32 s1, s30  }
0xbb: {  	s0 =	sor.u32 s3, s0;
	s1 =	sshll.u32 s1, $0x11  }
0xbc: {  	s0 =	sor.u32 s1, s0  }
0xbd: {  	s0 =	sadd.s32 $0x8F2B, s0  }
0xbe: {  	[sflag:s0] =	ssyncadd.remote.s32 $0x1  }
0xbf: {  	_ =	sfence.sel $0xFFFF  }
0xc0: {  	[dreg:$0x0] =	wrdreg $0xFFFFFFFF;
	(pc) =	sbr.abs _section_cstart, $3  }
0xc1: {  	[dreg:$0x1] =	wrdreg $0xFFFFFFFF  }
0xc2: {  	_ =	task.clear_ibuf [dreg:s7], $0x2FFFF;
	_ =	strace $0x9FFFFFFF  }
0xc3: {  	(tm) =	ssettm $0x7FFFFFFF  }
tec
execute0_lowered:
.L_overlay_start_1:
0x0: {  	(tag) =	ssettag $0x1  }
0x1: {  	s1 =	rddreg [dreg:$0x0]  }
0x2: {  	s0 =	srdreg.scid;
	s3 =	rddreg [dreg:$0x1]  }
0x3: {  	s9 =	stileid.u32;
	s2 =	rddreg [dreg:$0x2]  }
0x4: {  	s31 =	simm.s32 $0x0;
	s13 =	simm.s32 $0x3;
	s14 =	simm.s32 $0x3800  }
0x5: {  	s15 =	simm.s32 $0x80;
	s16 =	simm.s32 $0x7800;
	s18 =	simm.s32 $0x1  }
0x6: {  	s8 =	simm.s32 $0x3380;
	s19 =	simm.s32 $0x3480;
	s6 =	smul.u32 $0x2800, s9  }
0x7: {  	s28 =	simm.s32 $0x3680;
	s0 =	sand.u32 $0x1, s0;
	s9 =	smul.u32 $0x50000, s9  }
0x8: {  	s29 =	simm.s32 $0x3700;
	[smem:$0x7FF] =	sst s31;
	s5 =	smul.u32 $0x28000, s0  }
0x9: {  	s30 =	simm.s32 $0x3780;
	_ =	strace $0x8000004A;
	s0 =	ssub.s32 $0x2, s0  }
0xa: {  	s11 =	sshrl.u32 s0, $0x1;
	s9 =	sshrl.u32 s9, $0x2;
	s4 =	sadd.s32 s6, s5  }
0xb: {  	s0 =	ssub.s32 s0, s11;
	s20 =	sadd.s32 s9, s2;
	s9 =	simm.s32 $0x3400  }
0xc: {  	s7 =	sshrl.u32 s4, $0x3;
	s22 =	sadd.s32 $0x4000, s20;
	[dreg:$0xb] =	wrdreg s20  }
0xd: {  	s4 =	sadd.s32 $0x2400, s1;
	s23 =	sadd.s32 $0x8000, s20;
	[dreg:$0x5] =	wrdreg s22  }
0xe: {  	s24 =	sadd.s32 $0xC000, s20;
	s25 =	sadd.s32 $0x10000, s20;
	[dreg:$0x6] =	wrdreg s23  }
0xf: {  	s0 =	smax.u32 s0, $0x1;
	s20 =	simm.s32 $0x2;
	[dreg:$0x7] =	wrdreg s24  }
0x10: {  	s10 =	sadd.s32 s7, s1;
	s1 =	sadd.s32 s5, s1;
	[dreg:$0x8] =	wrdreg s25  }
0x11: {  	s11 =	sadd.s32 s3, s7;
	[dreg:$0x9] =	wrdreg s0;
	s23 =	simm.s32 $0x3100  }
0x12: {  	s3 =	simm.s32 $0x3200;
	s7 =	simm.s32 $0x3300;
	s22 =	simm.s32 $0x3500  }
0x13: {  	s25 =	simm.s32 $0x3580;
	s21 =	sadd.s32 $0x52400, s10;
	s1 =	sadd.s32 $0x5C400, s1  }
0x14: {  	s10 =	simm.s32 $0x0;
	[dreg:$0x4] =	wrdreg s21;
	s26 =	sadd.s32 s6, s1  }
0x15: {  	v0 =	vimm.f32 $0.0e+00;
	s6 =	simm.s32 $0x3280;
	[dreg:$0xa] =	wrdreg s26;
	s26 =	simm.s32 $0x3600  }
.LBB2_1:
0x16: {  	s12 =	rddreg [dreg:$0x4]  }
0x17: {  	[tilespmem:s31], [sflag:$0x3] =	stream.linear.gather [hbm4b:s12+s31], $0x2800, $0x38;
	[tilespmem:$0x1F800] =	vst v63  }
0x18: {  	_ =	swait.ge [sflag:s13], $0x2800  }
0x19: {  	[sflag:s13] =	ssyncset.done $0x0  }
0x1a: {  	s24 =	simm.s32 $0x200;
	s12 =	simm.s32 $0x0;
	[sflag:s13] =	ssyncadd.s32 $0xFFFFD800  }
.LBB2_2:
0x1b: {  	p0 =	sne.s32 s24, $0xFE00;
	[tilespmem:s12+$0x3870] =	vst v0  }
0x1c: {  	[tilespmem:s12+$0x3800] =	vst v0  }
0x1d: {  	[tilespmem:s12+$0x3810] =	vst v0  }
.Ltmp0:
0x1e: {  	[tilespmem:s12+$0x3820] =	vst v0;
	(pc) =	sbr.rel @p0 .LBB2_2-.Ltmp0, $4  }
0x1f: {  	[tilespmem:s12+$0x3830] =	vst v0  }
0x20: {  	[tilespmem:s12+$0x3840] =	vst v0  }
0x21: {  	[tilespmem:s12+$0x3850] =	vst v0  }
0x22: {  	[tilespmem:s12+$0x3860] =	vst v0;
	s12 =	sshra.s32 s24, $0x2;
	s24 =	sadd.s32 $0x200, s24  }
0x23: {  	[tilespmem:s12+$0x3870] =	vst v0  }
0x24: {  	[tilespmem:s12+$0x3800] =	vst v0  }
0x25: {  	[tilespmem:s12+$0x3810] =	vst v0  }
0x26: {  	[tilespmem:s12+$0x3820] =	vst v0  }
0x27: {  	[tilespmem:s12+$0x3830] =	vst v0  }
0x28: {  	[tilespmem:s12+$0x3840] =	vst v0  }
0x29: {  	[tilespmem:s12+$0x3850] =	vst v0  }
0x2a: {  	[tilespmem:s12+$0x3860] =	vst v0;
	s17 =	rddreg [dreg:$0xb]  }
0x2b: {  	[spmem:s17] =	stream.linear.scatter [tilespmem:s14], [sflag:$0x3], $0x4000, $0x38;
	[tilespmem:$0x1F800] =	vst v63  }
0x2c: {  	_ =	swait.ge [sflag:s13], $0x4000  }
0x2d: {  	[sflag:s13] =	ssyncset.done $0x0  }
0x2e: {  	s5 =	rddreg [dreg:$0x5];
	[sflag:s13] =	ssyncadd.s32 $0xFFFFC000  }
0x2f: {  	[spmem:s5] =	stream.linear.scatter [tilespmem:s14], [sflag:$0x3], $0x4000, $0x38;
	[tilespmem:$0x1F800] =	vst v63  }
0x30: {  	_ =	swait.ge [sflag:s13], $0x4000  }
0x31: {  	[sflag:s13] =	ssyncset.done $0x0  }
0x32: {  	s21 =	rddreg [dreg:$0x6];
	[sflag:s13] =	ssyncadd.s32 $0xFFFFC000  }
0x33: {  	[spmem:s21] =	stream.linear.scatter [tilespmem:s14], [sflag:$0x3], $0x4000, $0x38;
	[tilespmem:$0x1F800] =	vst v63  }
0x34: {  	_ =	swait.ge [sflag:s13], $0x4000  }
0x35: {  	[sflag:s13] =	ssyncset.done $0x0  }
0x36: {  	s24 =	rddreg [dreg:$0x7];
	[sflag:s13] =	ssyncadd.s32 $0xFFFFC000  }
0x37: {  	[spmem:s24] =	stream.linear.scatter [tilespmem:s14], [sflag:$0x3], $0x4000, $0x38;
	[tilespmem:$0x1F800] =	vst v63  }
0x38: {  	_ =	swait.ge [sflag:s13], $0x4000  }
0x39: {  	[sflag:s13] =	ssyncset.done $0x0  }
0x3a: {  	s0 =	rddreg [dreg:$0x8];
	[sflag:s13] =	ssyncadd.s32 $0xFFFFC000  }
0x3b: {  	[spmem:s0] =	stream.linear.scatter [tilespmem:s14], [sflag:$0x3], $0x4000, $0x38;
	[tilespmem:$0x1F800] =	vst v63  }
0x3c: {  	_ =	swait.ge [sflag:s13], $0x4000  }
0x3d: {  	[sflag:s13] =	ssyncset.done $0x0  }
0x3e: {  	[sflag:s13] =	ssyncadd.s32 $0xFFFFC000  }
0x3f: {  	[bflag:$0x0] =	sbarrier.arrive $0xFFFF  }
0x40: {  	[tilespmem:s14], [sflag:$0x1] =	stream.indirect.gather [hbm4b:s4+s15], $0x80, s31, s15, $0xb8;
	[tilespmem:$0x1F800] =	vst v63  }
0x41: {  	_ = 	snop  }
0x42: {  	[tilespmem:s16], [sflag:$0x2] =	stream.indirect.gather [hbm4b:s4+s15], $0x80, s15, s15, $0xb8;
	[tilespmem:$0x1F800] =	vst v63  }
0x43: {  	s0 =	simm.s32 $0x2800  }
0x44: {  	[tilespmem:s0], [sflag:$0x3] =	stream.linear.gather [hbm4b:s11+s31], $0x800, $0x38;
	[tilespmem:$0x1F800] =	vst v63  }
0x45: {  	_ =	swait.ge [sflag:s13], $0x800  }
0x46: {  	[sflag:s13] =	ssyncset.done $0x0  }
0x47: {  	[sflag:s13] =	ssyncadd.s32 $0xFFFFF800  }
0x48: {  	_ =	swait.ge [sflag:s18], $0x4000  }
0x49: {  	[sflag:s18] =	ssyncset.done $0x0  }
0x4a: {  	[sflag:s18] =	ssyncadd.s32 $0xFFFFC000  }
0x4b: {  	[spmem:s2] =	stream.indirect.scatter.add.f32 [tilespmem:s14], [sflag:$0x3], $0x80, s0, s15, $0xb8;
	[tilespmem:$0x1F800] =	vst v63  }
0x4c: {  	_ =	swait.ge [sflag:s13], $0x4000  }
0x4d: {  	[sflag:s13] =	ssyncset.done $0x0  }
0x4e: {  	s1 =	simm.s32 $0x100;
	[sflag:s13] =	ssyncadd.s32 $0xFFFFC000  }
0x4f: {  	[tilespmem:s14], [sflag:$0x1] =	stream.indirect.gather [hbm4b:s4+s15], $0x80, s1, s15, $0xb8;
	[tilespmem:$0x1F800] =	vst v63  }
0x50: {  	_ =	swait.ge [sflag:s20], $0x4000  }
0x51: {  	[sflag:s20] =	ssyncset.done $0x0  }
0x52: {  	s1 =	simm.s32 $0x2880;
	[sflag:s20] =	ssyncadd.s32 $0xFFFFC000  }
0x53: {  	[spmem:s2] =	stream.indirect.scatter.add.f32 [tilespmem:s16], [sflag:$0x3], $0x80, s1, s15, $0xb8;
	[tilespmem:$0x1F800] =	vst v63  }
0x54: {  	_ =	swait.ge [sflag:s13], $0x4000  }
0x55: {  	[sflag:s13] =	ssyncset.done $0x0  }
0x56: {  	s5 =	simm.s32 $0x180;
	[sflag:s13] =	ssyncadd.s32 $0xFFFFC000  }
0x57: {  	[tilespmem:s16], [sflag:$0x2] =	stream.indirect.gather [hbm4b:s4+s15], $0x80, s5, s15, $0xb8;
	[tilespmem:$0x1F800] =	vst v63  }
0x58: {  	_ =	swait.ge [sflag:s18], $0x4000  }
0x59: {  	[sflag:s18] =	ssyncset.done $0x0  }
0x5a: {  	s12 =	simm.s32 $0x2900;
	[sflag:s18] =	ssyncadd.s32 $0xFFFFC000  }
0x5b: {  	[spmem:s2] =	stream.indirect.scatter.add.f32 [tilespmem:s14], [sflag:$0x3], $0x80, s12, s15, $0xb8;
	[tilespmem:$0x1F800] =	vst v63  }
0x5c: {  	_ =	swait.ge [sflag:s13], $0x4000  }
0x5d: {  	[sflag:s13] =	ssyncset.done $0x0  }
0x5e: {  	s21 =	simm.s32 $0x200;
	[sflag:s13] =	ssyncadd.s32 $0xFFFFC000  }
0x5f: {  	[tilespmem:s14], [sflag:$0x1] =	stream.indirect.gather [hbm4b:s4+s15], $0x80, s21, s15, $0xb8;
	[tilespmem:$0x1F800] =	vst v63  }
0x60: {  	_ =	swait.ge [sflag:s20], $0x4000  }
0x61: {  	[sflag:s20] =	ssyncset.done $0x0  }
0x62: {  	s24 =	simm.s32 $0x2980;
	[sflag:s20] =	ssyncadd.s32 $0xFFFFC000  }
0x63: {  	[spmem:s2] =	stream.indirect.scatter.add.f32 [tilespmem:s16], [sflag:$0x3], $0x80, s24, s15, $0xb8;
	[tilespmem:$0x1F800] =	vst v63  }
0x64: {  	_ =	swait.ge [sflag:s13], $0x4000  }
0x65: {  	[sflag:s13] =	ssyncset.done $0x0  }
0x66: {  	s5 =	simm.s32 $0x280;
	[sflag:s13] =	ssyncadd.s32 $0xFFFFC000  }
0x67: {  	[tilespmem:s16], [sflag:$0x2] =	stream.indirect.gather [hbm4b:s4+s15], $0x80, s5, s15, $0xb8;
	[tilespmem:$0x1F800] =	vst v63  }
0x68: {  	_ =	swait.ge [sflag:s18], $0x4000  }
0x69: {  	[sflag:s18] =	ssyncset.done $0x0  }
0x6a: {  	s12 =	simm.s32 $0x2A00;
	[sflag:s18] =	ssyncadd.s32 $0xFFFFC000  }
0x6b: {  	[spmem:s2] =	stream.indirect.scatter.add.f32 [tilespmem:s14], [sflag:$0x3], $0x80, s12, s15, $0xb8;
	[tilespmem:$0x1F800] =	vst v63  }
0x6c: {  	_ =	swait.ge [sflag:s13], $0x4000  }
0x6d: {  	[sflag:s13] =	ssyncset.done $0x0  }
0x6e: {  	s21 =	simm.s32 $0x300;
	[sflag:s13] =	ssyncadd.s32 $0xFFFFC000  }
0x6f: {  	[tilespmem:s14], [sflag:$0x1] =	stream.indirect.gather [hbm4b:s4+s15], $0x80, s21, s15, $0xb8;
	[tilespmem:$0x1F800] =	vst v63  }
0x70: {  	_ =	swait.ge [sflag:s20], $0x4000  }
0x71: {  	[sflag:s20] =	ssyncset.done $0x0  }
0x72: {  	s24 =	simm.s32 $0x2A80;
	[sflag:s20] =	ssyncadd.s32 $0xFFFFC000  }
0x73: {  	[spmem:s2] =	stream.indirect.scatter.add.f32 [tilespmem:s16], [sflag:$0x3], $0x80, s24, s15, $0xb8;
	[tilespmem:$0x1F800] =	vst v63  }
0x74: {  	_ =	swait.ge [sflag:s13], $0x4000  }
0x75: {  	[sflag:s13] =	ssyncset.done $0x0  }
0x76: {  	s5 =	simm.s32 $0x380;
	[sflag:s13] =	ssyncadd.s32 $0xFFFFC000  }
0x77: {  	[tilespmem:s16], [sflag:$0x2] =	stream.indirect.gather [hbm4b:s4+s15], $0x80, s5, s15, $0xb8;
	[tilespmem:$0x1F800] =	vst v63  }
0x78: {  	_ =	swait.ge [sflag:s18], $0x4000  }
0x79: {  	[sflag:s18] =	ssyncset.done $0x0  }
0x7a: {  	s12 =	simm.s32 $0x2B00;
	[sflag:s18] =	ssyncadd.s32 $0xFFFFC000  }
0x7b: {  	[spmem:s2] =	stream.indirect.scatter.add.f32 [tilespmem:s14], [sflag:$0x3], $0x80, s12, s15, $0xb8;
	[tilespmem:$0x1F800] =	vst v63  }
0x7c: {  	_ =	swait.ge [sflag:s13], $0x4000  }
0x7d: {  	[sflag:s13] =	ssyncset.done $0x0  }
0x7e: {  	s21 =	simm.s32 $0x400;
	[sflag:s13] =	ssyncadd.s32 $0xFFFFC000  }
0x7f: {  	[tilespmem:s14], [sflag:$0x1] =	stream.indirect.gather [hbm4b:s4+s15], $0x80, s21, s15, $0xb8;
	[tilespmem:$0x1F800] =	vst v63  }
0x80: {  	_ =	swait.ge [sflag:s20], $0x4000  }
0x81: {  	[sflag:s20] =	ssyncset.done $0x0  }
0x82: {  	s24 =	simm.s32 $0x2B80;
	[sflag:s20] =	ssyncadd.s32 $0xFFFFC000  }
0x83: {  	[spmem:s2] =	stream.indirect.scatter.add.f32 [tilespmem:s16], [sflag:$0x3], $0x80, s24, s15, $0xb8;
	[tilespmem:$0x1F800] =	vst v63  }
0x84: {  	_ =	swait.ge [sflag:s13], $0x4000  }
0x85: {  	[sflag:s13] =	ssyncset.done $0x0  }
0x86: {  	s5 =	simm.s32 $0x480;
	[sflag:s13] =	ssyncadd.s32 $0xFFFFC000  }
0x87: {  	[tilespmem:s16], [sflag:$0x2] =	stream.indirect.gather [hbm4b:s4+s15], $0x80, s5, s15, $0xb8;
	[tilespmem:$0x1F800] =	vst v63  }
0x88: {  	_ =	swait.ge [sflag:s18], $0x4000  }
0x89: {  	[sflag:s18] =	ssyncset.done $0x0  }
0x8a: {  	s12 =	simm.s32 $0x2C00;
	[sflag:s18] =	ssyncadd.s32 $0xFFFFC000  }
0x8b: {  	[spmem:s2] =	stream.indirect.scatter.add.f32 [tilespmem:s14], [sflag:$0x3], $0x80, s12, s15, $0xb8;
	[tilespmem:$0x1F800] =	vst v63  }
0x8c: {  	_ =	swait.ge [sflag:s13], $0x4000  }
0x8d: {  	[sflag:s13] =	ssyncset.done $0x0  }
0x8e: {  	s21 =	simm.s32 $0x500;
	[sflag:s13] =	ssyncadd.s32 $0xFFFFC000  }
0x8f: {  	[tilespmem:s14], [sflag:$0x1] =	stream.indirect.gather [hbm4b:s4+s15], $0x80, s21, s15, $0xb8;
	[tilespmem:$0x1F800] =	vst v63  }
0x90: {  	_ =	swait.ge [sflag:s20], $0x4000  }
0x91: {  	[sflag:s20] =	ssyncset.done $0x0  }
0x92: {  	s24 =	simm.s32 $0x2C80;
	[sflag:s20] =	ssyncadd.s32 $0xFFFFC000  }
0x93: {  	[spmem:s2] =	stream.indirect.scatter.add.f32 [tilespmem:s16], [sflag:$0x3], $0x80, s24, s15, $0xb8;
	[tilespmem:$0x1F800] =	vst v63  }
0x94: {  	_ =	swait.ge [sflag:s13], $0x4000  }
0x95: {  	[sflag:s13] =	ssyncset.done $0x0  }
0x96: {  	s5 =	simm.s32 $0x580;
	[sflag:s13] =	ssyncadd.s32 $0xFFFFC000  }
0x97: {  	[tilespmem:s16], [sflag:$0x2] =	stream.indirect.gather [hbm4b:s4+s15], $0x80, s5, s15, $0xb8;
	[tilespmem:$0x1F800] =	vst v63  }
0x98: {  	_ =	swait.ge [sflag:s18], $0x4000  }
0x99: {  	[sflag:s18] =	ssyncset.done $0x0  }
0x9a: {  	s12 =	simm.s32 $0x2D00;
	[sflag:s18] =	ssyncadd.s32 $0xFFFFC000  }
0x9b: {  	[spmem:s2] =	stream.indirect.scatter.add.f32 [tilespmem:s14], [sflag:$0x3], $0x80, s12, s15, $0xb8;
	[tilespmem:$0x1F800] =	vst v63  }
0x9c: {  	_ =	swait.ge [sflag:s13], $0x4000  }
0x9d: {  	[sflag:s13] =	ssyncset.done $0x0  }
0x9e: {  	s21 =	simm.s32 $0x600;
	[sflag:s13] =	ssyncadd.s32 $0xFFFFC000  }
0x9f: {  	[tilespmem:s14], [sflag:$0x1] =	stream.indirect.gather [hbm4b:s4+s15], $0x80, s21, s15, $0xb8;
	[tilespmem:$0x1F800] =	vst v63  }
0xa0: {  	_ =	swait.ge [sflag:s20], $0x4000  }
0xa1: {  	[sflag:s20] =	ssyncset.done $0x0  }
0xa2: {  	s24 =	simm.s32 $0x2D80;
	[sflag:s20] =	ssyncadd.s32 $0xFFFFC000  }
0xa3: {  	[spmem:s2] =	stream.indirect.scatter.add.f32 [tilespmem:s16], [sflag:$0x3], $0x80, s24, s15, $0xb8;
	[tilespmem:$0x1F800] =	vst v63  }
0xa4: {  	_ =	swait.ge [sflag:s13], $0x4000  }
0xa5: {  	[sflag:s13] =	ssyncset.done $0x0  }
0xa6: {  	s5 =	simm.s32 $0x680;
	[sflag:s13] =	ssyncadd.s32 $0xFFFFC000  }
0xa7: {  	[tilespmem:s16], [sflag:$0x2] =	stream.indirect.gather [hbm4b:s4+s15], $0x80, s5, s15, $0xb8;
	[tilespmem:$0x1F800] =	vst v63  }
0xa8: {  	_ =	swait.ge [sflag:s18], $0x4000  }
0xa9: {  	[sflag:s18] =	ssyncset.done $0x0  }
0xaa: {  	s12 =	simm.s32 $0x2E00;
	[sflag:s18] =	ssyncadd.s32 $0xFFFFC000  }
0xab: {  	[spmem:s2] =	stream.indirect.scatter.add.f32 [tilespmem:s14], [sflag:$0x3], $0x80, s12, s15, $0xb8;
	[tilespmem:$0x1F800] =	vst v63  }
0xac: {  	_ =	swait.ge [sflag:s13], $0x4000  }
0xad: {  	[sflag:s13] =	ssyncset.done $0x0  }
0xae: {  	s21 =	simm.s32 $0x700;
	[sflag:s13] =	ssyncadd.s32 $0xFFFFC000  }
0xaf: {  	[tilespmem:s14], [sflag:$0x1] =	stream.indirect.gather [hbm4b:s4+s15], $0x80, s21, s15, $0xb8;
	[tilespmem:$0x1F800] =	vst v63  }
0xb0: {  	_ =	swait.ge [sflag:s20], $0x4000  }
0xb1: {  	[sflag:s20] =	ssyncset.done $0x0  }
0xb2: {  	s24 =	simm.s32 $0x2E80;
	[sflag:s20] =	ssyncadd.s32 $0xFFFFC000  }
0xb3: {  	[spmem:s2] =	stream.indirect.scatter.add.f32 [tilespmem:s16], [sflag:$0x3], $0x80, s24, s15, $0xb8;
	[tilespmem:$0x1F800] =	vst v63  }
0xb4: {  	_ =	swait.ge [sflag:s13], $0x4000  }
0xb5: {  	[sflag:s13] =	ssyncset.done $0x0  }
0xb6: {  	s5 =	simm.s32 $0x780;
	[sflag:s13] =	ssyncadd.s32 $0xFFFFC000  }
0xb7: {  	[tilespmem:s16], [sflag:$0x2] =	stream.indirect.gather [hbm4b:s4+s15], $0x80, s5, s15, $0xb8;
	[tilespmem:$0x1F800] =	vst v63  }
0xb8: {  	_ =	swait.ge [sflag:s18], $0x4000  }
0xb9: {  	[sflag:s18] =	ssyncset.done $0x0  }
0xba: {  	s12 =	simm.s32 $0x2F00;
	[sflag:s18] =	ssyncadd.s32 $0xFFFFC000  }
0xbb: {  	[spmem:s2] =	stream.indirect.scatter.add.f32 [tilespmem:s14], [sflag:$0x3], $0x80, s12, s15, $0xb8;
	[tilespmem:$0x1F800] =	vst v63  }
0xbc: {  	_ =	swait.ge [sflag:s13], $0x4000  }
0xbd: {  	[sflag:s13] =	ssyncset.done $0x0  }
0xbe: {  	s21 =	simm.s32 $0x800;
	[sflag:s13] =	ssyncadd.s32 $0xFFFFC000  }
0xbf: {  	[tilespmem:s14], [sflag:$0x1] =	stream.indirect.gather [hbm4b:s4+s15], $0x80, s21, s15, $0xb8;
	[tilespmem:$0x1F800] =	vst v63  }
0xc0: {  	_ =	swait.ge [sflag:s20], $0x4000  }
0xc1: {  	[sflag:s20] =	ssyncset.done $0x0  }
0xc2: {  	s21 =	simm.s32 $0x2F80;
	[sflag:s20] =	ssyncadd.s32 $0xFFFFC000  }
0xc3: {  	[spmem:s2] =	stream.indirect.scatter.add.f32 [tilespmem:s16], [sflag:$0x3], $0x80, s21, s15, $0xb8;
	[tilespmem:$0x1F800] =	vst v63  }
0xc4: {  	_ =	swait.ge [sflag:s13], $0x4000  }
0xc5: {  	[sflag:s13] =	ssyncset.done $0x0  }
0xc6: {  	s24 =	simm.s32 $0x880;
	[sflag:s13] =	ssyncadd.s32 $0xFFFFC000  }
0xc7: {  	[tilespmem:s16], [sflag:$0x2] =	stream.indirect.gather [hbm4b:s4+s15], $0x80, s24, s15, $0xb8;
	[tilespmem:$0x1F800] =	vst v63  }
0xc8: {  	s1 =	sadd.s32 $0x100, s11;
	s5 =	simm.s32 $0x3000  }
0xc9: {  	[tilespmem:s5], [sflag:$0x3] =	stream.linear.gather [hbm4b:s1+s31], $0x800, $0x38;
	[tilespmem:$0x1F800] =	vst v63  }
0xca: {  	_ =	swait.ge [sflag:s13], $0x800  }
0xcb: {  	[sflag:s13] =	ssyncset.done $0x0  }
0xcc: {  	[sflag:s13] =	ssyncadd.s32 $0xFFFFF800  }
0xcd: {  	_ =	swait.ge [sflag:s18], $0x4000  }
0xce: {  	[sflag:s18] =	ssyncset.done $0x0  }
0xcf: {  	[sflag:s18] =	ssyncadd.s32 $0xFFFFC000  }
0xd0: {  	[spmem:s2] =	stream.indirect.scatter.add.f32 [tilespmem:s14], [sflag:$0x3], $0x80, s5, s15, $0xb8;
	[tilespmem:$0x1F800] =	vst v63  }
0xd1: {  	_ =	swait.ge [sflag:s13], $0x4000  }
0xd2: {  	[sflag:s13] =	ssyncset.done $0x0  }
0xd3: {  	s24 =	simm.s32 $0x900;
	[sflag:s13] =	ssyncadd.s32 $0xFFFFC000  }
0xd4: {  	[tilespmem:s14], [sflag:$0x1] =	stream.indirect.gather [hbm4b:s4+s15], $0x80, s24, s15, $0xb8;
	[tilespmem:$0x1F800] =	vst v63  }
0xd5: {  	_ =	swait.ge [sflag:s20], $0x4000  }
0xd6: {  	[sflag:s20] =	ssyncset.done $0x0  }
0xd7: {  	s24 =	simm.s32 $0x3080;
	[sflag:s20] =	ssyncadd.s32 $0xFFFFC000  }
0xd8: {  	[spmem:s2] =	stream.indirect.scatter.add.f32 [tilespmem:s16], [sflag:$0x3], $0x80, s24, s15, $0xb8;
	[tilespmem:$0x1F800] =	vst v63  }
0xd9: {  	_ =	swait.ge [sflag:s13], $0x4000  }
0xda: {  	[sflag:s13] =	ssyncset.done $0x0  }
0xdb: {  	s1 =	simm.s32 $0x980;
	[sflag:s13] =	ssyncadd.s32 $0xFFFFC000  }
0xdc: {  	[tilespmem:s16], [sflag:$0x2] =	stream.indirect.gather [hbm4b:s4+s15], $0x80, s1, s15, $0xb8;
	[tilespmem:$0x1F800] =	vst v63  }
0xdd: {  	_ =	swait.ge [sflag:s18], $0x4000  }
0xde: {  	[sflag:s18] =	ssyncset.done $0x0  }
0xdf: {  	[sflag:s18] =	ssyncadd.s32 $0xFFFFC000  }
0xe0: {  	[spmem:s2] =	stream.indirect.scatter.add.f32 [tilespmem:s14], [sflag:$0x3], $0x80, s23, s15, $0xb8;
	[tilespmem:$0x1F800] =	vst v63  }
0xe1: {  	_ =	swait.ge [sflag:s13], $0x4000  }
0xe2: {  	[sflag:s13] =	ssyncset.done $0x0  }
0xe3: {  	s1 =	simm.s32 $0xA00;
	[sflag:s13] =	ssyncadd.s32 $0xFFFFC000  }
0xe4: {  	[tilespmem:s14], [sflag:$0x1] =	stream.indirect.gather [hbm4b:s4+s15], $0x80, s1, s15, $0xb8;
	[tilespmem:$0x1F800] =	vst v63  }
0xe5: {  	_ =	swait.ge [sflag:s20], $0x4000  }
0xe6: {  	[sflag:s20] =	ssyncset.done $0x0  }
0xe7: {  	s1 =	simm.s32 $0x3180;
	[sflag:s20] =	ssyncadd.s32 $0xFFFFC000  }
0xe8: {  	[spmem:s2] =	stream.indirect.scatter.add.f32 [tilespmem:s16], [sflag:$0x3], $0x80, s1, s15, $0xb8;
	[tilespmem:$0x1F800] =	vst v63  }
0xe9: {  	_ =	swait.ge [sflag:s13], $0x4000  }
0xea: {  	[sflag:s13] =	ssyncset.done $0x0  }
0xeb: {  	s12 =	simm.s32 $0xA80;
	[sflag:s13] =	ssyncadd.s32 $0xFFFFC000  }
0xec: {  	[tilespmem:s16], [sflag:$0x2] =	stream.indirect.gather [hbm4b:s4+s15], $0x80, s12, s15, $0xb8;
	[tilespmem:$0x1F800] =	vst v63  }
0xed: {  	_ =	swait.ge [sflag:s18], $0x4000  }
0xee: {  	[sflag:s18] =	ssyncset.done $0x0  }
0xef: {  	[sflag:s18] =	ssyncadd.s32 $0xFFFFC000  }
0xf0: {  	[spmem:s2] =	stream.indirect.scatter.add.f32 [tilespmem:s14], [sflag:$0x3], $0x80, s3, s15, $0xb8;
	[tilespmem:$0x1F800] =	vst v63  }
0xf1: {  	_ =	swait.ge [sflag:s13], $0x4000  }
0xf2: {  	[sflag:s13] =	ssyncset.done $0x0  }
0xf3: {  	s12 =	simm.s32 $0xB00;
	[sflag:s13] =	ssyncadd.s32 $0xFFFFC000  }
0xf4: {  	[tilespmem:s14], [sflag:$0x1] =	stream.indirect.gather [hbm4b:s4+s15], $0x80, s12, s15, $0xb8;
	[tilespmem:$0x1F800] =	vst v63  }
0xf5: {  	_ =	swait.ge [sflag:s20], $0x4000  }
0xf6: {  	[sflag:s20] =	ssyncset.done $0x0  }
0xf7: {  	[sflag:s20] =	ssyncadd.s32 $0xFFFFC000  }
0xf8: {  	[spmem:s2] =	stream.indirect.scatter.add.f32 [tilespmem:s16], [sflag:$0x3], $0x80, s6, s15, $0xb8;
	[tilespmem:$0x1F800] =	vst v63  }
0xf9: {  	_ =	swait.ge [sflag:s13], $0x4000  }
0xfa: {  	[sflag:s13] =	ssyncset.done $0x0  }
0xfb: {  	s12 =	simm.s32 $0xB80;
	[sflag:s13] =	ssyncadd.s32 $0xFFFFC000  }
0xfc: {  	[tilespmem:s16], [sflag:$0x2] =	stream.indirect.gather [hbm4b:s4+s15], $0x80, s12, s15, $0xb8;
	[tilespmem:$0x1F800] =	vst v63  }
0xfd: {  	_ =	swait.ge [sflag:s18], $0x4000  }
0xfe: {  	[sflag:s18] =	ssyncset.done $0x0  }
0xff: {  	[sflag:s18] =	ssyncadd.s32 $0xFFFFC000  }
0x100: {  	[spmem:s2] =	stream.indirect.scatter.add.f32 [tilespmem:s14], [sflag:$0x3], $0x80, s7, s15, $0xb8;
	[tilespmem:$0x1F800] =	vst v63  }
0x101: {  	_ =	swait.ge [sflag:s13], $0x4000  }
0x102: {  	[sflag:s13] =	ssyncset.done $0x0  }
0x103: {  	s12 =	simm.s32 $0xC00;
	[sflag:s13] =	ssyncadd.s32 $0xFFFFC000  }
0x104: {  	[tilespmem:s14], [sflag:$0x1] =	stream.indirect.gather [hbm4b:s4+s15], $0x80, s12, s15, $0xb8;
	[tilespmem:$0x1F800] =	vst v63  }
0x105: {  	_ =	swait.ge [sflag:s20], $0x4000  }
0x106: {  	[sflag:s20] =	ssyncset.done $0x0  }
0x107: {  	[sflag:s20] =	ssyncadd.s32 $0xFFFFC000  }
0x108: {  	[spmem:s2] =	stream.indirect.scatter.add.f32 [tilespmem:s16], [sflag:$0x3], $0x80, s8, s15, $0xb8;
	[tilespmem:$0x1F800] =	vst v63  }
0x109: {  	_ =	swait.ge [sflag:s13], $0x4000  }
0x10a: {  	[sflag:s13] =	ssyncset.done $0x0  }
0x10b: {  	s12 =	simm.s32 $0xC80;
	[sflag:s13] =	ssyncadd.s32 $0xFFFFC000  }
0x10c: {  	[tilespmem:s16], [sflag:$0x2] =	stream.indirect.gather [hbm4b:s4+s15], $0x80, s12, s15, $0xb8;
	[tilespmem:$0x1F800] =	vst v63  }
0x10d: {  	_ =	swait.ge [sflag:s18], $0x4000  }
0x10e: {  	[sflag:s18] =	ssyncset.done $0x0  }
0x10f: {  	[sflag:s18] =	ssyncadd.s32 $0xFFFFC000  }
0x110: {  	[spmem:s2] =	stream.indirect.scatter.add.f32 [tilespmem:s14], [sflag:$0x3], $0x80, s9, s15, $0xb8;
	[tilespmem:$0x1F800] =	vst v63  }
0x111: {  	_ =	swait.ge [sflag:s13], $0x4000  }
0x112: {  	[sflag:s13] =	ssyncset.done $0x0  }
0x113: {  	s12 =	simm.s32 $0xD00;
	[sflag:s13] =	ssyncadd.s32 $0xFFFFC000  }
0x114: {  	[tilespmem:s14], [sflag:$0x1] =	stream.indirect.gather [hbm4b:s4+s15], $0x80, s12, s15, $0xb8;
	[tilespmem:$0x1F800] =	vst v63  }
0x115: {  	_ =	swait.ge [sflag:s20], $0x4000  }
0x116: {  	[sflag:s20] =	ssyncset.done $0x0  }
0x117: {  	[sflag:s20] =	ssyncadd.s32 $0xFFFFC000  }
0x118: {  	[spmem:s2] =	stream.indirect.scatter.add.f32 [tilespmem:s16], [sflag:$0x3], $0x80, s19, s15, $0xb8;
	[tilespmem:$0x1F800] =	vst v63  }
0x119: {  	_ =	swait.ge [sflag:s13], $0x4000  }
0x11a: {  	[sflag:s13] =	ssyncset.done $0x0  }
0x11b: {  	s12 =	simm.s32 $0xD80;
	[sflag:s13] =	ssyncadd.s32 $0xFFFFC000  }
0x11c: {  	[tilespmem:s16], [sflag:$0x2] =	stream.indirect.gather [hbm4b:s4+s15], $0x80, s12, s15, $0xb8;
	[tilespmem:$0x1F800] =	vst v63  }
0x11d: {  	_ =	swait.ge [sflag:s18], $0x4000  }
0x11e: {  	[sflag:s18] =	ssyncset.done $0x0  }
0x11f: {  	[sflag:s18] =	ssyncadd.s32 $0xFFFFC000  }
0x120: {  	[spmem:s2] =	stream.indirect.scatter.add.f32 [tilespmem:s14], [sflag:$0x3], $0x80, s22, s15, $0xb8;
	[tilespmem:$0x1F800] =	vst v63  }
0x121: {  	_ =	swait.ge [sflag:s13], $0x4000  }
0x122: {  	[sflag:s13] =	ssyncset.done $0x0  }
0x123: {  	s12 =	simm.s32 $0xE00;
	[sflag:s13] =	ssyncadd.s32 $0xFFFFC000  }
0x124: {  	[tilespmem:s14], [sflag:$0x1] =	stream.indirect.gather [hbm4b:s4+s15], $0x80, s12, s15, $0xb8;
	[tilespmem:$0x1F800] =	vst v63  }
0x125: {  	_ =	swait.ge [sflag:s20], $0x4000  }
0x126: {  	[sflag:s20] =	ssyncset.done $0x0  }
0x127: {  	[sflag:s20] =	ssyncadd.s32 $0xFFFFC000  }
0x128: {  	[spmem:s2] =	stream.indirect.scatter.add.f32 [tilespmem:s16], [sflag:$0x3], $0x80, s25, s15, $0xb8;
	[tilespmem:$0x1F800] =	vst v63  }
0x129: {  	_ =	swait.ge [sflag:s13], $0x4000  }
0x12a: {  	[sflag:s13] =	ssyncset.done $0x0  }
0x12b: {  	s12 =	simm.s32 $0xE80;
	[sflag:s13] =	ssyncadd.s32 $0xFFFFC000  }
0x12c: {  	[tilespmem:s16], [sflag:$0x2] =	stream.indirect.gather [hbm4b:s4+s15], $0x80, s12, s15, $0xb8;
	[tilespmem:$0x1F800] =	vst v63  }
0x12d: {  	_ =	swait.ge [sflag:s18], $0x4000  }
0x12e: {  	[sflag:s18] =	ssyncset.done $0x0  }
0x12f: {  	[sflag:s18] =	ssyncadd.s32 $0xFFFFC000  }
0x130: {  	[spmem:s2] =	stream.indirect.scatter.add.f32 [tilespmem:s14], [sflag:$0x3], $0x80, s26, s15, $0xb8;
	[tilespmem:$0x1F800] =	vst v63  }
0x131: {  	_ =	swait.ge [sflag:s13], $0x4000  }
0x132: {  	[sflag:s13] =	ssyncset.done $0x0  }
0x133: {  	s12 =	simm.s32 $0xF00;
	[sflag:s13] =	ssyncadd.s32 $0xFFFFC000  }
0x134: {  	[tilespmem:s14], [sflag:$0x1] =	stream.indirect.gather [hbm4b:s4+s15], $0x80, s12, s15, $0xb8;
	[tilespmem:$0x1F800] =	vst v63  }
0x135: {  	_ =	swait.ge [sflag:s20], $0x4000  }
0x136: {  	[sflag:s20] =	ssyncset.done $0x0  }
0x137: {  	[sflag:s20] =	ssyncadd.s32 $0xFFFFC000  }
0x138: {  	[spmem:s2] =	stream.indirect.scatter.add.f32 [tilespmem:s16], [sflag:$0x3], $0x80, s28, s15, $0xb8;
	[tilespmem:$0x1F800] =	vst v63  }
0x139: {  	_ =	swait.ge [sflag:s13], $0x4000  }
0x13a: {  	[sflag:s13] =	ssyncset.done $0x0  }
0x13b: {  	s12 =	simm.s32 $0xF80;
	[sflag:s13] =	ssyncadd.s32 $0xFFFFC000  }
0x13c: {  	[tilespmem:s16], [sflag:$0x2] =	stream.indirect.gather [hbm4b:s4+s15], $0x80, s12, s15, $0xb8;
	[tilespmem:$0x1F800] =	vst v63  }
0x13d: {  	_ =	swait.ge [sflag:s18], $0x4000  }
0x13e: {  	[sflag:s18] =	ssyncset.done $0x0  }
0x13f: {  	[sflag:s18] =	ssyncadd.s32 $0xFFFFC000  }
0x140: {  	[spmem:s2] =	stream.indirect.scatter.add.f32 [tilespmem:s14], [sflag:$0x3], $0x80, s29, s15, $0xb8;
	[tilespmem:$0x1F800] =	vst v63  }
0x141: {  	_ =	swait.ge [sflag:s13], $0x4000  }
0x142: {  	[sflag:s13] =	ssyncset.done $0x0  }
0x143: {  	s12 =	simm.s32 $0x1000;
	[sflag:s13] =	ssyncadd.s32 $0xFFFFC000  }
0x144: {  	[tilespmem:s14], [sflag:$0x1] =	stream.indirect.gather [hbm4b:s4+s15], $0x80, s12, s15, $0xb8;
	[tilespmem:$0x1F800] =	vst v63  }
0x145: {  	_ =	swait.ge [sflag:s20], $0x4000  }
0x146: {  	[sflag:s20] =	ssyncset.done $0x0  }
0x147: {  	[sflag:s20] =	ssyncadd.s32 $0xFFFFC000  }
0x148: {  	[spmem:s2] =	stream.indirect.scatter.add.f32 [tilespmem:s16], [sflag:$0x3], $0x80, s30, s15, $0xb8;
	[tilespmem:$0x1F800] =	vst v63  }
0x149: {  	_ =	swait.ge [sflag:s13], $0x4000  }
0x14a: {  	[sflag:s13] =	ssyncset.done $0x0  }
0x14b: {  	s12 =	simm.s32 $0x1080;
	[sflag:s13] =	ssyncadd.s32 $0xFFFFC000  }
0x14c: {  	[tilespmem:s16], [sflag:$0x2] =	stream.indirect.gather [hbm4b:s4+s15], $0x80, s12, s15, $0xb8;
	[tilespmem:$0x1F800] =	vst v63  }
0x14d: {  	s12 =	sadd.s32 $0x200, s11  }
0x14e: {  	[tilespmem:s0], [sflag:$0x3] =	stream.linear.gather [hbm4b:s12+s31], $0x800, $0x38;
	[tilespmem:$0x1F800] =	vst v63  }
0x14f: {  	_ =	swait.ge [sflag:s13], $0x800  }
0x150: {  	[sflag:s13] =	ssyncset.done $0x0  }
0x151: {  	[sflag:s13] =	ssyncadd.s32 $0xFFFFF800  }
0x152: {  	_ =	swait.ge [sflag:s18], $0x4000  }
0x153: {  	[sflag:s18] =	ssyncset.done $0x0  }
0x154: {  	[sflag:s18] =	ssyncadd.s32 $0xFFFFC000  }
0x155: {  	[spmem:s2] =	stream.indirect.scatter.add.f32 [tilespmem:s14], [sflag:$0x3], $0x80, s0, s15, $0xb8;
	[tilespmem:$0x1F800] =	vst v63  }
0x156: {  	_ =	swait.ge [sflag:s13], $0x4000  }
0x157: {  	[sflag:s13] =	ssyncset.done $0x0  }
0x158: {  	s12 =	simm.s32 $0x1100;
	[sflag:s13] =	ssyncadd.s32 $0xFFFFC000  }
0x159: {  	[tilespmem:s14], [sflag:$0x1] =	stream.indirect.gather [hbm4b:s4+s15], $0x80, s12, s15, $0xb8;
	[tilespmem:$0x1F800] =	vst v63  }
0x15a: {  	_ =	swait.ge [sflag:s20], $0x4000  }
0x15b: {  	[sflag:s20] =	ssyncset.done $0x0  }
0x15c: {  	s12 =	simm.s32 $0x2880;
	[sflag:s20] =	ssyncadd.s32 $0xFFFFC000  }
0x15d: {  	[spmem:s2] =	stream.indirect.scatter.add.f32 [tilespmem:s16], [sflag:$0x3], $0x80, s12, s15, $0xb8;
	[tilespmem:$0x1F800] =	vst v63  }
0x15e: {  	_ =	swait.ge [sflag:s13], $0x4000  }
0x15f: {  	[sflag:s13] =	ssyncset.done $0x0  }
0x160: {  	s12 =	simm.s32 $0x1180;
	[sflag:s13] =	ssyncadd.s32 $0xFFFFC000  }
0x161: {  	[tilespmem:s16], [sflag:$0x2] =	stream.indirect.gather [hbm4b:s4+s15], $0x80, s12, s15, $0xb8;
	[tilespmem:$0x1F800] =	vst v63  }
0x162: {  	_ =	swait.ge [sflag:s18], $0x4000  }
0x163: {  	[sflag:s18] =	ssyncset.done $0x0  }
0x164: {  	s12 =	simm.s32 $0x2900;
	[sflag:s18] =	ssyncadd.s32 $0xFFFFC000  }
0x165: {  	[spmem:s2] =	stream.indirect.scatter.add.f32 [tilespmem:s14], [sflag:$0x3], $0x80, s12, s15, $0xb8;
	[tilespmem:$0x1F800] =	vst v63  }
0x166: {  	_ =	swait.ge [sflag:s13], $0x4000  }
0x167: {  	[sflag:s13] =	ssyncset.done $0x0  }
0x168: {  	s12 =	simm.s32 $0x1200;
	[sflag:s13] =	ssyncadd.s32 $0xFFFFC000  }
0x169: {  	[tilespmem:s14], [sflag:$0x1] =	stream.indirect.gather [hbm4b:s4+s15], $0x80, s12, s15, $0xb8;
	[tilespmem:$0x1F800] =	vst v63  }
0x16a: {  	_ =	swait.ge [sflag:s20], $0x4000  }
0x16b: {  	[sflag:s20] =	ssyncset.done $0x0  }
0x16c: {  	s12 =	simm.s32 $0x2980;
	[sflag:s20] =	ssyncadd.s32 $0xFFFFC000  }
0x16d: {  	[spmem:s2] =	stream.indirect.scatter.add.f32 [tilespmem:s16], [sflag:$0x3], $0x80, s12, s15, $0xb8;
	[tilespmem:$0x1F800] =	vst v63  }
0x16e: {  	_ =	swait.ge [sflag:s13], $0x4000  }
0x16f: {  	[sflag:s13] =	ssyncset.done $0x0  }
0x170: {  	s12 =	simm.s32 $0x1280;
	[sflag:s13] =	ssyncadd.s32 $0xFFFFC000  }
0x171: {  	[tilespmem:s16], [sflag:$0x2] =	stream.indirect.gather [hbm4b:s4+s15], $0x80, s12, s15, $0xb8;
	[tilespmem:$0x1F800] =	vst v63  }
0x172: {  	_ =	swait.ge [sflag:s18], $0x4000  }
0x173: {  	[sflag:s18] =	ssyncset.done $0x0  }
0x174: {  	s12 =	simm.s32 $0x2A00;
	[sflag:s18] =	ssyncadd.s32 $0xFFFFC000  }
0x175: {  	[spmem:s2] =	stream.indirect.scatter.add.f32 [tilespmem:s14], [sflag:$0x3], $0x80, s12, s15, $0xb8;
	[tilespmem:$0x1F800] =	vst v63  }
0x176: {  	_ =	swait.ge [sflag:s13], $0x4000  }
0x177: {  	[sflag:s13] =	ssyncset.done $0x0  }
0x178: {  	s12 =	simm.s32 $0x1300;
	[sflag:s13] =	ssyncadd.s32 $0xFFFFC000  }
0x179: {  	[tilespmem:s14], [sflag:$0x1] =	stream.indirect.gather [hbm4b:s4+s15], $0x80, s12, s15, $0xb8;
	[tilespmem:$0x1F800] =	vst v63  }
0x17a: {  	_ =	swait.ge [sflag:s20], $0x4000  }
0x17b: {  	[sflag:s20] =	ssyncset.done $0x0  }
0x17c: {  	s12 =	simm.s32 $0x2A80;
	[sflag:s20] =	ssyncadd.s32 $0xFFFFC000  }
0x17d: {  	[spmem:s2] =	stream.indirect.scatter.add.f32 [tilespmem:s16], [sflag:$0x3], $0x80, s12, s15, $0xb8;
	[tilespmem:$0x1F800] =	vst v63  }
0x17e: {  	_ =	swait.ge [sflag:s13], $0x4000  }
0x17f: {  	[sflag:s13] =	ssyncset.done $0x0  }
0x180: {  	s12 =	simm.s32 $0x1380;
	[sflag:s13] =	ssyncadd.s32 $0xFFFFC000  }
0x181: {  	[tilespmem:s16], [sflag:$0x2] =	stream.indirect.gather [hbm4b:s4+s15], $0x80, s12, s15, $0xb8;
	[tilespmem:$0x1F800] =	vst v63  }
0x182: {  	_ =	swait.ge [sflag:s18], $0x4000  }
0x183: {  	[sflag:s18] =	ssyncset.done $0x0  }
0x184: {  	s12 =	simm.s32 $0x2B00;
	[sflag:s18] =	ssyncadd.s32 $0xFFFFC000  }
0x185: {  	[spmem:s2] =	stream.indirect.scatter.add.f32 [tilespmem:s14], [sflag:$0x3], $0x80, s12, s15, $0xb8;
	[tilespmem:$0x1F800] =	vst v63  }
0x186: {  	_ =	swait.ge [sflag:s13], $0x4000  }
0x187: {  	[sflag:s13] =	ssyncset.done $0x0  }
0x188: {  	s12 =	simm.s32 $0x1400;
	[sflag:s13] =	ssyncadd.s32 $0xFFFFC000  }
0x189: {  	[tilespmem:s14], [sflag:$0x1] =	stream.indirect.gather [hbm4b:s4+s15], $0x80, s12, s15, $0xb8;
	[tilespmem:$0x1F800] =	vst v63  }
0x18a: {  	_ =	swait.ge [sflag:s20], $0x4000  }
0x18b: {  	[sflag:s20] =	ssyncset.done $0x0  }
0x18c: {  	s12 =	simm.s32 $0x2B80;
	[sflag:s20] =	ssyncadd.s32 $0xFFFFC000  }
0x18d: {  	[spmem:s2] =	stream.indirect.scatter.add.f32 [tilespmem:s16], [sflag:$0x3], $0x80, s12, s15, $0xb8;
	[tilespmem:$0x1F800] =	vst v63  }
0x18e: {  	_ =	swait.ge [sflag:s13], $0x4000  }
0x18f: {  	[sflag:s13] =	ssyncset.done $0x0  }
0x190: {  	s12 =	simm.s32 $0x1480;
	[sflag:s13] =	ssyncadd.s32 $0xFFFFC000  }
0x191: {  	[tilespmem:s16], [sflag:$0x2] =	stream.indirect.gather [hbm4b:s4+s15], $0x80, s12, s15, $0xb8;
	[tilespmem:$0x1F800] =	vst v63  }
0x192: {  	_ =	swait.ge [sflag:s18], $0x4000  }
0x193: {  	[sflag:s18] =	ssyncset.done $0x0  }
0x194: {  	s12 =	simm.s32 $0x2C00;
	[sflag:s18] =	ssyncadd.s32 $0xFFFFC000  }
0x195: {  	[spmem:s2] =	stream.indirect.scatter.add.f32 [tilespmem:s14], [sflag:$0x3], $0x80, s12, s15, $0xb8;
	[tilespmem:$0x1F800] =	vst v63  }
0x196: {  	_ =	swait.ge [sflag:s13], $0x4000  }
0x197: {  	[sflag:s13] =	ssyncset.done $0x0  }
0x198: {  	s12 =	simm.s32 $0x1500;
	[sflag:s13] =	ssyncadd.s32 $0xFFFFC000  }
0x199: {  	[tilespmem:s14], [sflag:$0x1] =	stream.indirect.gather [hbm4b:s4+s15], $0x80, s12, s15, $0xb8;
	[tilespmem:$0x1F800] =	vst v63  }
0x19a: {  	_ =	swait.ge [sflag:s20], $0x4000  }
0x19b: {  	[sflag:s20] =	ssyncset.done $0x0  }
0x19c: {  	s12 =	simm.s32 $0x2C80;
	[sflag:s20] =	ssyncadd.s32 $0xFFFFC000  }
0x19d: {  	[spmem:s2] =	stream.indirect.scatter.add.f32 [tilespmem:s16], [sflag:$0x3], $0x80, s12, s15, $0xb8;
	[tilespmem:$0x1F800] =	vst v63  }
0x19e: {  	_ =	swait.ge [sflag:s13], $0x4000  }
0x19f: {  	[sflag:s13] =	ssyncset.done $0x0  }
0x1a0: {  	s12 =	simm.s32 $0x1580;
	[sflag:s13] =	ssyncadd.s32 $0xFFFFC000  }
0x1a1: {  	[tilespmem:s16], [sflag:$0x2] =	stream.indirect.gather [hbm4b:s4+s15], $0x80, s12, s15, $0xb8;
	[tilespmem:$0x1F800] =	vst v63  }
0x1a2: {  	_ =	swait.ge [sflag:s18], $0x4000  }
0x1a3: {  	[sflag:s18] =	ssyncset.done $0x0  }
0x1a4: {  	s12 =	simm.s32 $0x2D00;
	[sflag:s18] =	ssyncadd.s32 $0xFFFFC000  }
0x1a5: {  	[spmem:s2] =	stream.indirect.scatter.add.f32 [tilespmem:s14], [sflag:$0x3], $0x80, s12, s15, $0xb8;
	[tilespmem:$0x1F800] =	vst v63  }
0x1a6: {  	_ =	swait.ge [sflag:s13], $0x4000  }
0x1a7: {  	[sflag:s13] =	ssyncset.done $0x0  }
0x1a8: {  	s12 =	simm.s32 $0x1600;
	[sflag:s13] =	ssyncadd.s32 $0xFFFFC000  }
0x1a9: {  	[tilespmem:s14], [sflag:$0x1] =	stream.indirect.gather [hbm4b:s4+s15], $0x80, s12, s15, $0xb8;
	[tilespmem:$0x1F800] =	vst v63  }
0x1aa: {  	_ =	swait.ge [sflag:s20], $0x4000  }
0x1ab: {  	[sflag:s20] =	ssyncset.done $0x0  }
0x1ac: {  	s12 =	simm.s32 $0x2D80;
	[sflag:s20] =	ssyncadd.s32 $0xFFFFC000  }
0x1ad: {  	[spmem:s2] =	stream.indirect.scatter.add.f32 [tilespmem:s16], [sflag:$0x3], $0x80, s12, s15, $0xb8;
	[tilespmem:$0x1F800] =	vst v63  }
0x1ae: {  	_ =	swait.ge [sflag:s13], $0x4000  }
0x1af: {  	[sflag:s13] =	ssyncset.done $0x0  }
0x1b0: {  	s12 =	simm.s32 $0x1680;
	[sflag:s13] =	ssyncadd.s32 $0xFFFFC000  }
0x1b1: {  	[tilespmem:s16], [sflag:$0x2] =	stream.indirect.gather [hbm4b:s4+s15], $0x80, s12, s15, $0xb8;
	[tilespmem:$0x1F800] =	vst v63  }
0x1b2: {  	_ =	swait.ge [sflag:s18], $0x4000  }
0x1b3: {  	[sflag:s18] =	ssyncset.done $0x0  }
0x1b4: {  	s12 =	simm.s32 $0x2E00;
	[sflag:s18] =	ssyncadd.s32 $0xFFFFC000  }
0x1b5: {  	[spmem:s2] =	stream.indirect.scatter.add.f32 [tilespmem:s14], [sflag:$0x3], $0x80, s12, s15, $0xb8;
	[tilespmem:$0x1F800] =	vst v63  }
0x1b6: {  	_ =	swait.ge [sflag:s13], $0x4000  }
0x1b7: {  	[sflag:s13] =	ssyncset.done $0x0  }
0x1b8: {  	s12 =	simm.s32 $0x1700;
	[sflag:s13] =	ssyncadd.s32 $0xFFFFC000  }
0x1b9: {  	[tilespmem:s14], [sflag:$0x1] =	stream.indirect.gather [hbm4b:s4+s15], $0x80, s12, s15, $0xb8;
	[tilespmem:$0x1F800] =	vst v63  }
0x1ba: {  	_ =	swait.ge [sflag:s20], $0x4000  }
0x1bb: {  	[sflag:s20] =	ssyncset.done $0x0  }
0x1bc: {  	s12 =	simm.s32 $0x2E80;
	[sflag:s20] =	ssyncadd.s32 $0xFFFFC000  }
0x1bd: {  	[spmem:s2] =	stream.indirect.scatter.add.f32 [tilespmem:s16], [sflag:$0x3], $0x80, s12, s15, $0xb8;
	[tilespmem:$0x1F800] =	vst v63  }
0x1be: {  	_ =	swait.ge [sflag:s13], $0x4000  }
0x1bf: {  	[sflag:s13] =	ssyncset.done $0x0  }
0x1c0: {  	s12 =	simm.s32 $0x1780;
	[sflag:s13] =	ssyncadd.s32 $0xFFFFC000  }
0x1c1: {  	[tilespmem:s16], [sflag:$0x2] =	stream.indirect.gather [hbm4b:s4+s15], $0x80, s12, s15, $0xb8;
	[tilespmem:$0x1F800] =	vst v63  }
0x1c2: {  	_ =	swait.ge [sflag:s18], $0x4000  }
0x1c3: {  	[sflag:s18] =	ssyncset.done $0x0  }
0x1c4: {  	s12 =	simm.s32 $0x2F00;
	[sflag:s18] =	ssyncadd.s32 $0xFFFFC000  }
0x1c5: {  	[spmem:s2] =	stream.indirect.scatter.add.f32 [tilespmem:s14], [sflag:$0x3], $0x80, s12, s15, $0xb8;
	[tilespmem:$0x1F800] =	vst v63  }
0x1c6: {  	_ =	swait.ge [sflag:s13], $0x4000  }
0x1c7: {  	[sflag:s13] =	ssyncset.done $0x0  }
0x1c8: {  	s12 =	simm.s32 $0x1800;
	[sflag:s13] =	ssyncadd.s32 $0xFFFFC000  }
0x1c9: {  	[tilespmem:s14], [sflag:$0x1] =	stream.indirect.gather [hbm4b:s4+s15], $0x80, s12, s15, $0xb8;
	[tilespmem:$0x1F800] =	vst v63  }
0x1ca: {  	_ =	swait.ge [sflag:s20], $0x4000  }
0x1cb: {  	[sflag:s20] =	ssyncset.done $0x0  }
0x1cc: {  	[sflag:s20] =	ssyncadd.s32 $0xFFFFC000  }
0x1cd: {  	[spmem:s2] =	stream.indirect.scatter.add.f32 [tilespmem:s16], [sflag:$0x3], $0x80, s21, s15, $0xb8;
	[tilespmem:$0x1F800] =	vst v63  }
0x1ce: {  	_ =	swait.ge [sflag:s13], $0x4000  }
0x1cf: {  	[sflag:s13] =	ssyncset.done $0x0  }
0x1d0: {  	s12 =	simm.s32 $0x1880;
	[sflag:s13] =	ssyncadd.s32 $0xFFFFC000  }
0x1d1: {  	[tilespmem:s16], [sflag:$0x2] =	stream.indirect.gather [hbm4b:s4+s15], $0x80, s12, s15, $0xb8;
	[tilespmem:$0x1F800] =	vst v63  }
0x1d2: {  	s12 =	sadd.s32 $0x300, s11  }
0x1d3: {  	[tilespmem:s5], [sflag:$0x3] =	stream.linear.gather [hbm4b:s12+s31], $0x800, $0x38;
	[tilespmem:$0x1F800] =	vst v63  }
0x1d4: {  	_ =	swait.ge [sflag:s13], $0x800  }
0x1d5: {  	[sflag:s13] =	ssyncset.done $0x0  }
0x1d6: {  	[sflag:s13] =	ssyncadd.s32 $0xFFFFF800  }
0x1d7: {  	_ =	swait.ge [sflag:s18], $0x4000  }
0x1d8: {  	[sflag:s18] =	ssyncset.done $0x0  }
0x1d9: {  	[sflag:s18] =	ssyncadd.s32 $0xFFFFC000  }
0x1da: {  	[spmem:s2] =	stream.indirect.scatter.add.f32 [tilespmem:s14], [sflag:$0x3], $0x80, s5, s15, $0xb8;
	[tilespmem:$0x1F800] =	vst v63  }
0x1db: {  	_ =	swait.ge [sflag:s13], $0x4000  }
0x1dc: {  	[sflag:s13] =	ssyncset.done $0x0  }
0x1dd: {  	s12 =	simm.s32 $0x1900;
	[sflag:s13] =	ssyncadd.s32 $0xFFFFC000  }
0x1de: {  	[tilespmem:s14], [sflag:$0x1] =	stream.indirect.gather [hbm4b:s4+s15], $0x80, s12, s15, $0xb8;
	[tilespmem:$0x1F800] =	vst v63  }
0x1df: {  	_ =	swait.ge [sflag:s20], $0x4000  }
0x1e0: {  	[sflag:s20] =	ssyncset.done $0x0  }
0x1e1: {  	[sflag:s20] =	ssyncadd.s32 $0xFFFFC000  }
0x1e2: {  	[spmem:s2] =	stream.indirect.scatter.add.f32 [tilespmem:s16], [sflag:$0x3], $0x80, s24, s15, $0xb8;
	[tilespmem:$0x1F800] =	vst v63  }
0x1e3: {  	_ =	swait.ge [sflag:s13], $0x4000  }
0x1e4: {  	[sflag:s13] =	ssyncset.done $0x0  }
0x1e5: {  	s12 =	simm.s32 $0x1980;
	[sflag:s13] =	ssyncadd.s32 $0xFFFFC000  }
0x1e6: {  	[tilespmem:s16], [sflag:$0x2] =	stream.indirect.gather [hbm4b:s4+s15], $0x80, s12, s15, $0xb8;
	[tilespmem:$0x1F800] =	vst v63  }
0x1e7: {  	_ =	swait.ge [sflag:s18], $0x4000  }
0x1e8: {  	[sflag:s18] =	ssyncset.done $0x0  }
0x1e9: {  	[sflag:s18] =	ssyncadd.s32 $0xFFFFC000  }
0x1ea: {  	[spmem:s2] =	stream.indirect.scatter.add.f32 [tilespmem:s14], [sflag:$0x3], $0x80, s23, s15, $0xb8;
	[tilespmem:$0x1F800] =	vst v63  }
0x1eb: {  	_ =	swait.ge [sflag:s13], $0x4000  }
0x1ec: {  	[sflag:s13] =	ssyncset.done $0x0  }
0x1ed: {  	s24 =	simm.s32 $0x1A00;
	[sflag:s13] =	ssyncadd.s32 $0xFFFFC000  }
0x1ee: {  	[tilespmem:s14], [sflag:$0x1] =	stream.indirect.gather [hbm4b:s4+s15], $0x80, s24, s15, $0xb8;
	[tilespmem:$0x1F800] =	vst v63  }
0x1ef: {  	_ =	swait.ge [sflag:s20], $0x4000  }
0x1f0: {  	[sflag:s20] =	ssyncset.done $0x0  }
0x1f1: {  	[sflag:s20] =	ssyncadd.s32 $0xFFFFC000  }
0x1f2: {  	[spmem:s2] =	stream.indirect.scatter.add.f32 [tilespmem:s16], [sflag:$0x3], $0x80, s1, s15, $0xb8;
	[tilespmem:$0x1F800] =	vst v63  }
0x1f3: {  	_ =	swait.ge [sflag:s13], $0x4000  }
0x1f4: {  	[sflag:s13] =	ssyncset.done $0x0  }
0x1f5: {  	s12 =	simm.s32 $0x1A80;
	[sflag:s13] =	ssyncadd.s32 $0xFFFFC000  }
0x1f6: {  	[tilespmem:s16], [sflag:$0x2] =	stream.indirect.gather [hbm4b:s4+s15], $0x80, s12, s15, $0xb8;
	[tilespmem:$0x1F800] =	vst v63  }
0x1f7: {  	_ =	swait.ge [sflag:s18], $0x4000  }
0x1f8: {  	[sflag:s18] =	ssyncset.done $0x0  }
0x1f9: {  	[sflag:s18] =	ssyncadd.s32 $0xFFFFC000  }
0x1fa: {  	[spmem:s2] =	stream.indirect.scatter.add.f32 [tilespmem:s14], [sflag:$0x3], $0x80, s3, s15, $0xb8;
	[tilespmem:$0x1F800] =	vst v63  }
0x1fb: {  	_ =	swait.ge [sflag:s13], $0x4000  }
0x1fc: {  	[sflag:s13] =	ssyncset.done $0x0  }
0x1fd: {  	s24 =	simm.s32 $0x1B00;
	[sflag:s13] =	ssyncadd.s32 $0xFFFFC000  }
0x1fe: {  	[tilespmem:s14], [sflag:$0x1] =	stream.indirect.gather [hbm4b:s4+s15], $0x80, s24, s15, $0xb8;
	[tilespmem:$0x1F800] =	vst v63  }
0x1ff: {  	_ =	swait.ge [sflag:s20], $0x4000  }
0x200: {  	[sflag:s20] =	ssyncset.done $0x0  }
0x201: {  	[sflag:s20] =	ssyncadd.s32 $0xFFFFC000  }
0x202: {  	[spmem:s2] =	stream.indirect.scatter.add.f32 [tilespmem:s16], [sflag:$0x3], $0x80, s6, s15, $0xb8;
	[tilespmem:$0x1F800] =	vst v63  }
0x203: {  	_ =	swait.ge [sflag:s13], $0x4000  }
0x204: {  	[sflag:s13] =	ssyncset.done $0x0  }
0x205: {  	s5 =	simm.s32 $0x1B80;
	[sflag:s13] =	ssyncadd.s32 $0xFFFFC000  }
0x206: {  	[tilespmem:s16], [sflag:$0x2] =	stream.indirect.gather [hbm4b:s4+s15], $0x80, s5, s15, $0xb8;
	[tilespmem:$0x1F800] =	vst v63  }
0x207: {  	_ =	swait.ge [sflag:s18], $0x4000  }
0x208: {  	[sflag:s18] =	ssyncset.done $0x0  }
0x209: {  	[sflag:s18] =	ssyncadd.s32 $0xFFFFC000  }
0x20a: {  	[spmem:s2] =	stream.indirect.scatter.add.f32 [tilespmem:s14], [sflag:$0x3], $0x80, s7, s15, $0xb8;
	[tilespmem:$0x1F800] =	vst v63  }
0x20b: {  	_ =	swait.ge [sflag:s13], $0x4000  }
0x20c: {  	[sflag:s13] =	ssyncset.done $0x0  }
0x20d: {  	s12 =	simm.s32 $0x1C00;
	[sflag:s13] =	ssyncadd.s32 $0xFFFFC000  }
0x20e: {  	[tilespmem:s14], [sflag:$0x1] =	stream.indirect.gather [hbm4b:s4+s15], $0x80, s12, s15, $0xb8;
	[tilespmem:$0x1F800] =	vst v63  }
0x20f: {  	_ =	swait.ge [sflag:s20], $0x4000  }
0x210: {  	[sflag:s20] =	ssyncset.done $0x0  }
0x211: {  	[sflag:s20] =	ssyncadd.s32 $0xFFFFC000  }
0x212: {  	[spmem:s2] =	stream.indirect.scatter.add.f32 [tilespmem:s16], [sflag:$0x3], $0x80, s8, s15, $0xb8;
	[tilespmem:$0x1F800] =	vst v63  }
0x213: {  	_ =	swait.ge [sflag:s13], $0x4000  }
0x214: {  	[sflag:s13] =	ssyncset.done $0x0  }
0x215: {  	s24 =	simm.s32 $0x1C80;
	[sflag:s13] =	ssyncadd.s32 $0xFFFFC000  }
0x216: {  	[tilespmem:s16], [sflag:$0x2] =	stream.indirect.gather [hbm4b:s4+s15], $0x80, s24, s15, $0xb8;
	[tilespmem:$0x1F800] =	vst v63  }
0x217: {  	_ =	swait.ge [sflag:s18], $0x4000  }
0x218: {  	[sflag:s18] =	ssyncset.done $0x0  }
0x219: {  	[sflag:s18] =	ssyncadd.s32 $0xFFFFC000  }
0x21a: {  	[spmem:s2] =	stream.indirect.scatter.add.f32 [tilespmem:s14], [sflag:$0x3], $0x80, s9, s15, $0xb8;
	[tilespmem:$0x1F800] =	vst v63  }
0x21b: {  	_ =	swait.ge [sflag:s13], $0x4000  }
0x21c: {  	[sflag:s13] =	ssyncset.done $0x0  }
0x21d: {  	s5 =	simm.s32 $0x1D00;
	[sflag:s13] =	ssyncadd.s32 $0xFFFFC000  }
0x21e: {  	[tilespmem:s14], [sflag:$0x1] =	stream.indirect.gather [hbm4b:s4+s15], $0x80, s5, s15, $0xb8;
	[tilespmem:$0x1F800] =	vst v63  }
0x21f: {  	_ =	swait.ge [sflag:s20], $0x4000  }
0x220: {  	[sflag:s20] =	ssyncset.done $0x0  }
0x221: {  	[sflag:s20] =	ssyncadd.s32 $0xFFFFC000  }
0x222: {  	[spmem:s2] =	stream.indirect.scatter.add.f32 [tilespmem:s16], [sflag:$0x3], $0x80, s19, s15, $0xb8;
	[tilespmem:$0x1F800] =	vst v63  }
0x223: {  	_ =	swait.ge [sflag:s13], $0x4000  }
0x224: {  	[sflag:s13] =	ssyncset.done $0x0  }
0x225: {  	s12 =	simm.s32 $0x1D80;
	[sflag:s13] =	ssyncadd.s32 $0xFFFFC000  }
0x226: {  	[tilespmem:s16], [sflag:$0x2] =	stream.indirect.gather [hbm4b:s4+s15], $0x80, s12, s15, $0xb8;
	[tilespmem:$0x1F800] =	vst v63  }
0x227: {  	_ =	swait.ge [sflag:s18], $0x4000  }
0x228: {  	[sflag:s18] =	ssyncset.done $0x0  }
0x229: {  	[sflag:s18] =	ssyncadd.s32 $0xFFFFC000  }
0x22a: {  	[spmem:s2] =	stream.indirect.scatter.add.f32 [tilespmem:s14], [sflag:$0x3], $0x80, s22, s15, $0xb8;
	[tilespmem:$0x1F800] =	vst v63  }
0x22b: {  	_ =	swait.ge [sflag:s13], $0x4000  }
0x22c: {  	[sflag:s13] =	ssyncset.done $0x0  }
0x22d: {  	s24 =	simm.s32 $0x1E00;
	[sflag:s13] =	ssyncadd.s32 $0xFFFFC000  }
0x22e: {  	[tilespmem:s14], [sflag:$0x1] =	stream.indirect.gather [hbm4b:s4+s15], $0x80, s24, s15, $0xb8;
	[tilespmem:$0x1F800] =	vst v63  }
0x22f: {  	_ =	swait.ge [sflag:s20], $0x4000  }
0x230: {  	[sflag:s20] =	ssyncset.done $0x0  }
0x231: {  	[sflag:s20] =	ssyncadd.s32 $0xFFFFC000  }
0x232: {  	[spmem:s2] =	stream.indirect.scatter.add.f32 [tilespmem:s16], [sflag:$0x3], $0x80, s25, s15, $0xb8;
	[tilespmem:$0x1F800] =	vst v63  }
0x233: {  	_ =	swait.ge [sflag:s13], $0x4000  }
0x234: {  	[sflag:s13] =	ssyncset.done $0x0  }
0x235: {  	s5 =	simm.s32 $0x1E80;
	[sflag:s13] =	ssyncadd.s32 $0xFFFFC000  }
0x236: {  	[tilespmem:s16], [sflag:$0x2] =	stream.indirect.gather [hbm4b:s4+s15], $0x80, s5, s15, $0xb8;
	[tilespmem:$0x1F800] =	vst v63  }
0x237: {  	_ =	swait.ge [sflag:s18], $0x4000  }
0x238: {  	[sflag:s18] =	ssyncset.done $0x0  }
0x239: {  	[sflag:s18] =	ssyncadd.s32 $0xFFFFC000  }
0x23a: {  	[spmem:s2] =	stream.indirect.scatter.add.f32 [tilespmem:s14], [sflag:$0x3], $0x80, s26, s15, $0xb8;
	[tilespmem:$0x1F800] =	vst v63  }
0x23b: {  	_ =	swait.ge [sflag:s13], $0x4000  }
0x23c: {  	[sflag:s13] =	ssyncset.done $0x0  }
0x23d: {  	s12 =	simm.s32 $0x1F00;
	[sflag:s13] =	ssyncadd.s32 $0xFFFFC000  }
0x23e: {  	[tilespmem:s14], [sflag:$0x1] =	stream.indirect.gather [hbm4b:s4+s15], $0x80, s12, s15, $0xb8;
	[tilespmem:$0x1F800] =	vst v63  }
0x23f: {  	_ =	swait.ge [sflag:s20], $0x4000  }
0x240: {  	[sflag:s20] =	ssyncset.done $0x0  }
0x241: {  	[sflag:s20] =	ssyncadd.s32 $0xFFFFC000  }
0x242: {  	[spmem:s2] =	stream.indirect.scatter.add.f32 [tilespmem:s16], [sflag:$0x3], $0x80, s28, s15, $0xb8;
	[tilespmem:$0x1F800] =	vst v63  }
0x243: {  	_ =	swait.ge [sflag:s13], $0x4000  }
0x244: {  	[sflag:s13] =	ssyncset.done $0x0  }
0x245: {  	s24 =	simm.s32 $0x1F80;
	[sflag:s13] =	ssyncadd.s32 $0xFFFFC000  }
0x246: {  	[tilespmem:s16], [sflag:$0x2] =	stream.indirect.gather [hbm4b:s4+s15], $0x80, s24, s15, $0xb8;
	[tilespmem:$0x1F800] =	vst v63  }
0x247: {  	_ =	swait.ge [sflag:s18], $0x4000  }
0x248: {  	[sflag:s18] =	ssyncset.done $0x0  }
0x249: {  	[sflag:s18] =	ssyncadd.s32 $0xFFFFC000  }
0x24a: {  	[spmem:s2] =	stream.indirect.scatter.add.f32 [tilespmem:s14], [sflag:$0x3], $0x80, s29, s15, $0xb8;
	[tilespmem:$0x1F800] =	vst v63  }
0x24b: {  	_ =	swait.ge [sflag:s13], $0x4000  }
0x24c: {  	[sflag:s13] =	ssyncset.done $0x0  }
0x24d: {  	s5 =	simm.s32 $0x2000;
	[sflag:s13] =	ssyncadd.s32 $0xFFFFC000  }
0x24e: {  	[tilespmem:s14], [sflag:$0x1] =	stream.indirect.gather [hbm4b:s4+s15], $0x80, s5, s15, $0xb8;
	[tilespmem:$0x1F800] =	vst v63  }
0x24f: {  	_ =	swait.ge [sflag:s20], $0x4000  }
0x250: {  	[sflag:s20] =	ssyncset.done $0x0  }
0x251: {  	[sflag:s20] =	ssyncadd.s32 $0xFFFFC000  }
0x252: {  	[spmem:s2] =	stream.indirect.scatter.add.f32 [tilespmem:s16], [sflag:$0x3], $0x80, s30, s15, $0xb8;
	[tilespmem:$0x1F800] =	vst v63  }
0x253: {  	_ =	swait.ge [sflag:s13], $0x4000  }
0x254: {  	[sflag:s13] =	ssyncset.done $0x0  }
0x255: {  	s12 =	simm.s32 $0x2080;
	[sflag:s13] =	ssyncadd.s32 $0xFFFFC000  }
0x256: {  	[tilespmem:s16], [sflag:$0x2] =	stream.indirect.gather [hbm4b:s4+s15], $0x80, s12, s15, $0xb8;
	[tilespmem:$0x1F800] =	vst v63  }
0x257: {  	s24 =	sadd.s32 $0x400, s11  }
0x258: {  	[tilespmem:s0], [sflag:$0x3] =	stream.linear.gather [hbm4b:s24+s31], $0x800, $0x38;
	[tilespmem:$0x1F800] =	vst v63  }
0x259: {  	_ =	swait.ge [sflag:s13], $0x800  }
0x25a: {  	[sflag:s13] =	ssyncset.done $0x0  }
0x25b: {  	[sflag:s13] =	ssyncadd.s32 $0xFFFFF800  }
0x25c: {  	_ =	swait.ge [sflag:s18], $0x4000  }
0x25d: {  	[sflag:s18] =	ssyncset.done $0x0  }
0x25e: {  	[sflag:s18] =	ssyncadd.s32 $0xFFFFC000  }
0x25f: {  	[spmem:s2] =	stream.indirect.scatter.add.f32 [tilespmem:s14], [sflag:$0x3], $0x80, s0, s15, $0xb8;
	[tilespmem:$0x1F800] =	vst v63  }
0x260: {  	_ =	swait.ge [sflag:s13], $0x4000  }
0x261: {  	[sflag:s13] =	ssyncset.done $0x0  }
0x262: {  	s1 =	simm.s32 $0x2100;
	[sflag:s13] =	ssyncadd.s32 $0xFFFFC000  }
0x263: {  	[tilespmem:s14], [sflag:$0x1] =	stream.indirect.gather [hbm4b:s4+s15], $0x80, s1, s15, $0xb8;
	[tilespmem:$0x1F800] =	vst v63  }
0x264: {  	_ =	swait.ge [sflag:s20], $0x4000  }
0x265: {  	[sflag:s20] =	ssyncset.done $0x0  }
0x266: {  	s5 =	simm.s32 $0x2880;
	[sflag:s20] =	ssyncadd.s32 $0xFFFFC000  }
0x267: {  	[spmem:s2] =	stream.indirect.scatter.add.f32 [tilespmem:s16], [sflag:$0x3], $0x80, s5, s15, $0xb8;
	[tilespmem:$0x1F800] =	vst v63  }
0x268: {  	_ =	swait.ge [sflag:s13], $0x4000  }
0x269: {  	[sflag:s13] =	ssyncset.done $0x0  }
0x26a: {  	s12 =	simm.s32 $0x2180;
	[sflag:s13] =	ssyncadd.s32 $0xFFFFC000  }
0x26b: {  	[tilespmem:s16], [sflag:$0x2] =	stream.indirect.gather [hbm4b:s4+s15], $0x80, s12, s15, $0xb8;
	[tilespmem:$0x1F800] =	vst v63  }
0x26c: {  	_ =	swait.ge [sflag:s18], $0x4000  }
0x26d: {  	[sflag:s18] =	ssyncset.done $0x0  }
0x26e: {  	s24 =	simm.s32 $0x2900;
	[sflag:s18] =	ssyncadd.s32 $0xFFFFC000  }
0x26f: {  	[spmem:s2] =	stream.indirect.scatter.add.f32 [tilespmem:s14], [sflag:$0x3], $0x80, s24, s15, $0xb8;
	[tilespmem:$0x1F800] =	vst v63  }
0x270: {  	_ =	swait.ge [sflag:s13], $0x4000  }
0x271: {  	[sflag:s13] =	ssyncset.done $0x0  }
0x272: {  	s1 =	simm.s32 $0x2200;
	[sflag:s13] =	ssyncadd.s32 $0xFFFFC000  }
0x273: {  	[tilespmem:s14], [sflag:$0x1] =	stream.indirect.gather [hbm4b:s4+s15], $0x80, s1, s15, $0xb8;
	[tilespmem:$0x1F800] =	vst v63  }
0x274: {  	_ =	swait.ge [sflag:s20], $0x4000  }
0x275: {  	[sflag:s20] =	ssyncset.done $0x0  }
0x276: {  	s5 =	simm.s32 $0x2980;
	[sflag:s20] =	ssyncadd.s32 $0xFFFFC000  }
0x277: {  	[spmem:s2] =	stream.indirect.scatter.add.f32 [tilespmem:s16], [sflag:$0x3], $0x80, s5, s15, $0xb8;
	[tilespmem:$0x1F800] =	vst v63  }
0x278: {  	_ =	swait.ge [sflag:s13], $0x4000  }
0x279: {  	[sflag:s13] =	ssyncset.done $0x0  }
0x27a: {  	s12 =	simm.s32 $0x2280;
	[sflag:s13] =	ssyncadd.s32 $0xFFFFC000  }
0x27b: {  	[tilespmem:s16], [sflag:$0x2] =	stream.indirect.gather [hbm4b:s4+s15], $0x80, s12, s15, $0xb8;
	[tilespmem:$0x1F800] =	vst v63  }
0x27c: {  	_ =	swait.ge [sflag:s18], $0x4000  }
0x27d: {  	[sflag:s18] =	ssyncset.done $0x0  }
0x27e: {  	s24 =	simm.s32 $0x2A00;
	[sflag:s18] =	ssyncadd.s32 $0xFFFFC000  }
0x27f: {  	[spmem:s2] =	stream.indirect.scatter.add.f32 [tilespmem:s14], [sflag:$0x3], $0x80, s24, s15, $0xb8;
	[tilespmem:$0x1F800] =	vst v63  }
0x280: {  	_ =	swait.ge [sflag:s13], $0x4000  }
0x281: {  	[sflag:s13] =	ssyncset.done $0x0  }
0x282: {  	s1 =	simm.s32 $0x2300;
	[sflag:s13] =	ssyncadd.s32 $0xFFFFC000  }
0x283: {  	[tilespmem:s14], [sflag:$0x1] =	stream.indirect.gather [hbm4b:s4+s15], $0x80, s1, s15, $0xb8;
	[tilespmem:$0x1F800] =	vst v63  }
0x284: {  	_ =	swait.ge [sflag:s20], $0x4000  }
0x285: {  	[sflag:s20] =	ssyncset.done $0x0  }
0x286: {  	s5 =	simm.s32 $0x2A80;
	[sflag:s20] =	ssyncadd.s32 $0xFFFFC000  }
0x287: {  	[spmem:s2] =	stream.indirect.scatter.add.f32 [tilespmem:s16], [sflag:$0x3], $0x80, s5, s15, $0xb8;
	[tilespmem:$0x1F800] =	vst v63  }
0x288: {  	_ =	swait.ge [sflag:s13], $0x4000  }
0x289: {  	[sflag:s13] =	ssyncset.done $0x0  }
0x28a: {  	s12 =	simm.s32 $0x2380;
	[sflag:s13] =	ssyncadd.s32 $0xFFFFC000  }
0x28b: {  	[tilespmem:s16], [sflag:$0x2] =	stream.indirect.gather [hbm4b:s4+s15], $0x80, s12, s15, $0xb8;
	[tilespmem:$0x1F800] =	vst v63  }
0x28c: {  	_ =	swait.ge [sflag:s18], $0x4000  }
0x28d: {  	[sflag:s18] =	ssyncset.done $0x0  }
0x28e: {  	s24 =	simm.s32 $0x2B00;
	[sflag:s18] =	ssyncadd.s32 $0xFFFFC000  }
0x28f: {  	[spmem:s2] =	stream.indirect.scatter.add.f32 [tilespmem:s14], [sflag:$0x3], $0x80, s24, s15, $0xb8;
	[tilespmem:$0x1F800] =	vst v63  }
0x290: {  	_ =	swait.ge [sflag:s13], $0x4000  }
0x291: {  	[sflag:s13] =	ssyncset.done $0x0  }
0x292: {  	s1 =	simm.s32 $0x2400;
	[sflag:s13] =	ssyncadd.s32 $0xFFFFC000  }
0x293: {  	[tilespmem:s14], [sflag:$0x1] =	stream.indirect.gather [hbm4b:s4+s15], $0x80, s1, s15, $0xb8;
	[tilespmem:$0x1F800] =	vst v63  }
0x294: {  	_ =	swait.ge [sflag:s20], $0x4000  }
0x295: {  	[sflag:s20] =	ssyncset.done $0x0  }
0x296: {  	s5 =	simm.s32 $0x2B80;
	[sflag:s20] =	ssyncadd.s32 $0xFFFFC000  }
0x297: {  	[spmem:s2] =	stream.indirect.scatter.add.f32 [tilespmem:s16], [sflag:$0x3], $0x80, s5, s15, $0xb8;
	[tilespmem:$0x1F800] =	vst v63  }
0x298: {  	_ =	swait.ge [sflag:s13], $0x4000  }
0x299: {  	[sflag:s13] =	ssyncset.done $0x0  }
0x29a: {  	s12 =	simm.s32 $0x2480;
	[sflag:s13] =	ssyncadd.s32 $0xFFFFC000  }
0x29b: {  	[tilespmem:s16], [sflag:$0x2] =	stream.indirect.gather [hbm4b:s4+s15], $0x80, s12, s15, $0xb8;
	[tilespmem:$0x1F800] =	vst v63  }
0x29c: {  	_ =	swait.ge [sflag:s18], $0x4000  }
0x29d: {  	[sflag:s18] =	ssyncset.done $0x0  }
0x29e: {  	s24 =	simm.s32 $0x2C00;
	[sflag:s18] =	ssyncadd.s32 $0xFFFFC000  }
0x29f: {  	[spmem:s2] =	stream.indirect.scatter.add.f32 [tilespmem:s14], [sflag:$0x3], $0x80, s24, s15, $0xb8;
	[tilespmem:$0x1F800] =	vst v63  }
0x2a0: {  	_ =	swait.ge [sflag:s13], $0x4000  }
0x2a1: {  	[sflag:s13] =	ssyncset.done $0x0  }
0x2a2: {  	s1 =	simm.s32 $0x2500;
	[sflag:s13] =	ssyncadd.s32 $0xFFFFC000  }
0x2a3: {  	[tilespmem:s14], [sflag:$0x1] =	stream.indirect.gather [hbm4b:s4+s15], $0x80, s1, s15, $0xb8;
	[tilespmem:$0x1F800] =	vst v63  }
0x2a4: {  	_ =	swait.ge [sflag:s20], $0x4000  }
0x2a5: {  	[sflag:s20] =	ssyncset.done $0x0  }
0x2a6: {  	s5 =	simm.s32 $0x2C80;
	[sflag:s20] =	ssyncadd.s32 $0xFFFFC000  }
0x2a7: {  	[spmem:s2] =	stream.indirect.scatter.add.f32 [tilespmem:s16], [sflag:$0x3], $0x80, s5, s15, $0xb8;
	[tilespmem:$0x1F800] =	vst v63  }
0x2a8: {  	_ =	swait.ge [sflag:s13], $0x4000  }
0x2a9: {  	[sflag:s13] =	ssyncset.done $0x0  }
0x2aa: {  	s12 =	simm.s32 $0x2580;
	[sflag:s13] =	ssyncadd.s32 $0xFFFFC000  }
0x2ab: {  	[tilespmem:s16], [sflag:$0x2] =	stream.indirect.gather [hbm4b:s4+s15], $0x80, s12, s15, $0xb8;
	[tilespmem:$0x1F800] =	vst v63  }
0x2ac: {  	_ =	swait.ge [sflag:s18], $0x4000  }
0x2ad: {  	[sflag:s18] =	ssyncset.done $0x0  }
0x2ae: {  	s24 =	simm.s32 $0x2D00;
	[sflag:s18] =	ssyncadd.s32 $0xFFFFC000  }
0x2af: {  	[spmem:s2] =	stream.indirect.scatter.add.f32 [tilespmem:s14], [sflag:$0x3], $0x80, s24, s15, $0xb8;
	[tilespmem:$0x1F800] =	vst v63  }
0x2b0: {  	_ =	swait.ge [sflag:s13], $0x4000  }
0x2b1: {  	[sflag:s13] =	ssyncset.done $0x0  }
0x2b2: {  	s1 =	simm.s32 $0x2600;
	[sflag:s13] =	ssyncadd.s32 $0xFFFFC000  }
0x2b3: {  	[tilespmem:s14], [sflag:$0x1] =	stream.indirect.gather [hbm4b:s4+s15], $0x80, s1, s15, $0xb8;
	[tilespmem:$0x1F800] =	vst v63  }
0x2b4: {  	_ =	swait.ge [sflag:s20], $0x4000  }
0x2b5: {  	[sflag:s20] =	ssyncset.done $0x0  }
0x2b6: {  	s5 =	simm.s32 $0x2D80;
	[sflag:s20] =	ssyncadd.s32 $0xFFFFC000  }
0x2b7: {  	[spmem:s2] =	stream.indirect.scatter.add.f32 [tilespmem:s16], [sflag:$0x3], $0x80, s5, s15, $0xb8;
	[tilespmem:$0x1F800] =	vst v63  }
0x2b8: {  	_ =	swait.ge [sflag:s13], $0x4000  }
0x2b9: {  	[sflag:s13] =	ssyncset.done $0x0  }
0x2ba: {  	s12 =	simm.s32 $0x2680;
	[sflag:s13] =	ssyncadd.s32 $0xFFFFC000  }
0x2bb: {  	[tilespmem:s16], [sflag:$0x2] =	stream.indirect.gather [hbm4b:s4+s15], $0x80, s12, s15, $0xb8;
	[tilespmem:$0x1F800] =	vst v63  }
0x2bc: {  	_ =	swait.ge [sflag:s18], $0x4000  }
0x2bd: {  	[sflag:s18] =	ssyncset.done $0x0  }
0x2be: {  	s24 =	simm.s32 $0x2E00;
	[sflag:s18] =	ssyncadd.s32 $0xFFFFC000  }
0x2bf: {  	[spmem:s2] =	stream.indirect.scatter.add.f32 [tilespmem:s14], [sflag:$0x3], $0x80, s24, s15, $0xb8;
	[tilespmem:$0x1F800] =	vst v63  }
0x2c0: {  	_ =	swait.ge [sflag:s13], $0x4000  }
0x2c1: {  	[sflag:s13] =	ssyncset.done $0x0  }
0x2c2: {  	s1 =	simm.s32 $0x2700;
	[sflag:s13] =	ssyncadd.s32 $0xFFFFC000  }
0x2c3: {  	[tilespmem:s14], [sflag:$0x1] =	stream.indirect.gather [hbm4b:s4+s15], $0x80, s1, s15, $0xb8;
	[tilespmem:$0x1F800] =	vst v63  }
0x2c4: {  	_ =	swait.ge [sflag:s20], $0x4000  }
0x2c5: {  	[sflag:s20] =	ssyncset.done $0x0  }
0x2c6: {  	s5 =	simm.s32 $0x2E80;
	[sflag:s20] =	ssyncadd.s32 $0xFFFFC000  }
0x2c7: {  	[spmem:s2] =	stream.indirect.scatter.add.f32 [tilespmem:s16], [sflag:$0x3], $0x80, s5, s15, $0xb8;
	[tilespmem:$0x1F800] =	vst v63  }
0x2c8: {  	_ =	swait.ge [sflag:s13], $0x4000  }
0x2c9: {  	[sflag:s13] =	ssyncset.done $0x0  }
0x2ca: {  	s12 =	simm.s32 $0x2780;
	[sflag:s13] =	ssyncadd.s32 $0xFFFFC000  }
0x2cb: {  	[tilespmem:s16], [sflag:$0x2] =	stream.indirect.gather [hbm4b:s4+s15], $0x80, s12, s15, $0xb8;
	[tilespmem:$0x1F800] =	vst v63  }
0x2cc: {  	_ =	swait.ge [sflag:s18], $0x4000  }
0x2cd: {  	[sflag:s18] =	ssyncset.done $0x0  }
0x2ce: {  	s24 =	simm.s32 $0x2F00;
	[sflag:s18] =	ssyncadd.s32 $0xFFFFC000  }
0x2cf: {  	[spmem:s2] =	stream.indirect.scatter.add.f32 [tilespmem:s14], [sflag:$0x3], $0x80, s24, s15, $0xb8;
	[tilespmem:$0x1F800] =	vst v63  }
0x2d0: {  	_ =	swait.ge [sflag:s13], $0x4000  }
0x2d1: {  	[sflag:s13] =	ssyncset.done $0x0  }
0x2d2: {  	[sflag:s13] =	ssyncadd.s32 $0xFFFFC000  }
0x2d3: {  	_ =	swait.ge [sflag:s20], $0x4000  }
0x2d4: {  	[sflag:s20] =	ssyncset.done $0x0  }
0x2d5: {  	[sflag:s20] =	ssyncadd.s32 $0xFFFFC000  }
0x2d6: {  	[spmem:s2] =	stream.indirect.scatter.add.f32 [tilespmem:s16], [sflag:$0x3], $0x80, s21, s15, $0xb8;
	[tilespmem:$0x1F800] =	vst v63  }
0x2d7: {  	_ =	swait.ge [sflag:s13], $0x4000  }
0x2d8: {  	[sflag:s13] =	ssyncset.done $0x0  }
0x2d9: {  	s1 =	stileid.u32;
	[sflag:s13] =	ssyncadd.s32 $0xFFFFC000  }
0x2da: {  	s12 =	sshll.u32 s1, $0x6;
	[bflag:$0x0] =	sbarrier.arrive $0xFFFF  }
0x2db: {  	s5 =	sshrl.u32 s17, $0x3;
	s12 =	sor.u32 $0x1C03, s12;
	s17 =	rddreg [dreg:$0xa]  }
0x2dc: {  	[hbm:s17], [sflag:s12] =	dma.local [spmem:s5], $0x2800  }
0x2dd: {  	_ =	swait.ge [sflag:s13], $0x2800  }
0x2de: {  	s10 =	sadd.s32 $0x1, s10;
	s24 =	rddreg [dreg:$0x9]  }
0x2df: {  	p0 =	sne.s32 s10, s24  }
.Ltmp1:
0x2e0: {  	_ = 	snop;
	(pc) =	sbr.rel @p0 .LBB2_1-.Ltmp1, $3  }
0x2e1: {  	_ =	sdelay $0x1  }
0x2e2: {  	[sflag:s13] =	ssyncset.done $0x0  }
0x2e3: {  	[sflag:s13] =	ssyncadd.s32 $0xFFFFD800  }
0x2e4: {  	_ =	sfence.sel $0x180000  }
0x2e5: {  	[bflag:$0x0] =	sbarrier.arrive $0xFFFF  }
0x2e6: {  	_ =	strace $0x9000004A  }
0x2e7: {  	s0 =	stileid.u32;
	[bflag:$0x2] =	sbarrier.arrive $0xFFFF  }
0x2e8: {  	p0 =	sne.s32 s0, $0x0;
	s0 =	rddreg [dreg:$0x3]  }
0x2e9: {  	s0 =	sadd.s32 @!p0 $0x100000, s0  }
0x2ea: {  	[sflag:s0] =	ssyncadd.tile.s32 @!p0 $0x1;
	_ =	shalt  }
.Lfunc_end2:
_tile_overlayer_lowered:
.L_overlay_start_2:
0x2eb: {  	(tag) =	ssettag $0x2  }
0x2ec: {  	s0 =	rddreg [dreg:$0x0];
	s2 =	stileid.u32  }
0x2ed: {  	s1 =	rddreg [dreg:$0x1];
	p0 =	sne.s32 s2, $0x0  }
0x2ee: {  	s3 =	rddreg [dreg:$0x2];
	[bflag:$0x3] =	sbarrier.arrive $0xFFFF;
	s2 =	simm.s32 @!p0 $0x1C03  }
0x2ef: {  	[timem:s3], [sflag:s2] =	dma.local @!p0 [hbm:s0], s1  }
0x2f0: {  	s0 =	simm.s32 @!p0 $0x3  }
0x2f1: {  	_ =	swait.ge @!p0 [sflag:s0], s1  }
0x2f2: {  	s1 =	ssub.s32 @!p0 $0x0, s1;
	[sflag:s0] =	ssyncset.done @!p0 $0x0  }
0x2f3: {  	[sflag:s0] =	ssyncadd.s32 @!p0 s1  }
0x2f4: {  	[bflag:$0x3] =	sbarrier.arrive $0xFFFF  }
0x2f5: {  	_ =	shalt  }

// kernel: kernel.14.cloned.1.call-start
scs
__scs_entry_jumppad:
0x0: {  	(pc) =	sbr.rel $0x88, $3  }
0x1: {  	(tag) =	ssettag $0x0;
	lr =	simm.s32 $0x1  }
0x2: {  	[smem:$0x3F9D] =	sst lr;
	_ =	strace $0xD0000000  }
0x3: {  	_ = 	snop  }
0x4: {  	_ = 	snop  }
0x5: {  	_ = 	snop  }
0x6: {  	_ = 	snop  }
0x7: {  	_ = 	snop  }
__scs_overlays_trampoline_lowered:
0x8: {  	[smem:$0x3FAC] =	sst s0  }
0x9: {  	[smem:$0x3FAD] =	sst s1  }
0xa: {  	[smem:$0x3FAE] =	sst s2  }
0xb: {  	[smem:$0x3FAF] =	sst s3  }
0xc: {  	[smem:$0x3FB0] =	sst s4  }
0xd: {  	[smem:$0x3FB1] =	sst s5  }
0xe: {  	[smem:$0x3FB2] =	sst s6  }
0xf: {  	[smem:$0x3FB3] =	sst s7  }
0x10: {  	[smem:$0x3FB4] =	sst s8  }
0x11: {  	[smem:$0x3FB5] =	sst s9;
	s0 =	simm.s32 @!p0 $0x0  }
0x12: {  	s1 =	sld [smem:$0x3F9B];
	s0 =	simm.s32 @p0 $0x1  }
0x13: {  	[smem:$0x3FB6] =	sst s0;
	s0 =	simm.s32 @!p1 $0x0  }
0x14: {  	s2 =	sld [smem:$0x3F9A];
	s0 =	simm.s32 @p1 $0x1  }
0x15: {  	[smem:$0x3FB7] =	sst s0;
	s0 =	simm.s32 @!p2 $0x0  }
0x16: {  	s3 =	sld [smem:$0x3FDB];
	s0 =	simm.s32 @p2 $0x1  }
0x17: {  	s4 =	simm.s32 $0x1BF5;
	[smem:$0x3FB9] =	sst s0  }
0x18: {  	s0 =	sld [smem:$0x3F9C];
	_ =	swait.ge [sflag:s4], $0x0  }
0x19: {  	s7 =	sld [smem:$0x3F9D]  }
0x1a: {  	s8 =	sadd.s32 $0xFFFFE003, lr  }
0x1b: {  	s9 =	sadd.s32 $0xFFFFFEF7, lr;
	s5 =	simm.s32 $0xFFFFFFFF;
	p2 =	slt.u32 s8, $0xFFFFF086  }
0x1c: {  	p1 =	slt.u32 s9, $0xF7A;
	s5 =	simm.s32 @!p2 $0x0  }
0x1d: {  	s5 =	simm.s32 @p1 $0x1;
	p0 =	seq.s32 s7, s2  }
0x1e: {  	s7 =	smul.u32 @!p0 $0xF7A, s2;
	p2 =	seq.s32 @!p0 s5, $0x0  }
0x1f: {  	s9 =	smul.u32 $0xF7A, s1;
	s8 =	simm.s32 @!p0 $0x1BF5;
	p2 =	por !p2, p0  }
0x20: {  	[sflag:s8] =	ssyncset.s32 @!p0 $0xFFFFF086;
	s6 =	sadd.s32 @!p0 s3, s7;
	s7 =	simm.s32 @!p0 $0x108  }
0x21: {  	s3 =	sadd.s32 s3, s9;
	s6 =	sadd.s32 @!p0 $0x88, s6;
	s7 =	simm.s32 @p2 $0x1082  }
0x22: {  	[simem:s7], [sflag:s8] =	dma.local @!p0 [hbm:s6], $0xF7A  }
0x23: {  	s9 =	sor.u32 $0xD0000000, s2;
	s6 =	simm.s32 $0x108;
	_ =	swait.ge @!p0 [sflag:s8], $0x0  }
0x24: {  	s3 =	sadd.s32 $0x88, s3;
	s6 =	simm.s32 @!p1 $0x1082;
	[sflag:s4] =	ssyncset.s32 $0xFFFFF086  }
0x25: {  	[simem:s6], [sflag:s4] =	dma.local [hbm:s3], $0xF7A  }
0x26: {  	[smem:$0x3F9D] =	sst s1;
	(tag) =	ssettag s2;
	_ =	strace s9  }
0x27: {  	s1 =	sld [smem:$0x3FAD]  }
0x28: {  	s2 =	sld [smem:$0x3FAE]  }
0x29: {  	s4 =	sld [smem:$0x3FB0]  }
0x2a: {  	p0 =	seq.s32 s5, $0x0;
	s5 =	sld [smem:$0x3FB1]  }
0x2b: {  	s6 =	sld [smem:$0x3FB2]  }
0x2c: {  	s7 =	sld [smem:$0x3FB3]  }
0x2d: {  	s3 =	simm.s32 $0x108;
	s8 =	sld [smem:$0x3FB4]  }
0x2e: {  	s3 =	simm.s32 @!p0 $0x1082;
	s9 =	sld [smem:$0x3FB5]  }
0x2f: {  	lr =	sadd.s32 s0, s3;
	s0 =	sld [smem:$0x3FAC]  }
0x30: {  	s3 =	sld [smem:$0x3FAF]  }
0x31: {  	[smem:$0x3FB8] =	sst s10  }
0x32: {  	s10 =	sld [smem:$0x3FB6];
	_ =	sdelay $0x3  }
0x33: {  	p0 =	seq.s32 s10, $0x1;
	s10 =	sld [smem:$0x3FB8];
	_ =	sdelay $0x3  }
0x34: {  	[smem:$0x3FB8] =	sst s10  }
0x35: {  	s10 =	sld [smem:$0x3FB7];
	_ =	sdelay $0x3  }
0x36: {  	p1 =	seq.s32 s10, $0x1;
	s10 =	sld [smem:$0x3FB8];
	_ =	sdelay $0x3  }
0x37: {  	[smem:$0x3FB8] =	sst s10  }
0x38: {  	s10 =	sld [smem:$0x3FB9]  }
0x39: {  	_ = 	snop;
	(pc) =	sbr.ind lr, $3  }
0x3a: {  	_ = 	snop  }
0x3b: {  	_ = 	snop  }
0x3c: {  	p2 =	seq.s32 s10, $0x1;
	s10 =	sld [smem:$0x3FB8]  }
0x3d: {  	_ =	shalt  }
0x3e: {  	_ =	shalt  }
0x3f: {  	_ =	shalt  }
0x40: {  	_ =	shalt  }
0x41: {  	_ =	shalt  }
0x42: {  	_ =	shalt  }
0x43: {  	_ =	shalt  }
0x44: {  	_ =	shalt  }
0x45: {  	_ =	shalt  }
0x46: {  	_ =	shalt  }
0x47: {  	_ =	shalt  }
0x48: {  	_ =	shalt  }
0x49: {  	_ =	shalt  }
0x4a: {  	_ =	shalt  }
0x4b: {  	_ =	shalt  }
0x4c: {  	_ =	shalt  }
0x4d: {  	_ =	shalt  }
0x4e: {  	_ =	shalt  }
0x4f: {  	_ =	shalt  }
0x50: {  	_ =	shalt  }
0x51: {  	_ =	shalt  }
0x52: {  	_ =	shalt  }
0x53: {  	_ =	shalt  }
0x54: {  	_ =	shalt  }
0x55: {  	_ =	shalt  }
0x56: {  	_ =	shalt  }
0x57: {  	_ =	shalt  }
0x58: {  	_ =	shalt  }
0x59: {  	_ =	shalt  }
0x5a: {  	_ =	shalt  }
0x5b: {  	_ =	shalt  }
0x5c: {  	_ =	shalt  }
0x5d: {  	_ =	shalt  }
0x5e: {  	_ =	shalt  }
0x5f: {  	_ =	shalt  }
0x60: {  	_ =	shalt  }
0x61: {  	_ =	shalt  }
0x62: {  	_ =	shalt  }
0x63: {  	_ =	shalt  }
0x64: {  	_ =	shalt  }
0x65: {  	_ =	shalt  }
0x66: {  	_ =	shalt  }
0x67: {  	_ =	shalt  }
0x68: {  	_ =	shalt  }
0x69: {  	_ =	shalt  }
0x6a: {  	_ =	shalt  }
0x6b: {  	_ =	shalt  }
0x6c: {  	_ =	shalt  }
0x6d: {  	_ =	shalt  }
0x6e: {  	_ =	shalt  }
0x6f: {  	_ =	shalt  }
0x70: {  	_ =	shalt  }
0x71: {  	_ =	shalt  }
0x72: {  	_ =	shalt  }
0x73: {  	_ =	shalt  }
0x74: {  	_ =	shalt  }
0x75: {  	_ =	shalt  }
0x76: {  	_ =	shalt  }
0x77: {  	_ =	shalt  }
0x78: {  	_ =	shalt  }
0x79: {  	_ =	shalt  }
0x7a: {  	_ =	shalt  }
0x7b: {  	_ =	shalt  }
0x7c: {  	_ =	shalt  }
0x7d: {  	_ =	shalt  }
0x7e: {  	_ =	shalt  }
0x7f: {  	_ =	shalt  }
0x80: {  	_ =	shalt  }
0x81: {  	_ =	shalt  }
0x82: {  	_ =	shalt  }
0x83: {  	_ =	shalt  }
0x84: {  	_ =	shalt  }
0x85: {  	_ =	shalt  }
0x86: {  	_ =	shalt  }
0x87: {  	_ =	shalt  }
.Lfunc_end0:
.L_simem_size_0:
called_computation.2_lowered:
.L_overlay_start_0:
0x88: {  	s2 =	sld [smem:$0x3FD9]  }
0x89: {  	s3 =	sld [smem:$0x3FFE];
	_ =	sdelay $0x1  }
0x8a: {  	s1 =	srdreg.scid  }
0x8b: {  	s0 =	sand.u32 $0x1, s1  }
0x8c: {  	s17 =	sshll.u32 s0, $0xA;
	s2 =	sadd.s32 s3, s2  }
0x8d: {  	s2 =	sadd.s32 s2, s17  }
0x8e: {  	[smem:$0x3FC4] =	sst s2  }
0x8f: {  	_ = 	snop  }
0x90: {  	s2 =	sld [smem:$0x3FD0];
	(tm) =	ssettm $0x1  }
0x91: {  	s18 =	sld [smem:$0x3FFB];
	_ =	sdelay $0x3  }
0x92: {  	_ =	strace s18  }
0x93: {  	s3 =	sld [smem:$0x3FFC];
	_ =	sdelay $0x3  }
0x94: {  	_ =	strace s3  }
0x95: {  	s3 =	sld [smem:$0x3FFD];
	_ =	sdelay $0x3  }
0x96: {  	_ =	strace s3  }
0x97: {  	_ =	strace $0x8FFFFFFF  }
0x98: {  	s19 =	sld [smem:$0x3FDB];
	_ =	sdelay $0x1  }
0x99: {  	s4 =	simm.s32 $_scs_section_size  }
0x9a: {  	s5 =	simm.s32 $_size__tile_overlayer_lowered;
	s6 =	simm.s32 $_tile_overlayer_lowered  }
0x9b: {  	s22 =	simm.s32 $0x1BFF;
	s21 =	sshll.u32 s6, $0x1;
	s3 =	sadd.s32 s4, s19  }
0x9c: {  	s7 =	simm.s32 $0x0;
	s20 =	sshll.u32 s5, $0x1;
	s5 =	sadd.s32 s21, s3  }
0x9d: {  	[timem:s7], [sflag:s22] =	dma.local [hbm:s5], s20  }
0x9e: {  	_ =	swait.ge [sflag:s22], s20  }
0x9f: {  	s4 =	ssub.s32 $0x0, s20;
	[sflag:s22] =	ssyncset.done $0x0  }
0xa0: {  	[sflag:s22] =	ssyncadd.s32 s4;
	_ =	sdelay $0x1  }
0xa1: {  	s23 =	simm.s32 $0x1B8B  }
0xa2: {  	_ =	swait.ge [sflag:s23], $0x1  }
0xa3: {  	[sflag:s23] =	ssyncset.done $0x0  }
0xa4: {  	s25 =	simm.s32 $0x1B8E;
	s24 =	sld [smem:$0x3FFE];
	[sflag:s23] =	ssyncadd.s32 $0xFFFFFFFF  }
0xa5: {  	s26 =	simm.s32 $execute0_lowered;
	[smem:$0x3FD2] =	sst s25  }
0xa6: {  	s5 =	sshll.u32 s26, $0x1;
	_ =	strace $0x8000004C;
	[dreg:$0x1] =	wrdreg $0xFFFFFFFF  }
0xa7: {  	s28 =	simm.s32 $_size_execute0_lowered;
	s3 =	sadd.s32 s3, s5;
	[dreg:$0x0] =	wrdreg $0x0  }
0xa8: {  	s5 =	sshll.u32 s28, $0x1;
	[dreg:$0x2] =	wrdreg s3  }
0xa9: {  	[dreg:$0x3] =	wrdreg s5  }
0xaa: {  	[dreg:$0x4] =	wrdreg $0xC0  }
0xab: {  	_ =	task [dreg:s7], $0x5FFFF  }
0xac: {  	[dreg:$0x1] =	wrdreg $0xFFFFFFFF  }
0xad: {  	[dreg:$0x0] =	wrdreg $0x60  }
0xae: {  	[dreg:$0x2] =	wrdreg s24  }
0xaf: {  	[dreg:$0x3] =	wrdreg s2  }
0xb0: {  	[dreg:$0x4] =	wrdreg $0xB8000  }
0xb1: {  	[dreg:$0x5] =	wrdreg $0x9  }
0xb2: {  	_ =	task.clear_ibuf [dreg:s7], $0x6FFFF;
	_ =	strace $0x9000004C  }
0xb3: {  	s29 =	simm.s32 $0x9;
	_ =	strace $0x8000004E  }
0xb4: {  	_ =	swait.ge [sflag:s29], $0x1  }
0xb5: {  	[sflag:s29] =	ssyncadd.s32 $0xFFFFFFFF  }
0xb6: {  	_ =	strace $0x9000004E  }
0xb7: {  	_ =	sfence  }
0xb8: {  	s30 =	sld [smem:$0x0];
	_ =	sdelay $0x2  }
0xb9: {  	s31 =	sshll.u32 s1, $0xD;
	s1 =	sshrl.u32 s1, $0x2  }
0xba: {  	s3 =	sand.u32 $0x4000, s31;
	s1 =	sadd.s32 s1, s30  }
0xbb: {  	s0 =	sor.u32 s3, s0;
	s1 =	sshll.u32 s1, $0x11  }
0xbc: {  	s0 =	sor.u32 s1, s0  }
0xbd: {  	s0 =	sadd.s32 $0x8F2B, s0  }
0xbe: {  	[sflag:s0] =	ssyncadd.remote.s32 $0x1  }
0xbf: {  	_ =	sfence.sel $0xFFFF  }
0xc0: {  	[dreg:$0x0] =	wrdreg $0xFFFFFFFF;
	(pc) =	sbr.abs _section_cstart, $3  }
0xc1: {  	[dreg:$0x1] =	wrdreg $0xFFFFFFFF  }
0xc2: {  	_ =	task.clear_ibuf [dreg:s7], $0x2FFFF;
	_ =	strace $0x9FFFFFFF  }
0xc3: {  	(tm) =	ssettm $0x7FFFFFFF  }
tec
execute0_lowered:
.L_overlay_start_1:
0x0: {  	(tag) =	ssettag $0x1  }
0x1: {  	s1 =	rddreg [dreg:$0x0]  }
0x2: {  	s0 =	srdreg.scid;
	s3 =	rddreg [dreg:$0x1]  }
0x3: {  	s9 =	stileid.u32;
	s2 =	rddreg [dreg:$0x2]  }
0x4: {  	s31 =	simm.s32 $0x0;
	s13 =	simm.s32 $0x3;
	s14 =	simm.s32 $0x3800  }
0x5: {  	s15 =	simm.s32 $0x80;
	s16 =	simm.s32 $0x7800;
	s18 =	simm.s32 $0x1  }
0x6: {  	s8 =	simm.s32 $0x3380;
	s19 =	simm.s32 $0x3480;
	s6 =	smul.u32 $0x2800, s9  }
0x7: {  	s28 =	simm.s32 $0x3680;
	s0 =	sand.u32 $0x1, s0;
	s9 =	smul.u32 $0x50000, s9  }
0x8: {  	s29 =	simm.s32 $0x3700;
	[smem:$0x7FF] =	sst s31;
	s5 =	smul.u32 $0x28000, s0  }
0x9: {  	s30 =	simm.s32 $0x3780;
	_ =	strace $0x8000004D;
	s0 =	ssub.s32 $0x2, s0  }
0xa: {  	s11 =	sshrl.u32 s0, $0x1;
	s9 =	sshrl.u32 s9, $0x2;
	s4 =	sadd.s32 s6, s5  }
0xb: {  	s0 =	ssub.s32 s0, s11;
	s20 =	sadd.s32 s9, s2;
	s9 =	simm.s32 $0x3400  }
0xc: {  	s7 =	sshrl.u32 s4, $0x3;
	s22 =	sadd.s32 $0x4000, s20;
	[dreg:$0xb] =	wrdreg s20  }
0xd: {  	s4 =	sadd.s32 $0x2400, s1;
	s23 =	sadd.s32 $0x8000, s20;
	[dreg:$0x5] =	wrdreg s22  }
0xe: {  	s24 =	sadd.s32 $0xC000, s20;
	s25 =	sadd.s32 $0x10000, s20;
	[dreg:$0x6] =	wrdreg s23  }
0xf: {  	s0 =	smax.u32 s0, $0x1;
	s20 =	simm.s32 $0x2;
	[dreg:$0x7] =	wrdreg s24  }
0x10: {  	s10 =	sadd.s32 s7, s1;
	s1 =	sadd.s32 s5, s1;
	[dreg:$0x8] =	wrdreg s25  }
0x11: {  	s11 =	sadd.s32 s3, s7;
	[dreg:$0x9] =	wrdreg s0;
	s23 =	simm.s32 $0x3100  }
0x12: {  	s3 =	simm.s32 $0x3200;
	s7 =	simm.s32 $0x3300;
	s22 =	simm.s32 $0x3500  }
0x13: {  	s25 =	simm.s32 $0x3580;
	s21 =	sadd.s32 $0x52400, s10;
	s1 =	sadd.s32 $0x5C400, s1  }
0x14: {  	s10 =	simm.s32 $0x0;
	[dreg:$0x4] =	wrdreg s21;
	s26 =	sadd.s32 s6, s1  }
0x15: {  	v0 =	vimm.f32 $0.0e+00;
	s6 =	simm.s32 $0x3280;
	[dreg:$0xa] =	wrdreg s26;
	s26 =	simm.s32 $0x3600  }
.LBB2_1:
0x16: {  	s12 =	rddreg [dreg:$0x4]  }
0x17: {  	[tilespmem:s31], [sflag:$0x3] =	stream.linear.gather [hbm4b:s12+s31], $0x2800, $0x38;
	[tilespmem:$0x1F800] =	vst v63  }
0x18: {  	_ =	swait.ge [sflag:s13], $0x2800  }
0x19: {  	[sflag:s13] =	ssyncset.done $0x0  }
0x1a: {  	s24 =	simm.s32 $0x200;
	s12 =	simm.s32 $0x0;
	[sflag:s13] =	ssyncadd.s32 $0xFFFFD800  }
.LBB2_2:
0x1b: {  	p0 =	sne.s32 s24, $0xFE00;
	[tilespmem:s12+$0x3870] =	vst v0  }
0x1c: {  	[tilespmem:s12+$0x3800] =	vst v0  }
0x1d: {  	[tilespmem:s12+$0x3810] =	vst v0  }
.Ltmp0:
0x1e: {  	[tilespmem:s12+$0x3820] =	vst v0;
	(pc) =	sbr.rel @p0 .LBB2_2-.Ltmp0, $4  }
0x1f: {  	[tilespmem:s12+$0x3830] =	vst v0  }
0x20: {  	[tilespmem:s12+$0x3840] =	vst v0  }
0x21: {  	[tilespmem:s12+$0x3850] =	vst v0  }
0x22: {  	[tilespmem:s12+$0x3860] =	vst v0;
	s12 =	sshra.s32 s24, $0x2;
	s24 =	sadd.s32 $0x200, s24  }
0x23: {  	[tilespmem:s12+$0x3870] =	vst v0  }
0x24: {  	[tilespmem:s12+$0x3800] =	vst v0  }
0x25: {  	[tilespmem:s12+$0x3810] =	vst v0  }
0x26: {  	[tilespmem:s12+$0x3820] =	vst v0  }
0x27: {  	[tilespmem:s12+$0x3830] =	vst v0  }
0x28: {  	[tilespmem:s12+$0x3840] =	vst v0  }
0x29: {  	[tilespmem:s12+$0x3850] =	vst v0  }
0x2a: {  	[tilespmem:s12+$0x3860] =	vst v0;
	s17 =	rddreg [dreg:$0xb]  }
0x2b: {  	[spmem:s17] =	stream.linear.scatter [tilespmem:s14], [sflag:$0x3], $0x4000, $0x38;
	[tilespmem:$0x1F800] =	vst v63  }
0x2c: {  	_ =	swait.ge [sflag:s13], $0x4000  }
0x2d: {  	[sflag:s13] =	ssyncset.done $0x0  }
0x2e: {  	s5 =	rddreg [dreg:$0x5];
	[sflag:s13] =	ssyncadd.s32 $0xFFFFC000  }
0x2f: {  	[spmem:s5] =	stream.linear.scatter [tilespmem:s14], [sflag:$0x3], $0x4000, $0x38;
	[tilespmem:$0x1F800] =	vst v63  }
0x30: {  	_ =	swait.ge [sflag:s13], $0x4000  }
0x31: {  	[sflag:s13] =	ssyncset.done $0x0  }
0x32: {  	s21 =	rddreg [dreg:$0x6];
	[sflag:s13] =	ssyncadd.s32 $0xFFFFC000  }
0x33: {  	[spmem:s21] =	stream.linear.scatter [tilespmem:s14], [sflag:$0x3], $0x4000, $0x38;
	[tilespmem:$0x1F800] =	vst v63  }
0x34: {  	_ =	swait.ge [sflag:s13], $0x4000  }
0x35: {  	[sflag:s13] =	ssyncset.done $0x0  }
0x36: {  	s24 =	rddreg [dreg:$0x7];
	[sflag:s13] =	ssyncadd.s32 $0xFFFFC000  }
0x37: {  	[spmem:s24] =	stream.linear.scatter [tilespmem:s14], [sflag:$0x3], $0x4000, $0x38;
	[tilespmem:$0x1F800] =	vst v63  }
0x38: {  	_ =	swait.ge [sflag:s13], $0x4000  }
0x39: {  	[sflag:s13] =	ssyncset.done $0x0  }
0x3a: {  	s0 =	rddreg [dreg:$0x8];
	[sflag:s13] =	ssyncadd.s32 $0xFFFFC000  }
0x3b: {  	[spmem:s0] =	stream.linear.scatter [tilespmem:s14], [sflag:$0x3], $0x4000, $0x38;
	[tilespmem:$0x1F800] =	vst v63  }
0x3c: {  	_ =	swait.ge [sflag:s13], $0x4000  }
0x3d: {  	[sflag:s13] =	ssyncset.done $0x0  }
0x3e: {  	[sflag:s13] =	ssyncadd.s32 $0xFFFFC000  }
0x3f: {  	[bflag:$0x0] =	sbarrier.arrive $0xFFFF  }
0x40: {  	[tilespmem:s14], [sflag:$0x1] =	stream.indirect.gather [hbm4b:s4+s15], $0x80, s31, s15, $0xb8;
	[tilespmem:$0x1F800] =	vst v63  }
0x41: {  	_ = 	snop  }
0x42: {  	[tilespmem:s16], [sflag:$0x2] =	stream.indirect.gather [hbm4b:s4+s15], $0x80, s15, s15, $0xb8;
	[tilespmem:$0x1F800] =	vst v63  }
0x43: {  	s0 =	simm.s32 $0x2800  }
0x44: {  	[tilespmem:s0], [sflag:$0x3] =	stream.linear.gather [hbm4b:s11+s31], $0x800, $0x38;
	[tilespmem:$0x1F800] =	vst v63  }
0x45: {  	_ =	swait.ge [sflag:s13], $0x800  }
0x46: {  	[sflag:s13] =	ssyncset.done $0x0  }
0x47: {  	[sflag:s13] =	ssyncadd.s32 $0xFFFFF800  }
0x48: {  	_ =	swait.ge [sflag:s18], $0x4000  }
0x49: {  	[sflag:s18] =	ssyncset.done $0x0  }
0x4a: {  	[sflag:s18] =	ssyncadd.s32 $0xFFFFC000  }
0x4b: {  	[spmem:s2] =	stream.indirect.scatter.add.f32 [tilespmem:s14], [sflag:$0x3], $0x80, s0, s15, $0xb8;
	[tilespmem:$0x1F800] =	vst v63  }
0x4c: {  	_ =	swait.ge [sflag:s13], $0x4000  }
0x4d: {  	[sflag:s13] =	ssyncset.done $0x0  }
0x4e: {  	s1 =	simm.s32 $0x100;
	[sflag:s13] =	ssyncadd.s32 $0xFFFFC000  }
0x4f: {  	[tilespmem:s14], [sflag:$0x1] =	stream.indirect.gather [hbm4b:s4+s15], $0x80, s1, s15, $0xb8;
	[tilespmem:$0x1F800] =	vst v63  }
0x50: {  	_ =	swait.ge [sflag:s20], $0x4000  }
0x51: {  	[sflag:s20] =	ssyncset.done $0x0  }
0x52: {  	s1 =	simm.s32 $0x2880;
	[sflag:s20] =	ssyncadd.s32 $0xFFFFC000  }
0x53: {  	[spmem:s2] =	stream.indirect.scatter.add.f32 [tilespmem:s16], [sflag:$0x3], $0x80, s1, s15, $0xb8;
	[tilespmem:$0x1F800] =	vst v63  }
0x54: {  	_ =	swait.ge [sflag:s13], $0x4000  }
0x55: {  	[sflag:s13] =	ssyncset.done $0x0  }
0x56: {  	s5 =	simm.s32 $0x180;
	[sflag:s13] =	ssyncadd.s32 $0xFFFFC000  }
0x57: {  	[tilespmem:s16], [sflag:$0x2] =	stream.indirect.gather [hbm4b:s4+s15], $0x80, s5, s15, $0xb8;
	[tilespmem:$0x1F800] =	vst v63  }
0x58: {  	_ =	swait.ge [sflag:s18], $0x4000  }
0x59: {  	[sflag:s18] =	ssyncset.done $0x0  }
0x5a: {  	s12 =	simm.s32 $0x2900;
	[sflag:s18] =	ssyncadd.s32 $0xFFFFC000  }
0x5b: {  	[spmem:s2] =	stream.indirect.scatter.add.f32 [tilespmem:s14], [sflag:$0x3], $0x80, s12, s15, $0xb8;
	[tilespmem:$0x1F800] =	vst v63  }
0x5c: {  	_ =	swait.ge [sflag:s13], $0x4000  }
0x5d: {  	[sflag:s13] =	ssyncset.done $0x0  }
0x5e: {  	s21 =	simm.s32 $0x200;
	[sflag:s13] =	ssyncadd.s32 $0xFFFFC000  }
0x5f: {  	[tilespmem:s14], [sflag:$0x1] =	stream.indirect.gather [hbm4b:s4+s15], $0x80, s21, s15, $0xb8;
	[tilespmem:$0x1F800] =	vst v63  }
0x60: {  	_ =	swait.ge [sflag:s20], $0x4000  }
0x61: {  	[sflag:s20] =	ssyncset.done $0x0  }
0x62: {  	s24 =	simm.s32 $0x2980;
	[sflag:s20] =	ssyncadd.s32 $0xFFFFC000  }
0x63: {  	[spmem:s2] =	stream.indirect.scatter.add.f32 [tilespmem:s16], [sflag:$0x3], $0x80, s24, s15, $0xb8;
	[tilespmem:$0x1F800] =	vst v63  }
0x64: {  	_ =	swait.ge [sflag:s13], $0x4000  }
0x65: {  	[sflag:s13] =	ssyncset.done $0x0  }
0x66: {  	s5 =	simm.s32 $0x280;
	[sflag:s13] =	ssyncadd.s32 $0xFFFFC000  }
0x67: {  	[tilespmem:s16], [sflag:$0x2] =	stream.indirect.gather [hbm4b:s4+s15], $0x80, s5, s15, $0xb8;
	[tilespmem:$0x1F800] =	vst v63  }
0x68: {  	_ =	swait.ge [sflag:s18], $0x4000  }
0x69: {  	[sflag:s18] =	ssyncset.done $0x0  }
0x6a: {  	s12 =	simm.s32 $0x2A00;
	[sflag:s18] =	ssyncadd.s32 $0xFFFFC000  }
0x6b: {  	[spmem:s2] =	stream.indirect.scatter.add.f32 [tilespmem:s14], [sflag:$0x3], $0x80, s12, s15, $0xb8;
	[tilespmem:$0x1F800] =	vst v63  }
0x6c: {  	_ =	swait.ge [sflag:s13], $0x4000  }
0x6d: {  	[sflag:s13] =	ssyncset.done $0x0  }
0x6e: {  	s21 =	simm.s32 $0x300;
	[sflag:s13] =	ssyncadd.s32 $0xFFFFC000  }
0x6f: {  	[tilespmem:s14], [sflag:$0x1] =	stream.indirect.gather [hbm4b:s4+s15], $0x80, s21, s15, $0xb8;
	[tilespmem:$0x1F800] =	vst v63  }
0x70: {  	_ =	swait.ge [sflag:s20], $0x4000  }
0x71: {  	[sflag:s20] =	ssyncset.done $0x0  }
0x72: {  	s24 =	simm.s32 $0x2A80;
	[sflag:s20] =	ssyncadd.s32 $0xFFFFC000  }
0x73: {  	[spmem:s2] =	stream.indirect.scatter.add.f32 [tilespmem:s16], [sflag:$0x3], $0x80, s24, s15, $0xb8;
	[tilespmem:$0x1F800] =	vst v63  }
0x74: {  	_ =	swait.ge [sflag:s13], $0x4000  }
0x75: {  	[sflag:s13] =	ssyncset.done $0x0  }
0x76: {  	s5 =	simm.s32 $0x380;
	[sflag:s13] =	ssyncadd.s32 $0xFFFFC000  }
0x77: {  	[tilespmem:s16], [sflag:$0x2] =	stream.indirect.gather [hbm4b:s4+s15], $0x80, s5, s15, $0xb8;
	[tilespmem:$0x1F800] =	vst v63  }
0x78: {  	_ =	swait.ge [sflag:s18], $0x4000  }
0x79: {  	[sflag:s18] =	ssyncset.done $0x0  }
0x7a: {  	s12 =	simm.s32 $0x2B00;
	[sflag:s18] =	ssyncadd.s32 $0xFFFFC000  }
0x7b: {  	[spmem:s2] =	stream.indirect.scatter.add.f32 [tilespmem:s14], [sflag:$0x3], $0x80, s12, s15, $0xb8;
	[tilespmem:$0x1F800] =	vst v63  }
0x7c: {  	_ =	swait.ge [sflag:s13], $0x4000  }
0x7d: {  	[sflag:s13] =	ssyncset.done $0x0  }
0x7e: {  	s21 =	simm.s32 $0x400;
	[sflag:s13] =	ssyncadd.s32 $0xFFFFC000  }
0x7f: {  	[tilespmem:s14], [sflag:$0x1] =	stream.indirect.gather [hbm4b:s4+s15], $0x80, s21, s15, $0xb8;
	[tilespmem:$0x1F800] =	vst v63  }
0x80: {  	_ =	swait.ge [sflag:s20], $0x4000  }
0x81: {  	[sflag:s20] =	ssyncset.done $0x0  }
0x82: {  	s24 =	simm.s32 $0x2B80;
	[sflag:s20] =	ssyncadd.s32 $0xFFFFC000  }
0x83: {  	[spmem:s2] =	stream.indirect.scatter.add.f32 [tilespmem:s16], [sflag:$0x3], $0x80, s24, s15, $0xb8;
	[tilespmem:$0x1F800] =	vst v63  }
0x84: {  	_ =	swait.ge [sflag:s13], $0x4000  }
0x85: {  	[sflag:s13] =	ssyncset.done $0x0  }
0x86: {  	s5 =	simm.s32 $0x480;
	[sflag:s13] =	ssyncadd.s32 $0xFFFFC000  }
0x87: {  	[tilespmem:s16], [sflag:$0x2] =	stream.indirect.gather [hbm4b:s4+s15], $0x80, s5, s15, $0xb8;
	[tilespmem:$0x1F800] =	vst v63  }
0x88: {  	_ =	swait.ge [sflag:s18], $0x4000  }
0x89: {  	[sflag:s18] =	ssyncset.done $0x0  }
0x8a: {  	s12 =	simm.s32 $0x2C00;
	[sflag:s18] =	ssyncadd.s32 $0xFFFFC000  }
0x8b: {  	[spmem:s2] =	stream.indirect.scatter.add.f32 [tilespmem:s14], [sflag:$0x3], $0x80, s12, s15, $0xb8;
	[tilespmem:$0x1F800] =	vst v63  }
0x8c: {  	_ =	swait.ge [sflag:s13], $0x4000  }
0x8d: {  	[sflag:s13] =	ssyncset.done $0x0  }
0x8e: {  	s21 =	simm.s32 $0x500;
	[sflag:s13] =	ssyncadd.s32 $0xFFFFC000  }
0x8f: {  	[tilespmem:s14], [sflag:$0x1] =	stream.indirect.gather [hbm4b:s4+s15], $0x80, s21, s15, $0xb8;
	[tilespmem:$0x1F800] =	vst v63  }
0x90: {  	_ =	swait.ge [sflag:s20], $0x4000  }
0x91: {  	[sflag:s20] =	ssyncset.done $0x0  }
0x92: {  	s24 =	simm.s32 $0x2C80;
	[sflag:s20] =	ssyncadd.s32 $0xFFFFC000  }
0x93: {  	[spmem:s2] =	stream.indirect.scatter.add.f32 [tilespmem:s16], [sflag:$0x3], $0x80, s24, s15, $0xb8;
	[tilespmem:$0x1F800] =	vst v63  }
0x94: {  	_ =	swait.ge [sflag:s13], $0x4000  }
0x95: {  	[sflag:s13] =	ssyncset.done $0x0  }
0x96: {  	s5 =	simm.s32 $0x580;
	[sflag:s13] =	ssyncadd.s32 $0xFFFFC000  }
0x97: {  	[tilespmem:s16], [sflag:$0x2] =	stream.indirect.gather [hbm4b:s4+s15], $0x80, s5, s15, $0xb8;
	[tilespmem:$0x1F800] =	vst v63  }
0x98: {  	_ =	swait.ge [sflag:s18], $0x4000  }
0x99: {  	[sflag:s18] =	ssyncset.done $0x0  }
0x9a: {  	s12 =	simm.s32 $0x2D00;
	[sflag:s18] =	ssyncadd.s32 $0xFFFFC000  }
0x9b: {  	[spmem:s2] =	stream.indirect.scatter.add.f32 [tilespmem:s14], [sflag:$0x3], $0x80, s12, s15, $0xb8;
	[tilespmem:$0x1F800] =	vst v63  }
0x9c: {  	_ =	swait.ge [sflag:s13], $0x4000  }
0x9d: {  	[sflag:s13] =	ssyncset.done $0x0  }
0x9e: {  	s21 =	simm.s32 $0x600;
	[sflag:s13] =	ssyncadd.s32 $0xFFFFC000  }
0x9f: {  	[tilespmem:s14], [sflag:$0x1] =	stream.indirect.gather [hbm4b:s4+s15], $0x80, s21, s15, $0xb8;
	[tilespmem:$0x1F800] =	vst v63  }
0xa0: {  	_ =	swait.ge [sflag:s20], $0x4000  }
0xa1: {  	[sflag:s20] =	ssyncset.done $0x0  }
0xa2: {  	s24 =	simm.s32 $0x2D80;
	[sflag:s20] =	ssyncadd.s32 $0xFFFFC000  }
0xa3: {  	[spmem:s2] =	stream.indirect.scatter.add.f32 [tilespmem:s16], [sflag:$0x3], $0x80, s24, s15, $0xb8;
	[tilespmem:$0x1F800] =	vst v63  }
0xa4: {  	_ =	swait.ge [sflag:s13], $0x4000  }
0xa5: {  	[sflag:s13] =	ssyncset.done $0x0  }
0xa6: {  	s5 =	simm.s32 $0x680;
	[sflag:s13] =	ssyncadd.s32 $0xFFFFC000  }
0xa7: {  	[tilespmem:s16], [sflag:$0x2] =	stream.indirect.gather [hbm4b:s4+s15], $0x80, s5, s15, $0xb8;
	[tilespmem:$0x1F800] =	vst v63  }
0xa8: {  	_ =	swait.ge [sflag:s18], $0x4000  }
0xa9: {  	[sflag:s18] =	ssyncset.done $0x0  }
0xaa: {  	s12 =	simm.s32 $0x2E00;
	[sflag:s18] =	ssyncadd.s32 $0xFFFFC000  }
0xab: {  	[spmem:s2] =	stream.indirect.scatter.add.f32 [tilespmem:s14], [sflag:$0x3], $0x80, s12, s15, $0xb8;
	[tilespmem:$0x1F800] =	vst v63  }
0xac: {  	_ =	swait.ge [sflag:s13], $0x4000  }
0xad: {  	[sflag:s13] =	ssyncset.done $0x0  }
0xae: {  	s21 =	simm.s32 $0x700;
	[sflag:s13] =	ssyncadd.s32 $0xFFFFC000  }
0xaf: {  	[tilespmem:s14], [sflag:$0x1] =	stream.indirect.gather [hbm4b:s4+s15], $0x80, s21, s15, $0xb8;
	[tilespmem:$0x1F800] =	vst v63  }
0xb0: {  	_ =	swait.ge [sflag:s20], $0x4000  }
0xb1: {  	[sflag:s20] =	ssyncset.done $0x0  }
0xb2: {  	s24 =	simm.s32 $0x2E80;
	[sflag:s20] =	ssyncadd.s32 $0xFFFFC000  }
0xb3: {  	[spmem:s2] =	stream.indirect.scatter.add.f32 [tilespmem:s16], [sflag:$0x3], $0x80, s24, s15, $0xb8;
	[tilespmem:$0x1F800] =	vst v63  }
0xb4: {  	_ =	swait.ge [sflag:s13], $0x4000  }
0xb5: {  	[sflag:s13] =	ssyncset.done $0x0  }
0xb6: {  	s5 =	simm.s32 $0x780;
	[sflag:s13] =	ssyncadd.s32 $0xFFFFC000  }
0xb7: {  	[tilespmem:s16], [sflag:$0x2] =	stream.indirect.gather [hbm4b:s4+s15], $0x80, s5, s15, $0xb8;
	[tilespmem:$0x1F800] =	vst v63  }
0xb8: {  	_ =	swait.ge [sflag:s18], $0x4000  }
0xb9: {  	[sflag:s18] =	ssyncset.done $0x0  }
0xba: {  	s12 =	simm.s32 $0x2F00;
	[sflag:s18] =	ssyncadd.s32 $0xFFFFC000  }
0xbb: {  	[spmem:s2] =	stream.indirect.scatter.add.f32 [tilespmem:s14], [sflag:$0x3], $0x80, s12, s15, $0xb8;
	[tilespmem:$0x1F800] =	vst v63  }
0xbc: {  	_ =	swait.ge [sflag:s13], $0x4000  }
0xbd: {  	[sflag:s13] =	ssyncset.done $0x0  }
0xbe: {  	s21 =	simm.s32 $0x800;
	[sflag:s13] =	ssyncadd.s32 $0xFFFFC000  }
0xbf: {  	[tilespmem:s14], [sflag:$0x1] =	stream.indirect.gather [hbm4b:s4+s15], $0x80, s21, s15, $0xb8;
	[tilespmem:$0x1F800] =	vst v63  }
0xc0: {  	_ =	swait.ge [sflag:s20], $0x4000  }
0xc1: {  	[sflag:s20] =	ssyncset.done $0x0  }
0xc2: {  	s21 =	simm.s32 $0x2F80;
	[sflag:s20] =	ssyncadd.s32 $0xFFFFC000  }
0xc3: {  	[spmem:s2] =	stream.indirect.scatter.add.f32 [tilespmem:s16], [sflag:$0x3], $0x80, s21, s15, $0xb8;
	[tilespmem:$0x1F800] =	vst v63  }
0xc4: {  	_ =	swait.ge [sflag:s13], $0x4000  }
0xc5: {  	[sflag:s13] =	ssyncset.done $0x0  }
0xc6: {  	s24 =	simm.s32 $0x880;
	[sflag:s13] =	ssyncadd.s32 $0xFFFFC000  }
0xc7: {  	[tilespmem:s16], [sflag:$0x2] =	stream.indirect.gather [hbm4b:s4+s15], $0x80, s24, s15, $0xb8;
	[tilespmem:$0x1F800] =	vst v63  }
0xc8: {  	s1 =	sadd.s32 $0x100, s11;
	s5 =	simm.s32 $0x3000  }
0xc9: {  	[tilespmem:s5], [sflag:$0x3] =	stream.linear.gather [hbm4b:s1+s31], $0x800, $0x38;
	[tilespmem:$0x1F800] =	vst v63  }
0xca: {  	_ =	swait.ge [sflag:s13], $0x800  }
0xcb: {  	[sflag:s13] =	ssyncset.done $0x0  }
0xcc: {  	[sflag:s13] =	ssyncadd.s32 $0xFFFFF800  }
0xcd: {  	_ =	swait.ge [sflag:s18], $0x4000  }
0xce: {  	[sflag:s18] =	ssyncset.done $0x0  }
0xcf: {  	[sflag:s18] =	ssyncadd.s32 $0xFFFFC000  }
0xd0: {  	[spmem:s2] =	stream.indirect.scatter.add.f32 [tilespmem:s14], [sflag:$0x3], $0x80, s5, s15, $0xb8;
	[tilespmem:$0x1F800] =	vst v63  }
0xd1: {  	_ =	swait.ge [sflag:s13], $0x4000  }
0xd2: {  	[sflag:s13] =	ssyncset.done $0x0  }
0xd3: {  	s24 =	simm.s32 $0x900;
	[sflag:s13] =	ssyncadd.s32 $0xFFFFC000  }
0xd4: {  	[tilespmem:s14], [sflag:$0x1] =	stream.indirect.gather [hbm4b:s4+s15], $0x80, s24, s15, $0xb8;
	[tilespmem:$0x1F800] =	vst v63  }
0xd5: {  	_ =	swait.ge [sflag:s20], $0x4000  }
0xd6: {  	[sflag:s20] =	ssyncset.done $0x0  }
0xd7: {  	s24 =	simm.s32 $0x3080;
	[sflag:s20] =	ssyncadd.s32 $0xFFFFC000  }
0xd8: {  	[spmem:s2] =	stream.indirect.scatter.add.f32 [tilespmem:s16], [sflag:$0x3], $0x80, s24, s15, $0xb8;
	[tilespmem:$0x1F800] =	vst v63  }
0xd9: {  	_ =	swait.ge [sflag:s13], $0x4000  }
0xda: {  	[sflag:s13] =	ssyncset.done $0x0  }
0xdb: {  	s1 =	simm.s32 $0x980;
	[sflag:s13] =	ssyncadd.s32 $0xFFFFC000  }
0xdc: {  	[tilespmem:s16], [sflag:$0x2] =	stream.indirect.gather [hbm4b:s4+s15], $0x80, s1, s15, $0xb8;
	[tilespmem:$0x1F800] =	vst v63  }
0xdd: {  	_ =	swait.ge [sflag:s18], $0x4000  }
0xde: {  	[sflag:s18] =	ssyncset.done $0x0  }
0xdf: {  	[sflag:s18] =	ssyncadd.s32 $0xFFFFC000  }
0xe0: {  	[spmem:s2] =	stream.indirect.scatter.add.f32 [tilespmem:s14], [sflag:$0x3], $0x80, s23, s15, $0xb8;
	[tilespmem:$0x1F800] =	vst v63  }
0xe1: {  	_ =	swait.ge [sflag:s13], $0x4000  }
0xe2: {  	[sflag:s13] =	ssyncset.done $0x0  }
0xe3: {  	s1 =	simm.s32 $0xA00;
	[sflag:s13] =	ssyncadd.s32 $0xFFFFC000  }
0xe4: {  	[tilespmem:s14], [sflag:$0x1] =	stream.indirect.gather [hbm4b:s4+s15], $0x80, s1, s15, $0xb8;
	[tilespmem:$0x1F800] =	vst v63  }
0xe5: {  	_ =	swait.ge [sflag:s20], $0x4000  }
0xe6: {  	[sflag:s20] =	ssyncset.done $0x0  }
0xe7: {  	s1 =	simm.s32 $0x3180;
	[sflag:s20] =	ssyncadd.s32 $0xFFFFC000  }
0xe8: {  	[spmem:s2] =	stream.indirect.scatter.add.f32 [tilespmem:s16], [sflag:$0x3], $0x80, s1, s15, $0xb8;
	[tilespmem:$0x1F800] =	vst v63  }
0xe9: {  	_ =	swait.ge [sflag:s13], $0x4000  }
0xea: {  	[sflag:s13] =	ssyncset.done $0x0  }
0xeb: {  	s12 =	simm.s32 $0xA80;
	[sflag:s13] =	ssyncadd.s32 $0xFFFFC000  }
0xec: {  	[tilespmem:s16], [sflag:$0x2] =	stream.indirect.gather [hbm4b:s4+s15], $0x80, s12, s15, $0xb8;
	[tilespmem:$0x1F800] =	vst v63  }
0xed: {  	_ =	swait.ge [sflag:s18], $0x4000  }
0xee: {  	[sflag:s18] =	ssyncset.done $0x0  }
0xef: {  	[sflag:s18] =	ssyncadd.s32 $0xFFFFC000  }
0xf0: {  	[spmem:s2] =	stream.indirect.scatter.add.f32 [tilespmem:s14], [sflag:$0x3], $0x80, s3, s15, $0xb8;
	[tilespmem:$0x1F800] =	vst v63  }
0xf1: {  	_ =	swait.ge [sflag:s13], $0x4000  }
0xf2: {  	[sflag:s13] =	ssyncset.done $0x0  }
0xf3: {  	s12 =	simm.s32 $0xB00;
	[sflag:s13] =	ssyncadd.s32 $0xFFFFC000  }
0xf4: {  	[tilespmem:s14], [sflag:$0x1] =	stream.indirect.gather [hbm4b:s4+s15], $0x80, s12, s15, $0xb8;
	[tilespmem:$0x1F800] =	vst v63  }
0xf5: {  	_ =	swait.ge [sflag:s20], $0x4000  }
0xf6: {  	[sflag:s20] =	ssyncset.done $0x0  }
0xf7: {  	[sflag:s20] =	ssyncadd.s32 $0xFFFFC000  }
0xf8: {  	[spmem:s2] =	stream.indirect.scatter.add.f32 [tilespmem:s16], [sflag:$0x3], $0x80, s6, s15, $0xb8;
	[tilespmem:$0x1F800] =	vst v63  }
0xf9: {  	_ =	swait.ge [sflag:s13], $0x4000  }
0xfa: {  	[sflag:s13] =	ssyncset.done $0x0  }
0xfb: {  	s12 =	simm.s32 $0xB80;
	[sflag:s13] =	ssyncadd.s32 $0xFFFFC000  }
0xfc: {  	[tilespmem:s16], [sflag:$0x2] =	stream.indirect.gather [hbm4b:s4+s15], $0x80, s12, s15, $0xb8;
	[tilespmem:$0x1F800] =	vst v63  }
0xfd: {  	_ =	swait.ge [sflag:s18], $0x4000  }
0xfe: {  	[sflag:s18] =	ssyncset.done $0x0  }
0xff: {  	[sflag:s18] =	ssyncadd.s32 $0xFFFFC000  }
0x100: {  	[spmem:s2] =	stream.indirect.scatter.add.f32 [tilespmem:s14], [sflag:$0x3], $0x80, s7, s15, $0xb8;
	[tilespmem:$0x1F800] =	vst v63  }
0x101: {  	_ =	swait.ge [sflag:s13], $0x4000  }
0x102: {  	[sflag:s13] =	ssyncset.done $0x0  }
0x103: {  	s12 =	simm.s32 $0xC00;
	[sflag:s13] =	ssyncadd.s32 $0xFFFFC000  }
0x104: {  	[tilespmem:s14], [sflag:$0x1] =	stream.indirect.gather [hbm4b:s4+s15], $0x80, s12, s15, $0xb8;
	[tilespmem:$0x1F800] =	vst v63  }
0x105: {  	_ =	swait.ge [sflag:s20], $0x4000  }
0x106: {  	[sflag:s20] =	ssyncset.done $0x0  }
0x107: {  	[sflag:s20] =	ssyncadd.s32 $0xFFFFC000  }
0x108: {  	[spmem:s2] =	stream.indirect.scatter.add.f32 [tilespmem:s16], [sflag:$0x3], $0x80, s8, s15, $0xb8;
	[tilespmem:$0x1F800] =	vst v63  }
0x109: {  	_ =	swait.ge [sflag:s13], $0x4000  }
0x10a: {  	[sflag:s13] =	ssyncset.done $0x0  }
0x10b: {  	s12 =	simm.s32 $0xC80;
	[sflag:s13] =	ssyncadd.s32 $0xFFFFC000  }
0x10c: {  	[tilespmem:s16], [sflag:$0x2] =	stream.indirect.gather [hbm4b:s4+s15], $0x80, s12, s15, $0xb8;
	[tilespmem:$0x1F800] =	vst v63  }
0x10d: {  	_ =	swait.ge [sflag:s18], $0x4000  }
0x10e: {  	[sflag:s18] =	ssyncset.done $0x0  }
0x10f: {  	[sflag:s18] =	ssyncadd.s32 $0xFFFFC000  }
0x110: {  	[spmem:s2] =	stream.indirect.scatter.add.f32 [tilespmem:s14], [sflag:$0x3], $0x80, s9, s15, $0xb8;
	[tilespmem:$0x1F800] =	vst v63  }
0x111: {  	_ =	swait.ge [sflag:s13], $0x4000  }
0x112: {  	[sflag:s13] =	ssyncset.done $0x0  }
0x113: {  	s12 =	simm.s32 $0xD00;
	[sflag:s13] =	ssyncadd.s32 $0xFFFFC000  }
0x114: {  	[tilespmem:s14], [sflag:$0x1] =	stream.indirect.gather [hbm4b:s4+s15], $0x80, s12, s15, $0xb8;
	[tilespmem:$0x1F800] =	vst v63  }
0x115: {  	_ =	swait.ge [sflag:s20], $0x4000  }
0x116: {  	[sflag:s20] =	ssyncset.done $0x0  }
0x117: {  	[sflag:s20] =	ssyncadd.s32 $0xFFFFC000  }
0x118: {  	[spmem:s2] =	stream.indirect.scatter.add.f32 [tilespmem:s16], [sflag:$0x3], $0x80, s19, s15, $0xb8;
	[tilespmem:$0x1F800] =	vst v63  }
0x119: {  	_ =	swait.ge [sflag:s13], $0x4000  }
0x11a: {  	[sflag:s13] =	ssyncset.done $0x0  }
0x11b: {  	s12 =	simm.s32 $0xD80;
	[sflag:s13] =	ssyncadd.s32 $0xFFFFC000  }
0x11c: {  	[tilespmem:s16], [sflag:$0x2] =	stream.indirect.gather [hbm4b:s4+s15], $0x80, s12, s15, $0xb8;
	[tilespmem:$0x1F800] =	vst v63  }
0x11d: {  	_ =	swait.ge [sflag:s18], $0x4000  }
0x11e: {  	[sflag:s18] =	ssyncset.done $0x0  }
0x11f: {  	[sflag:s18] =	ssyncadd.s32 $0xFFFFC000  }
0x120: {  	[spmem:s2] =	stream.indirect.scatter.add.f32 [tilespmem:s14], [sflag:$0x3], $0x80, s22, s15, $0xb8;
	[tilespmem:$0x1F800] =	vst v63  }
0x121: {  	_ =	swait.ge [sflag:s13], $0x4000  }
0x122: {  	[sflag:s13] =	ssyncset.done $0x0  }
0x123: {  	s12 =	simm.s32 $0xE00;
	[sflag:s13] =	ssyncadd.s32 $0xFFFFC000  }
0x124: {  	[tilespmem:s14], [sflag:$0x1] =	stream.indirect.gather [hbm4b:s4+s15], $0x80, s12, s15, $0xb8;
	[tilespmem:$0x1F800] =	vst v63  }
0x125: {  	_ =	swait.ge [sflag:s20], $0x4000  }
0x126: {  	[sflag:s20] =	ssyncset.done $0x0  }
0x127: {  	[sflag:s20] =	ssyncadd.s32 $0xFFFFC000  }
0x128: {  	[spmem:s2] =	stream.indirect.scatter.add.f32 [tilespmem:s16], [sflag:$0x3], $0x80, s25, s15, $0xb8;
	[tilespmem:$0x1F800] =	vst v63  }
0x129: {  	_ =	swait.ge [sflag:s13], $0x4000  }
0x12a: {  	[sflag:s13] =	ssyncset.done $0x0  }
0x12b: {  	s12 =	simm.s32 $0xE80;
	[sflag:s13] =	ssyncadd.s32 $0xFFFFC000  }
0x12c: {  	[tilespmem:s16], [sflag:$0x2] =	stream.indirect.gather [hbm4b:s4+s15], $0x80, s12, s15, $0xb8;
	[tilespmem:$0x1F800] =	vst v63  }
0x12d: {  	_ =	swait.ge [sflag:s18], $0x4000  }
0x12e: {  	[sflag:s18] =	ssyncset.done $0x0  }
0x12f: {  	[sflag:s18] =	ssyncadd.s32 $0xFFFFC000  }
0x130: {  	[spmem:s2] =	stream.indirect.scatter.add.f32 [tilespmem:s14], [sflag:$0x3], $0x80, s26, s15, $0xb8;
	[tilespmem:$0x1F800] =	vst v63  }
0x131: {  	_ =	swait.ge [sflag:s13], $0x4000  }
0x132: {  	[sflag:s13] =	ssyncset.done $0x0  }
0x133: {  	s12 =	simm.s32 $0xF00;
	[sflag:s13] =	ssyncadd.s32 $0xFFFFC000  }
0x134: {  	[tilespmem:s14], [sflag:$0x1] =	stream.indirect.gather [hbm4b:s4+s15], $0x80, s12, s15, $0xb8;
	[tilespmem:$0x1F800] =	vst v63  }
0x135: {  	_ =	swait.ge [sflag:s20], $0x4000  }
0x136: {  	[sflag:s20] =	ssyncset.done $0x0  }
0x137: {  	[sflag:s20] =	ssyncadd.s32 $0xFFFFC000  }
0x138: {  	[spmem:s2] =	stream.indirect.scatter.add.f32 [tilespmem:s16], [sflag:$0x3], $0x80, s28, s15, $0xb8;
	[tilespmem:$0x1F800] =	vst v63  }
0x139: {  	_ =	swait.ge [sflag:s13], $0x4000  }
0x13a: {  	[sflag:s13] =	ssyncset.done $0x0  }
0x13b: {  	s12 =	simm.s32 $0xF80;
	[sflag:s13] =	ssyncadd.s32 $0xFFFFC000  }
0x13c: {  	[tilespmem:s16], [sflag:$0x2] =	stream.indirect.gather [hbm4b:s4+s15], $0x80, s12, s15, $0xb8;
	[tilespmem:$0x1F800] =	vst v63  }
0x13d: {  	_ =	swait.ge [sflag:s18], $0x4000  }
0x13e: {  	[sflag:s18] =	ssyncset.done $0x0  }
0x13f: {  	[sflag:s18] =	ssyncadd.s32 $0xFFFFC000  }
0x140: {  	[spmem:s2] =	stream.indirect.scatter.add.f32 [tilespmem:s14], [sflag:$0x3], $0x80, s29, s15, $0xb8;
	[tilespmem:$0x1F800] =	vst v63  }
0x141: {  	_ =	swait.ge [sflag:s13], $0x4000  }
0x142: {  	[sflag:s13] =	ssyncset.done $0x0  }
0x143: {  	s12 =	simm.s32 $0x1000;
	[sflag:s13] =	ssyncadd.s32 $0xFFFFC000  }
0x144: {  	[tilespmem:s14], [sflag:$0x1] =	stream.indirect.gather [hbm4b:s4+s15], $0x80, s12, s15, $0xb8;
	[tilespmem:$0x1F800] =	vst v63  }
0x145: {  	_ =	swait.ge [sflag:s20], $0x4000  }
0x146: {  	[sflag:s20] =	ssyncset.done $0x0  }
0x147: {  	[sflag:s20] =	ssyncadd.s32 $0xFFFFC000  }
0x148: {  	[spmem:s2] =	stream.indirect.scatter.add.f32 [tilespmem:s16], [sflag:$0x3], $0x80, s30, s15, $0xb8;
	[tilespmem:$0x1F800] =	vst v63  }
0x149: {  	_ =	swait.ge [sflag:s13], $0x4000  }
0x14a: {  	[sflag:s13] =	ssyncset.done $0x0  }
0x14b: {  	s12 =	simm.s32 $0x1080;
	[sflag:s13] =	ssyncadd.s32 $0xFFFFC000  }
0x14c: {  	[tilespmem:s16], [sflag:$0x2] =	stream.indirect.gather [hbm4b:s4+s15], $0x80, s12, s15, $0xb8;
	[tilespmem:$0x1F800] =	vst v63  }
0x14d: {  	s12 =	sadd.s32 $0x200, s11  }
0x14e: {  	[tilespmem:s0], [sflag:$0x3] =	stream.linear.gather [hbm4b:s12+s31], $0x800, $0x38;
	[tilespmem:$0x1F800] =	vst v63  }
0x14f: {  	_ =	swait.ge [sflag:s13], $0x800  }
0x150: {  	[sflag:s13] =	ssyncset.done $0x0  }
0x151: {  	[sflag:s13] =	ssyncadd.s32 $0xFFFFF800  }
0x152: {  	_ =	swait.ge [sflag:s18], $0x4000  }
0x153: {  	[sflag:s18] =	ssyncset.done $0x0  }
0x154: {  	[sflag:s18] =	ssyncadd.s32 $0xFFFFC000  }
0x155: {  	[spmem:s2] =	stream.indirect.scatter.add.f32 [tilespmem:s14], [sflag:$0x3], $0x80, s0, s15, $0xb8;
	[tilespmem:$0x1F800] =	vst v63  }
0x156: {  	_ =	swait.ge [sflag:s13], $0x4000  }
0x157: {  	[sflag:s13] =	ssyncset.done $0x0  }
0x158: {  	s12 =	simm.s32 $0x1100;
	[sflag:s13] =	ssyncadd.s32 $0xFFFFC000  }
0x159: {  	[tilespmem:s14], [sflag:$0x1] =	stream.indirect.gather [hbm4b:s4+s15], $0x80, s12, s15, $0xb8;
	[tilespmem:$0x1F800] =	vst v63  }
0x15a: {  	_ =	swait.ge [sflag:s20], $0x4000  }
0x15b: {  	[sflag:s20] =	ssyncset.done $0x0  }
0x15c: {  	s12 =	simm.s32 $0x2880;
	[sflag:s20] =	ssyncadd.s32 $0xFFFFC000  }
0x15d: {  	[spmem:s2] =	stream.indirect.scatter.add.f32 [tilespmem:s16], [sflag:$0x3], $0x80, s12, s15, $0xb8;
	[tilespmem:$0x1F800] =	vst v63  }
0x15e: {  	_ =	swait.ge [sflag:s13], $0x4000  }
0x15f: {  	[sflag:s13] =	ssyncset.done $0x0  }
0x160: {  	s12 =	simm.s32 $0x1180;
	[sflag:s13] =	ssyncadd.s32 $0xFFFFC000  }
0x161: {  	[tilespmem:s16], [sflag:$0x2] =	stream.indirect.gather [hbm4b:s4+s15], $0x80, s12, s15, $0xb8;
	[tilespmem:$0x1F800] =	vst v63  }
0x162: {  	_ =	swait.ge [sflag:s18], $0x4000  }
0x163: {  	[sflag:s18] =	ssyncset.done $0x0  }
0x164: {  	s12 =	simm.s32 $0x2900;
	[sflag:s18] =	ssyncadd.s32 $0xFFFFC000  }
0x165: {  	[spmem:s2] =	stream.indirect.scatter.add.f32 [tilespmem:s14], [sflag:$0x3], $0x80, s12, s15, $0xb8;
	[tilespmem:$0x1F800] =	vst v63  }
0x166: {  	_ =	swait.ge [sflag:s13], $0x4000  }
0x167: {  	[sflag:s13] =	ssyncset.done $0x0  }
0x168: {  	s12 =	simm.s32 $0x1200;
	[sflag:s13] =	ssyncadd.s32 $0xFFFFC000  }
0x169: {  	[tilespmem:s14], [sflag:$0x1] =	stream.indirect.gather [hbm4b:s4+s15], $0x80, s12, s15, $0xb8;
	[tilespmem:$0x1F800] =	vst v63  }
0x16a: {  	_ =	swait.ge [sflag:s20], $0x4000  }
0x16b: {  	[sflag:s20] =	ssyncset.done $0x0  }
0x16c: {  	s12 =	simm.s32 $0x2980;
	[sflag:s20] =	ssyncadd.s32 $0xFFFFC000  }
0x16d: {  	[spmem:s2] =	stream.indirect.scatter.add.f32 [tilespmem:s16], [sflag:$0x3], $0x80, s12, s15, $0xb8;
	[tilespmem:$0x1F800] =	vst v63  }
0x16e: {  	_ =	swait.ge [sflag:s13], $0x4000  }
0x16f: {  	[sflag:s13] =	ssyncset.done $0x0  }
0x170: {  	s12 =	simm.s32 $0x1280;
	[sflag:s13] =	ssyncadd.s32 $0xFFFFC000  }
0x171: {  	[tilespmem:s16], [sflag:$0x2] =	stream.indirect.gather [hbm4b:s4+s15], $0x80, s12, s15, $0xb8;
	[tilespmem:$0x1F800] =	vst v63  }
0x172: {  	_ =	swait.ge [sflag:s18], $0x4000  }
0x173: {  	[sflag:s18] =	ssyncset.done $0x0  }
0x174: {  	s12 =	simm.s32 $0x2A00;
	[sflag:s18] =	ssyncadd.s32 $0xFFFFC000  }
0x175: {  	[spmem:s2] =	stream.indirect.scatter.add.f32 [tilespmem:s14], [sflag:$0x3], $0x80, s12, s15, $0xb8;
	[tilespmem:$0x1F800] =	vst v63  }
0x176: {  	_ =	swait.ge [sflag:s13], $0x4000  }
0x177: {  	[sflag:s13] =	ssyncset.done $0x0  }
0x178: {  	s12 =	simm.s32 $0x1300;
	[sflag:s13] =	ssyncadd.s32 $0xFFFFC000  }
0x179: {  	[tilespmem:s14], [sflag:$0x1] =	stream.indirect.gather [hbm4b:s4+s15], $0x80, s12, s15, $0xb8;
	[tilespmem:$0x1F800] =	vst v63  }
0x17a: {  	_ =	swait.ge [sflag:s20], $0x4000  }
0x17b: {  	[sflag:s20] =	ssyncset.done $0x0  }
0x17c: {  	s12 =	simm.s32 $0x2A80;
	[sflag:s20] =	ssyncadd.s32 $0xFFFFC000  }
0x17d: {  	[spmem:s2] =	stream.indirect.scatter.add.f32 [tilespmem:s16], [sflag:$0x3], $0x80, s12, s15, $0xb8;
	[tilespmem:$0x1F800] =	vst v63  }
0x17e: {  	_ =	swait.ge [sflag:s13], $0x4000  }
0x17f: {  	[sflag:s13] =	ssyncset.done $0x0  }
0x180: {  	s12 =	simm.s32 $0x1380;
	[sflag:s13] =	ssyncadd.s32 $0xFFFFC000  }
0x181: {  	[tilespmem:s16], [sflag:$0x2] =	stream.indirect.gather [hbm4b:s4+s15], $0x80, s12, s15, $0xb8;
	[tilespmem:$0x1F800] =	vst v63  }
0x182: {  	_ =	swait.ge [sflag:s18], $0x4000  }
0x183: {  	[sflag:s18] =	ssyncset.done $0x0  }
0x184: {  	s12 =	simm.s32 $0x2B00;
	[sflag:s18] =	ssyncadd.s32 $0xFFFFC000  }
0x185: {  	[spmem:s2] =	stream.indirect.scatter.add.f32 [tilespmem:s14], [sflag:$0x3], $0x80, s12, s15, $0xb8;
	[tilespmem:$0x1F800] =	vst v63  }
0x186: {  	_ =	swait.ge [sflag:s13], $0x4000  }
0x187: {  	[sflag:s13] =	ssyncset.done $0x0  }
0x188: {  	s12 =	simm.s32 $0x1400;
	[sflag:s13] =	ssyncadd.s32 $0xFFFFC000  }
0x189: {  	[tilespmem:s14], [sflag:$0x1] =	stream.indirect.gather [hbm4b:s4+s15], $0x80, s12, s15, $0xb8;
	[tilespmem:$0x1F800] =	vst v63  }
0x18a: {  	_ =	swait.ge [sflag:s20], $0x4000  }
0x18b: {  	[sflag:s20] =	ssyncset.done $0x0  }
0x18c: {  	s12 =	simm.s32 $0x2B80;
	[sflag:s20] =	ssyncadd.s32 $0xFFFFC000  }
0x18d: {  	[spmem:s2] =	stream.indirect.scatter.add.f32 [tilespmem:s16], [sflag:$0x3], $0x80, s12, s15, $0xb8;
	[tilespmem:$0x1F800] =	vst v63  }
0x18e: {  	_ =	swait.ge [sflag:s13], $0x4000  }
0x18f: {  	[sflag:s13] =	ssyncset.done $0x0  }
0x190: {  	s12 =	simm.s32 $0x1480;
	[sflag:s13] =	ssyncadd.s32 $0xFFFFC000  }
0x191: {  	[tilespmem:s16], [sflag:$0x2] =	stream.indirect.gather [hbm4b:s4+s15], $0x80, s12, s15, $0xb8;
	[tilespmem:$0x1F800] =	vst v63  }
0x192: {  	_ =	swait.ge [sflag:s18], $0x4000  }
0x193: {  	[sflag:s18] =	ssyncset.done $0x0  }
0x194: {  	s12 =	simm.s32 $0x2C00;
	[sflag:s18] =	ssyncadd.s32 $0xFFFFC000  }
0x195: {  	[spmem:s2] =	stream.indirect.scatter.add.f32 [tilespmem:s14], [sflag:$0x3], $0x80, s12, s15, $0xb8;
	[tilespmem:$0x1F800] =	vst v63  }
0x196: {  	_ =	swait.ge [sflag:s13], $0x4000  }
0x197: {  	[sflag:s13] =	ssyncset.done $0x0  }
0x198: {  	s12 =	simm.s32 $0x1500;
	[sflag:s13] =	ssyncadd.s32 $0xFFFFC000  }
0x199: {  	[tilespmem:s14], [sflag:$0x1] =	stream.indirect.gather [hbm4b:s4+s15], $0x80, s12, s15, $0xb8;
	[tilespmem:$0x1F800] =	vst v63  }
0x19a: {  	_ =	swait.ge [sflag:s20], $0x4000  }
0x19b: {  	[sflag:s20] =	ssyncset.done $0x0  }
0x19c: {  	s12 =	simm.s32 $0x2C80;
	[sflag:s20] =	ssyncadd.s32 $0xFFFFC000  }
0x19d: {  	[spmem:s2] =	stream.indirect.scatter.add.f32 [tilespmem:s16], [sflag:$0x3], $0x80, s12, s15, $0xb8;
	[tilespmem:$0x1F800] =	vst v63  }
0x19e: {  	_ =	swait.ge [sflag:s13], $0x4000  }
0x19f: {  	[sflag:s13] =	ssyncset.done $0x0  }
0x1a0: {  	s12 =	simm.s32 $0x1580;
	[sflag:s13] =	ssyncadd.s32 $0xFFFFC000  }
0x1a1: {  	[tilespmem:s16], [sflag:$0x2] =	stream.indirect.gather [hbm4b:s4+s15], $0x80, s12, s15, $0xb8;
	[tilespmem:$0x1F800] =	vst v63  }
0x1a2: {  	_ =	swait.ge [sflag:s18], $0x4000  }
0x1a3: {  	[sflag:s18] =	ssyncset.done $0x0  }
0x1a4: {  	s12 =	simm.s32 $0x2D00;
	[sflag:s18] =	ssyncadd.s32 $0xFFFFC000  }
0x1a5: {  	[spmem:s2] =	stream.indirect.scatter.add.f32 [tilespmem:s14], [sflag:$0x3], $0x80, s12, s15, $0xb8;
	[tilespmem:$0x1F800] =	vst v63  }
0x1a6: {  	_ =	swait.ge [sflag:s13], $0x4000  }
0x1a7: {  	[sflag:s13] =	ssyncset.done $0x0  }
0x1a8: {  	s12 =	simm.s32 $0x1600;
	[sflag:s13] =	ssyncadd.s32 $0xFFFFC000  }
0x1a9: {  	[tilespmem:s14], [sflag:$0x1] =	stream.indirect.gather [hbm4b:s4+s15], $0x80, s12, s15, $0xb8;
	[tilespmem:$0x1F800] =	vst v63  }
0x1aa: {  	_ =	swait.ge [sflag:s20], $0x4000  }
0x1ab: {  	[sflag:s20] =	ssyncset.done $0x0  }
0x1ac: {  	s12 =	simm.s32 $0x2D80;
	[sflag:s20] =	ssyncadd.s32 $0xFFFFC000  }
0x1ad: {  	[spmem:s2] =	stream.indirect.scatter.add.f32 [tilespmem:s16], [sflag:$0x3], $0x80, s12, s15, $0xb8;
	[tilespmem:$0x1F800] =	vst v63  }
0x1ae: {  	_ =	swait.ge [sflag:s13], $0x4000  }
0x1af: {  	[sflag:s13] =	ssyncset.done $0x0  }
0x1b0: {  	s12 =	simm.s32 $0x1680;
	[sflag:s13] =	ssyncadd.s32 $0xFFFFC000  }
0x1b1: {  	[tilespmem:s16], [sflag:$0x2] =	stream.indirect.gather [hbm4b:s4+s15], $0x80, s12, s15, $0xb8;
	[tilespmem:$0x1F800] =	vst v63  }
0x1b2: {  	_ =	swait.ge [sflag:s18], $0x4000  }
0x1b3: {  	[sflag:s18] =	ssyncset.done $0x0  }
0x1b4: {  	s12 =	simm.s32 $0x2E00;
	[sflag:s18] =	ssyncadd.s32 $0xFFFFC000  }
0x1b5: {  	[spmem:s2] =	stream.indirect.scatter.add.f32 [tilespmem:s14], [sflag:$0x3], $0x80, s12, s15, $0xb8;
	[tilespmem:$0x1F800] =	vst v63  }
0x1b6: {  	_ =	swait.ge [sflag:s13], $0x4000  }
0x1b7: {  	[sflag:s13] =	ssyncset.done $0x0  }
0x1b8: {  	s12 =	simm.s32 $0x1700;
	[sflag:s13] =	ssyncadd.s32 $0xFFFFC000  }
0x1b9: {  	[tilespmem:s14], [sflag:$0x1] =	stream.indirect.gather [hbm4b:s4+s15], $0x80, s12, s15, $0xb8;
	[tilespmem:$0x1F800] =	vst v63  }
0x1ba: {  	_ =	swait.ge [sflag:s20], $0x4000  }
0x1bb: {  	[sflag:s20] =	ssyncset.done $0x0  }
0x1bc: {  	s12 =	simm.s32 $0x2E80;
	[sflag:s20] =	ssyncadd.s32 $0xFFFFC000  }
0x1bd: {  	[spmem:s2] =	stream.indirect.scatter.add.f32 [tilespmem:s16], [sflag:$0x3], $0x80, s12, s15, $0xb8;
	[tilespmem:$0x1F800] =	vst v63  }
0x1be: {  	_ =	swait.ge [sflag:s13], $0x4000  }
0x1bf: {  	[sflag:s13] =	ssyncset.done $0x0  }
0x1c0: {  	s12 =	simm.s32 $0x1780;
	[sflag:s13] =	ssyncadd.s32 $0xFFFFC000  }
0x1c1: {  	[tilespmem:s16], [sflag:$0x2] =	stream.indirect.gather [hbm4b:s4+s15], $0x80, s12, s15, $0xb8;
	[tilespmem:$0x1F800] =	vst v63  }
0x1c2: {  	_ =	swait.ge [sflag:s18], $0x4000  }
0x1c3: {  	[sflag:s18] =	ssyncset.done $0x0  }
0x1c4: {  	s12 =	simm.s32 $0x2F00;
	[sflag:s18] =	ssyncadd.s32 $0xFFFFC000  }
0x1c5: {  	[spmem:s2] =	stream.indirect.scatter.add.f32 [tilespmem:s14], [sflag:$0x3], $0x80, s12, s15, $0xb8;
	[tilespmem:$0x1F800] =	vst v63  }
0x1c6: {  	_ =	swait.ge [sflag:s13], $0x4000  }
0x1c7: {  	[sflag:s13] =	ssyncset.done $0x0  }
0x1c8: {  	s12 =	simm.s32 $0x1800;
	[sflag:s13] =	ssyncadd.s32 $0xFFFFC000  }
0x1c9: {  	[tilespmem:s14], [sflag:$0x1] =	stream.indirect.gather [hbm4b:s4+s15], $0x80, s12, s15, $0xb8;
	[tilespmem:$0x1F800] =	vst v63  }
0x1ca: {  	_ =	swait.ge [sflag:s20], $0x4000  }
0x1cb: {  	[sflag:s20] =	ssyncset.done $0x0  }
0x1cc: {  	[sflag:s20] =	ssyncadd.s32 $0xFFFFC000  }
0x1cd: {  	[spmem:s2] =	stream.indirect.scatter.add.f32 [tilespmem:s16], [sflag:$0x3], $0x80, s21, s15, $0xb8;
	[tilespmem:$0x1F800] =	vst v63  }
0x1ce: {  	_ =	swait.ge [sflag:s13], $0x4000  }
0x1cf: {  	[sflag:s13] =	ssyncset.done $0x0  }
0x1d0: {  	s12 =	simm.s32 $0x1880;
	[sflag:s13] =	ssyncadd.s32 $0xFFFFC000  }
0x1d1: {  	[tilespmem:s16], [sflag:$0x2] =	stream.indirect.gather [hbm4b:s4+s15], $0x80, s12, s15, $0xb8;
	[tilespmem:$0x1F800] =	vst v63  }
0x1d2: {  	s12 =	sadd.s32 $0x300, s11  }
0x1d3: {  	[tilespmem:s5], [sflag:$0x3] =	stream.linear.gather [hbm4b:s12+s31], $0x800, $0x38;
	[tilespmem:$0x1F800] =	vst v63  }
0x1d4: {  	_ =	swait.ge [sflag:s13], $0x800  }
0x1d5: {  	[sflag:s13] =	ssyncset.done $0x0  }
0x1d6: {  	[sflag:s13] =	ssyncadd.s32 $0xFFFFF800  }
0x1d7: {  	_ =	swait.ge [sflag:s18], $0x4000  }
0x1d8: {  	[sflag:s18] =	ssyncset.done $0x0  }
0x1d9: {  	[sflag:s18] =	ssyncadd.s32 $0xFFFFC000  }
0x1da: {  	[spmem:s2] =	stream.indirect.scatter.add.f32 [tilespmem:s14], [sflag:$0x3], $0x80, s5, s15, $0xb8;
	[tilespmem:$0x1F800] =	vst v63  }
0x1db: {  	_ =	swait.ge [sflag:s13], $0x4000  }
0x1dc: {  	[sflag:s13] =	ssyncset.done $0x0  }
0x1dd: {  	s12 =	simm.s32 $0x1900;
	[sflag:s13] =	ssyncadd.s32 $0xFFFFC000  }
0x1de: {  	[tilespmem:s14], [sflag:$0x1] =	stream.indirect.gather [hbm4b:s4+s15], $0x80, s12, s15, $0xb8;
	[tilespmem:$0x1F800] =	vst v63  }
0x1df: {  	_ =	swait.ge [sflag:s20], $0x4000  }
0x1e0: {  	[sflag:s20] =	ssyncset.done $0x0  }
0x1e1: {  	[sflag:s20] =	ssyncadd.s32 $0xFFFFC000  }
0x1e2: {  	[spmem:s2] =	stream.indirect.scatter.add.f32 [tilespmem:s16], [sflag:$0x3], $0x80, s24, s15, $0xb8;
	[tilespmem:$0x1F800] =	vst v63  }
0x1e3: {  	_ =	swait.ge [sflag:s13], $0x4000  }
0x1e4: {  	[sflag:s13] =	ssyncset.done $0x0  }
0x1e5: {  	s12 =	simm.s32 $0x1980;
	[sflag:s13] =	ssyncadd.s32 $0xFFFFC000  }
0x1e6: {  	[tilespmem:s16], [sflag:$0x2] =	stream.indirect.gather [hbm4b:s4+s15], $0x80, s12, s15, $0xb8;
	[tilespmem:$0x1F800] =	vst v63  }
0x1e7: {  	_ =	swait.ge [sflag:s18], $0x4000  }
0x1e8: {  	[sflag:s18] =	ssyncset.done $0x0  }
0x1e9: {  	[sflag:s18] =	ssyncadd.s32 $0xFFFFC000  }
0x1ea: {  	[spmem:s2] =	stream.indirect.scatter.add.f32 [tilespmem:s14], [sflag:$0x3], $0x80, s23, s15, $0xb8;
	[tilespmem:$0x1F800] =	vst v63  }
0x1eb: {  	_ =	swait.ge [sflag:s13], $0x4000  }
0x1ec: {  	[sflag:s13] =	ssyncset.done $0x0  }
0x1ed: {  	s24 =	simm.s32 $0x1A00;
	[sflag:s13] =	ssyncadd.s32 $0xFFFFC000  }
0x1ee: {  	[tilespmem:s14], [sflag:$0x1] =	stream.indirect.gather [hbm4b:s4+s15], $0x80, s24, s15, $0xb8;
	[tilespmem:$0x1F800] =	vst v63  }
0x1ef: {  	_ =	swait.ge [sflag:s20], $0x4000  }
0x1f0: {  	[sflag:s20] =	ssyncset.done $0x0  }
0x1f1: {  	[sflag:s20] =	ssyncadd.s32 $0xFFFFC000  }
0x1f2: {  	[spmem:s2] =	stream.indirect.scatter.add.f32 [tilespmem:s16], [sflag:$0x3], $0x80, s1, s15, $0xb8;
	[tilespmem:$0x1F800] =	vst v63  }
0x1f3: {  	_ =	swait.ge [sflag:s13], $0x4000  }
0x1f4: {  	[sflag:s13] =	ssyncset.done $0x0  }
0x1f5: {  	s12 =	simm.s32 $0x1A80;
	[sflag:s13] =	ssyncadd.s32 $0xFFFFC000  }
0x1f6: {  	[tilespmem:s16], [sflag:$0x2] =	stream.indirect.gather [hbm4b:s4+s15], $0x80, s12, s15, $0xb8;
	[tilespmem:$0x1F800] =	vst v63  }
0x1f7: {  	_ =	swait.ge [sflag:s18], $0x4000  }
0x1f8: {  	[sflag:s18] =	ssyncset.done $0x0  }
0x1f9: {  	[sflag:s18] =	ssyncadd.s32 $0xFFFFC000  }
0x1fa: {  	[spmem:s2] =	stream.indirect.scatter.add.f32 [tilespmem:s14], [sflag:$0x3], $0x80, s3, s15, $0xb8;
	[tilespmem:$0x1F800] =	vst v63  }
0x1fb: {  	_ =	swait.ge [sflag:s13], $0x4000  }
0x1fc: {  	[sflag:s13] =	ssyncset.done $0x0  }
0x1fd: {  	s24 =	simm.s32 $0x1B00;
	[sflag:s13] =	ssyncadd.s32 $0xFFFFC000  }
0x1fe: {  	[tilespmem:s14], [sflag:$0x1] =	stream.indirect.gather [hbm4b:s4+s15], $0x80, s24, s15, $0xb8;
	[tilespmem:$0x1F800] =	vst v63  }
0x1ff: {  	_ =	swait.ge [sflag:s20], $0x4000  }
0x200: {  	[sflag:s20] =	ssyncset.done $0x0  }
0x201: {  	[sflag:s20] =	ssyncadd.s32 $0xFFFFC000  }
0x202: {  	[spmem:s2] =	stream.indirect.scatter.add.f32 [tilespmem:s16], [sflag:$0x3], $0x80, s6, s15, $0xb8;
	[tilespmem:$0x1F800] =	vst v63  }
0x203: {  	_ =	swait.ge [sflag:s13], $0x4000  }
0x204: {  	[sflag:s13] =	ssyncset.done $0x0  }
0x205: {  	s5 =	simm.s32 $0x1B80;
	[sflag:s13] =	ssyncadd.s32 $0xFFFFC000  }
0x206: {  	[tilespmem:s16], [sflag:$0x2] =	stream.indirect.gather [hbm4b:s4+s15], $0x80, s5, s15, $0xb8;
	[tilespmem:$0x1F800] =	vst v63  }
0x207: {  	_ =	swait.ge [sflag:s18], $0x4000  }
0x208: {  	[sflag:s18] =	ssyncset.done $0x0  }
0x209: {  	[sflag:s18] =	ssyncadd.s32 $0xFFFFC000  }
0x20a: {  	[spmem:s2] =	stream.indirect.scatter.add.f32 [tilespmem:s14], [sflag:$0x3], $0x80, s7, s15, $0xb8;
	[tilespmem:$0x1F800] =	vst v63  }
0x20b: {  	_ =	swait.ge [sflag:s13], $0x4000  }
0x20c: {  	[sflag:s13] =	ssyncset.done $0x0  }
0x20d: {  	s12 =	simm.s32 $0x1C00;
	[sflag:s13] =	ssyncadd.s32 $0xFFFFC000  }
0x20e: {  	[tilespmem:s14], [sflag:$0x1] =	stream.indirect.gather [hbm4b:s4+s15], $0x80, s12, s15, $0xb8;
	[tilespmem:$0x1F800] =	vst v63  }
0x20f: {  	_ =	swait.ge [sflag:s20], $0x4000  }
0x210: {  	[sflag:s20] =	ssyncset.done $0x0  }
0x211: {  	[sflag:s20] =	ssyncadd.s32 $0xFFFFC000  }
0x212: {  	[spmem:s2] =	stream.indirect.scatter.add.f32 [tilespmem:s16], [sflag:$0x3], $0x80, s8, s15, $0xb8;
	[tilespmem:$0x1F800] =	vst v63  }
0x213: {  	_ =	swait.ge [sflag:s13], $0x4000  }
0x214: {  	[sflag:s13] =	ssyncset.done $0x0  }
0x215: {  	s24 =	simm.s32 $0x1C80;
	[sflag:s13] =	ssyncadd.s32 $0xFFFFC000  }
0x216: {  	[tilespmem:s16], [sflag:$0x2] =	stream.indirect.gather [hbm4b:s4+s15], $0x80, s24, s15, $0xb8;
	[tilespmem:$0x1F800] =	vst v63  }
0x217: {  	_ =	swait.ge [sflag:s18], $0x4000  }
0x218: {  	[sflag:s18] =	ssyncset.done $0x0  }
0x219: {  	[sflag:s18] =	ssyncadd.s32 $0xFFFFC000  }
0x21a: {  	[spmem:s2] =	stream.indirect.scatter.add.f32 [tilespmem:s14], [sflag:$0x3], $0x80, s9, s15, $0xb8;
	[tilespmem:$0x1F800] =	vst v63  }
0x21b: {  	_ =	swait.ge [sflag:s13], $0x4000  }
0x21c: {  	[sflag:s13] =	ssyncset.done $0x0  }
0x21d: {  	s5 =	simm.s32 $0x1D00;
	[sflag:s13] =	ssyncadd.s32 $0xFFFFC000  }
0x21e: {  	[tilespmem:s14], [sflag:$0x1] =	stream.indirect.gather [hbm4b:s4+s15], $0x80, s5, s15, $0xb8;
	[tilespmem:$0x1F800] =	vst v63  }
0x21f: {  	_ =	swait.ge [sflag:s20], $0x4000  }
0x220: {  	[sflag:s20] =	ssyncset.done $0x0  }
0x221: {  	[sflag:s20] =	ssyncadd.s32 $0xFFFFC000  }
0x222: {  	[spmem:s2] =	stream.indirect.scatter.add.f32 [tilespmem:s16], [sflag:$0x3], $0x80, s19, s15, $0xb8;
	[tilespmem:$0x1F800] =	vst v63  }
0x223: {  	_ =	swait.ge [sflag:s13], $0x4000  }
0x224: {  	[sflag:s13] =	ssyncset.done $0x0  }
0x225: {  	s12 =	simm.s32 $0x1D80;
	[sflag:s13] =	ssyncadd.s32 $0xFFFFC000  }
0x226: {  	[tilespmem:s16], [sflag:$0x2] =	stream.indirect.gather [hbm4b:s4+s15], $0x80, s12, s15, $0xb8;
	[tilespmem:$0x1F800] =	vst v63  }
0x227: {  	_ =	swait.ge [sflag:s18], $0x4000  }
0x228: {  	[sflag:s18] =	ssyncset.done $0x0  }
0x229: {  	[sflag:s18] =	ssyncadd.s32 $0xFFFFC000  }
0x22a: {  	[spmem:s2] =	stream.indirect.scatter.add.f32 [tilespmem:s14], [sflag:$0x3], $0x80, s22, s15, $0xb8;
	[tilespmem:$0x1F800] =	vst v63  }
0x22b: {  	_ =	swait.ge [sflag:s13], $0x4000  }
0x22c: {  	[sflag:s13] =	ssyncset.done $0x0  }
0x22d: {  	s24 =	simm.s32 $0x1E00;
	[sflag:s13] =	ssyncadd.s32 $0xFFFFC000  }
0x22e: {  	[tilespmem:s14], [sflag:$0x1] =	stream.indirect.gather [hbm4b:s4+s15], $0x80, s24, s15, $0xb8;
	[tilespmem:$0x1F800] =	vst v63  }
0x22f: {  	_ =	swait.ge [sflag:s20], $0x4000  }
0x230: {  	[sflag:s20] =	ssyncset.done $0x0  }
0x231: {  	[sflag:s20] =	ssyncadd.s32 $0xFFFFC000  }
0x232: {  	[spmem:s2] =	stream.indirect.scatter.add.f32 [tilespmem:s16], [sflag:$0x3], $0x80, s25, s15, $0xb8;
	[tilespmem:$0x1F800] =	vst v63  }
0x233: {  	_ =	swait.ge [sflag:s13], $0x4000  }
0x234: {  	[sflag:s13] =	ssyncset.done $0x0  }
0x235: {  	s5 =	simm.s32 $0x1E80;
	[sflag:s13] =	ssyncadd.s32 $0xFFFFC000  }
0x236: {  	[tilespmem:s16], [sflag:$0x2] =	stream.indirect.gather [hbm4b:s4+s15], $0x80, s5, s15, $0xb8;
	[tilespmem:$0x1F800] =	vst v63  }
0x237: {  	_ =	swait.ge [sflag:s18], $0x4000  }
0x238: {  	[sflag:s18] =	ssyncset.done $0x0  }
0x239: {  	[sflag:s18] =	ssyncadd.s32 $0xFFFFC000  }
0x23a: {  	[spmem:s2] =	stream.indirect.scatter.add.f32 [tilespmem:s14], [sflag:$0x3], $0x80, s26, s15, $0xb8;
	[tilespmem:$0x1F800] =	vst v63  }
0x23b: {  	_ =	swait.ge [sflag:s13], $0x4000  }
0x23c: {  	[sflag:s13] =	ssyncset.done $0x0  }
0x23d: {  	s12 =	simm.s32 $0x1F00;
	[sflag:s13] =	ssyncadd.s32 $0xFFFFC000  }
0x23e: {  	[tilespmem:s14], [sflag:$0x1] =	stream.indirect.gather [hbm4b:s4+s15], $0x80, s12, s15, $0xb8;
	[tilespmem:$0x1F800] =	vst v63  }
0x23f: {  	_ =	swait.ge [sflag:s20], $0x4000  }
0x240: {  	[sflag:s20] =	ssyncset.done $0x0  }
0x241: {  	[sflag:s20] =	ssyncadd.s32 $0xFFFFC000  }
0x242: {  	[spmem:s2] =	stream.indirect.scatter.add.f32 [tilespmem:s16], [sflag:$0x3], $0x80, s28, s15, $0xb8;
	[tilespmem:$0x1F800] =	vst v63  }
0x243: {  	_ =	swait.ge [sflag:s13], $0x4000  }
0x244: {  	[sflag:s13] =	ssyncset.done $0x0  }
0x245: {  	s24 =	simm.s32 $0x1F80;
	[sflag:s13] =	ssyncadd.s32 $0xFFFFC000  }
0x246: {  	[tilespmem:s16], [sflag:$0x2] =	stream.indirect.gather [hbm4b:s4+s15], $0x80, s24, s15, $0xb8;
	[tilespmem:$0x1F800] =	vst v63  }
0x247: {  	_ =	swait.ge [sflag:s18], $0x4000  }
0x248: {  	[sflag:s18] =	ssyncset.done $0x0  }
0x249: {  	[sflag:s18] =	ssyncadd.s32 $0xFFFFC000  }
0x24a: {  	[spmem:s2] =	stream.indirect.scatter.add.f32 [tilespmem:s14], [sflag:$0x3], $0x80, s29, s15, $0xb8;
	[tilespmem:$0x1F800] =	vst v63  }
0x24b: {  	_ =	swait.ge [sflag:s13], $0x4000  }
0x24c: {  	[sflag:s13] =	ssyncset.done $0x0  }
0x24d: {  	s5 =	simm.s32 $0x2000;
	[sflag:s13] =	ssyncadd.s32 $0xFFFFC000  }
0x24e: {  	[tilespmem:s14], [sflag:$0x1] =	stream.indirect.gather [hbm4b:s4+s15], $0x80, s5, s15, $0xb8;
	[tilespmem:$0x1F800] =	vst v63  }
0x24f: {  	_ =	swait.ge [sflag:s20], $0x4000  }
0x250: {  	[sflag:s20] =	ssyncset.done $0x0  }
0x251: {  	[sflag:s20] =	ssyncadd.s32 $0xFFFFC000  }
0x252: {  	[spmem:s2] =	stream.indirect.scatter.add.f32 [tilespmem:s16], [sflag:$0x3], $0x80, s30, s15, $0xb8;
	[tilespmem:$0x1F800] =	vst v63  }
0x253: {  	_ =	swait.ge [sflag:s13], $0x4000  }
0x254: {  	[sflag:s13] =	ssyncset.done $0x0  }
0x255: {  	s12 =	simm.s32 $0x2080;
	[sflag:s13] =	ssyncadd.s32 $0xFFFFC000  }
0x256: {  	[tilespmem:s16], [sflag:$0x2] =	stream.indirect.gather [hbm4b:s4+s15], $0x80, s12, s15, $0xb8;
	[tilespmem:$0x1F800] =	vst v63  }
0x257: {  	s24 =	sadd.s32 $0x400, s11  }
0x258: {  	[tilespmem:s0], [sflag:$0x3] =	stream.linear.gather [hbm4b:s24+s31], $0x800, $0x38;
	[tilespmem:$0x1F800] =	vst v63  }
0x259: {  	_ =	swait.ge [sflag:s13], $0x800  }
0x25a: {  	[sflag:s13] =	ssyncset.done $0x0  }
0x25b: {  	[sflag:s13] =	ssyncadd.s32 $0xFFFFF800  }
0x25c: {  	_ =	swait.ge [sflag:s18], $0x4000  }
0x25d: {  	[sflag:s18] =	ssyncset.done $0x0  }
0x25e: {  	[sflag:s18] =	ssyncadd.s32 $0xFFFFC000  }
0x25f: {  	[spmem:s2] =	stream.indirect.scatter.add.f32 [tilespmem:s14], [sflag:$0x3], $0x80, s0, s15, $0xb8;
	[tilespmem:$0x1F800] =	vst v63  }
0x260: {  	_ =	swait.ge [sflag:s13], $0x4000  }
0x261: {  	[sflag:s13] =	ssyncset.done $0x0  }
0x262: {  	s1 =	simm.s32 $0x2100;
	[sflag:s13] =	ssyncadd.s32 $0xFFFFC000  }
0x263: {  	[tilespmem:s14], [sflag:$0x1] =	stream.indirect.gather [hbm4b:s4+s15], $0x80, s1, s15, $0xb8;
	[tilespmem:$0x1F800] =	vst v63  }
0x264: {  	_ =	swait.ge [sflag:s20], $0x4000  }
0x265: {  	[sflag:s20] =	ssyncset.done $0x0  }
0x266: {  	s5 =	simm.s32 $0x2880;
	[sflag:s20] =	ssyncadd.s32 $0xFFFFC000  }
0x267: {  	[spmem:s2] =	stream.indirect.scatter.add.f32 [tilespmem:s16], [sflag:$0x3], $0x80, s5, s15, $0xb8;
	[tilespmem:$0x1F800] =	vst v63  }
0x268: {  	_ =	swait.ge [sflag:s13], $0x4000  }
0x269: {  	[sflag:s13] =	ssyncset.done $0x0  }
0x26a: {  	s12 =	simm.s32 $0x2180;
	[sflag:s13] =	ssyncadd.s32 $0xFFFFC000  }
0x26b: {  	[tilespmem:s16], [sflag:$0x2] =	stream.indirect.gather [hbm4b:s4+s15], $0x80, s12, s15, $0xb8;
	[tilespmem:$0x1F800] =	vst v63  }
0x26c: {  	_ =	swait.ge [sflag:s18], $0x4000  }
0x26d: {  	[sflag:s18] =	ssyncset.done $0x0  }
0x26e: {  	s24 =	simm.s32 $0x2900;
	[sflag:s18] =	ssyncadd.s32 $0xFFFFC000  }
0x26f: {  	[spmem:s2] =	stream.indirect.scatter.add.f32 [tilespmem:s14], [sflag:$0x3], $0x80, s24, s15, $0xb8;
	[tilespmem:$0x1F800] =	vst v63  }
0x270: {  	_ =	swait.ge [sflag:s13], $0x4000  }
0x271: {  	[sflag:s13] =	ssyncset.done $0x0  }
0x272: {  	s1 =	simm.s32 $0x2200;
	[sflag:s13] =	ssyncadd.s32 $0xFFFFC000  }
0x273: {  	[tilespmem:s14], [sflag:$0x1] =	stream.indirect.gather [hbm4b:s4+s15], $0x80, s1, s15, $0xb8;
	[tilespmem:$0x1F800] =	vst v63  }
0x274: {  	_ =	swait.ge [sflag:s20], $0x4000  }
0x275: {  	[sflag:s20] =	ssyncset.done $0x0  }
0x276: {  	s5 =	simm.s32 $0x2980;
	[sflag:s20] =	ssyncadd.s32 $0xFFFFC000  }
0x277: {  	[spmem:s2] =	stream.indirect.scatter.add.f32 [tilespmem:s16], [sflag:$0x3], $0x80, s5, s15, $0xb8;
	[tilespmem:$0x1F800] =	vst v63  }
0x278: {  	_ =	swait.ge [sflag:s13], $0x4000  }
0x279: {  	[sflag:s13] =	ssyncset.done $0x0  }
0x27a: {  	s12 =	simm.s32 $0x2280;
	[sflag:s13] =	ssyncadd.s32 $0xFFFFC000  }
0x27b: {  	[tilespmem:s16], [sflag:$0x2] =	stream.indirect.gather [hbm4b:s4+s15], $0x80, s12, s15, $0xb8;
	[tilespmem:$0x1F800] =	vst v63  }
0x27c: {  	_ =	swait.ge [sflag:s18], $0x4000  }
0x27d: {  	[sflag:s18] =	ssyncset.done $0x0  }
0x27e: {  	s24 =	simm.s32 $0x2A00;
	[sflag:s18] =	ssyncadd.s32 $0xFFFFC000  }
0x27f: {  	[spmem:s2] =	stream.indirect.scatter.add.f32 [tilespmem:s14], [sflag:$0x3], $0x80, s24, s15, $0xb8;
	[tilespmem:$0x1F800] =	vst v63  }
0x280: {  	_ =	swait.ge [sflag:s13], $0x4000  }
0x281: {  	[sflag:s13] =	ssyncset.done $0x0  }
0x282: {  	s1 =	simm.s32 $0x2300;
	[sflag:s13] =	ssyncadd.s32 $0xFFFFC000  }
0x283: {  	[tilespmem:s14], [sflag:$0x1] =	stream.indirect.gather [hbm4b:s4+s15], $0x80, s1, s15, $0xb8;
	[tilespmem:$0x1F800] =	vst v63  }
0x284: {  	_ =	swait.ge [sflag:s20], $0x4000  }
0x285: {  	[sflag:s20] =	ssyncset.done $0x0  }
0x286: {  	s5 =	simm.s32 $0x2A80;
	[sflag:s20] =	ssyncadd.s32 $0xFFFFC000  }
0x287: {  	[spmem:s2] =	stream.indirect.scatter.add.f32 [tilespmem:s16], [sflag:$0x3], $0x80, s5, s15, $0xb8;
	[tilespmem:$0x1F800] =	vst v63  }
0x288: {  	_ =	swait.ge [sflag:s13], $0x4000  }
0x289: {  	[sflag:s13] =	ssyncset.done $0x0  }
0x28a: {  	s12 =	simm.s32 $0x2380;
	[sflag:s13] =	ssyncadd.s32 $0xFFFFC000  }
0x28b: {  	[tilespmem:s16], [sflag:$0x2] =	stream.indirect.gather [hbm4b:s4+s15], $0x80, s12, s15, $0xb8;
	[tilespmem:$0x1F800] =	vst v63  }
0x28c: {  	_ =	swait.ge [sflag:s18], $0x4000  }
0x28d: {  	[sflag:s18] =	ssyncset.done $0x0  }
0x28e: {  	s24 =	simm.s32 $0x2B00;
	[sflag:s18] =	ssyncadd.s32 $0xFFFFC000  }
0x28f: {  	[spmem:s2] =	stream.indirect.scatter.add.f32 [tilespmem:s14], [sflag:$0x3], $0x80, s24, s15, $0xb8;
	[tilespmem:$0x1F800] =	vst v63  }
0x290: {  	_ =	swait.ge [sflag:s13], $0x4000  }
0x291: {  	[sflag:s13] =	ssyncset.done $0x0  }
0x292: {  	s1 =	simm.s32 $0x2400;
	[sflag:s13] =	ssyncadd.s32 $0xFFFFC000  }
0x293: {  	[tilespmem:s14], [sflag:$0x1] =	stream.indirect.gather [hbm4b:s4+s15], $0x80, s1, s15, $0xb8;
	[tilespmem:$0x1F800] =	vst v63  }
0x294: {  	_ =	swait.ge [sflag:s20], $0x4000  }
0x295: {  	[sflag:s20] =	ssyncset.done $0x0  }
0x296: {  	s5 =	simm.s32 $0x2B80;
	[sflag:s20] =	ssyncadd.s32 $0xFFFFC000  }
0x297: {  	[spmem:s2] =	stream.indirect.scatter.add.f32 [tilespmem:s16], [sflag:$0x3], $0x80, s5, s15, $0xb8;
	[tilespmem:$0x1F800] =	vst v63  }
0x298: {  	_ =	swait.ge [sflag:s13], $0x4000  }
0x299: {  	[sflag:s13] =	ssyncset.done $0x0  }
0x29a: {  	s12 =	simm.s32 $0x2480;
	[sflag:s13] =	ssyncadd.s32 $0xFFFFC000  }
0x29b: {  	[tilespmem:s16], [sflag:$0x2] =	stream.indirect.gather [hbm4b:s4+s15], $0x80, s12, s15, $0xb8;
	[tilespmem:$0x1F800] =	vst v63  }
0x29c: {  	_ =	swait.ge [sflag:s18], $0x4000  }
0x29d: {  	[sflag:s18] =	ssyncset.done $0x0  }
0x29e: {  	s24 =	simm.s32 $0x2C00;
	[sflag:s18] =	ssyncadd.s32 $0xFFFFC000  }
0x29f: {  	[spmem:s2] =	stream.indirect.scatter.add.f32 [tilespmem:s14], [sflag:$0x3], $0x80, s24, s15, $0xb8;
	[tilespmem:$0x1F800] =	vst v63  }
0x2a0: {  	_ =	swait.ge [sflag:s13], $0x4000  }
0x2a1: {  	[sflag:s13] =	ssyncset.done $0x0  }
0x2a2: {  	s1 =	simm.s32 $0x2500;
	[sflag:s13] =	ssyncadd.s32 $0xFFFFC000  }
0x2a3: {  	[tilespmem:s14], [sflag:$0x1] =	stream.indirect.gather [hbm4b:s4+s15], $0x80, s1, s15, $0xb8;
	[tilespmem:$0x1F800] =	vst v63  }
0x2a4: {  	_ =	swait.ge [sflag:s20], $0x4000  }
0x2a5: {  	[sflag:s20] =	ssyncset.done $0x0  }
0x2a6: {  	s5 =	simm.s32 $0x2C80;
	[sflag:s20] =	ssyncadd.s32 $0xFFFFC000  }
0x2a7: {  	[spmem:s2] =	stream.indirect.scatter.add.f32 [tilespmem:s16], [sflag:$0x3], $0x80, s5, s15, $0xb8;
	[tilespmem:$0x1F800] =	vst v63  }
0x2a8: {  	_ =	swait.ge [sflag:s13], $0x4000  }
0x2a9: {  	[sflag:s13] =	ssyncset.done $0x0  }
0x2aa: {  	s12 =	simm.s32 $0x2580;
	[sflag:s13] =	ssyncadd.s32 $0xFFFFC000  }
0x2ab: {  	[tilespmem:s16], [sflag:$0x2] =	stream.indirect.gather [hbm4b:s4+s15], $0x80, s12, s15, $0xb8;
	[tilespmem:$0x1F800] =	vst v63  }
0x2ac: {  	_ =	swait.ge [sflag:s18], $0x4000  }
0x2ad: {  	[sflag:s18] =	ssyncset.done $0x0  }
0x2ae: {  	s24 =	simm.s32 $0x2D00;
	[sflag:s18] =	ssyncadd.s32 $0xFFFFC000  }
0x2af: {  	[spmem:s2] =	stream.indirect.scatter.add.f32 [tilespmem:s14], [sflag:$0x3], $0x80, s24, s15, $0xb8;
	[tilespmem:$0x1F800] =	vst v63  }
0x2b0: {  	_ =	swait.ge [sflag:s13], $0x4000  }
0x2b1: {  	[sflag:s13] =	ssyncset.done $0x0  }
0x2b2: {  	s1 =	simm.s32 $0x2600;
	[sflag:s13] =	ssyncadd.s32 $0xFFFFC000  }
0x2b3: {  	[tilespmem:s14], [sflag:$0x1] =	stream.indirect.gather [hbm4b:s4+s15], $0x80, s1, s15, $0xb8;
	[tilespmem:$0x1F800] =	vst v63  }
0x2b4: {  	_ =	swait.ge [sflag:s20], $0x4000  }
0x2b5: {  	[sflag:s20] =	ssyncset.done $0x0  }
0x2b6: {  	s5 =	simm.s32 $0x2D80;
	[sflag:s20] =	ssyncadd.s32 $0xFFFFC000  }
0x2b7: {  	[spmem:s2] =	stream.indirect.scatter.add.f32 [tilespmem:s16], [sflag:$0x3], $0x80, s5, s15, $0xb8;
	[tilespmem:$0x1F800] =	vst v63  }
0x2b8: {  	_ =	swait.ge [sflag:s13], $0x4000  }
0x2b9: {  	[sflag:s13] =	ssyncset.done $0x0  }
0x2ba: {  	s12 =	simm.s32 $0x2680;
	[sflag:s13] =	ssyncadd.s32 $0xFFFFC000  }
0x2bb: {  	[tilespmem:s16], [sflag:$0x2] =	stream.indirect.gather [hbm4b:s4+s15], $0x80, s12, s15, $0xb8;
	[tilespmem:$0x1F800] =	vst v63  }
0x2bc: {  	_ =	swait.ge [sflag:s18], $0x4000  }
0x2bd: {  	[sflag:s18] =	ssyncset.done $0x0  }
0x2be: {  	s24 =	simm.s32 $0x2E00;
	[sflag:s18] =	ssyncadd.s32 $0xFFFFC000  }
0x2bf: {  	[spmem:s2] =	stream.indirect.scatter.add.f32 [tilespmem:s14], [sflag:$0x3], $0x80, s24, s15, $0xb8;
	[tilespmem:$0x1F800] =	vst v63  }
0x2c0: {  	_ =	swait.ge [sflag:s13], $0x4000  }
0x2c1: {  	[sflag:s13] =	ssyncset.done $0x0  }
0x2c2: {  	s1 =	simm.s32 $0x2700;
	[sflag:s13] =	ssyncadd.s32 $0xFFFFC000  }
0x2c3: {  	[tilespmem:s14], [sflag:$0x1] =	stream.indirect.gather [hbm4b:s4+s15], $0x80, s1, s15, $0xb8;
	[tilespmem:$0x1F800] =	vst v63  }
0x2c4: {  	_ =	swait.ge [sflag:s20], $0x4000  }
0x2c5: {  	[sflag:s20] =	ssyncset.done $0x0  }
0x2c6: {  	s5 =	simm.s32 $0x2E80;
	[sflag:s20] =	ssyncadd.s32 $0xFFFFC000  }
0x2c7: {  	[spmem:s2] =	stream.indirect.scatter.add.f32 [tilespmem:s16], [sflag:$0x3], $0x80, s5, s15, $0xb8;
	[tilespmem:$0x1F800] =	vst v63  }
0x2c8: {  	_ =	swait.ge [sflag:s13], $0x4000  }
0x2c9: {  	[sflag:s13] =	ssyncset.done $0x0  }
0x2ca: {  	s12 =	simm.s32 $0x2780;
	[sflag:s13] =	ssyncadd.s32 $0xFFFFC000  }
0x2cb: {  	[tilespmem:s16], [sflag:$0x2] =	stream.indirect.gather [hbm4b:s4+s15], $0x80, s12, s15, $0xb8;
	[tilespmem:$0x1F800] =	vst v63  }
0x2cc: {  	_ =	swait.ge [sflag:s18], $0x4000  }
0x2cd: {  	[sflag:s18] =	ssyncset.done $0x0  }
0x2ce: {  	s24 =	simm.s32 $0x2F00;
	[sflag:s18] =	ssyncadd.s32 $0xFFFFC000  }
0x2cf: {  	[spmem:s2] =	stream.indirect.scatter.add.f32 [tilespmem:s14], [sflag:$0x3], $0x80, s24, s15, $0xb8;
	[tilespmem:$0x1F800] =	vst v63  }
0x2d0: {  	_ =	swait.ge [sflag:s13], $0x4000  }
0x2d1: {  	[sflag:s13] =	ssyncset.done $0x0  }
0x2d2: {  	[sflag:s13] =	ssyncadd.s32 $0xFFFFC000  }
0x2d3: {  	_ =	swait.ge [sflag:s20], $0x4000  }
0x2d4: {  	[sflag:s20] =	ssyncset.done $0x0  }
0x2d5: {  	[sflag:s20] =	ssyncadd.s32 $0xFFFFC000  }
0x2d6: {  	[spmem:s2] =	stream.indirect.scatter.add.f32 [tilespmem:s16], [sflag:$0x3], $0x80, s21, s15, $0xb8;
	[tilespmem:$0x1F800] =	vst v63  }
0x2d7: {  	_ =	swait.ge [sflag:s13], $0x4000  }
0x2d8: {  	[sflag:s13] =	ssyncset.done $0x0  }
0x2d9: {  	s1 =	stileid.u32;
	[sflag:s13] =	ssyncadd.s32 $0xFFFFC000  }
0x2da: {  	s12 =	sshll.u32 s1, $0x6;
	[bflag:$0x0] =	sbarrier.arrive $0xFFFF  }
0x2db: {  	s5 =	sshrl.u32 s17, $0x3;
	s12 =	sor.u32 $0x1C03, s12;
	s17 =	rddreg [dreg:$0xa]  }
0x2dc: {  	[hbm:s17], [sflag:s12] =	dma.local [spmem:s5], $0x2800  }
0x2dd: {  	_ =	swait.ge [sflag:s13], $0x2800  }
0x2de: {  	s10 =	sadd.s32 $0x1, s10;
	s24 =	rddreg [dreg:$0x9]  }
0x2df: {  	p0 =	sne.s32 s10, s24  }
.Ltmp1:
0x2e0: {  	_ = 	snop;
	(pc) =	sbr.rel @p0 .LBB2_1-.Ltmp1, $3  }
0x2e1: {  	_ =	sdelay $0x1  }
0x2e2: {  	[sflag:s13] =	ssyncset.done $0x0  }
0x2e3: {  	[sflag:s13] =	ssyncadd.s32 $0xFFFFD800  }
0x2e4: {  	_ =	sfence.sel $0x180000  }
0x2e5: {  	[bflag:$0x0] =	sbarrier.arrive $0xFFFF  }
0x2e6: {  	_ =	strace $0x9000004D  }
0x2e7: {  	s0 =	stileid.u32;
	[bflag:$0x2] =	sbarrier.arrive $0xFFFF  }
0x2e8: {  	p0 =	sne.s32 s0, $0x0;
	s0 =	rddreg [dreg:$0x3]  }
0x2e9: {  	s0 =	sadd.s32 @!p0 $0x100000, s0  }
0x2ea: {  	[sflag:s0] =	ssyncadd.tile.s32 @!p0 $0x1;
	_ =	shalt  }
.Lfunc_end2:
_tile_overlayer_lowered:
.L_overlay_start_2:
0x2eb: {  	(tag) =	ssettag $0x2  }
0x2ec: {  	s0 =	rddreg [dreg:$0x0];
	s2 =	stileid.u32  }
0x2ed: {  	s1 =	rddreg [dreg:$0x1];
	p0 =	sne.s32 s2, $0x0  }
0x2ee: {  	s3 =	rddreg [dreg:$0x2];
	[bflag:$0x3] =	sbarrier.arrive $0xFFFF;
	s2 =	simm.s32 @!p0 $0x1C03  }
0x2ef: {  	[timem:s3], [sflag:s2] =	dma.local @!p0 [hbm:s0], s1  }
0x2f0: {  	s0 =	simm.s32 @!p0 $0x3  }
0x2f1: {  	_ =	swait.ge @!p0 [sflag:s0], s1  }
0x2f2: {  	s1 =	ssub.s32 @!p0 $0x0, s1;
	[sflag:s0] =	ssyncset.done @!p0 $0x0  }
0x2f3: {  	[sflag:s0] =	ssyncadd.s32 @!p0 s1  }
0x2f4: {  	[bflag:$0x3] =	sbarrier.arrive $0xFFFF  }
0x2f5: {  	_ =	shalt  }

// kernel: kernel.8.cloned.1.call-start
scs
__scs_entry_jumppad:
0x0: {  	(pc) =	sbr.rel $0x88, $3  }
0x1: {  	(tag) =	ssettag $0x0;
	lr =	simm.s32 $0x1  }
0x2: {  	[smem:$0x3F9D] =	sst lr;
	_ =	strace $0xD0000000  }
0x3: {  	_ = 	snop  }
0x4: {  	_ = 	snop  }
0x5: {  	_ = 	snop  }
0x6: {  	_ = 	snop  }
0x7: {  	_ = 	snop  }
__scs_overlays_trampoline_lowered:
0x8: {  	[smem:$0x3FAC] =	sst s0  }
0x9: {  	[smem:$0x3FAD] =	sst s1  }
0xa: {  	[smem:$0x3FAE] =	sst s2  }
0xb: {  	[smem:$0x3FAF] =	sst s3  }
0xc: {  	[smem:$0x3FB0] =	sst s4  }
0xd: {  	[smem:$0x3FB1] =	sst s5  }
0xe: {  	[smem:$0x3FB2] =	sst s6  }
0xf: {  	[smem:$0x3FB3] =	sst s7  }
0x10: {  	[smem:$0x3FB4] =	sst s8  }
0x11: {  	[smem:$0x3FB5] =	sst s9;
	s0 =	simm.s32 @!p0 $0x0  }
0x12: {  	s1 =	sld [smem:$0x3F9B];
	s0 =	simm.s32 @p0 $0x1  }
0x13: {  	[smem:$0x3FB6] =	sst s0;
	s0 =	simm.s32 @!p1 $0x0  }
0x14: {  	s2 =	sld [smem:$0x3F9A];
	s0 =	simm.s32 @p1 $0x1  }
0x15: {  	[smem:$0x3FB7] =	sst s0;
	s0 =	simm.s32 @!p2 $0x0  }
0x16: {  	s3 =	sld [smem:$0x3FDB];
	s0 =	simm.s32 @p2 $0x1  }
0x17: {  	s4 =	simm.s32 $0x1BF5;
	[smem:$0x3FB9] =	sst s0  }
0x18: {  	s0 =	sld [smem:$0x3F9C];
	_ =	swait.ge [sflag:s4], $0x0  }
0x19: {  	s7 =	sld [smem:$0x3F9D]  }
0x1a: {  	s8 =	sadd.s32 $0xFFFFE003, lr  }
0x1b: {  	s9 =	sadd.s32 $0xFFFFFEF7, lr;
	s5 =	simm.s32 $0xFFFFFFFF;
	p2 =	slt.u32 s8, $0xFFFFF086  }
0x1c: {  	p1 =	slt.u32 s9, $0xF7A;
	s5 =	simm.s32 @!p2 $0x0  }
0x1d: {  	s5 =	simm.s32 @p1 $0x1;
	p0 =	seq.s32 s7, s2  }
0x1e: {  	s7 =	smul.u32 @!p0 $0xF7A, s2;
	p2 =	seq.s32 @!p0 s5, $0x0  }
0x1f: {  	s9 =	smul.u32 $0xF7A, s1;
	s8 =	simm.s32 @!p0 $0x1BF5;
	p2 =	por !p2, p0  }
0x20: {  	[sflag:s8] =	ssyncset.s32 @!p0 $0xFFFFF086;
	s6 =	sadd.s32 @!p0 s3, s7;
	s7 =	simm.s32 @!p0 $0x108  }
0x21: {  	s3 =	sadd.s32 s3, s9;
	s6 =	sadd.s32 @!p0 $0x88, s6;
	s7 =	simm.s32 @p2 $0x1082  }
0x22: {  	[simem:s7], [sflag:s8] =	dma.local @!p0 [hbm:s6], $0xF7A  }
0x23: {  	s9 =	sor.u32 $0xD0000000, s2;
	s6 =	simm.s32 $0x108;
	_ =	swait.ge @!p0 [sflag:s8], $0x0  }
0x24: {  	s3 =	sadd.s32 $0x88, s3;
	s6 =	simm.s32 @!p1 $0x1082;
	[sflag:s4] =	ssyncset.s32 $0xFFFFF086  }
0x25: {  	[simem:s6], [sflag:s4] =	dma.local [hbm:s3], $0xF7A  }
0x26: {  	[smem:$0x3F9D] =	sst s1;
	(tag) =	ssettag s2;
	_ =	strace s9  }
0x27: {  	s1 =	sld [smem:$0x3FAD]  }
0x28: {  	s2 =	sld [smem:$0x3FAE]  }
0x29: {  	s4 =	sld [smem:$0x3FB0]  }
0x2a: {  	p0 =	seq.s32 s5, $0x0;
	s5 =	sld [smem:$0x3FB1]  }
0x2b: {  	s6 =	sld [smem:$0x3FB2]  }
0x2c: {  	s7 =	sld [smem:$0x3FB3]  }
0x2d: {  	s3 =	simm.s32 $0x108;
	s8 =	sld [smem:$0x3FB4]  }
0x2e: {  	s3 =	simm.s32 @!p0 $0x1082;
	s9 =	sld [smem:$0x3FB5]  }
0x2f: {  	lr =	sadd.s32 s0, s3;
	s0 =	sld [smem:$0x3FAC]  }
0x30: {  	s3 =	sld [smem:$0x3FAF]  }
0x31: {  	[smem:$0x3FB8] =	sst s10  }
0x32: {  	s10 =	sld [smem:$0x3FB6];
	_ =	sdelay $0x3  }
0x33: {  	p0 =	seq.s32 s10, $0x1;
	s10 =	sld [smem:$0x3FB8];
	_ =	sdelay $0x3  }
0x34: {  	[smem:$0x3FB8] =	sst s10  }
0x35: {  	s10 =	sld [smem:$0x3FB7];
	_ =	sdelay $0x3  }
0x36: {  	p1 =	seq.s32 s10, $0x1;
	s10 =	sld [smem:$0x3FB8];
	_ =	sdelay $0x3  }
0x37: {  	[smem:$0x3FB8] =	sst s10  }
0x38: {  	s10 =	sld [smem:$0x3FB9]  }
0x39: {  	_ = 	snop;
	(pc) =	sbr.ind lr, $3  }
0x3a: {  	_ = 	snop  }
0x3b: {  	_ = 	snop  }
0x3c: {  	p2 =	seq.s32 s10, $0x1;
	s10 =	sld [smem:$0x3FB8]  }
0x3d: {  	_ =	shalt  }
0x3e: {  	_ =	shalt  }
0x3f: {  	_ =	shalt  }
0x40: {  	_ =	shalt  }
0x41: {  	_ =	shalt  }
0x42: {  	_ =	shalt  }
0x43: {  	_ =	shalt  }
0x44: {  	_ =	shalt  }
0x45: {  	_ =	shalt  }
0x46: {  	_ =	shalt  }
0x47: {  	_ =	shalt  }
0x48: {  	_ =	shalt  }
0x49: {  	_ =	shalt  }
0x4a: {  	_ =	shalt  }
0x4b: {  	_ =	shalt  }
0x4c: {  	_ =	shalt  }
0x4d: {  	_ =	shalt  }
0x4e: {  	_ =	shalt  }
0x4f: {  	_ =	shalt  }
0x50: {  	_ =	shalt  }
0x51: {  	_ =	shalt  }
0x52: {  	_ =	shalt  }
0x53: {  	_ =	shalt  }
0x54: {  	_ =	shalt  }
0x55: {  	_ =	shalt  }
0x56: {  	_ =	shalt  }
0x57: {  	_ =	shalt  }
0x58: {  	_ =	shalt  }
0x59: {  	_ =	shalt  }
0x5a: {  	_ =	shalt  }
0x5b: {  	_ =	shalt  }
0x5c: {  	_ =	shalt  }
0x5d: {  	_ =	shalt  }
0x5e: {  	_ =	shalt  }
0x5f: {  	_ =	shalt  }
0x60: {  	_ =	shalt  }
0x61: {  	_ =	shalt  }
0x62: {  	_ =	shalt  }
0x63: {  	_ =	shalt  }
0x64: {  	_ =	shalt  }
0x65: {  	_ =	shalt  }
0x66: {  	_ =	shalt  }
0x67: {  	_ =	shalt  }
0x68: {  	_ =	shalt  }
0x69: {  	_ =	shalt  }
0x6a: {  	_ =	shalt  }
0x6b: {  	_ =	shalt  }
0x6c: {  	_ =	shalt  }
0x6d: {  	_ =	shalt  }
0x6e: {  	_ =	shalt  }
0x6f: {  	_ =	shalt  }
0x70: {  	_ =	shalt  }
0x71: {  	_ =	shalt  }
0x72: {  	_ =	shalt  }
0x73: {  	_ =	shalt  }
0x74: {  	_ =	shalt  }
0x75: {  	_ =	shalt  }
0x76: {  	_ =	shalt  }
0x77: {  	_ =	shalt  }
0x78: {  	_ =	shalt  }
0x79: {  	_ =	shalt  }
0x7a: {  	_ =	shalt  }
0x7b: {  	_ =	shalt  }
0x7c: {  	_ =	shalt  }
0x7d: {  	_ =	shalt  }
0x7e: {  	_ =	shalt  }
0x7f: {  	_ =	shalt  }
0x80: {  	_ =	shalt  }
0x81: {  	_ =	shalt  }
0x82: {  	_ =	shalt  }
0x83: {  	_ =	shalt  }
0x84: {  	_ =	shalt  }
0x85: {  	_ =	shalt  }
0x86: {  	_ =	shalt  }
0x87: {  	_ =	shalt  }
.Lfunc_end0:
.L_simem_size_0:
called_computation_lowered:
.L_overlay_start_0:
0x88: {  	s2 =	sld [smem:$0x3FD9]  }
0x89: {  	s3 =	sld [smem:$0x3FFE];
	_ =	sdelay $0x1  }
0x8a: {  	s1 =	srdreg.scid  }
0x8b: {  	s0 =	sand.u32 $0x1, s1  }
0x8c: {  	s17 =	sshll.u32 s0, $0xA;
	s2 =	sadd.s32 s3, s2  }
0x8d: {  	s2 =	sadd.s32 s2, s17  }
0x8e: {  	[smem:$0x3FC4] =	sst s2  }
0x8f: {  	_ = 	snop  }
0x90: {  	s2 =	sld [smem:$0x3FD0];
	(tm) =	ssettm $0x1  }
0x91: {  	s18 =	sld [smem:$0x3FFB];
	_ =	sdelay $0x3  }
0x92: {  	_ =	strace s18  }
0x93: {  	s3 =	sld [smem:$0x3FFC];
	_ =	sdelay $0x3  }
0x94: {  	_ =	strace s3  }
0x95: {  	s3 =	sld [smem:$0x3FFD];
	_ =	sdelay $0x3  }
0x96: {  	_ =	strace s3  }
0x97: {  	_ =	strace $0x8FFFFFFF  }
0x98: {  	s19 =	sld [smem:$0x3FDB];
	_ =	sdelay $0x1  }
0x99: {  	s4 =	simm.s32 $_scs_section_size  }
0x9a: {  	s5 =	simm.s32 $_size__tile_overlayer_lowered;
	s6 =	simm.s32 $_tile_overlayer_lowered  }
0x9b: {  	s22 =	simm.s32 $0x1BFF;
	s21 =	sshll.u32 s6, $0x1;
	s3 =	sadd.s32 s4, s19  }
0x9c: {  	s7 =	simm.s32 $0x0;
	s20 =	sshll.u32 s5, $0x1;
	s5 =	sadd.s32 s21, s3  }
0x9d: {  	[timem:s7], [sflag:s22] =	dma.local [hbm:s5], s20  }
0x9e: {  	_ =	swait.ge [sflag:s22], s20  }
0x9f: {  	s4 =	ssub.s32 $0x0, s20;
	[sflag:s22] =	ssyncset.done $0x0  }
0xa0: {  	[sflag:s22] =	ssyncadd.s32 s4;
	_ =	sdelay $0x1  }
0xa1: {  	s23 =	simm.s32 $0x1B8B  }
0xa2: {  	_ =	swait.ge [sflag:s23], $0x1  }
0xa3: {  	[sflag:s23] =	ssyncset.done $0x0  }
0xa4: {  	s25 =	simm.s32 $0x1B8E;
	s24 =	sld [smem:$0x3FFE];
	[sflag:s23] =	ssyncadd.s32 $0xFFFFFFFF  }
0xa5: {  	s26 =	simm.s32 $execute0_lowered;
	[smem:$0x3FD2] =	sst s25  }
0xa6: {  	s5 =	sshll.u32 s26, $0x1;
	_ =	strace $0x80000046;
	[dreg:$0x1] =	wrdreg $0xFFFFFFFF  }
0xa7: {  	s28 =	simm.s32 $_size_execute0_lowered;
	s3 =	sadd.s32 s3, s5;
	[dreg:$0x0] =	wrdreg $0x0  }
0xa8: {  	s5 =	sshll.u32 s28, $0x1;
	[dreg:$0x2] =	wrdreg s3  }
0xa9: {  	[dreg:$0x3] =	wrdreg s5  }
0xaa: {  	[dreg:$0x4] =	wrdreg $0xC0  }
0xab: {  	_ =	task [dreg:s7], $0x5FFFF  }
0xac: {  	[dreg:$0x1] =	wrdreg $0xFFFFFFFF  }
0xad: {  	[dreg:$0x0] =	wrdreg $0x60  }
0xae: {  	[dreg:$0x2] =	wrdreg s2  }
0xaf: {  	[dreg:$0x3] =	wrdreg s24  }
0xb0: {  	[dreg:$0x4] =	wrdreg $0xA8000  }
0xb1: {  	[dreg:$0x5] =	wrdreg $0x9  }
0xb2: {  	_ =	task.clear_ibuf [dreg:s7], $0x6FFFF;
	_ =	strace $0x90000046  }
0xb3: {  	s29 =	simm.s32 $0x9;
	_ =	strace $0x80000048  }
0xb4: {  	_ =	swait.ge [sflag:s29], $0x1  }
0xb5: {  	[sflag:s29] =	ssyncadd.s32 $0xFFFFFFFF  }
0xb6: {  	_ =	strace $0x90000048  }
0xb7: {  	_ =	sfence  }
0xb8: {  	s30 =	sld [smem:$0x0];
	_ =	sdelay $0x2  }
0xb9: {  	s31 =	sshll.u32 s1, $0xD;
	s1 =	sshrl.u32 s1, $0x2  }
0xba: {  	s3 =	sand.u32 $0x4000, s31;
	s1 =	sadd.s32 s1, s30  }
0xbb: {  	s0 =	sor.u32 s3, s0;
	s1 =	sshll.u32 s1, $0x11  }
0xbc: {  	s0 =	sor.u32 s1, s0  }
0xbd: {  	s0 =	sadd.s32 $0x8F2B, s0  }
0xbe: {  	[sflag:s0] =	ssyncadd.remote.s32 $0x1  }
0xbf: {  	_ =	sfence.sel $0xFFFF  }
0xc0: {  	[dreg:$0x0] =	wrdreg $0xFFFFFFFF;
	(pc) =	sbr.abs _section_cstart, $3  }
0xc1: {  	[dreg:$0x1] =	wrdreg $0xFFFFFFFF  }
0xc2: {  	_ =	task.clear_ibuf [dreg:s7], $0x2FFFF;
	_ =	strace $0x9FFFFFFF  }
0xc3: {  	(tm) =	ssettm $0x7FFFFFFF  }
tec
execute0_lowered:
.L_overlay_start_1:
0x0: {  	(tag) =	ssettag $0x1  }
0x1: {  	s4 =	rddreg [dreg:$0x0]  }
0x2: {  	s5 =	rddreg [dreg:$0x1]  }
0x3: {  	s1 =	rddreg [dreg:$0x2];
	s2 =	srdreg.scid  }
0x4: {  	s0 =	rddreg [dreg:$0x3];
	s3 =	simm.s32 $0x0;
	s12 =	simm.s32 $0x6800  }
0x5: {  	s13 =	simm.s32 $0x80;
	s6 =	sand.u32 $0x1, s2;
	s2 =	stileid.u32  }
0x6: {  	s14 =	simm.s32 $0x2800;
	[smem:$0x7FF] =	sst s3;
	s7 =	smul.u32 $0x28000, s6  }
0x7: {  	s18 =	simm.s32 $0x0;
	s15 =	smul.u32 $0x2800, s2;
	_ =	strace $0x80000047  }
0x8: {  	s8 =	smul.u32 $0x50000, s2;
	s28 =	ssub.s32 $0x2, s6;
	s31 =	sshll.u32 s2, $0x6  }
0x9: {  	s30 =	sshrl.u32 s28, $0x1;
	s10 =	sadd.s32 s7, s5;
	s29 =	sadd.s32 s15, s7  }
0xa: {  	s8 =	sshrl.u32 s8, $0x2;
	s11 =	ssub.s32 s28, s30;
	s6 =	sshrl.u32 s29, $0x3  }
0xb: {  	s5 =	sadd.s32 s8, s1;
	s16 =	sadd.s32 $0x2400, s10;
	s10 =	smax.u32 s11, $0x1  }
0xc: {  	s11 =	simm.s32 $0x1;
	s4 =	sadd.s32 s4, s6;
	s6 =	sadd.s32 $0x4000, s5  }
0xd: {  	s7 =	sadd.s32 $0x8000, s5;
	s8 =	sadd.s32 $0xC000, s5;
	s9 =	sadd.s32 $0x10000, s5  }
0xe: {  	v0 =	vimm.f32 $1.000000000e+00;
	v1 =	vimm.f32 $0.0e+00;
	s15 =	sadd.s32 s15, s16;
	s16 =	sor.u32 $0x1C01, s31;
	s17 =	sshrl.u32 s5, $0x3  }
.LBB2_1:
0xf: {  	[tilespmem:s3], [sflag:$0x1] =	stream.linear.gather [hbm4b:s4+s3], $0x2800, $0x38;
	[tilespmem:$0x1E800] =	vst v63  }
0x10: {  	_ =	swait.ge [sflag:s11], $0x2800  }
0x11: {  	[sflag:s11] =	ssyncset.done $0x0  }
0x12: {  	s19 =	simm.s32 $0x0;
	s20 =	simm.s32 $0x200;
	[sflag:s11] =	ssyncadd.s32 $0xFFFFD800  }
.LBB2_2:
0x13: {  	p0 =	sne.s32 s20, $0xFE00;
	[tilespmem:s19+$0x6870] =	vst v1  }
0x14: {  	[tilespmem:s19+$0x2800] =	vst v0  }
0x15: {  	[tilespmem:s19+$0x6800] =	vst v1  }
0x16: {  	[tilespmem:s19+$0x2810] =	vst v0  }
0x17: {  	[tilespmem:s19+$0x6810] =	vst v1  }
0x18: {  	[tilespmem:s19+$0x2820] =	vst v0  }
0x19: {  	[tilespmem:s19+$0x6820] =	vst v1  }
0x1a: {  	[tilespmem:s19+$0x2830] =	vst v0  }
0x1b: {  	[tilespmem:s19+$0x6830] =	vst v1  }
0x1c: {  	[tilespmem:s19+$0x2840] =	vst v0  }
0x1d: {  	[tilespmem:s19+$0x6840] =	vst v1  }
.Ltmp0:
0x1e: {  	[tilespmem:s19+$0x2850] =	vst v0;
	(pc) =	sbr.rel @p0 .LBB2_2-.Ltmp0, $4  }
0x1f: {  	[tilespmem:s19+$0x6850] =	vst v1  }
0x20: {  	[tilespmem:s19+$0x2860] =	vst v0  }
0x21: {  	[tilespmem:s19+$0x6860] =	vst v1  }
0x22: {  	[tilespmem:s19+$0x2870] =	vst v0;
	s19 =	sshra.s32 s20, $0x2;
	s20 =	sadd.s32 $0x200, s20  }
0x23: {  	[tilespmem:s19+$0x6870] =	vst v1  }
0x24: {  	[tilespmem:s19+$0x2800] =	vst v0  }
0x25: {  	[tilespmem:s19+$0x6800] =	vst v1  }
0x26: {  	[tilespmem:s19+$0x2810] =	vst v0  }
0x27: {  	[tilespmem:s19+$0x6810] =	vst v1  }
0x28: {  	[tilespmem:s19+$0x2820] =	vst v0  }
0x29: {  	[tilespmem:s19+$0x6820] =	vst v1  }
0x2a: {  	[tilespmem:s19+$0x2830] =	vst v0  }
0x2b: {  	[tilespmem:s19+$0x6830] =	vst v1  }
0x2c: {  	[tilespmem:s19+$0x2840] =	vst v0  }
0x2d: {  	[tilespmem:s19+$0x6840] =	vst v1  }
0x2e: {  	[tilespmem:s19+$0x2850] =	vst v0  }
0x2f: {  	[tilespmem:s19+$0x6850] =	vst v1  }
0x30: {  	[tilespmem:s19+$0x2860] =	vst v0  }
0x31: {  	[tilespmem:s19+$0x6860] =	vst v1  }
0x32: {  	[tilespmem:s19+$0x2870] =	vst v0  }
0x33: {  	[spmem:s5] =	stream.linear.scatter [tilespmem:s12], [sflag:$0x1], $0x4000, $0x38;
	[tilespmem:$0x1E800] =	vst v63  }
0x34: {  	_ =	swait.ge [sflag:s11], $0x4000  }
0x35: {  	[sflag:s11] =	ssyncset.done $0x0  }
0x36: {  	[sflag:s11] =	ssyncadd.s32 $0xFFFFC000  }
0x37: {  	[spmem:s6] =	stream.linear.scatter [tilespmem:s12], [sflag:$0x1], $0x4000, $0x38;
	[tilespmem:$0x1E800] =	vst v63  }
0x38: {  	_ =	swait.ge [sflag:s11], $0x4000  }
0x39: {  	[sflag:s11] =	ssyncset.done $0x0  }
0x3a: {  	[sflag:s11] =	ssyncadd.s32 $0xFFFFC000  }
0x3b: {  	[spmem:s7] =	stream.linear.scatter [tilespmem:s12], [sflag:$0x1], $0x4000, $0x38;
	[tilespmem:$0x1E800] =	vst v63  }
0x3c: {  	_ =	swait.ge [sflag:s11], $0x4000  }
0x3d: {  	[sflag:s11] =	ssyncset.done $0x0  }
0x3e: {  	[sflag:s11] =	ssyncadd.s32 $0xFFFFC000  }
0x3f: {  	[spmem:s8] =	stream.linear.scatter [tilespmem:s12], [sflag:$0x1], $0x4000, $0x38;
	[tilespmem:$0x1E800] =	vst v63  }
0x40: {  	_ =	swait.ge [sflag:s11], $0x4000  }
0x41: {  	[sflag:s11] =	ssyncset.done $0x0  }
0x42: {  	[sflag:s11] =	ssyncadd.s32 $0xFFFFC000  }
0x43: {  	[spmem:s9] =	stream.linear.scatter [tilespmem:s12], [sflag:$0x1], $0x4000, $0x38;
	[tilespmem:$0x1E800] =	vst v63  }
0x44: {  	_ =	swait.ge [sflag:s11], $0x4000  }
0x45: {  	[sflag:s11] =	ssyncset.done $0x0  }
0x46: {  	[sflag:s11] =	ssyncadd.s32 $0xFFFFC000  }
0x47: {  	s31 =	simm.s32 $0x0;
	[bflag:$0x0] =	sbarrier.arrive $0xFFFF  }
0x48: {  	[spmem:s1] =	stream.indirect.scatter.add.f32 [tilespmem:s14], [sflag:$0x1], $0x80, s31, s13, $0xb8;
	[tilespmem:$0x1E800] =	vst v63  }
0x49: {  	_ =	swait.ge [sflag:s11], $0x4000  }
0x4a: {  	s19 =	simm.s32 $0x200;
	[sflag:s11] =	ssyncset.done $0x0  }
.LBB2_4:
0x4b: {  	s20 =	sshra.s32 s19, $0x2;
	[sflag:s11] =	ssyncadd.s32 $0xFFFFC000;
	p0 =	sne.s32 s19, $0x9E00  }
0x4c: {  	[spmem:s1] =	stream.indirect.scatter.add.f32 [tilespmem:s14], [sflag:$0x1], $0x80, s20, s13, $0xb8;
	[tilespmem:$0x1E800] =	vst v63  }
.Ltmp1:
0x4d: {  	_ = 	snop;
	(pc) =	sbr.rel @p0 .LBB2_4-.Ltmp1, $4  }
0x4e: {  	_ = 	snop  }
0x4f: {  	s19 =	sadd.s32 $0x200, s19  }
0x50: {  	_ =	swait.ge [sflag:s11], $0x4000  }
0x51: {  	[sflag:s11] =	ssyncset.done $0x0  }
0x52: {  	s18 =	sadd.s32 $0x1, s18  }
0x53: {  	[sflag:s11] =	ssyncadd.s32 $0xFFFFC000;
	p0 =	sne.s32 s18, s10  }
.Ltmp2:
0x54: {  	[bflag:$0x0] =	sbarrier.arrive $0xFFFF;
	(pc) =	sbr.rel @p0 .LBB2_1-.Ltmp2, $4  }
0x55: {  	[hbm:s15], [sflag:s16] =	dma.local [spmem:s17], $0x2800  }
0x56: {  	_ =	swait.ge [sflag:s11], $0x2800  }
0x57: {  	[sflag:s11] =	ssyncset.done $0x0  }
0x58: {  	[sflag:s11] =	ssyncadd.s32 $0xFFFFD800  }
0x59: {  	_ =	sfence.sel $0x180000  }
0x5a: {  	[bflag:$0x0] =	sbarrier.arrive $0xFFFF  }
0x5b: {  	p0 =	sne.s32 s2, $0x0;
	_ =	strace $0x90000047  }
0x5c: {  	s0 =	sadd.s32 @!p0 $0x100000, s0;
	[bflag:$0x2] =	sbarrier.arrive $0xFFFF  }
0x5d: {  	[sflag:s0] =	ssyncadd.tile.s32 @!p0 $0x1;
	_ =	shalt  }
.Lfunc_end2:
_tile_overlayer_lowered:
.L_overlay_start_2:
0x5e: {  	(tag) =	ssettag $0x2  }
0x5f: {  	s0 =	rddreg [dreg:$0x0];
	s2 =	stileid.u32  }
0x60: {  	s1 =	rddreg [dreg:$0x1];
	p0 =	sne.s32 s2, $0x0  }
0x61: {  	s3 =	rddreg [dreg:$0x2];
	[bflag:$0x3] =	sbarrier.arrive $0xFFFF;
	s2 =	simm.s32 @!p0 $0x1C01  }
0x62: {  	[timem:s3], [sflag:s2] =	dma.local @!p0 [hbm:s0], s1  }
0x63: {  	s0 =	simm.s32 @!p0 $0x1  }
0x64: {  	_ =	swait.ge @!p0 [sflag:s0], s1  }
0x65: {  	s1 =	ssub.s32 @!p0 $0x0, s1;
	[sflag:s0] =	ssyncset.done @!p0 $0x0  }
0x66: {  	[sflag:s0] =	ssyncadd.s32 @!p0 s1  }
0x67: {  	[bflag:$0x3] =	sbarrier.arrive $0xFFFF  }
0x68: {  	_ =	shalt  }

</sc_bundles>
